<compile_context>
chip_gen: v7x
topology: tpu7x:2x2x1
jax: 0.10.2.dev20260603
libtpu: 0.0.44.dev20260713+nightly
codegen_flags: <defaults>
</compile_context>

<pallas_src>
import functools
import numpy as np
import jax
import jax.numpy as jnp
from jax import lax
from jax.experimental import pallas as pl
from jax.experimental.pallas import tpu as pltpu
from jax.experimental.pallas import tpu_sc as plsc

B_TOTAL = 16384
D = 128
NW = 32
R = B_TOTAL // NW
_TINY = np.float32(np.finfo(np.float32).tiny)
_LN2 = np.float32(0.6931471805599453)

_R0 = (13, 15, 26, 6)
_R1 = (17, 29, 16, 24)


def _threefry_bits(cnt):
    k0 = jnp.uint32(0)
    k1 = jnp.uint32(42)
    k2 = k0 ^ k1 ^ jnp.uint32(0x1BD11BDA)

    def four_rounds(x0, x1, rots):
        for r in rots:
            x0 = x0 + x1
            x1 = (x1 << jnp.uint32(r)) | (x1 >> jnp.uint32(32 - r))
            x1 = x0 ^ x1
        return x0, x1

    x0 = jnp.full_like(cnt, k0)
    x1 = cnt + k1
    x0, x1 = four_rounds(x0, x1, _R0)
    x0 = x0 + k1
    x1 = x1 + (k2 + jnp.uint32(1))
    x0, x1 = four_rounds(x0, x1, _R1)
    x0 = x0 + k2
    x1 = x1 + (k0 + jnp.uint32(2))
    x0, x1 = four_rounds(x0, x1, _R0)
    x0 = x0 + k0
    x1 = x1 + (k1 + jnp.uint32(3))
    x0, x1 = four_rounds(x0, x1, _R1)
    x0 = x0 + k1
    x1 = x1 + (k2 + jnp.uint32(4))
    x0, x1 = four_rounds(x0, x1, _R0)
    x0 = x0 + k2
    x1 = x1 + (k0 + jnp.uint32(5))
    return x0 ^ x1


def _sc_log(x):
    bits = lax.bitcast_convert_type(x, jnp.int32)
    e = (bits >> 23) - 127
    m = lax.bitcast_convert_type(
        (bits & jnp.int32(0x007FFFFF)) | jnp.int32(0x3F800000), jnp.float32)
    big = m > jnp.float32(1.4142135)
    m = jnp.where(big, m * jnp.float32(0.5), m)
    ef = (e + jnp.where(big, jnp.int32(1), jnp.int32(0))).astype(jnp.float32)
    t = m - jnp.float32(1.0)
    s = t / (jnp.float32(2.0) + t)
    z = s * s
    p = jnp.float32(1.0) + z * (jnp.float32(1.0 / 3.0) + z * (
        jnp.float32(0.2) + z * (jnp.float32(1.0 / 7.0) + z * jnp.float32(1.0 / 9.0))))
    return ef * _LN2 + jnp.float32(2.0) * s * p


def _threefry_bits3(cnts):
    k0 = jnp.uint32(0)
    k1 = jnp.uint32(42)
    k2 = k0 ^ k1 ^ jnp.uint32(0x1BD11BDA)

    def four_rounds(st, rots):
        for r in rots:
            st = [(x0 + x1, x1) for (x0, x1) in st]
            st = [(x0, (x1 << jnp.uint32(r)) | (x1 >> jnp.uint32(32 - r)))
                  for (x0, x1) in st]
            st = [(x0, x0 ^ x1) for (x0, x1) in st]
        return st

    def bump(st, ka, kb, i):
        return [(x0 + ka, x1 + (kb + jnp.uint32(i))) for (x0, x1) in st]

    st = [(jnp.full_like(c, k0), c + k1) for c in cnts]
    st = bump(four_rounds(st, _R0), k1, k2, 1)
    st = bump(four_rounds(st, _R1), k2, k0, 2)
    st = bump(four_rounds(st, _R0), k0, k1, 3)
    st = bump(four_rounds(st, _R1), k1, k2, 4)
    st = bump(four_rounds(st, _R0), k2, k0, 5)
    return [x0 ^ x1 for (x0, x1) in st]


def _gumbel3(cnts):
    outs = []
    for bits in _threefry_bits3(cnts):
        fb = (bits >> jnp.uint32(9)) | jnp.uint32(0x3F800000)
        f = lax.bitcast_convert_type(fb, jnp.float32) - jnp.float32(1.0)
        u = jnp.maximum(_TINY, f + _TINY)
        outs.append(-_sc_log(-_sc_log(u)))
    return outs


def _rne_bf16(v):
    bits = lax.bitcast_convert_type(v, jnp.int32)
    r = bits + jnp.int32(0x7FFF) + ((bits >> 16) & jnp.int32(1))
    return lax.bitcast_convert_type(r & jnp.int32(-65536), jnp.float32)


def _sc_body(x_hbm, wb_hbm, b_hbm,
             act_hbm, lpi_hbm, neg_hbm, hp_hbm,
             xv, wbv, bv, l0v, l1v, l2v, actv, lpiv, negv, hpv):
    wid = lax.axis_index("s") * 2 + lax.axis_index("c")
    base = wid * R
    pltpu.sync_copy(x_hbm.at[pl.ds(base * D, R * D)], xv)
    pltpu.sync_copy(wb_hbm, wbv)
    pltpu.sync_copy(b_hbm, bv)

    lane = lax.iota(jnp.int32, 16)

    bvec = bv[...]
    bs = [bvec[j] for j in range(3)]
    lrefs = (l0v, l1v, l2v)

    G = 8
    for t in range(4):
        gbase = [(t * G * 16 + g * 16 + lane) * D for g in range(G)]
        zero = jnp.zeros((16,), jnp.float32)
        init = tuple(zero for _ in range(3 * G))

        @plsc.parallel_loop(0, D, 1, unroll=2, carry=init)
        def dloop(d, accs, gbase=gbase):
            ws = [wbv[j, d] for j in range(3)]
            accs = list(accs)
            for g in range(G):
                xg = _rne_bf16(plsc.load_gather(xv, [gbase[g] + d]))
                for j in range(3):
                    accs[g * 3 + j] = accs[g * 3 + j] + xg * ws[j]
            return tuple(accs)

        accs = dloop
        for g in range(G):
            off = t * G * 16 + g * 16
            for j in range(3):
                lrefs[j][pl.ds(off, 16)] = accs[g * 3 + j] + bs[j]

    @plsc.parallel_loop(0, R // 16, 1, unroll=2)
    def samp_group(gi):
        off = gi * 16
        l0 = l0v[pl.ds(off, 16)]
        l1 = l1v[pl.ds(off, 16)]
        l2 = l2v[pl.ds(off, 16)]
        row3 = ((base + off) + lane) * 3
        g0, g1, g2 = _gumbel3([row3.astype(jnp.uint32),
                               (row3 + 1).astype(jnp.uint32),
                               (row3 + 2).astype(jnp.uint32)])
        y0 = g0 + l0
        y1 = g1 + l1
        y2 = g2 + l2
        a = jnp.where(y1 > y0, jnp.int32(1), jnp.int32(0))
        a = jnp.where(y2 > jnp.maximum(y0, y1), jnp.int32(2), a)
        m = jnp.maximum(jnp.maximum(l0, l1), l2)
        e0 = jnp.exp(l0 - m)
        e1 = jnp.exp(l1 - m)
        e2 = jnp.exp(l2 - m)
        ls = _sc_log(e0 + e1 + e2)
        lp0 = (l0 - m) - ls
        lp1 = (l1 - m) - ls
        lp2 = (l2 - m) - ls
        lpi = jnp.where(a == 0, lp0, jnp.where(a == 1, lp1, lp2))
        hp = jnp.exp(lp1)
        neg = -_sc_log(hp)
        actv[pl.ds(off, 16)] = a
        lpiv[pl.ds(off, 16)] = lpi
        negv[pl.ds(off, 16)] = neg
        hpv[pl.ds(off, 16)] = hp

    pltpu.sync_copy(actv, act_hbm.at[pl.ds(base, R)])
    pltpu.sync_copy(lpiv, lpi_hbm.at[pl.ds(base, R)])
    pltpu.sync_copy(negv, neg_hbm.at[pl.ds(base, R)])
    pltpu.sync_copy(hpv, hp_hbm.at[pl.ds(base, R)])


def kernel(x, W, b):
    wrne = W.astype(jnp.bfloat16).astype(jnp.float32)
    wb = jnp.broadcast_to(wrne.T[:, :, None], (3, D, 16))
    x1 = x.reshape(-1)
    b16 = jnp.pad(b, (0, 13))
    mesh = plsc.VectorSubcoreMesh(core_axis_name="c", subcore_axis_name="s")
    sc = functools.partial(
        pl.kernel,
        out_type=[
            jax.ShapeDtypeStruct((B_TOTAL,), jnp.int32),
            jax.ShapeDtypeStruct((B_TOTAL,), jnp.float32),
            jax.ShapeDtypeStruct((B_TOTAL,), jnp.float32),
            jax.ShapeDtypeStruct((B_TOTAL,), jnp.float32),
        ],
        mesh=mesh,
        compiler_params=pltpu.CompilerParams(needs_layout_passes=False),
        scratch_types=[
            pltpu.VMEM((R * D,), jnp.float32),
            pltpu.VMEM((3, D, 16), jnp.float32),
            pltpu.VMEM((16,), jnp.float32),
            pltpu.VMEM((R,), jnp.float32),
            pltpu.VMEM((R,), jnp.float32),
            pltpu.VMEM((R,), jnp.float32),
            pltpu.VMEM((R,), jnp.int32),
            pltpu.VMEM((R,), jnp.float32),
            pltpu.VMEM((R,), jnp.float32),
            pltpu.VMEM((R,), jnp.float32),
        ],
    )(_sc_body)
    act, lpi, neg, hp = sc(x1, wb, b16)
    rs = lambda t: t.reshape(B_TOTAL, 1)
    return (rs(act), rs(lpi), rs(neg), rs(hp))

# --- scband reference (transcript-rebuilt; emitter-appended) ---
"""Pipeline reference for scband-controller-adaptive-1185410974059 (READ-ONLY COPY).

The authoritative reference and input builder live on the scoring server;
editing this copy changes nothing except your own understanding.
"""

import jax, jax.numpy as jnp
import numpy as np

B, D = 16384, 128

def setup_inputs(seed: int = 0) -> dict:
    key = jax.random.key(seed)
    k1, k2, k3 = jax.random.split(key, 3)
    x = jax.random.normal(k1, (B, D), dtype=jnp.float32)
    # Dense(3, softmax) parameters (glorot-ish scale)
    W = jax.random.normal(k2, (D, 3), dtype=jnp.float32) * (1.0 / np.sqrt(D))
    b = jnp.zeros((3,), dtype=jnp.float32)
    return {"x": x, "W": W, "b": b}

def reference(x, W, b):
    # epsilon = 0.0 -> random.random() > 0 is (almost surely) True -> learned-policy branch
    logits = x @ W + b
    log_probs = jax.nn.log_softmax(logits, axis=-1)
    probs = jnp.exp(log_probs)
    # Categorical sample with a fixed seed (mirrors m.sample(seed=args.random_seed))
    skey = jax.random.key(42)
    action = jax.random.categorical(skey, logits, axis=-1)  # int32 [B]
    log_pi = jnp.take_along_axis(log_probs, action[:, None], axis=1)  # [B,1]
    action_out = action.reshape(-1, 1)
    halt_probs = probs[:, 1].reshape(-1, 1)
    return (action_out, log_pi, -jnp.log(halt_probs), halt_probs)

if __name__ == "__main__":
    import jax
    _d = setup_inputs()
    print(jax.jit(kernel)(*tuple(_d.values())))

</pallas_src>

<mosaic_0001>
#map = affine_map<(d0, d1) -> (0)>
#map1 = affine_map<(d0, d1) -> (0, 0, 0)>
module attributes {stable_mosaic.version = 14 : i64} {
  func.func @_sc_body(%arg0: i32, %arg1: i32, %arg2: memref<2097152xf32, #tpu.memory_space<hbm>>, %arg3: memref<3x128x16xf32, #tpu.memory_space<hbm>>, %arg4: memref<16xf32, #tpu.memory_space<hbm>>, %arg5: memref<16384xi32, #tpu.memory_space<hbm>>, %arg6: memref<16384xf32, #tpu.memory_space<hbm>>, %arg7: memref<16384xf32, #tpu.memory_space<hbm>>, %arg8: memref<16384xf32, #tpu.memory_space<hbm>>, %arg9: memref<65536xf32, #tpu.memory_space<vmem>>, %arg10: memref<3x128x16xf32, #tpu.memory_space<vmem>>, %arg11: memref<16xf32, #tpu.memory_space<vmem>>, %arg12: memref<512xf32, #tpu.memory_space<vmem>>, %arg13: memref<512xf32, #tpu.memory_space<vmem>>, %arg14: memref<512xf32, #tpu.memory_space<vmem>>, %arg15: memref<512xi32, #tpu.memory_space<vmem>>, %arg16: memref<512xf32, #tpu.memory_space<vmem>>, %arg17: memref<512xf32, #tpu.memory_space<vmem>>, %arg18: memref<512xf32, #tpu.memory_space<vmem>>) attributes {dimension_semantics = [#tpu.dimension_semantics<core_parallel>, #tpu.dimension_semantics<subcore_parallel>], iteration_bounds = array<i64: 2, 16>, scalar_prefetch = 0 : i64, scratch_operands = 10 : i64, tpu.core_type = #tpu.core_type<sc_vector_subcore>, window_params = [{transform_indices = #map}, {transform_indices = #map1}, {transform_indices = #map}, {transform_indices = #map}, {transform_indices = #map}, {transform_indices = #map}, {transform_indices = #map}]} {
    %mul3A = arith.constant 2 : i32
    %mul3A_0 = arith.muli %arg1, %mul3A : i32
    %add3A = arith.addi %mul3A_0, %arg0 : i32
    %mul3A_1 = arith.constant 512 : i32
    %mul3A_2 = arith.muli %add3A, %mul3A_1 : i32
    %mul3A_3 = arith.constant 128 : i32
    %mul3A_4 = arith.muli %mul3A_2, %mul3A_3 : i32
    "tpu.region"() ({
      %run_scoped3A = tpu.sem_alloc : memref<!tpu.dma_semaphore, #tpu.memory_space<semaphore_mem>>
      %dma_start3A = tpu.memref_slice %arg2[%mul3A_4] : memref<2097152xf32, #tpu.memory_space<hbm>> -> memref<65536xf32, #tpu.memory_space<hbm>>
      %dma_start3A_610 = tpu.memref_slice %arg2[%mul3A_4] : memref<2097152xf32, #tpu.memory_space<hbm>> -> memref<65536xf32, #tpu.memory_space<hbm>>
      tpu.enqueue_dma source(%dma_start3A_610 : memref<65536xf32, #tpu.memory_space<hbm>>) target(%arg9 : memref<65536xf32, #tpu.memory_space<vmem>>) target_semaphore(%run_scoped3A : memref<!tpu.dma_semaphore, #tpu.memory_space<semaphore_mem>>)
      %dma_wait3A = tpu.memref_slice %arg2[%mul3A_4] : memref<2097152xf32, #tpu.memory_space<hbm>> -> memref<65536xf32, #tpu.memory_space<hbm>>
      %dma_wait3A_611 = tpu.memref_slice %arg2[%mul3A_4] : memref<2097152xf32, #tpu.memory_space<hbm>> -> memref<65536xf32, #tpu.memory_space<hbm>>
      tpu.wait_dma2 semaphore(%run_scoped3A : memref<!tpu.dma_semaphore, #tpu.memory_space<semaphore_mem>>) src(%dma_wait3A_611 : memref<65536xf32, #tpu.memory_space<hbm>>) dst(%arg9 : memref<65536xf32, #tpu.memory_space<vmem>>)
      tpu.yield
    }) : () -> ()
    "tpu.region"() ({
      %run_scoped3A = tpu.sem_alloc : memref<!tpu.dma_semaphore, #tpu.memory_space<semaphore_mem>>
      tpu.enqueue_dma source(%arg3 : memref<3x128x16xf32, #tpu.memory_space<hbm>>) target(%arg10 : memref<3x128x16xf32, #tpu.memory_space<vmem>>) target_semaphore(%run_scoped3A : memref<!tpu.dma_semaphore, #tpu.memory_space<semaphore_mem>>)
      tpu.wait_dma2 semaphore(%run_scoped3A : memref<!tpu.dma_semaphore, #tpu.memory_space<semaphore_mem>>) src(%arg3 : memref<3x128x16xf32, #tpu.memory_space<hbm>>) dst(%arg10 : memref<3x128x16xf32, #tpu.memory_space<vmem>>)
      tpu.yield
    }) : () -> ()
    "tpu.region"() ({
      %run_scoped3A = tpu.sem_alloc : memref<!tpu.dma_semaphore, #tpu.memory_space<semaphore_mem>>
      tpu.enqueue_dma source(%arg4 : memref<16xf32, #tpu.memory_space<hbm>>) target(%arg11 : memref<16xf32, #tpu.memory_space<vmem>>) target_semaphore(%run_scoped3A : memref<!tpu.dma_semaphore, #tpu.memory_space<semaphore_mem>>)
      tpu.wait_dma2 semaphore(%run_scoped3A : memref<!tpu.dma_semaphore, #tpu.memory_space<semaphore_mem>>) src(%arg4 : memref<16xf32, #tpu.memory_space<hbm>>) dst(%arg11 : memref<16xf32, #tpu.memory_space<vmem>>)
      tpu.yield
    }) : () -> ()
    %iota3A = tpu.iota {dimensions = array<i32: 0>} : vector<16xi32>
    %get3A = arith.constant 0 : index
    %get3A_5 = tpu.vector_load %arg11[%get3A] {strides = array<i32>} : memref<16xf32, #tpu.memory_space<vmem>>, vector<16xf32>,
    %slice3A = vector.extract_strided_slice %get3A_5 {offsets = [0], sizes = [1], strides = [1]} : vector<16xf32> to vector<1xf32>
    %squeeze3A = vector.extract %slice3A[0] : f32 from vector<1xf32>
    %slice3A_6 = vector.extract_strided_slice %get3A_5 {offsets = [1], sizes = [1], strides = [1]} : vector<16xf32> to vector<1xf32>
    %squeeze3A_7 = vector.extract %slice3A_6[0] : f32 from vector<1xf32>
    %slice3A_8 = vector.extract_strided_slice %get3A_5 {offsets = [2], sizes = [1], strides = [1]} : vector<16xf32> to vector<1xf32>
    %squeeze3A_9 = vector.extract %slice3A_8[0] : f32 from vector<1xf32>
    %add3A_10 = arith.constant 0 : i32
    %add3A_11 = vector.broadcast %add3A_10 : i32 to vector<16xi32>
    %add3A_12 = arith.addi %add3A_11, %iota3A : vector<16xi32>
    %mul3A_13 = arith.constant 128 : i32
    %mul3A_14 = vector.broadcast %mul3A_13 : i32 to vector<16xi32>
    %mul3A_15 = arith.muli %add3A_12, %mul3A_14 : vector<16xi32>
    %add3A_16 = arith.constant 16 : i32
    %add3A_17 = vector.broadcast %add3A_16 : i32 to vector<16xi32>
    %add3A_18 = arith.addi %add3A_17, %iota3A : vector<16xi32>
    %mul3A_19 = arith.constant 128 : i32
    %mul3A_20 = vector.broadcast %mul3A_19 : i32 to vector<16xi32>
    %mul3A_21 = arith.muli %add3A_18, %mul3A_20 : vector<16xi32>
    %add3A_22 = arith.constant 32 : i32
    %add3A_23 = vector.broadcast %add3A_22 : i32 to vector<16xi32>
    %add3A_24 = arith.addi %add3A_23, %iota3A : vector<16xi32>
    %mul3A_25 = arith.constant 128 : i32
    %mul3A_26 = vector.broadcast %mul3A_25 : i32 to vector<16xi32>
    %mul3A_27 = arith.muli %add3A_24, %mul3A_26 : vector<16xi32>
    %add3A_28 = arith.constant 48 : i32
    %add3A_29 = vector.broadcast %add3A_28 : i32 to vector<16xi32>
    %add3A_30 = arith.addi %add3A_29, %iota3A : vector<16xi32>
    %mul3A_31 = arith.constant 128 : i32
    %mul3A_32 = vector.broadcast %mul3A_31 : i32 to vector<16xi32>
    %mul3A_33 = arith.muli %add3A_30, %mul3A_32 : vector<16xi32>
    %add3A_34 = arith.constant 64 : i32
    %add3A_35 = vector.broadcast %add3A_34 : i32 to vector<16xi32>
    %add3A_36 = arith.addi %add3A_35, %iota3A : vector<16xi32>
    %mul3A_37 = arith.constant 128 : i32
    %mul3A_38 = vector.broadcast %mul3A_37 : i32 to vector<16xi32>
    %mul3A_39 = arith.muli %add3A_36, %mul3A_38 : vector<16xi32>
    %add3A_40 = arith.constant 80 : i32
    %add3A_41 = vector.broadcast %add3A_40 : i32 to vector<16xi32>
    %add3A_42 = arith.addi %add3A_41, %iota3A : vector<16xi32>
    %mul3A_43 = arith.constant 128 : i32
    %mul3A_44 = vector.broadcast %mul3A_43 : i32 to vector<16xi32>
    %mul3A_45 = arith.muli %add3A_42, %mul3A_44 : vector<16xi32>
    %add3A_46 = arith.constant 96 : i32
    %add3A_47 = vector.broadcast %add3A_46 : i32 to vector<16xi32>
    %add3A_48 = arith.addi %add3A_47, %iota3A : vector<16xi32>
    %mul3A_49 = arith.constant 128 : i32
    %mul3A_50 = vector.broadcast %mul3A_49 : i32 to vector<16xi32>
    %mul3A_51 = arith.muli %add3A_48, %mul3A_50 : vector<16xi32>
    %add3A_52 = arith.constant 112 : i32
    %add3A_53 = vector.broadcast %add3A_52 : i32 to vector<16xi32>
    %add3A_54 = arith.addi %add3A_53, %iota3A : vector<16xi32>
    %mul3A_55 = arith.constant 128 : i32
    %mul3A_56 = vector.broadcast %mul3A_55 : i32 to vector<16xi32>
    %mul3A_57 = arith.muli %add3A_54, %mul3A_56 : vector<16xi32>
    %broadcast_in_dim3A = arith.constant 0.000000e+00 : f32
    %broadcast_in_dim3A_58 = vector.broadcast %broadcast_in_dim3A : f32 to vector<16xf32>
    %parallel_loop3A = arith.constant 0 : i32
    %parallel_loop3A_59 = arith.constant 128 : i32
    %parallel_loop3A_60 = arith.constant 1 : i32
    %parallel_loop3A_61:24 = scf.for %parallel_loop3A_610 = %parallel_loop3A to %parallel_loop3A_59 step %parallel_loop3A_60 iter_args(%parallel_loop3A_611 = %broadcast_in_dim3A_58, %parallel_loop3A_612 = %broadcast_in_dim3A_58, %parallel_loop3A_613 = %broadcast_in_dim3A_58, %parallel_loop3A_614 = %broadcast_in_dim3A_58, %parallel_loop3A_615 = %broadcast_in_dim3A_58, %parallel_loop3A_616 = %broadcast_in_dim3A_58, %parallel_loop3A_617 = %broadcast_in_dim3A_58, %parallel_loop3A_618 = %broadcast_in_dim3A_58, %parallel_loop3A_619 = %broadcast_in_dim3A_58, %parallel_loop3A_620 = %broadcast_in_dim3A_58, %parallel_loop3A_621 = %broadcast_in_dim3A_58, %parallel_loop3A_622 = %broadcast_in_dim3A_58, %parallel_loop3A_623 = %broadcast_in_dim3A_58, %parallel_loop3A_624 = %broadcast_in_dim3A_58, %parallel_loop3A_625 = %broadcast_in_dim3A_58, %parallel_loop3A_626 = %broadcast_in_dim3A_58, %parallel_loop3A_627 = %broadcast_in_dim3A_58, %parallel_loop3A_628 = %broadcast_in_dim3A_58, %parallel_loop3A_629 = %broadcast_in_dim3A_58, %parallel_loop3A_630 = %broadcast_in_dim3A_58, %parallel_loop3A_631 = %broadcast_in_dim3A_58, %parallel_loop3A_632 = %broadcast_in_dim3A_58, %parallel_loop3A_633 = %broadcast_in_dim3A_58, %parallel_loop3A_634 = %broadcast_in_dim3A_58) -> (vector<16xf32>, vector<16xf32>, vector<16xf32>, vector<16xf32>, vector<16xf32>, vector<16xf32>, vector<16xf32>, vector<16xf32>, vector<16xf32>, vector<16xf32>, vector<16xf32>, vector<16xf32>, vector<16xf32>, vector<16xf32>, vector<16xf32>, vector<16xf32>, vector<16xf32>, vector<16xf32>, vector<16xf32>, vector<16xf32>, vector<16xf32>, vector<16xf32>, vector<16xf32>, vector<16xf32>)  : i32 {
      %parallel_loop3A_635 = arith.constant 0 : i32
      %parallel_loop3A_636 = arith.index_cast %parallel_loop3A_635 : i32 to index
      %parallel_loop3A_637 = arith.index_cast %parallel_loop3A_610 : i32 to index
      %parallel_loop3A_638 = arith.constant 0 : index
      %parallel_loop3A_639 = tpu.vector_load %arg10[%parallel_loop3A_636, %parallel_loop3A_637, %parallel_loop3A_638] {strides = array<i32>} : memref<3x128x16xf32, #tpu.memory_space<vmem>>, vector<16xf32>,
      %parallel_loop3A_640 = arith.constant 1 : i32
      %parallel_loop3A_641 = arith.index_cast %parallel_loop3A_640 : i32 to index
      %parallel_loop3A_642 = arith.index_cast %parallel_loop3A_610 : i32 to index
      %parallel_loop3A_643 = arith.constant 0 : index
      %parallel_loop3A_644 = tpu.vector_load %arg10[%parallel_loop3A_641, %parallel_loop3A_642, %parallel_loop3A_643] {strides = array<i32>} : memref<3x128x16xf32, #tpu.memory_space<vmem>>, vector<16xf32>,
      %parallel_loop3A_645 = arith.constant 2 : i32
      %parallel_loop3A_646 = arith.index_cast %parallel_loop3A_645 : i32 to index
      %parallel_loop3A_647 = arith.index_cast %parallel_loop3A_610 : i32 to index
      %parallel_loop3A_648 = arith.constant 0 : index
      %parallel_loop3A_649 = tpu.vector_load %arg10[%parallel_loop3A_646, %parallel_loop3A_647, %parallel_loop3A_648] {strides = array<i32>} : memref<3x128x16xf32, #tpu.memory_space<vmem>>, vector<16xf32>,
      %parallel_loop3A_650 = vector.broadcast %parallel_loop3A_610 : i32 to vector<16xi32>
      %parallel_loop3A_651 = arith.addi %mul3A_15, %parallel_loop3A_650 : vector<16xi32>
      %parallel_loop3A_652 = tpu.vector_load_idx %arg9[%parallel_loop3A_651] : memref<65536xf32, #tpu.memory_space<vmem>>[vector<16xi32>], vector<16xf32>,
      %parallel_loop3A_653 = tpu.bitcast %parallel_loop3A_652 : vector<16xf32> -> vector<16xi32>
      %parallel_loop3A_654 = arith.constant 32767 : i32
      %parallel_loop3A_655 = vector.broadcast %parallel_loop3A_654 : i32 to vector<16xi32>
      %parallel_loop3A_656 = arith.addi %parallel_loop3A_653, %parallel_loop3A_655 : vector<16xi32>
      %parallel_loop3A_657 = arith.constant 16 : i32
      %parallel_loop3A_658 = vector.broadcast %parallel_loop3A_657 : i32 to vector<16xi32>
      %parallel_loop3A_659 = arith.shrsi %parallel_loop3A_653, %parallel_loop3A_658 : vector<16xi32>
      %parallel_loop3A_660 = arith.constant 1 : i32
      %parallel_loop3A_661 = vector.broadcast %parallel_loop3A_660 : i32 to vector<16xi32>
      %parallel_loop3A_662 = arith.andi %parallel_loop3A_659, %parallel_loop3A_661 : vector<16xi32>
      %parallel_loop3A_663 = arith.addi %parallel_loop3A_656, %parallel_loop3A_662 : vector<16xi32>
      %parallel_loop3A_664 = arith.constant -65536 : i32
      %parallel_loop3A_665 = vector.broadcast %parallel_loop3A_664 : i32 to vector<16xi32>
      %parallel_loop3A_666 = arith.andi %parallel_loop3A_663, %parallel_loop3A_665 : vector<16xi32>
      %parallel_loop3A_667 = tpu.bitcast %parallel_loop3A_666 : vector<16xi32> -> vector<16xf32>
      %parallel_loop3A_668 = arith.mulf %parallel_loop3A_667, %parallel_loop3A_639 : vector<16xf32>
      %parallel_loop3A_669 = arith.addf %parallel_loop3A_611, %parallel_loop3A_668 : vector<16xf32>
      %parallel_loop3A_670 = arith.mulf %parallel_loop3A_667, %parallel_loop3A_644 : vector<16xf32>
      %parallel_loop3A_671 = arith.addf %parallel_loop3A_612, %parallel_loop3A_670 : vector<16xf32>
      %parallel_loop3A_672 = arith.mulf %parallel_loop3A_667, %parallel_loop3A_649 : vector<16xf32>
      %parallel_loop3A_673 = arith.addf %parallel_loop3A_613, %parallel_loop3A_672 : vector<16xf32>
      %parallel_loop3A_674 = vector.broadcast %parallel_loop3A_610 : i32 to vector<16xi32>
      %parallel_loop3A_675 = arith.addi %mul3A_21, %parallel_loop3A_674 : vector<16xi32>
      %parallel_loop3A_676 = tpu.vector_load_idx %arg9[%parallel_loop3A_675] : memref<65536xf32, #tpu.memory_space<vmem>>[vector<16xi32>], vector<16xf32>,
      %parallel_loop3A_677 = tpu.bitcast %parallel_loop3A_676 : vector<16xf32> -> vector<16xi32>
      %parallel_loop3A_678 = arith.constant 32767 : i32
      %parallel_loop3A_679 = vector.broadcast %parallel_loop3A_678 : i32 to vector<16xi32>
      %parallel_loop3A_680 = arith.addi %parallel_loop3A_677, %parallel_loop3A_679 : vector<16xi32>
      %parallel_loop3A_681 = arith.constant 16 : i32
      %parallel_loop3A_682 = vector.broadcast %parallel_loop3A_681 : i32 to vector<16xi32>
      %parallel_loop3A_683 = arith.shrsi %parallel_loop3A_677, %parallel_loop3A_682 : vector<16xi32>
      %parallel_loop3A_684 = arith.constant 1 : i32
      %parallel_loop3A_685 = vector.broadcast %parallel_loop3A_684 : i32 to vector<16xi32>
      %parallel_loop3A_686 = arith.andi %parallel_loop3A_683, %parallel_loop3A_685 : vector<16xi32>
      %parallel_loop3A_687 = arith.addi %parallel_loop3A_680, %parallel_loop3A_686 : vector<16xi32>
      %parallel_loop3A_688 = arith.constant -65536 : i32
      %parallel_loop3A_689 = vector.broadcast %parallel_loop3A_688 : i32 to vector<16xi32>
      %parallel_loop3A_690 = arith.andi %parallel_loop3A_687, %parallel_loop3A_689 : vector<16xi32>
      %parallel_loop3A_691 = tpu.bitcast %parallel_loop3A_690 : vector<16xi32> -> vector<16xf32>
      %parallel_loop3A_692 = arith.mulf %parallel_loop3A_691, %parallel_loop3A_639 : vector<16xf32>
      %parallel_loop3A_693 = arith.addf %parallel_loop3A_614, %parallel_loop3A_692 : vector<16xf32>
      %parallel_loop3A_694 = arith.mulf %parallel_loop3A_691, %parallel_loop3A_644 : vector<16xf32>
      %parallel_loop3A_695 = arith.addf %parallel_loop3A_615, %parallel_loop3A_694 : vector<16xf32>
      %parallel_loop3A_696 = arith.mulf %parallel_loop3A_691, %parallel_loop3A_649 : vector<16xf32>
      %parallel_loop3A_697 = arith.addf %parallel_loop3A_616, %parallel_loop3A_696 : vector<16xf32>
      %parallel_loop3A_698 = vector.broadcast %parallel_loop3A_610 : i32 to vector<16xi32>
      %parallel_loop3A_699 = arith.addi %mul3A_27, %parallel_loop3A_698 : vector<16xi32>
      %parallel_loop3A_700 = tpu.vector_load_idx %arg9[%parallel_loop3A_699] : memref<65536xf32, #tpu.memory_space<vmem>>[vector<16xi32>], vector<16xf32>,
      %parallel_loop3A_701 = tpu.bitcast %parallel_loop3A_700 : vector<16xf32> -> vector<16xi32>
      %parallel_loop3A_702 = arith.constant 32767 : i32
      %parallel_loop3A_703 = vector.broadcast %parallel_loop3A_702 : i32 to vector<16xi32>
      %parallel_loop3A_704 = arith.addi %parallel_loop3A_701, %parallel_loop3A_703 : vector<16xi32>
      %parallel_loop3A_705 = arith.constant 16 : i32
      %parallel_loop3A_706 = vector.broadcast %parallel_loop3A_705 : i32 to vector<16xi32>
      %parallel_loop3A_707 = arith.shrsi %parallel_loop3A_701, %parallel_loop3A_706 : vector<16xi32>
      %parallel_loop3A_708 = arith.constant 1 : i32
      %parallel_loop3A_709 = vector.broadcast %parallel_loop3A_708 : i32 to vector<16xi32>
      %parallel_loop3A_710 = arith.andi %parallel_loop3A_707, %parallel_loop3A_709 : vector<16xi32>
      %parallel_loop3A_711 = arith.addi %parallel_loop3A_704, %parallel_loop3A_710 : vector<16xi32>
      %parallel_loop3A_712 = arith.constant -65536 : i32
      %parallel_loop3A_713 = vector.broadcast %parallel_loop3A_712 : i32 to vector<16xi32>
      %parallel_loop3A_714 = arith.andi %parallel_loop3A_711, %parallel_loop3A_713 : vector<16xi32>
      %parallel_loop3A_715 = tpu.bitcast %parallel_loop3A_714 : vector<16xi32> -> vector<16xf32>
      %parallel_loop3A_716 = arith.mulf %parallel_loop3A_715, %parallel_loop3A_639 : vector<16xf32>
      %parallel_loop3A_717 = arith.addf %parallel_loop3A_617, %parallel_loop3A_716 : vector<16xf32>
      %parallel_loop3A_718 = arith.mulf %parallel_loop3A_715, %parallel_loop3A_644 : vector<16xf32>
      %parallel_loop3A_719 = arith.addf %parallel_loop3A_618, %parallel_loop3A_718 : vector<16xf32>
      %parallel_loop3A_720 = arith.mulf %parallel_loop3A_715, %parallel_loop3A_649 : vector<16xf32>
      %parallel_loop3A_721 = arith.addf %parallel_loop3A_619, %parallel_loop3A_720 : vector<16xf32>
      %parallel_loop3A_722 = vector.broadcast %parallel_loop3A_610 : i32 to vector<16xi32>
      %parallel_loop3A_723 = arith.addi %mul3A_33, %parallel_loop3A_722 : vector<16xi32>
      %parallel_loop3A_724 = tpu.vector_load_idx %arg9[%parallel_loop3A_723] : memref<65536xf32, #tpu.memory_space<vmem>>[vector<16xi32>], vector<16xf32>,
      %parallel_loop3A_725 = tpu.bitcast %parallel_loop3A_724 : vector<16xf32> -> vector<16xi32>
      %parallel_loop3A_726 = arith.constant 32767 : i32
      %parallel_loop3A_727 = vector.broadcast %parallel_loop3A_726 : i32 to vector<16xi32>
      %parallel_loop3A_728 = arith.addi %parallel_loop3A_725, %parallel_loop3A_727 : vector<16xi32>
      %parallel_loop3A_729 = arith.constant 16 : i32
      %parallel_loop3A_730 = vector.broadcast %parallel_loop3A_729 : i32 to vector<16xi32>
      %parallel_loop3A_731 = arith.shrsi %parallel_loop3A_725, %parallel_loop3A_730 : vector<16xi32>
      %parallel_loop3A_732 = arith.constant 1 : i32
      %parallel_loop3A_733 = vector.broadcast %parallel_loop3A_732 : i32 to vector<16xi32>
      %parallel_loop3A_734 = arith.andi %parallel_loop3A_731, %parallel_loop3A_733 : vector<16xi32>
      %parallel_loop3A_735 = arith.addi %parallel_loop3A_728, %parallel_loop3A_734 : vector<16xi32>
      %parallel_loop3A_736 = arith.constant -65536 : i32
      %parallel_loop3A_737 = vector.broadcast %parallel_loop3A_736 : i32 to vector<16xi32>
      %parallel_loop3A_738 = arith.andi %parallel_loop3A_735, %parallel_loop3A_737 : vector<16xi32>
      %parallel_loop3A_739 = tpu.bitcast %parallel_loop3A_738 : vector<16xi32> -> vector<16xf32>
      %parallel_loop3A_740 = arith.mulf %parallel_loop3A_739, %parallel_loop3A_639 : vector<16xf32>
      %parallel_loop3A_741 = arith.addf %parallel_loop3A_620, %parallel_loop3A_740 : vector<16xf32>
      %parallel_loop3A_742 = arith.mulf %parallel_loop3A_739, %parallel_loop3A_644 : vector<16xf32>
      %parallel_loop3A_743 = arith.addf %parallel_loop3A_621, %parallel_loop3A_742 : vector<16xf32>
      %parallel_loop3A_744 = arith.mulf %parallel_loop3A_739, %parallel_loop3A_649 : vector<16xf32>
      %parallel_loop3A_745 = arith.addf %parallel_loop3A_622, %parallel_loop3A_744 : vector<16xf32>
      %parallel_loop3A_746 = vector.broadcast %parallel_loop3A_610 : i32 to vector<16xi32>
      %parallel_loop3A_747 = arith.addi %mul3A_39, %parallel_loop3A_746 : vector<16xi32>
      %parallel_loop3A_748 = tpu.vector_load_idx %arg9[%parallel_loop3A_747] : memref<65536xf32, #tpu.memory_space<vmem>>[vector<16xi32>], vector<16xf32>,
      %parallel_loop3A_749 = tpu.bitcast %parallel_loop3A_748 : vector<16xf32> -> vector<16xi32>
      %parallel_loop3A_750 = arith.constant 32767 : i32
      %parallel_loop3A_751 = vector.broadcast %parallel_loop3A_750 : i32 to vector<16xi32>
      %parallel_loop3A_752 = arith.addi %parallel_loop3A_749, %parallel_loop3A_751 : vector<16xi32>
      %parallel_loop3A_753 = arith.constant 16 : i32
      %parallel_loop3A_754 = vector.broadcast %parallel_loop3A_753 : i32 to vector<16xi32>
      %parallel_loop3A_755 = arith.shrsi %parallel_loop3A_749, %parallel_loop3A_754 : vector<16xi32>
      %parallel_loop3A_756 = arith.constant 1 : i32
      %parallel_loop3A_757 = vector.broadcast %parallel_loop3A_756 : i32 to vector<16xi32>
      %parallel_loop3A_758 = arith.andi %parallel_loop3A_755, %parallel_loop3A_757 : vector<16xi32>
      %parallel_loop3A_759 = arith.addi %parallel_loop3A_752, %parallel_loop3A_758 : vector<16xi32>
      %parallel_loop3A_760 = arith.constant -65536 : i32
      %parallel_loop3A_761 = vector.broadcast %parallel_loop3A_760 : i32 to vector<16xi32>
      %parallel_loop3A_762 = arith.andi %parallel_loop3A_759, %parallel_loop3A_761 : vector<16xi32>
      %parallel_loop3A_763 = tpu.bitcast %parallel_loop3A_762 : vector<16xi32> -> vector<16xf32>
      %parallel_loop3A_764 = arith.mulf %parallel_loop3A_763, %parallel_loop3A_639 : vector<16xf32>
      %parallel_loop3A_765 = arith.addf %parallel_loop3A_623, %parallel_loop3A_764 : vector<16xf32>
      %parallel_loop3A_766 = arith.mulf %parallel_loop3A_763, %parallel_loop3A_644 : vector<16xf32>
      %parallel_loop3A_767 = arith.addf %parallel_loop3A_624, %parallel_loop3A_766 : vector<16xf32>
      %parallel_loop3A_768 = arith.mulf %parallel_loop3A_763, %parallel_loop3A_649 : vector<16xf32>
      %parallel_loop3A_769 = arith.addf %parallel_loop3A_625, %parallel_loop3A_768 : vector<16xf32>
      %parallel_loop3A_770 = vector.broadcast %parallel_loop3A_610 : i32 to vector<16xi32>
      %parallel_loop3A_771 = arith.addi %mul3A_45, %parallel_loop3A_770 : vector<16xi32>
      %parallel_loop3A_772 = tpu.vector_load_idx %arg9[%parallel_loop3A_771] : memref<65536xf32, #tpu.memory_space<vmem>>[vector<16xi32>], vector<16xf32>,
      %parallel_loop3A_773 = tpu.bitcast %parallel_loop3A_772 : vector<16xf32> -> vector<16xi32>
      %parallel_loop3A_774 = arith.constant 32767 : i32
      %parallel_loop3A_775 = vector.broadcast %parallel_loop3A_774 : i32 to vector<16xi32>
      %parallel_loop3A_776 = arith.addi %parallel_loop3A_773, %parallel_loop3A_775 : vector<16xi32>
      %parallel_loop3A_777 = arith.constant 16 : i32
      %parallel_loop3A_778 = vector.broadcast %parallel_loop3A_777 : i32 to vector<16xi32>
      %parallel_loop3A_779 = arith.shrsi %parallel_loop3A_773, %parallel_loop3A_778 : vector<16xi32>
      %parallel_loop3A_780 = arith.constant 1 : i32
      %parallel_loop3A_781 = vector.broadcast %parallel_loop3A_780 : i32 to vector<16xi32>
      %parallel_loop3A_782 = arith.andi %parallel_loop3A_779, %parallel_loop3A_781 : vector<16xi32>
      %parallel_loop3A_783 = arith.addi %parallel_loop3A_776, %parallel_loop3A_782 : vector<16xi32>
      %parallel_loop3A_784 = arith.constant -65536 : i32
      %parallel_loop3A_785 = vector.broadcast %parallel_loop3A_784 : i32 to vector<16xi32>
      %parallel_loop3A_786 = arith.andi %parallel_loop3A_783, %parallel_loop3A_785 : vector<16xi32>
      %parallel_loop3A_787 = tpu.bitcast %parallel_loop3A_786 : vector<16xi32> -> vector<16xf32>
      %parallel_loop3A_788 = arith.mulf %parallel_loop3A_787, %parallel_loop3A_639 : vector<16xf32>
      %parallel_loop3A_789 = arith.addf %parallel_loop3A_626, %parallel_loop3A_788 : vector<16xf32>
      %parallel_loop3A_790 = arith.mulf %parallel_loop3A_787, %parallel_loop3A_644 : vector<16xf32>
      %parallel_loop3A_791 = arith.addf %parallel_loop3A_627, %parallel_loop3A_790 : vector<16xf32>
      %parallel_loop3A_792 = arith.mulf %parallel_loop3A_787, %parallel_loop3A_649 : vector<16xf32>
      %parallel_loop3A_793 = arith.addf %parallel_loop3A_628, %parallel_loop3A_792 : vector<16xf32>
      %parallel_loop3A_794 = vector.broadcast %parallel_loop3A_610 : i32 to vector<16xi32>
      %parallel_loop3A_795 = arith.addi %mul3A_51, %parallel_loop3A_794 : vector<16xi32>
      %parallel_loop3A_796 = tpu.vector_load_idx %arg9[%parallel_loop3A_795] : memref<65536xf32, #tpu.memory_space<vmem>>[vector<16xi32>], vector<16xf32>,
      %parallel_loop3A_797 = tpu.bitcast %parallel_loop3A_796 : vector<16xf32> -> vector<16xi32>
      %parallel_loop3A_798 = arith.constant 32767 : i32
      %parallel_loop3A_799 = vector.broadcast %parallel_loop3A_798 : i32 to vector<16xi32>
      %parallel_loop3A_800 = arith.addi %parallel_loop3A_797, %parallel_loop3A_799 : vector<16xi32>
      %parallel_loop3A_801 = arith.constant 16 : i32
      %parallel_loop3A_802 = vector.broadcast %parallel_loop3A_801 : i32 to vector<16xi32>
      %parallel_loop3A_803 = arith.shrsi %parallel_loop3A_797, %parallel_loop3A_802 : vector<16xi32>
      %parallel_loop3A_804 = arith.constant 1 : i32
      %parallel_loop3A_805 = vector.broadcast %parallel_loop3A_804 : i32 to vector<16xi32>
      %parallel_loop3A_806 = arith.andi %parallel_loop3A_803, %parallel_loop3A_805 : vector<16xi32>
      %parallel_loop3A_807 = arith.addi %parallel_loop3A_800, %parallel_loop3A_806 : vector<16xi32>
      %parallel_loop3A_808 = arith.constant -65536 : i32
      %parallel_loop3A_809 = vector.broadcast %parallel_loop3A_808 : i32 to vector<16xi32>
      %parallel_loop3A_810 = arith.andi %parallel_loop3A_807, %parallel_loop3A_809 : vector<16xi32>
      %parallel_loop3A_811 = tpu.bitcast %parallel_loop3A_810 : vector<16xi32> -> vector<16xf32>
      %parallel_loop3A_812 = arith.mulf %parallel_loop3A_811, %parallel_loop3A_639 : vector<16xf32>
      %parallel_loop3A_813 = arith.addf %parallel_loop3A_629, %parallel_loop3A_812 : vector<16xf32>
      %parallel_loop3A_814 = arith.mulf %parallel_loop3A_811, %parallel_loop3A_644 : vector<16xf32>
      %parallel_loop3A_815 = arith.addf %parallel_loop3A_630, %parallel_loop3A_814 : vector<16xf32>
      %parallel_loop3A_816 = arith.mulf %parallel_loop3A_811, %parallel_loop3A_649 : vector<16xf32>
      %parallel_loop3A_817 = arith.addf %parallel_loop3A_631, %parallel_loop3A_816 : vector<16xf32>
      %parallel_loop3A_818 = vector.broadcast %parallel_loop3A_610 : i32 to vector<16xi32>
      %parallel_loop3A_819 = arith.addi %mul3A_57, %parallel_loop3A_818 : vector<16xi32>
      %parallel_loop3A_820 = tpu.vector_load_idx %arg9[%parallel_loop3A_819] : memref<65536xf32, #tpu.memory_space<vmem>>[vector<16xi32>], vector<16xf32>,
      %parallel_loop3A_821 = tpu.bitcast %parallel_loop3A_820 : vector<16xf32> -> vector<16xi32>
      %parallel_loop3A_822 = arith.constant 32767 : i32
      %parallel_loop3A_823 = vector.broadcast %parallel_loop3A_822 : i32 to vector<16xi32>
      %parallel_loop3A_824 = arith.addi %parallel_loop3A_821, %parallel_loop3A_823 : vector<16xi32>
      %parallel_loop3A_825 = arith.constant 16 : i32
      %parallel_loop3A_826 = vector.broadcast %parallel_loop3A_825 : i32 to vector<16xi32>
      %parallel_loop3A_827 = arith.shrsi %parallel_loop3A_821, %parallel_loop3A_826 : vector<16xi32>
      %parallel_loop3A_828 = arith.constant 1 : i32
      %parallel_loop3A_829 = vector.broadcast %parallel_loop3A_828 : i32 to vector<16xi32>
      %parallel_loop3A_830 = arith.andi %parallel_loop3A_827, %parallel_loop3A_829 : vector<16xi32>
      %parallel_loop3A_831 = arith.addi %parallel_loop3A_824, %parallel_loop3A_830 : vector<16xi32>
      %parallel_loop3A_832 = arith.constant -65536 : i32
      %parallel_loop3A_833 = vector.broadcast %parallel_loop3A_832 : i32 to vector<16xi32>
      %parallel_loop3A_834 = arith.andi %parallel_loop3A_831, %parallel_loop3A_833 : vector<16xi32>
      %parallel_loop3A_835 = tpu.bitcast %parallel_loop3A_834 : vector<16xi32> -> vector<16xf32>
      %parallel_loop3A_836 = arith.mulf %parallel_loop3A_835, %parallel_loop3A_639 : vector<16xf32>
      %parallel_loop3A_837 = arith.addf %parallel_loop3A_632, %parallel_loop3A_836 : vector<16xf32>
      %parallel_loop3A_838 = arith.mulf %parallel_loop3A_835, %parallel_loop3A_644 : vector<16xf32>
      %parallel_loop3A_839 = arith.addf %parallel_loop3A_633, %parallel_loop3A_838 : vector<16xf32>
      %parallel_loop3A_840 = arith.mulf %parallel_loop3A_835, %parallel_loop3A_649 : vector<16xf32>
      %parallel_loop3A_841 = arith.addf %parallel_loop3A_634, %parallel_loop3A_840 : vector<16xf32>
      scf.yield %parallel_loop3A_669, %parallel_loop3A_671, %parallel_loop3A_673, %parallel_loop3A_693, %parallel_loop3A_695, %parallel_loop3A_697, %parallel_loop3A_717, %parallel_loop3A_719, %parallel_loop3A_721, %parallel_loop3A_741, %parallel_loop3A_743, %parallel_loop3A_745, %parallel_loop3A_765, %parallel_loop3A_767, %parallel_loop3A_769, %parallel_loop3A_789, %parallel_loop3A_791, %parallel_loop3A_793, %parallel_loop3A_813, %parallel_loop3A_815, %parallel_loop3A_817, %parallel_loop3A_837, %parallel_loop3A_839, %parallel_loop3A_841 : vector<16xf32>, vector<16xf32>, vector<16xf32>, vector<16xf32>, vector<16xf32>, vector<16xf32>, vector<16xf32>, vector<16xf32>, vector<16xf32>, vector<16xf32>, vector<16xf32>, vector<16xf32>, vector<16xf32>, vector<16xf32>, vector<16xf32>, vector<16xf32>, vector<16xf32>, vector<16xf32>, vector<16xf32>, vector<16xf32>, vector<16xf32>, vector<16xf32>, vector<16xf32>, vector<16xf32>
    } {sc.loop_unroll_factor = 2 : i64, sc.parallel_access}
    %add3A_62 = vector.broadcast %squeeze3A : f32 to vector<16xf32>
    %add3A_63 = arith.addf %parallel_loop3A_61#0, %add3A_62 : vector<16xf32>
    %swap3A = arith.constant 0 : index
    %swap3A_64 = tpu.vector_load %arg12[%swap3A] {strides = array<i32>} : memref<512xf32, #tpu.memory_space<vmem>>, vector<16xf32>,
    tpu.vector_store %arg12[%swap3A], %add3A_63 {strides = array<i32>} : memref<512xf32, #tpu.memory_space<vmem>>, vector<16xf32>,
    %add3A_65 = vector.broadcast %squeeze3A_7 : f32 to vector<16xf32>
    %add3A_66 = arith.addf %parallel_loop3A_61#1, %add3A_65 : vector<16xf32>
    %swap3A_67 = arith.constant 0 : index
    %swap3A_68 = tpu.vector_load %arg13[%swap3A_67] {strides = array<i32>} : memref<512xf32, #tpu.memory_space<vmem>>, vector<16xf32>,
    tpu.vector_store %arg13[%swap3A_67], %add3A_66 {strides = array<i32>} : memref<512xf32, #tpu.memory_space<vmem>>, vector<16xf32>,
    %add3A_69 = vector.broadcast %squeeze3A_9 : f32 to vector<16xf32>
    %add3A_70 = arith.addf %parallel_loop3A_61#2, %add3A_69 : vector<16xf32>
    %swap3A_71 = arith.constant 0 : index
    %swap3A_72 = tpu.vector_load %arg14[%swap3A_71] {strides = array<i32>} : memref<512xf32, #tpu.memory_space<vmem>>, vector<16xf32>,
    tpu.vector_store %arg14[%swap3A_71], %add3A_70 {strides = array<i32>} : memref<512xf32, #tpu.memory_space<vmem>>, vector<16xf32>,
    %add3A_73 = vector.broadcast %squeeze3A : f32 to vector<16xf32>
    %add3A_74 = arith.addf %parallel_loop3A_61#3, %add3A_73 : vector<16xf32>
    %swap3A_75 = arith.constant 16 : index
    %swap3A_76 = tpu.vector_load %arg12[%swap3A_75] {strides = array<i32>} : memref<512xf32, #tpu.memory_space<vmem>>, vector<16xf32>,
    tpu.vector_store %arg12[%swap3A_75], %add3A_74 {strides = array<i32>} : memref<512xf32, #tpu.memory_space<vmem>>, vector<16xf32>,
    %add3A_77 = vector.broadcast %squeeze3A_7 : f32 to vector<16xf32>
    %add3A_78 = arith.addf %parallel_loop3A_61#4, %add3A_77 : vector<16xf32>
    %swap3A_79 = arith.constant 16 : index
    %swap3A_80 = tpu.vector_load %arg13[%swap3A_79] {strides = array<i32>} : memref<512xf32, #tpu.memory_space<vmem>>, vector<16xf32>,
    tpu.vector_store %arg13[%swap3A_79], %add3A_78 {strides = array<i32>} : memref<512xf32, #tpu.memory_space<vmem>>, vector<16xf32>,
    %add3A_81 = vector.broadcast %squeeze3A_9 : f32 to vector<16xf32>
    %add3A_82 = arith.addf %parallel_loop3A_61#5, %add3A_81 : vector<16xf32>
    %swap3A_83 = arith.constant 16 : index
    %swap3A_84 = tpu.vector_load %arg14[%swap3A_83] {strides = array<i32>} : memref<512xf32, #tpu.memory_space<vmem>>, vector<16xf32>,
    tpu.vector_store %arg14[%swap3A_83], %add3A_82 {strides = array<i32>} : memref<512xf32, #tpu.memory_space<vmem>>, vector<16xf32>,
    %add3A_85 = vector.broadcast %squeeze3A : f32 to vector<16xf32>
    %add3A_86 = arith.addf %parallel_loop3A_61#6, %add3A_85 : vector<16xf32>
    %swap3A_87 = arith.constant 32 : index
    %swap3A_88 = tpu.vector_load %arg12[%swap3A_87] {strides = array<i32>} : memref<512xf32, #tpu.memory_space<vmem>>, vector<16xf32>,
    tpu.vector_store %arg12[%swap3A_87], %add3A_86 {strides = array<i32>} : memref<512xf32, #tpu.memory_space<vmem>>, vector<16xf32>,
    %add3A_89 = vector.broadcast %squeeze3A_7 : f32 to vector<16xf32>
    %add3A_90 = arith.addf %parallel_loop3A_61#7, %add3A_89 : vector<16xf32>
    %swap3A_91 = arith.constant 32 : index
    %swap3A_92 = tpu.vector_load %arg13[%swap3A_91] {strides = array<i32>} : memref<512xf32, #tpu.memory_space<vmem>>, vector<16xf32>,
    tpu.vector_store %arg13[%swap3A_91], %add3A_90 {strides = array<i32>} : memref<512xf32, #tpu.memory_space<vmem>>, vector<16xf32>,
    %add3A_93 = vector.broadcast %squeeze3A_9 : f32 to vector<16xf32>
    %add3A_94 = arith.addf %parallel_loop3A_61#8, %add3A_93 : vector<16xf32>
    %swap3A_95 = arith.constant 32 : index
    %swap3A_96 = tpu.vector_load %arg14[%swap3A_95] {strides = array<i32>} : memref<512xf32, #tpu.memory_space<vmem>>, vector<16xf32>,
    tpu.vector_store %arg14[%swap3A_95], %add3A_94 {strides = array<i32>} : memref<512xf32, #tpu.memory_space<vmem>>, vector<16xf32>,
    %add3A_97 = vector.broadcast %squeeze3A : f32 to vector<16xf32>
    %add3A_98 = arith.addf %parallel_loop3A_61#9, %add3A_97 : vector<16xf32>
    %swap3A_99 = arith.constant 48 : index
    %swap3A_100 = tpu.vector_load %arg12[%swap3A_99] {strides = array<i32>} : memref<512xf32, #tpu.memory_space<vmem>>, vector<16xf32>,
    tpu.vector_store %arg12[%swap3A_99], %add3A_98 {strides = array<i32>} : memref<512xf32, #tpu.memory_space<vmem>>, vector<16xf32>,
    %add3A_101 = vector.broadcast %squeeze3A_7 : f32 to vector<16xf32>
    %add3A_102 = arith.addf %parallel_loop3A_61#10, %add3A_101 : vector<16xf32>
    %swap3A_103 = arith.constant 48 : index
    %swap3A_104 = tpu.vector_load %arg13[%swap3A_103] {strides = array<i32>} : memref<512xf32, #tpu.memory_space<vmem>>, vector<16xf32>,
    tpu.vector_store %arg13[%swap3A_103], %add3A_102 {strides = array<i32>} : memref<512xf32, #tpu.memory_space<vmem>>, vector<16xf32>,
    %add3A_105 = vector.broadcast %squeeze3A_9 : f32 to vector<16xf32>
    %add3A_106 = arith.addf %parallel_loop3A_61#11, %add3A_105 : vector<16xf32>
    %swap3A_107 = arith.constant 48 : index
    %swap3A_108 = tpu.vector_load %arg14[%swap3A_107] {strides = array<i32>} : memref<512xf32, #tpu.memory_space<vmem>>, vector<16xf32>,
    tpu.vector_store %arg14[%swap3A_107], %add3A_106 {strides = array<i32>} : memref<512xf32, #tpu.memory_space<vmem>>, vector<16xf32>,
    %add3A_109 = vector.broadcast %squeeze3A : f32 to vector<16xf32>
    %add3A_110 = arith.addf %parallel_loop3A_61#12, %add3A_109 : vector<16xf32>
    %swap3A_111 = arith.constant 64 : index
    %swap3A_112 = tpu.vector_load %arg12[%swap3A_111] {strides = array<i32>} : memref<512xf32, #tpu.memory_space<vmem>>, vector<16xf32>,
    tpu.vector_store %arg12[%swap3A_111], %add3A_110 {strides = array<i32>} : memref<512xf32, #tpu.memory_space<vmem>>, vector<16xf32>,
    %add3A_113 = vector.broadcast %squeeze3A_7 : f32 to vector<16xf32>
    %add3A_114 = arith.addf %parallel_loop3A_61#13, %add3A_113 : vector<16xf32>
    %swap3A_115 = arith.constant 64 : index
    %swap3A_116 = tpu.vector_load %arg13[%swap3A_115] {strides = array<i32>} : memref<512xf32, #tpu.memory_space<vmem>>, vector<16xf32>,
    tpu.vector_store %arg13[%swap3A_115], %add3A_114 {strides = array<i32>} : memref<512xf32, #tpu.memory_space<vmem>>, vector<16xf32>,
    %add3A_117 = vector.broadcast %squeeze3A_9 : f32 to vector<16xf32>
    %add3A_118 = arith.addf %parallel_loop3A_61#14, %add3A_117 : vector<16xf32>
    %swap3A_119 = arith.constant 64 : index
    %swap3A_120 = tpu.vector_load %arg14[%swap3A_119] {strides = array<i32>} : memref<512xf32, #tpu.memory_space<vmem>>, vector<16xf32>,
    tpu.vector_store %arg14[%swap3A_119], %add3A_118 {strides = array<i32>} : memref<512xf32, #tpu.memory_space<vmem>>, vector<16xf32>,
    %add3A_121 = vector.broadcast %squeeze3A : f32 to vector<16xf32>
    %add3A_122 = arith.addf %parallel_loop3A_61#15, %add3A_121 : vector<16xf32>
    %swap3A_123 = arith.constant 80 : index
    %swap3A_124 = tpu.vector_load %arg12[%swap3A_123] {strides = array<i32>} : memref<512xf32, #tpu.memory_space<vmem>>, vector<16xf32>,
    tpu.vector_store %arg12[%swap3A_123], %add3A_122 {strides = array<i32>} : memref<512xf32, #tpu.memory_space<vmem>>, vector<16xf32>,
    %add3A_125 = vector.broadcast %squeeze3A_7 : f32 to vector<16xf32>
    %add3A_126 = arith.addf %parallel_loop3A_61#16, %add3A_125 : vector<16xf32>
    %swap3A_127 = arith.constant 80 : index
    %swap3A_128 = tpu.vector_load %arg13[%swap3A_127] {strides = array<i32>} : memref<512xf32, #tpu.memory_space<vmem>>, vector<16xf32>,
    tpu.vector_store %arg13[%swap3A_127], %add3A_126 {strides = array<i32>} : memref<512xf32, #tpu.memory_space<vmem>>, vector<16xf32>,
    %add3A_129 = vector.broadcast %squeeze3A_9 : f32 to vector<16xf32>
    %add3A_130 = arith.addf %parallel_loop3A_61#17, %add3A_129 : vector<16xf32>
    %swap3A_131 = arith.constant 80 : index
    %swap3A_132 = tpu.vector_load %arg14[%swap3A_131] {strides = array<i32>} : memref<512xf32, #tpu.memory_space<vmem>>, vector<16xf32>,
    tpu.vector_store %arg14[%swap3A_131], %add3A_130 {strides = array<i32>} : memref<512xf32, #tpu.memory_space<vmem>>, vector<16xf32>,
    %add3A_133 = vector.broadcast %squeeze3A : f32 to vector<16xf32>
    %add3A_134 = arith.addf %parallel_loop3A_61#18, %add3A_133 : vector<16xf32>
    %swap3A_135 = arith.constant 96 : index
    %swap3A_136 = tpu.vector_load %arg12[%swap3A_135] {strides = array<i32>} : memref<512xf32, #tpu.memory_space<vmem>>, vector<16xf32>,
    tpu.vector_store %arg12[%swap3A_135], %add3A_134 {strides = array<i32>} : memref<512xf32, #tpu.memory_space<vmem>>, vector<16xf32>,
    %add3A_137 = vector.broadcast %squeeze3A_7 : f32 to vector<16xf32>
    %add3A_138 = arith.addf %parallel_loop3A_61#19, %add3A_137 : vector<16xf32>
    %swap3A_139 = arith.constant 96 : index
    %swap3A_140 = tpu.vector_load %arg13[%swap3A_139] {strides = array<i32>} : memref<512xf32, #tpu.memory_space<vmem>>, vector<16xf32>,
    tpu.vector_store %arg13[%swap3A_139], %add3A_138 {strides = array<i32>} : memref<512xf32, #tpu.memory_space<vmem>>, vector<16xf32>,
    %add3A_141 = vector.broadcast %squeeze3A_9 : f32 to vector<16xf32>
    %add3A_142 = arith.addf %parallel_loop3A_61#20, %add3A_141 : vector<16xf32>
    %swap3A_143 = arith.constant 96 : index
    %swap3A_144 = tpu.vector_load %arg14[%swap3A_143] {strides = array<i32>} : memref<512xf32, #tpu.memory_space<vmem>>, vector<16xf32>,
    tpu.vector_store %arg14[%swap3A_143], %add3A_142 {strides = array<i32>} : memref<512xf32, #tpu.memory_space<vmem>>, vector<16xf32>,
    %add3A_145 = vector.broadcast %squeeze3A : f32 to vector<16xf32>
    %add3A_146 = arith.addf %parallel_loop3A_61#21, %add3A_145 : vector<16xf32>
    %swap3A_147 = arith.constant 112 : index
    %swap3A_148 = tpu.vector_load %arg12[%swap3A_147] {strides = array<i32>} : memref<512xf32, #tpu.memory_space<vmem>>, vector<16xf32>,
    tpu.vector_store %arg12[%swap3A_147], %add3A_146 {strides = array<i32>} : memref<512xf32, #tpu.memory_space<vmem>>, vector<16xf32>,
    %add3A_149 = vector.broadcast %squeeze3A_7 : f32 to vector<16xf32>
    %add3A_150 = arith.addf %parallel_loop3A_61#22, %add3A_149 : vector<16xf32>
    %swap3A_151 = arith.constant 112 : index
    %swap3A_152 = tpu.vector_load %arg13[%swap3A_151] {strides = array<i32>} : memref<512xf32, #tpu.memory_space<vmem>>, vector<16xf32>,
    tpu.vector_store %arg13[%swap3A_151], %add3A_150 {strides = array<i32>} : memref<512xf32, #tpu.memory_space<vmem>>, vector<16xf32>,
    %add3A_153 = vector.broadcast %squeeze3A_9 : f32 to vector<16xf32>
    %add3A_154 = arith.addf %parallel_loop3A_61#23, %add3A_153 : vector<16xf32>
    %swap3A_155 = arith.constant 112 : index
    %swap3A_156 = tpu.vector_load %arg14[%swap3A_155] {strides = array<i32>} : memref<512xf32, #tpu.memory_space<vmem>>, vector<16xf32>,
    tpu.vector_store %arg14[%swap3A_155], %add3A_154 {strides = array<i32>} : memref<512xf32, #tpu.memory_space<vmem>>, vector<16xf32>,
    %add3A_157 = arith.constant 128 : i32
    %add3A_158 = vector.broadcast %add3A_157 : i32 to vector<16xi32>
    %add3A_159 = arith.addi %add3A_158, %iota3A : vector<16xi32>
    %mul3A_160 = arith.constant 128 : i32
    %mul3A_161 = vector.broadcast %mul3A_160 : i32 to vector<16xi32>
    %mul3A_162 = arith.muli %add3A_159, %mul3A_161 : vector<16xi32>
    %add3A_163 = arith.constant 144 : i32
    %add3A_164 = vector.broadcast %add3A_163 : i32 to vector<16xi32>
    %add3A_165 = arith.addi %add3A_164, %iota3A : vector<16xi32>
    %mul3A_166 = arith.constant 128 : i32
    %mul3A_167 = vector.broadcast %mul3A_166 : i32 to vector<16xi32>
    %mul3A_168 = arith.muli %add3A_165, %mul3A_167 : vector<16xi32>
    %add3A_169 = arith.constant 160 : i32
    %add3A_170 = vector.broadcast %add3A_169 : i32 to vector<16xi32>
    %add3A_171 = arith.addi %add3A_170, %iota3A : vector<16xi32>
    %mul3A_172 = arith.constant 128 : i32
    %mul3A_173 = vector.broadcast %mul3A_172 : i32 to vector<16xi32>
    %mul3A_174 = arith.muli %add3A_171, %mul3A_173 : vector<16xi32>
    %add3A_175 = arith.constant 176 : i32
    %add3A_176 = vector.broadcast %add3A_175 : i32 to vector<16xi32>
    %add3A_177 = arith.addi %add3A_176, %iota3A : vector<16xi32>
    %mul3A_178 = arith.constant 128 : i32
    %mul3A_179 = vector.broadcast %mul3A_178 : i32 to vector<16xi32>
    %mul3A_180 = arith.muli %add3A_177, %mul3A_179 : vector<16xi32>
    %add3A_181 = arith.constant 192 : i32
    %add3A_182 = vector.broadcast %add3A_181 : i32 to vector<16xi32>
    %add3A_183 = arith.addi %add3A_182, %iota3A : vector<16xi32>
    %mul3A_184 = arith.constant 128 : i32
    %mul3A_185 = vector.broadcast %mul3A_184 : i32 to vector<16xi32>
    %mul3A_186 = arith.muli %add3A_183, %mul3A_185 : vector<16xi32>
    %add3A_187 = arith.constant 208 : i32
    %add3A_188 = vector.broadcast %add3A_187 : i32 to vector<16xi32>
    %add3A_189 = arith.addi %add3A_188, %iota3A : vector<16xi32>
    %mul3A_190 = arith.constant 128 : i32
    %mul3A_191 = vector.broadcast %mul3A_190 : i32 to vector<16xi32>
    %mul3A_192 = arith.muli %add3A_189, %mul3A_191 : vector<16xi32>
    %add3A_193 = arith.constant 224 : i32
    %add3A_194 = vector.broadcast %add3A_193 : i32 to vector<16xi32>
    %add3A_195 = arith.addi %add3A_194, %iota3A : vector<16xi32>
    %mul3A_196 = arith.constant 128 : i32
    %mul3A_197 = vector.broadcast %mul3A_196 : i32 to vector<16xi32>
    %mul3A_198 = arith.muli %add3A_195, %mul3A_197 : vector<16xi32>
    %add3A_199 = arith.constant 240 : i32
    %add3A_200 = vector.broadcast %add3A_199 : i32 to vector<16xi32>
    %add3A_201 = arith.addi %add3A_200, %iota3A : vector<16xi32>
    %mul3A_202 = arith.constant 128 : i32
    %mul3A_203 = vector.broadcast %mul3A_202 : i32 to vector<16xi32>
    %mul3A_204 = arith.muli %add3A_201, %mul3A_203 : vector<16xi32>
    %broadcast_in_dim3A_205 = arith.constant 0.000000e+00 : f32
    %broadcast_in_dim3A_206 = vector.broadcast %broadcast_in_dim3A_205 : f32 to vector<16xf32>
    %parallel_loop3A_207 = arith.constant 0 : i32
    %parallel_loop3A_208 = arith.constant 128 : i32
    %parallel_loop3A_209 = arith.constant 1 : i32
    %parallel_loop3A_210:24 = scf.for %parallel_loop3A_610 = %parallel_loop3A_207 to %parallel_loop3A_208 step %parallel_loop3A_209 iter_args(%parallel_loop3A_611 = %broadcast_in_dim3A_206, %parallel_loop3A_612 = %broadcast_in_dim3A_206, %parallel_loop3A_613 = %broadcast_in_dim3A_206, %parallel_loop3A_614 = %broadcast_in_dim3A_206, %parallel_loop3A_615 = %broadcast_in_dim3A_206, %parallel_loop3A_616 = %broadcast_in_dim3A_206, %parallel_loop3A_617 = %broadcast_in_dim3A_206, %parallel_loop3A_618 = %broadcast_in_dim3A_206, %parallel_loop3A_619 = %broadcast_in_dim3A_206, %parallel_loop3A_620 = %broadcast_in_dim3A_206, %parallel_loop3A_621 = %broadcast_in_dim3A_206, %parallel_loop3A_622 = %broadcast_in_dim3A_206, %parallel_loop3A_623 = %broadcast_in_dim3A_206, %parallel_loop3A_624 = %broadcast_in_dim3A_206, %parallel_loop3A_625 = %broadcast_in_dim3A_206, %parallel_loop3A_626 = %broadcast_in_dim3A_206, %parallel_loop3A_627 = %broadcast_in_dim3A_206, %parallel_loop3A_628 = %broadcast_in_dim3A_206, %parallel_loop3A_629 = %broadcast_in_dim3A_206, %parallel_loop3A_630 = %broadcast_in_dim3A_206, %parallel_loop3A_631 = %broadcast_in_dim3A_206, %parallel_loop3A_632 = %broadcast_in_dim3A_206, %parallel_loop3A_633 = %broadcast_in_dim3A_206, %parallel_loop3A_634 = %broadcast_in_dim3A_206) -> (vector<16xf32>, vector<16xf32>, vector<16xf32>, vector<16xf32>, vector<16xf32>, vector<16xf32>, vector<16xf32>, vector<16xf32>, vector<16xf32>, vector<16xf32>, vector<16xf32>, vector<16xf32>, vector<16xf32>, vector<16xf32>, vector<16xf32>, vector<16xf32>, vector<16xf32>, vector<16xf32>, vector<16xf32>, vector<16xf32>, vector<16xf32>, vector<16xf32>, vector<16xf32>, vector<16xf32>)  : i32 {
      %parallel_loop3A_635 = arith.constant 0 : i32
      %parallel_loop3A_636 = arith.index_cast %parallel_loop3A_635 : i32 to index
      %parallel_loop3A_637 = arith.index_cast %parallel_loop3A_610 : i32 to index
      %parallel_loop3A_638 = arith.constant 0 : index
      %parallel_loop3A_639 = tpu.vector_load %arg10[%parallel_loop3A_636, %parallel_loop3A_637, %parallel_loop3A_638] {strides = array<i32>} : memref<3x128x16xf32, #tpu.memory_space<vmem>>, vector<16xf32>,
      %parallel_loop3A_640 = arith.constant 1 : i32
      %parallel_loop3A_641 = arith.index_cast %parallel_loop3A_640 : i32 to index
      %parallel_loop3A_642 = arith.index_cast %parallel_loop3A_610 : i32 to index
      %parallel_loop3A_643 = arith.constant 0 : index
      %parallel_loop3A_644 = tpu.vector_load %arg10[%parallel_loop3A_641, %parallel_loop3A_642, %parallel_loop3A_643] {strides = array<i32>} : memref<3x128x16xf32, #tpu.memory_space<vmem>>, vector<16xf32>,
      %parallel_loop3A_645 = arith.constant 2 : i32
      %parallel_loop3A_646 = arith.index_cast %parallel_loop3A_645 : i32 to index
      %parallel_loop3A_647 = arith.index_cast %parallel_loop3A_610 : i32 to index
      %parallel_loop3A_648 = arith.constant 0 : index
      %parallel_loop3A_649 = tpu.vector_load %arg10[%parallel_loop3A_646, %parallel_loop3A_647, %parallel_loop3A_648] {strides = array<i32>} : memref<3x128x16xf32, #tpu.memory_space<vmem>>, vector<16xf32>,
      %parallel_loop3A_650 = vector.broadcast %parallel_loop3A_610 : i32 to vector<16xi32>
      %parallel_loop3A_651 = arith.addi %mul3A_162, %parallel_loop3A_650 : vector<16xi32>
      %parallel_loop3A_652 = tpu.vector_load_idx %arg9[%parallel_loop3A_651] : memref<65536xf32, #tpu.memory_space<vmem>>[vector<16xi32>], vector<16xf32>,
      %parallel_loop3A_653 = tpu.bitcast %parallel_loop3A_652 : vector<16xf32> -> vector<16xi32>
      %parallel_loop3A_654 = arith.constant 32767 : i32
      %parallel_loop3A_655 = vector.broadcast %parallel_loop3A_654 : i32 to vector<16xi32>
      %parallel_loop3A_656 = arith.addi %parallel_loop3A_653, %parallel_loop3A_655 : vector<16xi32>
      %parallel_loop3A_657 = arith.constant 16 : i32
      %parallel_loop3A_658 = vector.broadcast %parallel_loop3A_657 : i32 to vector<16xi32>
      %parallel_loop3A_659 = arith.shrsi %parallel_loop3A_653, %parallel_loop3A_658 : vector<16xi32>
      %parallel_loop3A_660 = arith.constant 1 : i32
      %parallel_loop3A_661 = vector.broadcast %parallel_loop3A_660 : i32 to vector<16xi32>
      %parallel_loop3A_662 = arith.andi %parallel_loop3A_659, %parallel_loop3A_661 : vector<16xi32>
      %parallel_loop3A_663 = arith.addi %parallel_loop3A_656, %parallel_loop3A_662 : vector<16xi32>
      %parallel_loop3A_664 = arith.constant -65536 : i32
      %parallel_loop3A_665 = vector.broadcast %parallel_loop3A_664 : i32 to vector<16xi32>
      %parallel_loop3A_666 = arith.andi %parallel_loop3A_663, %parallel_loop3A_665 : vector<16xi32>
      %parallel_loop3A_667 = tpu.bitcast %parallel_loop3A_666 : vector<16xi32> -> vector<16xf32>
      %parallel_loop3A_668 = arith.mulf %parallel_loop3A_667, %parallel_loop3A_639 : vector<16xf32>
      %parallel_loop3A_669 = arith.addf %parallel_loop3A_611, %parallel_loop3A_668 : vector<16xf32>
      %parallel_loop3A_670 = arith.mulf %parallel_loop3A_667, %parallel_loop3A_644 : vector<16xf32>
      %parallel_loop3A_671 = arith.addf %parallel_loop3A_612, %parallel_loop3A_670 : vector<16xf32>
      %parallel_loop3A_672 = arith.mulf %parallel_loop3A_667, %parallel_loop3A_649 : vector<16xf32>
      %parallel_loop3A_673 = arith.addf %parallel_loop3A_613, %parallel_loop3A_672 : vector<16xf32>
      %parallel_loop3A_674 = vector.broadcast %parallel_loop3A_610 : i32 to vector<16xi32>
      %parallel_loop3A_675 = arith.addi %mul3A_168, %parallel_loop3A_674 : vector<16xi32>
      %parallel_loop3A_676 = tpu.vector_load_idx %arg9[%parallel_loop3A_675] : memref<65536xf32, #tpu.memory_space<vmem>>[vector<16xi32>], vector<16xf32>,
      %parallel_loop3A_677 = tpu.bitcast %parallel_loop3A_676 : vector<16xf32> -> vector<16xi32>
      %parallel_loop3A_678 = arith.constant 32767 : i32
      %parallel_loop3A_679 = vector.broadcast %parallel_loop3A_678 : i32 to vector<16xi32>
      %parallel_loop3A_680 = arith.addi %parallel_loop3A_677, %parallel_loop3A_679 : vector<16xi32>
      %parallel_loop3A_681 = arith.constant 16 : i32
      %parallel_loop3A_682 = vector.broadcast %parallel_loop3A_681 : i32 to vector<16xi32>
      %parallel_loop3A_683 = arith.shrsi %parallel_loop3A_677, %parallel_loop3A_682 : vector<16xi32>
      %parallel_loop3A_684 = arith.constant 1 : i32
      %parallel_loop3A_685 = vector.broadcast %parallel_loop3A_684 : i32 to vector<16xi32>
      %parallel_loop3A_686 = arith.andi %parallel_loop3A_683, %parallel_loop3A_685 : vector<16xi32>
      %parallel_loop3A_687 = arith.addi %parallel_loop3A_680, %parallel_loop3A_686 : vector<16xi32>
      %parallel_loop3A_688 = arith.constant -65536 : i32
      %parallel_loop3A_689 = vector.broadcast %parallel_loop3A_688 : i32 to vector<16xi32>
      %parallel_loop3A_690 = arith.andi %parallel_loop3A_687, %parallel_loop3A_689 : vector<16xi32>
      %parallel_loop3A_691 = tpu.bitcast %parallel_loop3A_690 : vector<16xi32> -> vector<16xf32>
      %parallel_loop3A_692 = arith.mulf %parallel_loop3A_691, %parallel_loop3A_639 : vector<16xf32>
      %parallel_loop3A_693 = arith.addf %parallel_loop3A_614, %parallel_loop3A_692 : vector<16xf32>
      %parallel_loop3A_694 = arith.mulf %parallel_loop3A_691, %parallel_loop3A_644 : vector<16xf32>
      %parallel_loop3A_695 = arith.addf %parallel_loop3A_615, %parallel_loop3A_694 : vector<16xf32>
      %parallel_loop3A_696 = arith.mulf %parallel_loop3A_691, %parallel_loop3A_649 : vector<16xf32>
      %parallel_loop3A_697 = arith.addf %parallel_loop3A_616, %parallel_loop3A_696 : vector<16xf32>
      %parallel_loop3A_698 = vector.broadcast %parallel_loop3A_610 : i32 to vector<16xi32>
      %parallel_loop3A_699 = arith.addi %mul3A_174, %parallel_loop3A_698 : vector<16xi32>
      %parallel_loop3A_700 = tpu.vector_load_idx %arg9[%parallel_loop3A_699] : memref<65536xf32, #tpu.memory_space<vmem>>[vector<16xi32>], vector<16xf32>,
      %parallel_loop3A_701 = tpu.bitcast %parallel_loop3A_700 : vector<16xf32> -> vector<16xi32>
      %parallel_loop3A_702 = arith.constant 32767 : i32
      %parallel_loop3A_703 = vector.broadcast %parallel_loop3A_702 : i32 to vector<16xi32>
      %parallel_loop3A_704 = arith.addi %parallel_loop3A_701, %parallel_loop3A_703 : vector<16xi32>
      %parallel_loop3A_705 = arith.constant 16 : i32
      %parallel_loop3A_706 = vector.broadcast %parallel_loop3A_705 : i32 to vector<16xi32>
      %parallel_loop3A_707 = arith.shrsi %parallel_loop3A_701, %parallel_loop3A_706 : vector<16xi32>
      %parallel_loop3A_708 = arith.constant 1 : i32
      %parallel_loop3A_709 = vector.broadcast %parallel_loop3A_708 : i32 to vector<16xi32>
      %parallel_loop3A_710 = arith.andi %parallel_loop3A_707, %parallel_loop3A_709 : vector<16xi32>
      %parallel_loop3A_711 = arith.addi %parallel_loop3A_704, %parallel_loop3A_710 : vector<16xi32>
      %parallel_loop3A_712 = arith.constant -65536 : i32
      %parallel_loop3A_713 = vector.broadcast %parallel_loop3A_712 : i32 to vector<16xi32>
      %parallel_loop3A_714 = arith.andi %parallel_loop3A_711, %parallel_loop3A_713 : vector<16xi32>
      %parallel_loop3A_715 = tpu.bitcast %parallel_loop3A_714 : vector<16xi32> -> vector<16xf32>
      %parallel_loop3A_716 = arith.mulf %parallel_loop3A_715, %parallel_loop3A_639 : vector<16xf32>
      %parallel_loop3A_717 = arith.addf %parallel_loop3A_617, %parallel_loop3A_716 : vector<16xf32>
      %parallel_loop3A_718 = arith.mulf %parallel_loop3A_715, %parallel_loop3A_644 : vector<16xf32>
      %parallel_loop3A_719 = arith.addf %parallel_loop3A_618, %parallel_loop3A_718 : vector<16xf32>
      %parallel_loop3A_720 = arith.mulf %parallel_loop3A_715, %parallel_loop3A_649 : vector<16xf32>
      %parallel_loop3A_721 = arith.addf %parallel_loop3A_619, %parallel_loop3A_720 : vector<16xf32>
      %parallel_loop3A_722 = vector.broadcast %parallel_loop3A_610 : i32 to vector<16xi32>
      %parallel_loop3A_723 = arith.addi %mul3A_180, %parallel_loop3A_722 : vector<16xi32>
      %parallel_loop3A_724 = tpu.vector_load_idx %arg9[%parallel_loop3A_723] : memref<65536xf32, #tpu.memory_space<vmem>>[vector<16xi32>], vector<16xf32>,
      %parallel_loop3A_725 = tpu.bitcast %parallel_loop3A_724 : vector<16xf32> -> vector<16xi32>
      %parallel_loop3A_726 = arith.constant 32767 : i32
      %parallel_loop3A_727 = vector.broadcast %parallel_loop3A_726 : i32 to vector<16xi32>
      %parallel_loop3A_728 = arith.addi %parallel_loop3A_725, %parallel_loop3A_727 : vector<16xi32>
      %parallel_loop3A_729 = arith.constant 16 : i32
      %parallel_loop3A_730 = vector.broadcast %parallel_loop3A_729 : i32 to vector<16xi32>
      %parallel_loop3A_731 = arith.shrsi %parallel_loop3A_725, %parallel_loop3A_730 : vector<16xi32>
      %parallel_loop3A_732 = arith.constant 1 : i32
      %parallel_loop3A_733 = vector.broadcast %parallel_loop3A_732 : i32 to vector<16xi32>
      %parallel_loop3A_734 = arith.andi %parallel_loop3A_731, %parallel_loop3A_733 : vector<16xi32>
      %parallel_loop3A_735 = arith.addi %parallel_loop3A_728, %parallel_loop3A_734 : vector<16xi32>
      %parallel_loop3A_736 = arith.constant -65536 : i32
      %parallel_loop3A_737 = vector.broadcast %parallel_loop3A_736 : i32 to vector<16xi32>
      %parallel_loop3A_738 = arith.andi %parallel_loop3A_735, %parallel_loop3A_737 : vector<16xi32>
      %parallel_loop3A_739 = tpu.bitcast %parallel_loop3A_738 : vector<16xi32> -> vector<16xf32>
      %parallel_loop3A_740 = arith.mulf %parallel_loop3A_739, %parallel_loop3A_639 : vector<16xf32>
      %parallel_loop3A_741 = arith.addf %parallel_loop3A_620, %parallel_loop3A_740 : vector<16xf32>
      %parallel_loop3A_742 = arith.mulf %parallel_loop3A_739, %parallel_loop3A_644 : vector<16xf32>
      %parallel_loop3A_743 = arith.addf %parallel_loop3A_621, %parallel_loop3A_742 : vector<16xf32>
      %parallel_loop3A_744 = arith.mulf %parallel_loop3A_739, %parallel_loop3A_649 : vector<16xf32>
      %parallel_loop3A_745 = arith.addf %parallel_loop3A_622, %parallel_loop3A_744 : vector<16xf32>
      %parallel_loop3A_746 = vector.broadcast %parallel_loop3A_610 : i32 to vector<16xi32>
      %parallel_loop3A_747 = arith.addi %mul3A_186, %parallel_loop3A_746 : vector<16xi32>
      %parallel_loop3A_748 = tpu.vector_load_idx %arg9[%parallel_loop3A_747] : memref<65536xf32, #tpu.memory_space<vmem>>[vector<16xi32>], vector<16xf32>,
      %parallel_loop3A_749 = tpu.bitcast %parallel_loop3A_748 : vector<16xf32> -> vector<16xi32>
      %parallel_loop3A_750 = arith.constant 32767 : i32
      %parallel_loop3A_751 = vector.broadcast %parallel_loop3A_750 : i32 to vector<16xi32>
      %parallel_loop3A_752 = arith.addi %parallel_loop3A_749, %parallel_loop3A_751 : vector<16xi32>
      %parallel_loop3A_753 = arith.constant 16 : i32
      %parallel_loop3A_754 = vector.broadcast %parallel_loop3A_753 : i32 to vector<16xi32>
      %parallel_loop3A_755 = arith.shrsi %parallel_loop3A_749, %parallel_loop3A_754 : vector<16xi32>
      %parallel_loop3A_756 = arith.constant 1 : i32
      %parallel_loop3A_757 = vector.broadcast %parallel_loop3A_756 : i32 to vector<16xi32>
      %parallel_loop3A_758 = arith.andi %parallel_loop3A_755, %parallel_loop3A_757 : vector<16xi32>
      %parallel_loop3A_759 = arith.addi %parallel_loop3A_752, %parallel_loop3A_758 : vector<16xi32>
      %parallel_loop3A_760 = arith.constant -65536 : i32
      %parallel_loop3A_761 = vector.broadcast %parallel_loop3A_760 : i32 to vector<16xi32>
      %parallel_loop3A_762 = arith.andi %parallel_loop3A_759, %parallel_loop3A_761 : vector<16xi32>
      %parallel_loop3A_763 = tpu.bitcast %parallel_loop3A_762 : vector<16xi32> -> vector<16xf32>
      %parallel_loop3A_764 = arith.mulf %parallel_loop3A_763, %parallel_loop3A_639 : vector<16xf32>
      %parallel_loop3A_765 = arith.addf %parallel_loop3A_623, %parallel_loop3A_764 : vector<16xf32>
      %parallel_loop3A_766 = arith.mulf %parallel_loop3A_763, %parallel_loop3A_644 : vector<16xf32>
      %parallel_loop3A_767 = arith.addf %parallel_loop3A_624, %parallel_loop3A_766 : vector<16xf32>
      %parallel_loop3A_768 = arith.mulf %parallel_loop3A_763, %parallel_loop3A_649 : vector<16xf32>
      %parallel_loop3A_769 = arith.addf %parallel_loop3A_625, %parallel_loop3A_768 : vector<16xf32>
      %parallel_loop3A_770 = vector.broadcast %parallel_loop3A_610 : i32 to vector<16xi32>
      %parallel_loop3A_771 = arith.addi %mul3A_192, %parallel_loop3A_770 : vector<16xi32>
      %parallel_loop3A_772 = tpu.vector_load_idx %arg9[%parallel_loop3A_771] : memref<65536xf32, #tpu.memory_space<vmem>>[vector<16xi32>], vector<16xf32>,
      %parallel_loop3A_773 = tpu.bitcast %parallel_loop3A_772 : vector<16xf32> -> vector<16xi32>
      %parallel_loop3A_774 = arith.constant 32767 : i32
      %parallel_loop3A_775 = vector.broadcast %parallel_loop3A_774 : i32 to vector<16xi32>
      %parallel_loop3A_776 = arith.addi %parallel_loop3A_773, %parallel_loop3A_775 : vector<16xi32>
      %parallel_loop3A_777 = arith.constant 16 : i32
      %parallel_loop3A_778 = vector.broadcast %parallel_loop3A_777 : i32 to vector<16xi32>
      %parallel_loop3A_779 = arith.shrsi %parallel_loop3A_773, %parallel_loop3A_778 : vector<16xi32>
      %parallel_loop3A_780 = arith.constant 1 : i32
      %parallel_loop3A_781 = vector.broadcast %parallel_loop3A_780 : i32 to vector<16xi32>
      %parallel_loop3A_782 = arith.andi %parallel_loop3A_779, %parallel_loop3A_781 : vector<16xi32>
      %parallel_loop3A_783 = arith.addi %parallel_loop3A_776, %parallel_loop3A_782 : vector<16xi32>
      %parallel_loop3A_784 = arith.constant -65536 : i32
      %parallel_loop3A_785 = vector.broadcast %parallel_loop3A_784 : i32 to vector<16xi32>
      %parallel_loop3A_786 = arith.andi %parallel_loop3A_783, %parallel_loop3A_785 : vector<16xi32>
      %parallel_loop3A_787 = tpu.bitcast %parallel_loop3A_786 : vector<16xi32> -> vector<16xf32>
      %parallel_loop3A_788 = arith.mulf %parallel_loop3A_787, %parallel_loop3A_639 : vector<16xf32>
      %parallel_loop3A_789 = arith.addf %parallel_loop3A_626, %parallel_loop3A_788 : vector<16xf32>
      %parallel_loop3A_790 = arith.mulf %parallel_loop3A_787, %parallel_loop3A_644 : vector<16xf32>
      %parallel_loop3A_791 = arith.addf %parallel_loop3A_627, %parallel_loop3A_790 : vector<16xf32>
      %parallel_loop3A_792 = arith.mulf %parallel_loop3A_787, %parallel_loop3A_649 : vector<16xf32>
      %parallel_loop3A_793 = arith.addf %parallel_loop3A_628, %parallel_loop3A_792 : vector<16xf32>
      %parallel_loop3A_794 = vector.broadcast %parallel_loop3A_610 : i32 to vector<16xi32>
      %parallel_loop3A_795 = arith.addi %mul3A_198, %parallel_loop3A_794 : vector<16xi32>
      %parallel_loop3A_796 = tpu.vector_load_idx %arg9[%parallel_loop3A_795] : memref<65536xf32, #tpu.memory_space<vmem>>[vector<16xi32>], vector<16xf32>,
      %parallel_loop3A_797 = tpu.bitcast %parallel_loop3A_796 : vector<16xf32> -> vector<16xi32>
      %parallel_loop3A_798 = arith.constant 32767 : i32
      %parallel_loop3A_799 = vector.broadcast %parallel_loop3A_798 : i32 to vector<16xi32>
      %parallel_loop3A_800 = arith.addi %parallel_loop3A_797, %parallel_loop3A_799 : vector<16xi32>
      %parallel_loop3A_801 = arith.constant 16 : i32
      %parallel_loop3A_802 = vector.broadcast %parallel_loop3A_801 : i32 to vector<16xi32>
      %parallel_loop3A_803 = arith.shrsi %parallel_loop3A_797, %parallel_loop3A_802 : vector<16xi32>
      %parallel_loop3A_804 = arith.constant 1 : i32
      %parallel_loop3A_805 = vector.broadcast %parallel_loop3A_804 : i32 to vector<16xi32>
      %parallel_loop3A_806 = arith.andi %parallel_loop3A_803, %parallel_loop3A_805 : vector<16xi32>
      %parallel_loop3A_807 = arith.addi %parallel_loop3A_800, %parallel_loop3A_806 : vector<16xi32>
      %parallel_loop3A_808 = arith.constant -65536 : i32
      %parallel_loop3A_809 = vector.broadcast %parallel_loop3A_808 : i32 to vector<16xi32>
      %parallel_loop3A_810 = arith.andi %parallel_loop3A_807, %parallel_loop3A_809 : vector<16xi32>
      %parallel_loop3A_811 = tpu.bitcast %parallel_loop3A_810 : vector<16xi32> -> vector<16xf32>
      %parallel_loop3A_812 = arith.mulf %parallel_loop3A_811, %parallel_loop3A_639 : vector<16xf32>
      %parallel_loop3A_813 = arith.addf %parallel_loop3A_629, %parallel_loop3A_812 : vector<16xf32>
      %parallel_loop3A_814 = arith.mulf %parallel_loop3A_811, %parallel_loop3A_644 : vector<16xf32>
      %parallel_loop3A_815 = arith.addf %parallel_loop3A_630, %parallel_loop3A_814 : vector<16xf32>
      %parallel_loop3A_816 = arith.mulf %parallel_loop3A_811, %parallel_loop3A_649 : vector<16xf32>
      %parallel_loop3A_817 = arith.addf %parallel_loop3A_631, %parallel_loop3A_816 : vector<16xf32>
      %parallel_loop3A_818 = vector.broadcast %parallel_loop3A_610 : i32 to vector<16xi32>
      %parallel_loop3A_819 = arith.addi %mul3A_204, %parallel_loop3A_818 : vector<16xi32>
      %parallel_loop3A_820 = tpu.vector_load_idx %arg9[%parallel_loop3A_819] : memref<65536xf32, #tpu.memory_space<vmem>>[vector<16xi32>], vector<16xf32>,
      %parallel_loop3A_821 = tpu.bitcast %parallel_loop3A_820 : vector<16xf32> -> vector<16xi32>
      %parallel_loop3A_822 = arith.constant 32767 : i32
      %parallel_loop3A_823 = vector.broadcast %parallel_loop3A_822 : i32 to vector<16xi32>
      %parallel_loop3A_824 = arith.addi %parallel_loop3A_821, %parallel_loop3A_823 : vector<16xi32>
      %parallel_loop3A_825 = arith.constant 16 : i32
      %parallel_loop3A_826 = vector.broadcast %parallel_loop3A_825 : i32 to vector<16xi32>
      %parallel_loop3A_827 = arith.shrsi %parallel_loop3A_821, %parallel_loop3A_826 : vector<16xi32>
      %parallel_loop3A_828 = arith.constant 1 : i32
      %parallel_loop3A_829 = vector.broadcast %parallel_loop3A_828 : i32 to vector<16xi32>
      %parallel_loop3A_830 = arith.andi %parallel_loop3A_827, %parallel_loop3A_829 : vector<16xi32>
      %parallel_loop3A_831 = arith.addi %parallel_loop3A_824, %parallel_loop3A_830 : vector<16xi32>
      %parallel_loop3A_832 = arith.constant -65536 : i32
      %parallel_loop3A_833 = vector.broadcast %parallel_loop3A_832 : i32 to vector<16xi32>
      %parallel_loop3A_834 = arith.andi %parallel_loop3A_831, %parallel_loop3A_833 : vector<16xi32>
      %parallel_loop3A_835 = tpu.bitcast %parallel_loop3A_834 : vector<16xi32> -> vector<16xf32>
      %parallel_loop3A_836 = arith.mulf %parallel_loop3A_835, %parallel_loop3A_639 : vector<16xf32>
      %parallel_loop3A_837 = arith.addf %parallel_loop3A_632, %parallel_loop3A_836 : vector<16xf32>
      %parallel_loop3A_838 = arith.mulf %parallel_loop3A_835, %parallel_loop3A_644 : vector<16xf32>
      %parallel_loop3A_839 = arith.addf %parallel_loop3A_633, %parallel_loop3A_838 : vector<16xf32>
      %parallel_loop3A_840 = arith.mulf %parallel_loop3A_835, %parallel_loop3A_649 : vector<16xf32>
      %parallel_loop3A_841 = arith.addf %parallel_loop3A_634, %parallel_loop3A_840 : vector<16xf32>
      scf.yield %parallel_loop3A_669, %parallel_loop3A_671, %parallel_loop3A_673, %parallel_loop3A_693, %parallel_loop3A_695, %parallel_loop3A_697, %parallel_loop3A_717, %parallel_loop3A_719, %parallel_loop3A_721, %parallel_loop3A_741, %parallel_loop3A_743, %parallel_loop3A_745, %parallel_loop3A_765, %parallel_loop3A_767, %parallel_loop3A_769, %parallel_loop3A_789, %parallel_loop3A_791, %parallel_loop3A_793, %parallel_loop3A_813, %parallel_loop3A_815, %parallel_loop3A_817, %parallel_loop3A_837, %parallel_loop3A_839, %parallel_loop3A_841 : vector<16xf32>, vector<16xf32>, vector<16xf32>, vector<16xf32>, vector<16xf32>, vector<16xf32>, vector<16xf32>, vector<16xf32>, vector<16xf32>, vector<16xf32>, vector<16xf32>, vector<16xf32>, vector<16xf32>, vector<16xf32>, vector<16xf32>, vector<16xf32>, vector<16xf32>, vector<16xf32>, vector<16xf32>, vector<16xf32>, vector<16xf32>, vector<16xf32>, vector<16xf32>, vector<16xf32>
    } {sc.loop_unroll_factor = 2 : i64, sc.parallel_access}
    %add3A_211 = vector.broadcast %squeeze3A : f32 to vector<16xf32>
    %add3A_212 = arith.addf %parallel_loop3A_210#0, %add3A_211 : vector<16xf32>
    %swap3A_213 = arith.constant 128 : index
    %swap3A_214 = tpu.vector_load %arg12[%swap3A_213] {strides = array<i32>} : memref<512xf32, #tpu.memory_space<vmem>>, vector<16xf32>,
    tpu.vector_store %arg12[%swap3A_213], %add3A_212 {strides = array<i32>} : memref<512xf32, #tpu.memory_space<vmem>>, vector<16xf32>,
    %add3A_215 = vector.broadcast %squeeze3A_7 : f32 to vector<16xf32>
    %add3A_216 = arith.addf %parallel_loop3A_210#1, %add3A_215 : vector<16xf32>
    %swap3A_217 = arith.constant 128 : index
    %swap3A_218 = tpu.vector_load %arg13[%swap3A_217] {strides = array<i32>} : memref<512xf32, #tpu.memory_space<vmem>>, vector<16xf32>,
    tpu.vector_store %arg13[%swap3A_217], %add3A_216 {strides = array<i32>} : memref<512xf32, #tpu.memory_space<vmem>>, vector<16xf32>,
    %add3A_219 = vector.broadcast %squeeze3A_9 : f32 to vector<16xf32>
    %add3A_220 = arith.addf %parallel_loop3A_210#2, %add3A_219 : vector<16xf32>
    %swap3A_221 = arith.constant 128 : index
    %swap3A_222 = tpu.vector_load %arg14[%swap3A_221] {strides = array<i32>} : memref<512xf32, #tpu.memory_space<vmem>>, vector<16xf32>,
    tpu.vector_store %arg14[%swap3A_221], %add3A_220 {strides = array<i32>} : memref<512xf32, #tpu.memory_space<vmem>>, vector<16xf32>,
    %add3A_223 = vector.broadcast %squeeze3A : f32 to vector<16xf32>
    %add3A_224 = arith.addf %parallel_loop3A_210#3, %add3A_223 : vector<16xf32>
    %swap3A_225 = arith.constant 144 : index
    %swap3A_226 = tpu.vector_load %arg12[%swap3A_225] {strides = array<i32>} : memref<512xf32, #tpu.memory_space<vmem>>, vector<16xf32>,
    tpu.vector_store %arg12[%swap3A_225], %add3A_224 {strides = array<i32>} : memref<512xf32, #tpu.memory_space<vmem>>, vector<16xf32>,
    %add3A_227 = vector.broadcast %squeeze3A_7 : f32 to vector<16xf32>
    %add3A_228 = arith.addf %parallel_loop3A_210#4, %add3A_227 : vector<16xf32>
    %swap3A_229 = arith.constant 144 : index
    %swap3A_230 = tpu.vector_load %arg13[%swap3A_229] {strides = array<i32>} : memref<512xf32, #tpu.memory_space<vmem>>, vector<16xf32>,
    tpu.vector_store %arg13[%swap3A_229], %add3A_228 {strides = array<i32>} : memref<512xf32, #tpu.memory_space<vmem>>, vector<16xf32>,
    %add3A_231 = vector.broadcast %squeeze3A_9 : f32 to vector<16xf32>
    %add3A_232 = arith.addf %parallel_loop3A_210#5, %add3A_231 : vector<16xf32>
    %swap3A_233 = arith.constant 144 : index
    %swap3A_234 = tpu.vector_load %arg14[%swap3A_233] {strides = array<i32>} : memref<512xf32, #tpu.memory_space<vmem>>, vector<16xf32>,
    tpu.vector_store %arg14[%swap3A_233], %add3A_232 {strides = array<i32>} : memref<512xf32, #tpu.memory_space<vmem>>, vector<16xf32>,
    %add3A_235 = vector.broadcast %squeeze3A : f32 to vector<16xf32>
    %add3A_236 = arith.addf %parallel_loop3A_210#6, %add3A_235 : vector<16xf32>
    %swap3A_237 = arith.constant 160 : index
    %swap3A_238 = tpu.vector_load %arg12[%swap3A_237] {strides = array<i32>} : memref<512xf32, #tpu.memory_space<vmem>>, vector<16xf32>,
    tpu.vector_store %arg12[%swap3A_237], %add3A_236 {strides = array<i32>} : memref<512xf32, #tpu.memory_space<vmem>>, vector<16xf32>,
    %add3A_239 = vector.broadcast %squeeze3A_7 : f32 to vector<16xf32>
    %add3A_240 = arith.addf %parallel_loop3A_210#7, %add3A_239 : vector<16xf32>
    %swap3A_241 = arith.constant 160 : index
    %swap3A_242 = tpu.vector_load %arg13[%swap3A_241] {strides = array<i32>} : memref<512xf32, #tpu.memory_space<vmem>>, vector<16xf32>,
    tpu.vector_store %arg13[%swap3A_241], %add3A_240 {strides = array<i32>} : memref<512xf32, #tpu.memory_space<vmem>>, vector<16xf32>,
    %add3A_243 = vector.broadcast %squeeze3A_9 : f32 to vector<16xf32>
    %add3A_244 = arith.addf %parallel_loop3A_210#8, %add3A_243 : vector<16xf32>
    %swap3A_245 = arith.constant 160 : index
    %swap3A_246 = tpu.vector_load %arg14[%swap3A_245] {strides = array<i32>} : memref<512xf32, #tpu.memory_space<vmem>>, vector<16xf32>,
    tpu.vector_store %arg14[%swap3A_245], %add3A_244 {strides = array<i32>} : memref<512xf32, #tpu.memory_space<vmem>>, vector<16xf32>,
    %add3A_247 = vector.broadcast %squeeze3A : f32 to vector<16xf32>
    %add3A_248 = arith.addf %parallel_loop3A_210#9, %add3A_247 : vector<16xf32>
    %swap3A_249 = arith.constant 176 : index
    %swap3A_250 = tpu.vector_load %arg12[%swap3A_249] {strides = array<i32>} : memref<512xf32, #tpu.memory_space<vmem>>, vector<16xf32>,
    tpu.vector_store %arg12[%swap3A_249], %add3A_248 {strides = array<i32>} : memref<512xf32, #tpu.memory_space<vmem>>, vector<16xf32>,
    %add3A_251 = vector.broadcast %squeeze3A_7 : f32 to vector<16xf32>
    %add3A_252 = arith.addf %parallel_loop3A_210#10, %add3A_251 : vector<16xf32>
    %swap3A_253 = arith.constant 176 : index
    %swap3A_254 = tpu.vector_load %arg13[%swap3A_253] {strides = array<i32>} : memref<512xf32, #tpu.memory_space<vmem>>, vector<16xf32>,
    tpu.vector_store %arg13[%swap3A_253], %add3A_252 {strides = array<i32>} : memref<512xf32, #tpu.memory_space<vmem>>, vector<16xf32>,
    %add3A_255 = vector.broadcast %squeeze3A_9 : f32 to vector<16xf32>
    %add3A_256 = arith.addf %parallel_loop3A_210#11, %add3A_255 : vector<16xf32>
    %swap3A_257 = arith.constant 176 : index
    %swap3A_258 = tpu.vector_load %arg14[%swap3A_257] {strides = array<i32>} : memref<512xf32, #tpu.memory_space<vmem>>, vector<16xf32>,
    tpu.vector_store %arg14[%swap3A_257], %add3A_256 {strides = array<i32>} : memref<512xf32, #tpu.memory_space<vmem>>, vector<16xf32>,
    %add3A_259 = vector.broadcast %squeeze3A : f32 to vector<16xf32>
    %add3A_260 = arith.addf %parallel_loop3A_210#12, %add3A_259 : vector<16xf32>
    %swap3A_261 = arith.constant 192 : index
    %swap3A_262 = tpu.vector_load %arg12[%swap3A_261] {strides = array<i32>} : memref<512xf32, #tpu.memory_space<vmem>>, vector<16xf32>,
    tpu.vector_store %arg12[%swap3A_261], %add3A_260 {strides = array<i32>} : memref<512xf32, #tpu.memory_space<vmem>>, vector<16xf32>,
    %add3A_263 = vector.broadcast %squeeze3A_7 : f32 to vector<16xf32>
    %add3A_264 = arith.addf %parallel_loop3A_210#13, %add3A_263 : vector<16xf32>
    %swap3A_265 = arith.constant 192 : index
    %swap3A_266 = tpu.vector_load %arg13[%swap3A_265] {strides = array<i32>} : memref<512xf32, #tpu.memory_space<vmem>>, vector<16xf32>,
    tpu.vector_store %arg13[%swap3A_265], %add3A_264 {strides = array<i32>} : memref<512xf32, #tpu.memory_space<vmem>>, vector<16xf32>,
    %add3A_267 = vector.broadcast %squeeze3A_9 : f32 to vector<16xf32>
    %add3A_268 = arith.addf %parallel_loop3A_210#14, %add3A_267 : vector<16xf32>
    %swap3A_269 = arith.constant 192 : index
    %swap3A_270 = tpu.vector_load %arg14[%swap3A_269] {strides = array<i32>} : memref<512xf32, #tpu.memory_space<vmem>>, vector<16xf32>,
    tpu.vector_store %arg14[%swap3A_269], %add3A_268 {strides = array<i32>} : memref<512xf32, #tpu.memory_space<vmem>>, vector<16xf32>,
    %add3A_271 = vector.broadcast %squeeze3A : f32 to vector<16xf32>
    %add3A_272 = arith.addf %parallel_loop3A_210#15, %add3A_271 : vector<16xf32>
    %swap3A_273 = arith.constant 208 : index
    %swap3A_274 = tpu.vector_load %arg12[%swap3A_273] {strides = array<i32>} : memref<512xf32, #tpu.memory_space<vmem>>, vector<16xf32>,
    tpu.vector_store %arg12[%swap3A_273], %add3A_272 {strides = array<i32>} : memref<512xf32, #tpu.memory_space<vmem>>, vector<16xf32>,
    %add3A_275 = vector.broadcast %squeeze3A_7 : f32 to vector<16xf32>
    %add3A_276 = arith.addf %parallel_loop3A_210#16, %add3A_275 : vector<16xf32>
    %swap3A_277 = arith.constant 208 : index
    %swap3A_278 = tpu.vector_load %arg13[%swap3A_277] {strides = array<i32>} : memref<512xf32, #tpu.memory_space<vmem>>, vector<16xf32>,
    tpu.vector_store %arg13[%swap3A_277], %add3A_276 {strides = array<i32>} : memref<512xf32, #tpu.memory_space<vmem>>, vector<16xf32>,
    %add3A_279 = vector.broadcast %squeeze3A_9 : f32 to vector<16xf32>
    %add3A_280 = arith.addf %parallel_loop3A_210#17, %add3A_279 : vector<16xf32>
    %swap3A_281 = arith.constant 208 : index
    %swap3A_282 = tpu.vector_load %arg14[%swap3A_281] {strides = array<i32>} : memref<512xf32, #tpu.memory_space<vmem>>, vector<16xf32>,
    tpu.vector_store %arg14[%swap3A_281], %add3A_280 {strides = array<i32>} : memref<512xf32, #tpu.memory_space<vmem>>, vector<16xf32>,
    %add3A_283 = vector.broadcast %squeeze3A : f32 to vector<16xf32>
    %add3A_284 = arith.addf %parallel_loop3A_210#18, %add3A_283 : vector<16xf32>
    %swap3A_285 = arith.constant 224 : index
    %swap3A_286 = tpu.vector_load %arg12[%swap3A_285] {strides = array<i32>} : memref<512xf32, #tpu.memory_space<vmem>>, vector<16xf32>,
    tpu.vector_store %arg12[%swap3A_285], %add3A_284 {strides = array<i32>} : memref<512xf32, #tpu.memory_space<vmem>>, vector<16xf32>,
    %add3A_287 = vector.broadcast %squeeze3A_7 : f32 to vector<16xf32>
    %add3A_288 = arith.addf %parallel_loop3A_210#19, %add3A_287 : vector<16xf32>
    %swap3A_289 = arith.constant 224 : index
    %swap3A_290 = tpu.vector_load %arg13[%swap3A_289] {strides = array<i32>} : memref<512xf32, #tpu.memory_space<vmem>>, vector<16xf32>,
    tpu.vector_store %arg13[%swap3A_289], %add3A_288 {strides = array<i32>} : memref<512xf32, #tpu.memory_space<vmem>>, vector<16xf32>,
    %add3A_291 = vector.broadcast %squeeze3A_9 : f32 to vector<16xf32>
    %add3A_292 = arith.addf %parallel_loop3A_210#20, %add3A_291 : vector<16xf32>
    %swap3A_293 = arith.constant 224 : index
    %swap3A_294 = tpu.vector_load %arg14[%swap3A_293] {strides = array<i32>} : memref<512xf32, #tpu.memory_space<vmem>>, vector<16xf32>,
    tpu.vector_store %arg14[%swap3A_293], %add3A_292 {strides = array<i32>} : memref<512xf32, #tpu.memory_space<vmem>>, vector<16xf32>,
    %add3A_295 = vector.broadcast %squeeze3A : f32 to vector<16xf32>
    %add3A_296 = arith.addf %parallel_loop3A_210#21, %add3A_295 : vector<16xf32>
    %swap3A_297 = arith.constant 240 : index
    %swap3A_298 = tpu.vector_load %arg12[%swap3A_297] {strides = array<i32>} : memref<512xf32, #tpu.memory_space<vmem>>, vector<16xf32>,
    tpu.vector_store %arg12[%swap3A_297], %add3A_296 {strides = array<i32>} : memref<512xf32, #tpu.memory_space<vmem>>, vector<16xf32>,
    %add3A_299 = vector.broadcast %squeeze3A_7 : f32 to vector<16xf32>
    %add3A_300 = arith.addf %parallel_loop3A_210#22, %add3A_299 : vector<16xf32>
    %swap3A_301 = arith.constant 240 : index
    %swap3A_302 = tpu.vector_load %arg13[%swap3A_301] {strides = array<i32>} : memref<512xf32, #tpu.memory_space<vmem>>, vector<16xf32>,
    tpu.vector_store %arg13[%swap3A_301], %add3A_300 {strides = array<i32>} : memref<512xf32, #tpu.memory_space<vmem>>, vector<16xf32>,
    %add3A_303 = vector.broadcast %squeeze3A_9 : f32 to vector<16xf32>
    %add3A_304 = arith.addf %parallel_loop3A_210#23, %add3A_303 : vector<16xf32>
    %swap3A_305 = arith.constant 240 : index
    %swap3A_306 = tpu.vector_load %arg14[%swap3A_305] {strides = array<i32>} : memref<512xf32, #tpu.memory_space<vmem>>, vector<16xf32>,
    tpu.vector_store %arg14[%swap3A_305], %add3A_304 {strides = array<i32>} : memref<512xf32, #tpu.memory_space<vmem>>, vector<16xf32>,
    %add3A_307 = arith.constant 256 : i32
    %add3A_308 = vector.broadcast %add3A_307 : i32 to vector<16xi32>
    %add3A_309 = arith.addi %add3A_308, %iota3A : vector<16xi32>
    %mul3A_310 = arith.constant 128 : i32
    %mul3A_311 = vector.broadcast %mul3A_310 : i32 to vector<16xi32>
    %mul3A_312 = arith.muli %add3A_309, %mul3A_311 : vector<16xi32>
    %add3A_313 = arith.constant 272 : i32
    %add3A_314 = vector.broadcast %add3A_313 : i32 to vector<16xi32>
    %add3A_315 = arith.addi %add3A_314, %iota3A : vector<16xi32>
    %mul3A_316 = arith.constant 128 : i32
    %mul3A_317 = vector.broadcast %mul3A_316 : i32 to vector<16xi32>
    %mul3A_318 = arith.muli %add3A_315, %mul3A_317 : vector<16xi32>
    %add3A_319 = arith.constant 288 : i32
    %add3A_320 = vector.broadcast %add3A_319 : i32 to vector<16xi32>
    %add3A_321 = arith.addi %add3A_320, %iota3A : vector<16xi32>
    %mul3A_322 = arith.constant 128 : i32
    %mul3A_323 = vector.broadcast %mul3A_322 : i32 to vector<16xi32>
    %mul3A_324 = arith.muli %add3A_321, %mul3A_323 : vector<16xi32>
    %add3A_325 = arith.constant 304 : i32
    %add3A_326 = vector.broadcast %add3A_325 : i32 to vector<16xi32>
    %add3A_327 = arith.addi %add3A_326, %iota3A : vector<16xi32>
    %mul3A_328 = arith.constant 128 : i32
    %mul3A_329 = vector.broadcast %mul3A_328 : i32 to vector<16xi32>
    %mul3A_330 = arith.muli %add3A_327, %mul3A_329 : vector<16xi32>
    %add3A_331 = arith.constant 320 : i32
    %add3A_332 = vector.broadcast %add3A_331 : i32 to vector<16xi32>
    %add3A_333 = arith.addi %add3A_332, %iota3A : vector<16xi32>
    %mul3A_334 = arith.constant 128 : i32
    %mul3A_335 = vector.broadcast %mul3A_334 : i32 to vector<16xi32>
    %mul3A_336 = arith.muli %add3A_333, %mul3A_335 : vector<16xi32>
    %add3A_337 = arith.constant 336 : i32
    %add3A_338 = vector.broadcast %add3A_337 : i32 to vector<16xi32>
    %add3A_339 = arith.addi %add3A_338, %iota3A : vector<16xi32>
    %mul3A_340 = arith.constant 128 : i32
    %mul3A_341 = vector.broadcast %mul3A_340 : i32 to vector<16xi32>
    %mul3A_342 = arith.muli %add3A_339, %mul3A_341 : vector<16xi32>
    %add3A_343 = arith.constant 352 : i32
    %add3A_344 = vector.broadcast %add3A_343 : i32 to vector<16xi32>
    %add3A_345 = arith.addi %add3A_344, %iota3A : vector<16xi32>
    %mul3A_346 = arith.constant 128 : i32
    %mul3A_347 = vector.broadcast %mul3A_346 : i32 to vector<16xi32>
    %mul3A_348 = arith.muli %add3A_345, %mul3A_347 : vector<16xi32>
    %add3A_349 = arith.constant 368 : i32
    %add3A_350 = vector.broadcast %add3A_349 : i32 to vector<16xi32>
    %add3A_351 = arith.addi %add3A_350, %iota3A : vector<16xi32>
    %mul3A_352 = arith.constant 128 : i32
    %mul3A_353 = vector.broadcast %mul3A_352 : i32 to vector<16xi32>
    %mul3A_354 = arith.muli %add3A_351, %mul3A_353 : vector<16xi32>
    %broadcast_in_dim3A_355 = arith.constant 0.000000e+00 : f32
    %broadcast_in_dim3A_356 = vector.broadcast %broadcast_in_dim3A_355 : f32 to vector<16xf32>
    %parallel_loop3A_357 = arith.constant 0 : i32
    %parallel_loop3A_358 = arith.constant 128 : i32
    %parallel_loop3A_359 = arith.constant 1 : i32
    %parallel_loop3A_360:24 = scf.for %parallel_loop3A_610 = %parallel_loop3A_357 to %parallel_loop3A_358 step %parallel_loop3A_359 iter_args(%parallel_loop3A_611 = %broadcast_in_dim3A_356, %parallel_loop3A_612 = %broadcast_in_dim3A_356, %parallel_loop3A_613 = %broadcast_in_dim3A_356, %parallel_loop3A_614 = %broadcast_in_dim3A_356, %parallel_loop3A_615 = %broadcast_in_dim3A_356, %parallel_loop3A_616 = %broadcast_in_dim3A_356, %parallel_loop3A_617 = %broadcast_in_dim3A_356, %parallel_loop3A_618 = %broadcast_in_dim3A_356, %parallel_loop3A_619 = %broadcast_in_dim3A_356, %parallel_loop3A_620 = %broadcast_in_dim3A_356, %parallel_loop3A_621 = %broadcast_in_dim3A_356, %parallel_loop3A_622 = %broadcast_in_dim3A_356, %parallel_loop3A_623 = %broadcast_in_dim3A_356, %parallel_loop3A_624 = %broadcast_in_dim3A_356, %parallel_loop3A_625 = %broadcast_in_dim3A_356, %parallel_loop3A_626 = %broadcast_in_dim3A_356, %parallel_loop3A_627 = %broadcast_in_dim3A_356, %parallel_loop3A_628 = %broadcast_in_dim3A_356, %parallel_loop3A_629 = %broadcast_in_dim3A_356, %parallel_loop3A_630 = %broadcast_in_dim3A_356, %parallel_loop3A_631 = %broadcast_in_dim3A_356, %parallel_loop3A_632 = %broadcast_in_dim3A_356, %parallel_loop3A_633 = %broadcast_in_dim3A_356, %parallel_loop3A_634 = %broadcast_in_dim3A_356) -> (vector<16xf32>, vector<16xf32>, vector<16xf32>, vector<16xf32>, vector<16xf32>, vector<16xf32>, vector<16xf32>, vector<16xf32>, vector<16xf32>, vector<16xf32>, vector<16xf32>, vector<16xf32>, vector<16xf32>, vector<16xf32>, vector<16xf32>, vector<16xf32>, vector<16xf32>, vector<16xf32>, vector<16xf32>, vector<16xf32>, vector<16xf32>, vector<16xf32>, vector<16xf32>, vector<16xf32>)  : i32 {
      %parallel_loop3A_635 = arith.constant 0 : i32
      %parallel_loop3A_636 = arith.index_cast %parallel_loop3A_635 : i32 to index
      %parallel_loop3A_637 = arith.index_cast %parallel_loop3A_610 : i32 to index
      %parallel_loop3A_638 = arith.constant 0 : index
      %parallel_loop3A_639 = tpu.vector_load %arg10[%parallel_loop3A_636, %parallel_loop3A_637, %parallel_loop3A_638] {strides = array<i32>} : memref<3x128x16xf32, #tpu.memory_space<vmem>>, vector<16xf32>,
      %parallel_loop3A_640 = arith.constant 1 : i32
      %parallel_loop3A_641 = arith.index_cast %parallel_loop3A_640 : i32 to index
      %parallel_loop3A_642 = arith.index_cast %parallel_loop3A_610 : i32 to index
      %parallel_loop3A_643 = arith.constant 0 : index
      %parallel_loop3A_644 = tpu.vector_load %arg10[%parallel_loop3A_641, %parallel_loop3A_642, %parallel_loop3A_643] {strides = array<i32>} : memref<3x128x16xf32, #tpu.memory_space<vmem>>, vector<16xf32>,
      %parallel_loop3A_645 = arith.constant 2 : i32
      %parallel_loop3A_646 = arith.index_cast %parallel_loop3A_645 : i32 to index
      %parallel_loop3A_647 = arith.index_cast %parallel_loop3A_610 : i32 to index
      %parallel_loop3A_648 = arith.constant 0 : index
      %parallel_loop3A_649 = tpu.vector_load %arg10[%parallel_loop3A_646, %parallel_loop3A_647, %parallel_loop3A_648] {strides = array<i32>} : memref<3x128x16xf32, #tpu.memory_space<vmem>>, vector<16xf32>,
      %parallel_loop3A_650 = vector.broadcast %parallel_loop3A_610 : i32 to vector<16xi32>
      %parallel_loop3A_651 = arith.addi %mul3A_312, %parallel_loop3A_650 : vector<16xi32>
      %parallel_loop3A_652 = tpu.vector_load_idx %arg9[%parallel_loop3A_651] : memref<65536xf32, #tpu.memory_space<vmem>>[vector<16xi32>], vector<16xf32>,
      %parallel_loop3A_653 = tpu.bitcast %parallel_loop3A_652 : vector<16xf32> -> vector<16xi32>
      %parallel_loop3A_654 = arith.constant 32767 : i32
      %parallel_loop3A_655 = vector.broadcast %parallel_loop3A_654 : i32 to vector<16xi32>
      %parallel_loop3A_656 = arith.addi %parallel_loop3A_653, %parallel_loop3A_655 : vector<16xi32>
      %parallel_loop3A_657 = arith.constant 16 : i32
      %parallel_loop3A_658 = vector.broadcast %parallel_loop3A_657 : i32 to vector<16xi32>
      %parallel_loop3A_659 = arith.shrsi %parallel_loop3A_653, %parallel_loop3A_658 : vector<16xi32>
      %parallel_loop3A_660 = arith.constant 1 : i32
      %parallel_loop3A_661 = vector.broadcast %parallel_loop3A_660 : i32 to vector<16xi32>
      %parallel_loop3A_662 = arith.andi %parallel_loop3A_659, %parallel_loop3A_661 : vector<16xi32>
      %parallel_loop3A_663 = arith.addi %parallel_loop3A_656, %parallel_loop3A_662 : vector<16xi32>
      %parallel_loop3A_664 = arith.constant -65536 : i32
      %parallel_loop3A_665 = vector.broadcast %parallel_loop3A_664 : i32 to vector<16xi32>
      %parallel_loop3A_666 = arith.andi %parallel_loop3A_663, %parallel_loop3A_665 : vector<16xi32>
      %parallel_loop3A_667 = tpu.bitcast %parallel_loop3A_666 : vector<16xi32> -> vector<16xf32>
      %parallel_loop3A_668 = arith.mulf %parallel_loop3A_667, %parallel_loop3A_639 : vector<16xf32>
      %parallel_loop3A_669 = arith.addf %parallel_loop3A_611, %parallel_loop3A_668 : vector<16xf32>
      %parallel_loop3A_670 = arith.mulf %parallel_loop3A_667, %parallel_loop3A_644 : vector<16xf32>
      %parallel_loop3A_671 = arith.addf %parallel_loop3A_612, %parallel_loop3A_670 : vector<16xf32>
      %parallel_loop3A_672 = arith.mulf %parallel_loop3A_667, %parallel_loop3A_649 : vector<16xf32>
      %parallel_loop3A_673 = arith.addf %parallel_loop3A_613, %parallel_loop3A_672 : vector<16xf32>
      %parallel_loop3A_674 = vector.broadcast %parallel_loop3A_610 : i32 to vector<16xi32>
      %parallel_loop3A_675 = arith.addi %mul3A_318, %parallel_loop3A_674 : vector<16xi32>
      %parallel_loop3A_676 = tpu.vector_load_idx %arg9[%parallel_loop3A_675] : memref<65536xf32, #tpu.memory_space<vmem>>[vector<16xi32>], vector<16xf32>,
      %parallel_loop3A_677 = tpu.bitcast %parallel_loop3A_676 : vector<16xf32> -> vector<16xi32>
      %parallel_loop3A_678 = arith.constant 32767 : i32
      %parallel_loop3A_679 = vector.broadcast %parallel_loop3A_678 : i32 to vector<16xi32>
      %parallel_loop3A_680 = arith.addi %parallel_loop3A_677, %parallel_loop3A_679 : vector<16xi32>
      %parallel_loop3A_681 = arith.constant 16 : i32
      %parallel_loop3A_682 = vector.broadcast %parallel_loop3A_681 : i32 to vector<16xi32>
      %parallel_loop3A_683 = arith.shrsi %parallel_loop3A_677, %parallel_loop3A_682 : vector<16xi32>
      %parallel_loop3A_684 = arith.constant 1 : i32
      %parallel_loop3A_685 = vector.broadcast %parallel_loop3A_684 : i32 to vector<16xi32>
      %parallel_loop3A_686 = arith.andi %parallel_loop3A_683, %parallel_loop3A_685 : vector<16xi32>
      %parallel_loop3A_687 = arith.addi %parallel_loop3A_680, %parallel_loop3A_686 : vector<16xi32>
      %parallel_loop3A_688 = arith.constant -65536 : i32
      %parallel_loop3A_689 = vector.broadcast %parallel_loop3A_688 : i32 to vector<16xi32>
      %parallel_loop3A_690 = arith.andi %parallel_loop3A_687, %parallel_loop3A_689 : vector<16xi32>
      %parallel_loop3A_691 = tpu.bitcast %parallel_loop3A_690 : vector<16xi32> -> vector<16xf32>
      %parallel_loop3A_692 = arith.mulf %parallel_loop3A_691, %parallel_loop3A_639 : vector<16xf32>
      %parallel_loop3A_693 = arith.addf %parallel_loop3A_614, %parallel_loop3A_692 : vector<16xf32>
      %parallel_loop3A_694 = arith.mulf %parallel_loop3A_691, %parallel_loop3A_644 : vector<16xf32>
      %parallel_loop3A_695 = arith.addf %parallel_loop3A_615, %parallel_loop3A_694 : vector<16xf32>
      %parallel_loop3A_696 = arith.mulf %parallel_loop3A_691, %parallel_loop3A_649 : vector<16xf32>
      %parallel_loop3A_697 = arith.addf %parallel_loop3A_616, %parallel_loop3A_696 : vector<16xf32>
      %parallel_loop3A_698 = vector.broadcast %parallel_loop3A_610 : i32 to vector<16xi32>
      %parallel_loop3A_699 = arith.addi %mul3A_324, %parallel_loop3A_698 : vector<16xi32>
      %parallel_loop3A_700 = tpu.vector_load_idx %arg9[%parallel_loop3A_699] : memref<65536xf32, #tpu.memory_space<vmem>>[vector<16xi32>], vector<16xf32>,
      %parallel_loop3A_701 = tpu.bitcast %parallel_loop3A_700 : vector<16xf32> -> vector<16xi32>
      %parallel_loop3A_702 = arith.constant 32767 : i32
      %parallel_loop3A_703 = vector.broadcast %parallel_loop3A_702 : i32 to vector<16xi32>
      %parallel_loop3A_704 = arith.addi %parallel_loop3A_701, %parallel_loop3A_703 : vector<16xi32>
      %parallel_loop3A_705 = arith.constant 16 : i32
      %parallel_loop3A_706 = vector.broadcast %parallel_loop3A_705 : i32 to vector<16xi32>
      %parallel_loop3A_707 = arith.shrsi %parallel_loop3A_701, %parallel_loop3A_706 : vector<16xi32>
      %parallel_loop3A_708 = arith.constant 1 : i32
      %parallel_loop3A_709 = vector.broadcast %parallel_loop3A_708 : i32 to vector<16xi32>
      %parallel_loop3A_710 = arith.andi %parallel_loop3A_707, %parallel_loop3A_709 : vector<16xi32>
      %parallel_loop3A_711 = arith.addi %parallel_loop3A_704, %parallel_loop3A_710 : vector<16xi32>
      %parallel_loop3A_712 = arith.constant -65536 : i32
      %parallel_loop3A_713 = vector.broadcast %parallel_loop3A_712 : i32 to vector<16xi32>
      %parallel_loop3A_714 = arith.andi %parallel_loop3A_711, %parallel_loop3A_713 : vector<16xi32>
      %parallel_loop3A_715 = tpu.bitcast %parallel_loop3A_714 : vector<16xi32> -> vector<16xf32>
      %parallel_loop3A_716 = arith.mulf %parallel_loop3A_715, %parallel_loop3A_639 : vector<16xf32>
      %parallel_loop3A_717 = arith.addf %parallel_loop3A_617, %parallel_loop3A_716 : vector<16xf32>
      %parallel_loop3A_718 = arith.mulf %parallel_loop3A_715, %parallel_loop3A_644 : vector<16xf32>
      %parallel_loop3A_719 = arith.addf %parallel_loop3A_618, %parallel_loop3A_718 : vector<16xf32>
      %parallel_loop3A_720 = arith.mulf %parallel_loop3A_715, %parallel_loop3A_649 : vector<16xf32>
      %parallel_loop3A_721 = arith.addf %parallel_loop3A_619, %parallel_loop3A_720 : vector<16xf32>
      %parallel_loop3A_722 = vector.broadcast %parallel_loop3A_610 : i32 to vector<16xi32>
      %parallel_loop3A_723 = arith.addi %mul3A_330, %parallel_loop3A_722 : vector<16xi32>
      %parallel_loop3A_724 = tpu.vector_load_idx %arg9[%parallel_loop3A_723] : memref<65536xf32, #tpu.memory_space<vmem>>[vector<16xi32>], vector<16xf32>,
      %parallel_loop3A_725 = tpu.bitcast %parallel_loop3A_724 : vector<16xf32> -> vector<16xi32>
      %parallel_loop3A_726 = arith.constant 32767 : i32
      %parallel_loop3A_727 = vector.broadcast %parallel_loop3A_726 : i32 to vector<16xi32>
      %parallel_loop3A_728 = arith.addi %parallel_loop3A_725, %parallel_loop3A_727 : vector<16xi32>
      %parallel_loop3A_729 = arith.constant 16 : i32
      %parallel_loop3A_730 = vector.broadcast %parallel_loop3A_729 : i32 to vector<16xi32>
      %parallel_loop3A_731 = arith.shrsi %parallel_loop3A_725, %parallel_loop3A_730 : vector<16xi32>
      %parallel_loop3A_732 = arith.constant 1 : i32
      %parallel_loop3A_733 = vector.broadcast %parallel_loop3A_732 : i32 to vector<16xi32>
      %parallel_loop3A_734 = arith.andi %parallel_loop3A_731, %parallel_loop3A_733 : vector<16xi32>
      %parallel_loop3A_735 = arith.addi %parallel_loop3A_728, %parallel_loop3A_734 : vector<16xi32>
      %parallel_loop3A_736 = arith.constant -65536 : i32
      %parallel_loop3A_737 = vector.broadcast %parallel_loop3A_736 : i32 to vector<16xi32>
      %parallel_loop3A_738 = arith.andi %parallel_loop3A_735, %parallel_loop3A_737 : vector<16xi32>
      %parallel_loop3A_739 = tpu.bitcast %parallel_loop3A_738 : vector<16xi32> -> vector<16xf32>
      %parallel_loop3A_740 = arith.mulf %parallel_loop3A_739, %parallel_loop3A_639 : vector<16xf32>
      %parallel_loop3A_741 = arith.addf %parallel_loop3A_620, %parallel_loop3A_740 : vector<16xf32>
      %parallel_loop3A_742 = arith.mulf %parallel_loop3A_739, %parallel_loop3A_644 : vector<16xf32>
      %parallel_loop3A_743 = arith.addf %parallel_loop3A_621, %parallel_loop3A_742 : vector<16xf32>
      %parallel_loop3A_744 = arith.mulf %parallel_loop3A_739, %parallel_loop3A_649 : vector<16xf32>
      %parallel_loop3A_745 = arith.addf %parallel_loop3A_622, %parallel_loop3A_744 : vector<16xf32>
      %parallel_loop3A_746 = vector.broadcast %parallel_loop3A_610 : i32 to vector<16xi32>
      %parallel_loop3A_747 = arith.addi %mul3A_336, %parallel_loop3A_746 : vector<16xi32>
      %parallel_loop3A_748 = tpu.vector_load_idx %arg9[%parallel_loop3A_747] : memref<65536xf32, #tpu.memory_space<vmem>>[vector<16xi32>], vector<16xf32>,
      %parallel_loop3A_749 = tpu.bitcast %parallel_loop3A_748 : vector<16xf32> -> vector<16xi32>
      %parallel_loop3A_750 = arith.constant 32767 : i32
      %parallel_loop3A_751 = vector.broadcast %parallel_loop3A_750 : i32 to vector<16xi32>
      %parallel_loop3A_752 = arith.addi %parallel_loop3A_749, %parallel_loop3A_751 : vector<16xi32>
      %parallel_loop3A_753 = arith.constant 16 : i32
      %parallel_loop3A_754 = vector.broadcast %parallel_loop3A_753 : i32 to vector<16xi32>
      %parallel_loop3A_755 = arith.shrsi %parallel_loop3A_749, %parallel_loop3A_754 : vector<16xi32>
      %parallel_loop3A_756 = arith.constant 1 : i32
      %parallel_loop3A_757 = vector.broadcast %parallel_loop3A_756 : i32 to vector<16xi32>
      %parallel_loop3A_758 = arith.andi %parallel_loop3A_755, %parallel_loop3A_757 : vector<16xi32>
      %parallel_loop3A_759 = arith.addi %parallel_loop3A_752, %parallel_loop3A_758 : vector<16xi32>
      %parallel_loop3A_760 = arith.constant -65536 : i32
      %parallel_loop3A_761 = vector.broadcast %parallel_loop3A_760 : i32 to vector<16xi32>
      %parallel_loop3A_762 = arith.andi %parallel_loop3A_759, %parallel_loop3A_761 : vector<16xi32>
      %parallel_loop3A_763 = tpu.bitcast %parallel_loop3A_762 : vector<16xi32> -> vector<16xf32>
      %parallel_loop3A_764 = arith.mulf %parallel_loop3A_763, %parallel_loop3A_639 : vector<16xf32>
      %parallel_loop3A_765 = arith.addf %parallel_loop3A_623, %parallel_loop3A_764 : vector<16xf32>
      %parallel_loop3A_766 = arith.mulf %parallel_loop3A_763, %parallel_loop3A_644 : vector<16xf32>
      %parallel_loop3A_767 = arith.addf %parallel_loop3A_624, %parallel_loop3A_766 : vector<16xf32>
      %parallel_loop3A_768 = arith.mulf %parallel_loop3A_763, %parallel_loop3A_649 : vector<16xf32>
      %parallel_loop3A_769 = arith.addf %parallel_loop3A_625, %parallel_loop3A_768 : vector<16xf32>
      %parallel_loop3A_770 = vector.broadcast %parallel_loop3A_610 : i32 to vector<16xi32>
      %parallel_loop3A_771 = arith.addi %mul3A_342, %parallel_loop3A_770 : vector<16xi32>
      %parallel_loop3A_772 = tpu.vector_load_idx %arg9[%parallel_loop3A_771] : memref<65536xf32, #tpu.memory_space<vmem>>[vector<16xi32>], vector<16xf32>,
      %parallel_loop3A_773 = tpu.bitcast %parallel_loop3A_772 : vector<16xf32> -> vector<16xi32>
      %parallel_loop3A_774 = arith.constant 32767 : i32
      %parallel_loop3A_775 = vector.broadcast %parallel_loop3A_774 : i32 to vector<16xi32>
      %parallel_loop3A_776 = arith.addi %parallel_loop3A_773, %parallel_loop3A_775 : vector<16xi32>
      %parallel_loop3A_777 = arith.constant 16 : i32
      %parallel_loop3A_778 = vector.broadcast %parallel_loop3A_777 : i32 to vector<16xi32>
      %parallel_loop3A_779 = arith.shrsi %parallel_loop3A_773, %parallel_loop3A_778 : vector<16xi32>
      %parallel_loop3A_780 = arith.constant 1 : i32
      %parallel_loop3A_781 = vector.broadcast %parallel_loop3A_780 : i32 to vector<16xi32>
      %parallel_loop3A_782 = arith.andi %parallel_loop3A_779, %parallel_loop3A_781 : vector<16xi32>
      %parallel_loop3A_783 = arith.addi %parallel_loop3A_776, %parallel_loop3A_782 : vector<16xi32>
      %parallel_loop3A_784 = arith.constant -65536 : i32
      %parallel_loop3A_785 = vector.broadcast %parallel_loop3A_784 : i32 to vector<16xi32>
      %parallel_loop3A_786 = arith.andi %parallel_loop3A_783, %parallel_loop3A_785 : vector<16xi32>
      %parallel_loop3A_787 = tpu.bitcast %parallel_loop3A_786 : vector<16xi32> -> vector<16xf32>
      %parallel_loop3A_788 = arith.mulf %parallel_loop3A_787, %parallel_loop3A_639 : vector<16xf32>
      %parallel_loop3A_789 = arith.addf %parallel_loop3A_626, %parallel_loop3A_788 : vector<16xf32>
      %parallel_loop3A_790 = arith.mulf %parallel_loop3A_787, %parallel_loop3A_644 : vector<16xf32>
      %parallel_loop3A_791 = arith.addf %parallel_loop3A_627, %parallel_loop3A_790 : vector<16xf32>
      %parallel_loop3A_792 = arith.mulf %parallel_loop3A_787, %parallel_loop3A_649 : vector<16xf32>
      %parallel_loop3A_793 = arith.addf %parallel_loop3A_628, %parallel_loop3A_792 : vector<16xf32>
      %parallel_loop3A_794 = vector.broadcast %parallel_loop3A_610 : i32 to vector<16xi32>
      %parallel_loop3A_795 = arith.addi %mul3A_348, %parallel_loop3A_794 : vector<16xi32>
      %parallel_loop3A_796 = tpu.vector_load_idx %arg9[%parallel_loop3A_795] : memref<65536xf32, #tpu.memory_space<vmem>>[vector<16xi32>], vector<16xf32>,
      %parallel_loop3A_797 = tpu.bitcast %parallel_loop3A_796 : vector<16xf32> -> vector<16xi32>
      %parallel_loop3A_798 = arith.constant 32767 : i32
      %parallel_loop3A_799 = vector.broadcast %parallel_loop3A_798 : i32 to vector<16xi32>
      %parallel_loop3A_800 = arith.addi %parallel_loop3A_797, %parallel_loop3A_799 : vector<16xi32>
      %parallel_loop3A_801 = arith.constant 16 : i32
      %parallel_loop3A_802 = vector.broadcast %parallel_loop3A_801 : i32 to vector<16xi32>
      %parallel_loop3A_803 = arith.shrsi %parallel_loop3A_797, %parallel_loop3A_802 : vector<16xi32>
      %parallel_loop3A_804 = arith.constant 1 : i32
      %parallel_loop3A_805 = vector.broadcast %parallel_loop3A_804 : i32 to vector<16xi32>
      %parallel_loop3A_806 = arith.andi %parallel_loop3A_803, %parallel_loop3A_805 : vector<16xi32>
      %parallel_loop3A_807 = arith.addi %parallel_loop3A_800, %parallel_loop3A_806 : vector<16xi32>
      %parallel_loop3A_808 = arith.constant -65536 : i32
      %parallel_loop3A_809 = vector.broadcast %parallel_loop3A_808 : i32 to vector<16xi32>
      %parallel_loop3A_810 = arith.andi %parallel_loop3A_807, %parallel_loop3A_809 : vector<16xi32>
      %parallel_loop3A_811 = tpu.bitcast %parallel_loop3A_810 : vector<16xi32> -> vector<16xf32>
      %parallel_loop3A_812 = arith.mulf %parallel_loop3A_811, %parallel_loop3A_639 : vector<16xf32>
      %parallel_loop3A_813 = arith.addf %parallel_loop3A_629, %parallel_loop3A_812 : vector<16xf32>
      %parallel_loop3A_814 = arith.mulf %parallel_loop3A_811, %parallel_loop3A_644 : vector<16xf32>
      %parallel_loop3A_815 = arith.addf %parallel_loop3A_630, %parallel_loop3A_814 : vector<16xf32>
      %parallel_loop3A_816 = arith.mulf %parallel_loop3A_811, %parallel_loop3A_649 : vector<16xf32>
      %parallel_loop3A_817 = arith.addf %parallel_loop3A_631, %parallel_loop3A_816 : vector<16xf32>
      %parallel_loop3A_818 = vector.broadcast %parallel_loop3A_610 : i32 to vector<16xi32>
      %parallel_loop3A_819 = arith.addi %mul3A_354, %parallel_loop3A_818 : vector<16xi32>
      %parallel_loop3A_820 = tpu.vector_load_idx %arg9[%parallel_loop3A_819] : memref<65536xf32, #tpu.memory_space<vmem>>[vector<16xi32>], vector<16xf32>,
      %parallel_loop3A_821 = tpu.bitcast %parallel_loop3A_820 : vector<16xf32> -> vector<16xi32>
      %parallel_loop3A_822 = arith.constant 32767 : i32
      %parallel_loop3A_823 = vector.broadcast %parallel_loop3A_822 : i32 to vector<16xi32>
      %parallel_loop3A_824 = arith.addi %parallel_loop3A_821, %parallel_loop3A_823 : vector<16xi32>
      %parallel_loop3A_825 = arith.constant 16 : i32
      %parallel_loop3A_826 = vector.broadcast %parallel_loop3A_825 : i32 to vector<16xi32>
      %parallel_loop3A_827 = arith.shrsi %parallel_loop3A_821, %parallel_loop3A_826 : vector<16xi32>
      %parallel_loop3A_828 = arith.constant 1 : i32
      %parallel_loop3A_829 = vector.broadcast %parallel_loop3A_828 : i32 to vector<16xi32>
      %parallel_loop3A_830 = arith.andi %parallel_loop3A_827, %parallel_loop3A_829 : vector<16xi32>
      %parallel_loop3A_831 = arith.addi %parallel_loop3A_824, %parallel_loop3A_830 : vector<16xi32>
      %parallel_loop3A_832 = arith.constant -65536 : i32
      %parallel_loop3A_833 = vector.broadcast %parallel_loop3A_832 : i32 to vector<16xi32>
      %parallel_loop3A_834 = arith.andi %parallel_loop3A_831, %parallel_loop3A_833 : vector<16xi32>
      %parallel_loop3A_835 = tpu.bitcast %parallel_loop3A_834 : vector<16xi32> -> vector<16xf32>
      %parallel_loop3A_836 = arith.mulf %parallel_loop3A_835, %parallel_loop3A_639 : vector<16xf32>
      %parallel_loop3A_837 = arith.addf %parallel_loop3A_632, %parallel_loop3A_836 : vector<16xf32>
      %parallel_loop3A_838 = arith.mulf %parallel_loop3A_835, %parallel_loop3A_644 : vector<16xf32>
      %parallel_loop3A_839 = arith.addf %parallel_loop3A_633, %parallel_loop3A_838 : vector<16xf32>
      %parallel_loop3A_840 = arith.mulf %parallel_loop3A_835, %parallel_loop3A_649 : vector<16xf32>
      %parallel_loop3A_841 = arith.addf %parallel_loop3A_634, %parallel_loop3A_840 : vector<16xf32>
      scf.yield %parallel_loop3A_669, %parallel_loop3A_671, %parallel_loop3A_673, %parallel_loop3A_693, %parallel_loop3A_695, %parallel_loop3A_697, %parallel_loop3A_717, %parallel_loop3A_719, %parallel_loop3A_721, %parallel_loop3A_741, %parallel_loop3A_743, %parallel_loop3A_745, %parallel_loop3A_765, %parallel_loop3A_767, %parallel_loop3A_769, %parallel_loop3A_789, %parallel_loop3A_791, %parallel_loop3A_793, %parallel_loop3A_813, %parallel_loop3A_815, %parallel_loop3A_817, %parallel_loop3A_837, %parallel_loop3A_839, %parallel_loop3A_841 : vector<16xf32>, vector<16xf32>, vector<16xf32>, vector<16xf32>, vector<16xf32>, vector<16xf32>, vector<16xf32>, vector<16xf32>, vector<16xf32>, vector<16xf32>, vector<16xf32>, vector<16xf32>, vector<16xf32>, vector<16xf32>, vector<16xf32>, vector<16xf32>, vector<16xf32>, vector<16xf32>, vector<16xf32>, vector<16xf32>, vector<16xf32>, vector<16xf32>, vector<16xf32>, vector<16xf32>
    } {sc.loop_unroll_factor = 2 : i64, sc.parallel_access}
    %add3A_361 = vector.broadcast %squeeze3A : f32 to vector<16xf32>
    %add3A_362 = arith.addf %parallel_loop3A_360#0, %add3A_361 : vector<16xf32>
    %swap3A_363 = arith.constant 256 : index
    %swap3A_364 = tpu.vector_load %arg12[%swap3A_363] {strides = array<i32>} : memref<512xf32, #tpu.memory_space<vmem>>, vector<16xf32>,
    tpu.vector_store %arg12[%swap3A_363], %add3A_362 {strides = array<i32>} : memref<512xf32, #tpu.memory_space<vmem>>, vector<16xf32>,
    %add3A_365 = vector.broadcast %squeeze3A_7 : f32 to vector<16xf32>
    %add3A_366 = arith.addf %parallel_loop3A_360#1, %add3A_365 : vector<16xf32>
    %swap3A_367 = arith.constant 256 : index
    %swap3A_368 = tpu.vector_load %arg13[%swap3A_367] {strides = array<i32>} : memref<512xf32, #tpu.memory_space<vmem>>, vector<16xf32>,
    tpu.vector_store %arg13[%swap3A_367], %add3A_366 {strides = array<i32>} : memref<512xf32, #tpu.memory_space<vmem>>, vector<16xf32>,
    %add3A_369 = vector.broadcast %squeeze3A_9 : f32 to vector<16xf32>
    %add3A_370 = arith.addf %parallel_loop3A_360#2, %add3A_369 : vector<16xf32>
    %swap3A_371 = arith.constant 256 : index
    %swap3A_372 = tpu.vector_load %arg14[%swap3A_371] {strides = array<i32>} : memref<512xf32, #tpu.memory_space<vmem>>, vector<16xf32>,
    tpu.vector_store %arg14[%swap3A_371], %add3A_370 {strides = array<i32>} : memref<512xf32, #tpu.memory_space<vmem>>, vector<16xf32>,
    %add3A_373 = vector.broadcast %squeeze3A : f32 to vector<16xf32>
    %add3A_374 = arith.addf %parallel_loop3A_360#3, %add3A_373 : vector<16xf32>
    %swap3A_375 = arith.constant 272 : index
    %swap3A_376 = tpu.vector_load %arg12[%swap3A_375] {strides = array<i32>} : memref<512xf32, #tpu.memory_space<vmem>>, vector<16xf32>,
    tpu.vector_store %arg12[%swap3A_375], %add3A_374 {strides = array<i32>} : memref<512xf32, #tpu.memory_space<vmem>>, vector<16xf32>,
    %add3A_377 = vector.broadcast %squeeze3A_7 : f32 to vector<16xf32>
    %add3A_378 = arith.addf %parallel_loop3A_360#4, %add3A_377 : vector<16xf32>
    %swap3A_379 = arith.constant 272 : index
    %swap3A_380 = tpu.vector_load %arg13[%swap3A_379] {strides = array<i32>} : memref<512xf32, #tpu.memory_space<vmem>>, vector<16xf32>,
    tpu.vector_store %arg13[%swap3A_379], %add3A_378 {strides = array<i32>} : memref<512xf32, #tpu.memory_space<vmem>>, vector<16xf32>,
    %add3A_381 = vector.broadcast %squeeze3A_9 : f32 to vector<16xf32>
    %add3A_382 = arith.addf %parallel_loop3A_360#5, %add3A_381 : vector<16xf32>
    %swap3A_383 = arith.constant 272 : index
    %swap3A_384 = tpu.vector_load %arg14[%swap3A_383] {strides = array<i32>} : memref<512xf32, #tpu.memory_space<vmem>>, vector<16xf32>,
    tpu.vector_store %arg14[%swap3A_383], %add3A_382 {strides = array<i32>} : memref<512xf32, #tpu.memory_space<vmem>>, vector<16xf32>,
    %add3A_385 = vector.broadcast %squeeze3A : f32 to vector<16xf32>
    %add3A_386 = arith.addf %parallel_loop3A_360#6, %add3A_385 : vector<16xf32>
    %swap3A_387 = arith.constant 288 : index
    %swap3A_388 = tpu.vector_load %arg12[%swap3A_387] {strides = array<i32>} : memref<512xf32, #tpu.memory_space<vmem>>, vector<16xf32>,
    tpu.vector_store %arg12[%swap3A_387], %add3A_386 {strides = array<i32>} : memref<512xf32, #tpu.memory_space<vmem>>, vector<16xf32>,
    %add3A_389 = vector.broadcast %squeeze3A_7 : f32 to vector<16xf32>
    %add3A_390 = arith.addf %parallel_loop3A_360#7, %add3A_389 : vector<16xf32>
    %swap3A_391 = arith.constant 288 : index
    %swap3A_392 = tpu.vector_load %arg13[%swap3A_391] {strides = array<i32>} : memref<512xf32, #tpu.memory_space<vmem>>, vector<16xf32>,
    tpu.vector_store %arg13[%swap3A_391], %add3A_390 {strides = array<i32>} : memref<512xf32, #tpu.memory_space<vmem>>, vector<16xf32>,
    %add3A_393 = vector.broadcast %squeeze3A_9 : f32 to vector<16xf32>
    %add3A_394 = arith.addf %parallel_loop3A_360#8, %add3A_393 : vector<16xf32>
    %swap3A_395 = arith.constant 288 : index
    %swap3A_396 = tpu.vector_load %arg14[%swap3A_395] {strides = array<i32>} : memref<512xf32, #tpu.memory_space<vmem>>, vector<16xf32>,
    tpu.vector_store %arg14[%swap3A_395], %add3A_394 {strides = array<i32>} : memref<512xf32, #tpu.memory_space<vmem>>, vector<16xf32>,
    %add3A_397 = vector.broadcast %squeeze3A : f32 to vector<16xf32>
    %add3A_398 = arith.addf %parallel_loop3A_360#9, %add3A_397 : vector<16xf32>
    %swap3A_399 = arith.constant 304 : index
    %swap3A_400 = tpu.vector_load %arg12[%swap3A_399] {strides = array<i32>} : memref<512xf32, #tpu.memory_space<vmem>>, vector<16xf32>,
    tpu.vector_store %arg12[%swap3A_399], %add3A_398 {strides = array<i32>} : memref<512xf32, #tpu.memory_space<vmem>>, vector<16xf32>,
    %add3A_401 = vector.broadcast %squeeze3A_7 : f32 to vector<16xf32>
    %add3A_402 = arith.addf %parallel_loop3A_360#10, %add3A_401 : vector<16xf32>
    %swap3A_403 = arith.constant 304 : index
    %swap3A_404 = tpu.vector_load %arg13[%swap3A_403] {strides = array<i32>} : memref<512xf32, #tpu.memory_space<vmem>>, vector<16xf32>,
    tpu.vector_store %arg13[%swap3A_403], %add3A_402 {strides = array<i32>} : memref<512xf32, #tpu.memory_space<vmem>>, vector<16xf32>,
    %add3A_405 = vector.broadcast %squeeze3A_9 : f32 to vector<16xf32>
    %add3A_406 = arith.addf %parallel_loop3A_360#11, %add3A_405 : vector<16xf32>
    %swap3A_407 = arith.constant 304 : index
    %swap3A_408 = tpu.vector_load %arg14[%swap3A_407] {strides = array<i32>} : memref<512xf32, #tpu.memory_space<vmem>>, vector<16xf32>,
    tpu.vector_store %arg14[%swap3A_407], %add3A_406 {strides = array<i32>} : memref<512xf32, #tpu.memory_space<vmem>>, vector<16xf32>,
    %add3A_409 = vector.broadcast %squeeze3A : f32 to vector<16xf32>
    %add3A_410 = arith.addf %parallel_loop3A_360#12, %add3A_409 : vector<16xf32>
    %swap3A_411 = arith.constant 320 : index
    %swap3A_412 = tpu.vector_load %arg12[%swap3A_411] {strides = array<i32>} : memref<512xf32, #tpu.memory_space<vmem>>, vector<16xf32>,
    tpu.vector_store %arg12[%swap3A_411], %add3A_410 {strides = array<i32>} : memref<512xf32, #tpu.memory_space<vmem>>, vector<16xf32>,
    %add3A_413 = vector.broadcast %squeeze3A_7 : f32 to vector<16xf32>
    %add3A_414 = arith.addf %parallel_loop3A_360#13, %add3A_413 : vector<16xf32>
    %swap3A_415 = arith.constant 320 : index
    %swap3A_416 = tpu.vector_load %arg13[%swap3A_415] {strides = array<i32>} : memref<512xf32, #tpu.memory_space<vmem>>, vector<16xf32>,
    tpu.vector_store %arg13[%swap3A_415], %add3A_414 {strides = array<i32>} : memref<512xf32, #tpu.memory_space<vmem>>, vector<16xf32>,
    %add3A_417 = vector.broadcast %squeeze3A_9 : f32 to vector<16xf32>
    %add3A_418 = arith.addf %parallel_loop3A_360#14, %add3A_417 : vector<16xf32>
    %swap3A_419 = arith.constant 320 : index
    %swap3A_420 = tpu.vector_load %arg14[%swap3A_419] {strides = array<i32>} : memref<512xf32, #tpu.memory_space<vmem>>, vector<16xf32>,
    tpu.vector_store %arg14[%swap3A_419], %add3A_418 {strides = array<i32>} : memref<512xf32, #tpu.memory_space<vmem>>, vector<16xf32>,
    %add3A_421 = vector.broadcast %squeeze3A : f32 to vector<16xf32>
    %add3A_422 = arith.addf %parallel_loop3A_360#15, %add3A_421 : vector<16xf32>
    %swap3A_423 = arith.constant 336 : index
    %swap3A_424 = tpu.vector_load %arg12[%swap3A_423] {strides = array<i32>} : memref<512xf32, #tpu.memory_space<vmem>>, vector<16xf32>,
    tpu.vector_store %arg12[%swap3A_423], %add3A_422 {strides = array<i32>} : memref<512xf32, #tpu.memory_space<vmem>>, vector<16xf32>,
    %add3A_425 = vector.broadcast %squeeze3A_7 : f32 to vector<16xf32>
    %add3A_426 = arith.addf %parallel_loop3A_360#16, %add3A_425 : vector<16xf32>
    %swap3A_427 = arith.constant 336 : index
    %swap3A_428 = tpu.vector_load %arg13[%swap3A_427] {strides = array<i32>} : memref<512xf32, #tpu.memory_space<vmem>>, vector<16xf32>,
    tpu.vector_store %arg13[%swap3A_427], %add3A_426 {strides = array<i32>} : memref<512xf32, #tpu.memory_space<vmem>>, vector<16xf32>,
    %add3A_429 = vector.broadcast %squeeze3A_9 : f32 to vector<16xf32>
    %add3A_430 = arith.addf %parallel_loop3A_360#17, %add3A_429 : vector<16xf32>
    %swap3A_431 = arith.constant 336 : index
    %swap3A_432 = tpu.vector_load %arg14[%swap3A_431] {strides = array<i32>} : memref<512xf32, #tpu.memory_space<vmem>>, vector<16xf32>,
    tpu.vector_store %arg14[%swap3A_431], %add3A_430 {strides = array<i32>} : memref<512xf32, #tpu.memory_space<vmem>>, vector<16xf32>,
    %add3A_433 = vector.broadcast %squeeze3A : f32 to vector<16xf32>
    %add3A_434 = arith.addf %parallel_loop3A_360#18, %add3A_433 : vector<16xf32>
    %swap3A_435 = arith.constant 352 : index
    %swap3A_436 = tpu.vector_load %arg12[%swap3A_435] {strides = array<i32>} : memref<512xf32, #tpu.memory_space<vmem>>, vector<16xf32>,
    tpu.vector_store %arg12[%swap3A_435], %add3A_434 {strides = array<i32>} : memref<512xf32, #tpu.memory_space<vmem>>, vector<16xf32>,
    %add3A_437 = vector.broadcast %squeeze3A_7 : f32 to vector<16xf32>
    %add3A_438 = arith.addf %parallel_loop3A_360#19, %add3A_437 : vector<16xf32>
    %swap3A_439 = arith.constant 352 : index
    %swap3A_440 = tpu.vector_load %arg13[%swap3A_439] {strides = array<i32>} : memref<512xf32, #tpu.memory_space<vmem>>, vector<16xf32>,
    tpu.vector_store %arg13[%swap3A_439], %add3A_438 {strides = array<i32>} : memref<512xf32, #tpu.memory_space<vmem>>, vector<16xf32>,
    %add3A_441 = vector.broadcast %squeeze3A_9 : f32 to vector<16xf32>
    %add3A_442 = arith.addf %parallel_loop3A_360#20, %add3A_441 : vector<16xf32>
    %swap3A_443 = arith.constant 352 : index
    %swap3A_444 = tpu.vector_load %arg14[%swap3A_443] {strides = array<i32>} : memref<512xf32, #tpu.memory_space<vmem>>, vector<16xf32>,
    tpu.vector_store %arg14[%swap3A_443], %add3A_442 {strides = array<i32>} : memref<512xf32, #tpu.memory_space<vmem>>, vector<16xf32>,
    %add3A_445 = vector.broadcast %squeeze3A : f32 to vector<16xf32>
    %add3A_446 = arith.addf %parallel_loop3A_360#21, %add3A_445 : vector<16xf32>
    %swap3A_447 = arith.constant 368 : index
    %swap3A_448 = tpu.vector_load %arg12[%swap3A_447] {strides = array<i32>} : memref<512xf32, #tpu.memory_space<vmem>>, vector<16xf32>,
    tpu.vector_store %arg12[%swap3A_447], %add3A_446 {strides = array<i32>} : memref<512xf32, #tpu.memory_space<vmem>>, vector<16xf32>,
    %add3A_449 = vector.broadcast %squeeze3A_7 : f32 to vector<16xf32>
    %add3A_450 = arith.addf %parallel_loop3A_360#22, %add3A_449 : vector<16xf32>
    %swap3A_451 = arith.constant 368 : index
    %swap3A_452 = tpu.vector_load %arg13[%swap3A_451] {strides = array<i32>} : memref<512xf32, #tpu.memory_space<vmem>>, vector<16xf32>,
    tpu.vector_store %arg13[%swap3A_451], %add3A_450 {strides = array<i32>} : memref<512xf32, #tpu.memory_space<vmem>>, vector<16xf32>,
    %add3A_453 = vector.broadcast %squeeze3A_9 : f32 to vector<16xf32>
    %add3A_454 = arith.addf %parallel_loop3A_360#23, %add3A_453 : vector<16xf32>
    %swap3A_455 = arith.constant 368 : index
    %swap3A_456 = tpu.vector_load %arg14[%swap3A_455] {strides = array<i32>} : memref<512xf32, #tpu.memory_space<vmem>>, vector<16xf32>,
    tpu.vector_store %arg14[%swap3A_455], %add3A_454 {strides = array<i32>} : memref<512xf32, #tpu.memory_space<vmem>>, vector<16xf32>,
    %add3A_457 = arith.constant 384 : i32
    %add3A_458 = vector.broadcast %add3A_457 : i32 to vector<16xi32>
    %add3A_459 = arith.addi %add3A_458, %iota3A : vector<16xi32>
    %mul3A_460 = arith.constant 128 : i32
    %mul3A_461 = vector.broadcast %mul3A_460 : i32 to vector<16xi32>
    %mul3A_462 = arith.muli %add3A_459, %mul3A_461 : vector<16xi32>
    %add3A_463 = arith.constant 400 : i32
    %add3A_464 = vector.broadcast %add3A_463 : i32 to vector<16xi32>
    %add3A_465 = arith.addi %add3A_464, %iota3A : vector<16xi32>
    %mul3A_466 = arith.constant 128 : i32
    %mul3A_467 = vector.broadcast %mul3A_466 : i32 to vector<16xi32>
    %mul3A_468 = arith.muli %add3A_465, %mul3A_467 : vector<16xi32>
    %add3A_469 = arith.constant 416 : i32
    %add3A_470 = vector.broadcast %add3A_469 : i32 to vector<16xi32>
    %add3A_471 = arith.addi %add3A_470, %iota3A : vector<16xi32>
    %mul3A_472 = arith.constant 128 : i32
    %mul3A_473 = vector.broadcast %mul3A_472 : i32 to vector<16xi32>
    %mul3A_474 = arith.muli %add3A_471, %mul3A_473 : vector<16xi32>
    %add3A_475 = arith.constant 432 : i32
    %add3A_476 = vector.broadcast %add3A_475 : i32 to vector<16xi32>
    %add3A_477 = arith.addi %add3A_476, %iota3A : vector<16xi32>
    %mul3A_478 = arith.constant 128 : i32
    %mul3A_479 = vector.broadcast %mul3A_478 : i32 to vector<16xi32>
    %mul3A_480 = arith.muli %add3A_477, %mul3A_479 : vector<16xi32>
    %add3A_481 = arith.constant 448 : i32
    %add3A_482 = vector.broadcast %add3A_481 : i32 to vector<16xi32>
    %add3A_483 = arith.addi %add3A_482, %iota3A : vector<16xi32>
    %mul3A_484 = arith.constant 128 : i32
    %mul3A_485 = vector.broadcast %mul3A_484 : i32 to vector<16xi32>
    %mul3A_486 = arith.muli %add3A_483, %mul3A_485 : vector<16xi32>
    %add3A_487 = arith.constant 464 : i32
    %add3A_488 = vector.broadcast %add3A_487 : i32 to vector<16xi32>
    %add3A_489 = arith.addi %add3A_488, %iota3A : vector<16xi32>
    %mul3A_490 = arith.constant 128 : i32
    %mul3A_491 = vector.broadcast %mul3A_490 : i32 to vector<16xi32>
    %mul3A_492 = arith.muli %add3A_489, %mul3A_491 : vector<16xi32>
    %add3A_493 = arith.constant 480 : i32
    %add3A_494 = vector.broadcast %add3A_493 : i32 to vector<16xi32>
    %add3A_495 = arith.addi %add3A_494, %iota3A : vector<16xi32>
    %mul3A_496 = arith.constant 128 : i32
    %mul3A_497 = vector.broadcast %mul3A_496 : i32 to vector<16xi32>
    %mul3A_498 = arith.muli %add3A_495, %mul3A_497 : vector<16xi32>
    %add3A_499 = arith.constant 496 : i32
    %add3A_500 = vector.broadcast %add3A_499 : i32 to vector<16xi32>
    %add3A_501 = arith.addi %add3A_500, %iota3A : vector<16xi32>
    %mul3A_502 = arith.constant 128 : i32
    %mul3A_503 = vector.broadcast %mul3A_502 : i32 to vector<16xi32>
    %mul3A_504 = arith.muli %add3A_501, %mul3A_503 : vector<16xi32>
    %broadcast_in_dim3A_505 = arith.constant 0.000000e+00 : f32
    %broadcast_in_dim3A_506 = vector.broadcast %broadcast_in_dim3A_505 : f32 to vector<16xf32>
    %parallel_loop3A_507 = arith.constant 0 : i32
    %parallel_loop3A_508 = arith.constant 128 : i32
    %parallel_loop3A_509 = arith.constant 1 : i32
    %parallel_loop3A_510:24 = scf.for %parallel_loop3A_610 = %parallel_loop3A_507 to %parallel_loop3A_508 step %parallel_loop3A_509 iter_args(%parallel_loop3A_611 = %broadcast_in_dim3A_506, %parallel_loop3A_612 = %broadcast_in_dim3A_506, %parallel_loop3A_613 = %broadcast_in_dim3A_506, %parallel_loop3A_614 = %broadcast_in_dim3A_506, %parallel_loop3A_615 = %broadcast_in_dim3A_506, %parallel_loop3A_616 = %broadcast_in_dim3A_506, %parallel_loop3A_617 = %broadcast_in_dim3A_506, %parallel_loop3A_618 = %broadcast_in_dim3A_506, %parallel_loop3A_619 = %broadcast_in_dim3A_506, %parallel_loop3A_620 = %broadcast_in_dim3A_506, %parallel_loop3A_621 = %broadcast_in_dim3A_506, %parallel_loop3A_622 = %broadcast_in_dim3A_506, %parallel_loop3A_623 = %broadcast_in_dim3A_506, %parallel_loop3A_624 = %broadcast_in_dim3A_506, %parallel_loop3A_625 = %broadcast_in_dim3A_506, %parallel_loop3A_626 = %broadcast_in_dim3A_506, %parallel_loop3A_627 = %broadcast_in_dim3A_506, %parallel_loop3A_628 = %broadcast_in_dim3A_506, %parallel_loop3A_629 = %broadcast_in_dim3A_506, %parallel_loop3A_630 = %broadcast_in_dim3A_506, %parallel_loop3A_631 = %broadcast_in_dim3A_506, %parallel_loop3A_632 = %broadcast_in_dim3A_506, %parallel_loop3A_633 = %broadcast_in_dim3A_506, %parallel_loop3A_634 = %broadcast_in_dim3A_506) -> (vector<16xf32>, vector<16xf32>, vector<16xf32>, vector<16xf32>, vector<16xf32>, vector<16xf32>, vector<16xf32>, vector<16xf32>, vector<16xf32>, vector<16xf32>, vector<16xf32>, vector<16xf32>, vector<16xf32>, vector<16xf32>, vector<16xf32>, vector<16xf32>, vector<16xf32>, vector<16xf32>, vector<16xf32>, vector<16xf32>, vector<16xf32>, vector<16xf32>, vector<16xf32>, vector<16xf32>)  : i32 {
      %parallel_loop3A_635 = arith.constant 0 : i32
      %parallel_loop3A_636 = arith.index_cast %parallel_loop3A_635 : i32 to index
      %parallel_loop3A_637 = arith.index_cast %parallel_loop3A_610 : i32 to index
      %parallel_loop3A_638 = arith.constant 0 : index
      %parallel_loop3A_639 = tpu.vector_load %arg10[%parallel_loop3A_636, %parallel_loop3A_637, %parallel_loop3A_638] {strides = array<i32>} : memref<3x128x16xf32, #tpu.memory_space<vmem>>, vector<16xf32>,
      %parallel_loop3A_640 = arith.constant 1 : i32
      %parallel_loop3A_641 = arith.index_cast %parallel_loop3A_640 : i32 to index
      %parallel_loop3A_642 = arith.index_cast %parallel_loop3A_610 : i32 to index
      %parallel_loop3A_643 = arith.constant 0 : index
      %parallel_loop3A_644 = tpu.vector_load %arg10[%parallel_loop3A_641, %parallel_loop3A_642, %parallel_loop3A_643] {strides = array<i32>} : memref<3x128x16xf32, #tpu.memory_space<vmem>>, vector<16xf32>,
      %parallel_loop3A_645 = arith.constant 2 : i32
      %parallel_loop3A_646 = arith.index_cast %parallel_loop3A_645 : i32 to index
      %parallel_loop3A_647 = arith.index_cast %parallel_loop3A_610 : i32 to index
      %parallel_loop3A_648 = arith.constant 0 : index
      %parallel_loop3A_649 = tpu.vector_load %arg10[%parallel_loop3A_646, %parallel_loop3A_647, %parallel_loop3A_648] {strides = array<i32>} : memref<3x128x16xf32, #tpu.memory_space<vmem>>, vector<16xf32>,
      %parallel_loop3A_650 = vector.broadcast %parallel_loop3A_610 : i32 to vector<16xi32>
      %parallel_loop3A_651 = arith.addi %mul3A_462, %parallel_loop3A_650 : vector<16xi32>
      %parallel_loop3A_652 = tpu.vector_load_idx %arg9[%parallel_loop3A_651] : memref<65536xf32, #tpu.memory_space<vmem>>[vector<16xi32>], vector<16xf32>,
      %parallel_loop3A_653 = tpu.bitcast %parallel_loop3A_652 : vector<16xf32> -> vector<16xi32>
      %parallel_loop3A_654 = arith.constant 32767 : i32
      %parallel_loop3A_655 = vector.broadcast %parallel_loop3A_654 : i32 to vector<16xi32>
      %parallel_loop3A_656 = arith.addi %parallel_loop3A_653, %parallel_loop3A_655 : vector<16xi32>
      %parallel_loop3A_657 = arith.constant 16 : i32
      %parallel_loop3A_658 = vector.broadcast %parallel_loop3A_657 : i32 to vector<16xi32>
      %parallel_loop3A_659 = arith.shrsi %parallel_loop3A_653, %parallel_loop3A_658 : vector<16xi32>
      %parallel_loop3A_660 = arith.constant 1 : i32
      %parallel_loop3A_661 = vector.broadcast %parallel_loop3A_660 : i32 to vector<16xi32>
      %parallel_loop3A_662 = arith.andi %parallel_loop3A_659, %parallel_loop3A_661 : vector<16xi32>
      %parallel_loop3A_663 = arith.addi %parallel_loop3A_656, %parallel_loop3A_662 : vector<16xi32>
      %parallel_loop3A_664 = arith.constant -65536 : i32
      %parallel_loop3A_665 = vector.broadcast %parallel_loop3A_664 : i32 to vector<16xi32>
      %parallel_loop3A_666 = arith.andi %parallel_loop3A_663, %parallel_loop3A_665 : vector<16xi32>
      %parallel_loop3A_667 = tpu.bitcast %parallel_loop3A_666 : vector<16xi32> -> vector<16xf32>
      %parallel_loop3A_668 = arith.mulf %parallel_loop3A_667, %parallel_loop3A_639 : vector<16xf32>
      %parallel_loop3A_669 = arith.addf %parallel_loop3A_611, %parallel_loop3A_668 : vector<16xf32>
      %parallel_loop3A_670 = arith.mulf %parallel_loop3A_667, %parallel_loop3A_644 : vector<16xf32>
      %parallel_loop3A_671 = arith.addf %parallel_loop3A_612, %parallel_loop3A_670 : vector<16xf32>
      %parallel_loop3A_672 = arith.mulf %parallel_loop3A_667, %parallel_loop3A_649 : vector<16xf32>
      %parallel_loop3A_673 = arith.addf %parallel_loop3A_613, %parallel_loop3A_672 : vector<16xf32>
      %parallel_loop3A_674 = vector.broadcast %parallel_loop3A_610 : i32 to vector<16xi32>
      %parallel_loop3A_675 = arith.addi %mul3A_468, %parallel_loop3A_674 : vector<16xi32>
      %parallel_loop3A_676 = tpu.vector_load_idx %arg9[%parallel_loop3A_675] : memref<65536xf32, #tpu.memory_space<vmem>>[vector<16xi32>], vector<16xf32>,
      %parallel_loop3A_677 = tpu.bitcast %parallel_loop3A_676 : vector<16xf32> -> vector<16xi32>
      %parallel_loop3A_678 = arith.constant 32767 : i32
      %parallel_loop3A_679 = vector.broadcast %parallel_loop3A_678 : i32 to vector<16xi32>
      %parallel_loop3A_680 = arith.addi %parallel_loop3A_677, %parallel_loop3A_679 : vector<16xi32>
      %parallel_loop3A_681 = arith.constant 16 : i32
      %parallel_loop3A_682 = vector.broadcast %parallel_loop3A_681 : i32 to vector<16xi32>
      %parallel_loop3A_683 = arith.shrsi %parallel_loop3A_677, %parallel_loop3A_682 : vector<16xi32>
      %parallel_loop3A_684 = arith.constant 1 : i32
      %parallel_loop3A_685 = vector.broadcast %parallel_loop3A_684 : i32 to vector<16xi32>
      %parallel_loop3A_686 = arith.andi %parallel_loop3A_683, %parallel_loop3A_685 : vector<16xi32>
      %parallel_loop3A_687 = arith.addi %parallel_loop3A_680, %parallel_loop3A_686 : vector<16xi32>
      %parallel_loop3A_688 = arith.constant -65536 : i32
      %parallel_loop3A_689 = vector.broadcast %parallel_loop3A_688 : i32 to vector<16xi32>
      %parallel_loop3A_690 = arith.andi %parallel_loop3A_687, %parallel_loop3A_689 : vector<16xi32>
      %parallel_loop3A_691 = tpu.bitcast %parallel_loop3A_690 : vector<16xi32> -> vector<16xf32>
      %parallel_loop3A_692 = arith.mulf %parallel_loop3A_691, %parallel_loop3A_639 : vector<16xf32>
      %parallel_loop3A_693 = arith.addf %parallel_loop3A_614, %parallel_loop3A_692 : vector<16xf32>
      %parallel_loop3A_694 = arith.mulf %parallel_loop3A_691, %parallel_loop3A_644 : vector<16xf32>
      %parallel_loop3A_695 = arith.addf %parallel_loop3A_615, %parallel_loop3A_694 : vector<16xf32>
      %parallel_loop3A_696 = arith.mulf %parallel_loop3A_691, %parallel_loop3A_649 : vector<16xf32>
      %parallel_loop3A_697 = arith.addf %parallel_loop3A_616, %parallel_loop3A_696 : vector<16xf32>
      %parallel_loop3A_698 = vector.broadcast %parallel_loop3A_610 : i32 to vector<16xi32>
      %parallel_loop3A_699 = arith.addi %mul3A_474, %parallel_loop3A_698 : vector<16xi32>
      %parallel_loop3A_700 = tpu.vector_load_idx %arg9[%parallel_loop3A_699] : memref<65536xf32, #tpu.memory_space<vmem>>[vector<16xi32>], vector<16xf32>,
      %parallel_loop3A_701 = tpu.bitcast %parallel_loop3A_700 : vector<16xf32> -> vector<16xi32>
      %parallel_loop3A_702 = arith.constant 32767 : i32
      %parallel_loop3A_703 = vector.broadcast %parallel_loop3A_702 : i32 to vector<16xi32>
      %parallel_loop3A_704 = arith.addi %parallel_loop3A_701, %parallel_loop3A_703 : vector<16xi32>
      %parallel_loop3A_705 = arith.constant 16 : i32
      %parallel_loop3A_706 = vector.broadcast %parallel_loop3A_705 : i32 to vector<16xi32>
      %parallel_loop3A_707 = arith.shrsi %parallel_loop3A_701, %parallel_loop3A_706 : vector<16xi32>
      %parallel_loop3A_708 = arith.constant 1 : i32
      %parallel_loop3A_709 = vector.broadcast %parallel_loop3A_708 : i32 to vector<16xi32>
      %parallel_loop3A_710 = arith.andi %parallel_loop3A_707, %parallel_loop3A_709 : vector<16xi32>
      %parallel_loop3A_711 = arith.addi %parallel_loop3A_704, %parallel_loop3A_710 : vector<16xi32>
      %parallel_loop3A_712 = arith.constant -65536 : i32
      %parallel_loop3A_713 = vector.broadcast %parallel_loop3A_712 : i32 to vector<16xi32>
      %parallel_loop3A_714 = arith.andi %parallel_loop3A_711, %parallel_loop3A_713 : vector<16xi32>
      %parallel_loop3A_715 = tpu.bitcast %parallel_loop3A_714 : vector<16xi32> -> vector<16xf32>
      %parallel_loop3A_716 = arith.mulf %parallel_loop3A_715, %parallel_loop3A_639 : vector<16xf32>
      %parallel_loop3A_717 = arith.addf %parallel_loop3A_617, %parallel_loop3A_716 : vector<16xf32>
      %parallel_loop3A_718 = arith.mulf %parallel_loop3A_715, %parallel_loop3A_644 : vector<16xf32>
      %parallel_loop3A_719 = arith.addf %parallel_loop3A_618, %parallel_loop3A_718 : vector<16xf32>
      %parallel_loop3A_720 = arith.mulf %parallel_loop3A_715, %parallel_loop3A_649 : vector<16xf32>
      %parallel_loop3A_721 = arith.addf %parallel_loop3A_619, %parallel_loop3A_720 : vector<16xf32>
      %parallel_loop3A_722 = vector.broadcast %parallel_loop3A_610 : i32 to vector<16xi32>
      %parallel_loop3A_723 = arith.addi %mul3A_480, %parallel_loop3A_722 : vector<16xi32>
      %parallel_loop3A_724 = tpu.vector_load_idx %arg9[%parallel_loop3A_723] : memref<65536xf32, #tpu.memory_space<vmem>>[vector<16xi32>], vector<16xf32>,
      %parallel_loop3A_725 = tpu.bitcast %parallel_loop3A_724 : vector<16xf32> -> vector<16xi32>
      %parallel_loop3A_726 = arith.constant 32767 : i32
      %parallel_loop3A_727 = vector.broadcast %parallel_loop3A_726 : i32 to vector<16xi32>
      %parallel_loop3A_728 = arith.addi %parallel_loop3A_725, %parallel_loop3A_727 : vector<16xi32>
      %parallel_loop3A_729 = arith.constant 16 : i32
      %parallel_loop3A_730 = vector.broadcast %parallel_loop3A_729 : i32 to vector<16xi32>
      %parallel_loop3A_731 = arith.shrsi %parallel_loop3A_725, %parallel_loop3A_730 : vector<16xi32>
      %parallel_loop3A_732 = arith.constant 1 : i32
      %parallel_loop3A_733 = vector.broadcast %parallel_loop3A_732 : i32 to vector<16xi32>
      %parallel_loop3A_734 = arith.andi %parallel_loop3A_731, %parallel_loop3A_733 : vector<16xi32>
      %parallel_loop3A_735 = arith.addi %parallel_loop3A_728, %parallel_loop3A_734 : vector<16xi32>
      %parallel_loop3A_736 = arith.constant -65536 : i32
      %parallel_loop3A_737 = vector.broadcast %parallel_loop3A_736 : i32 to vector<16xi32>
      %parallel_loop3A_738 = arith.andi %parallel_loop3A_735, %parallel_loop3A_737 : vector<16xi32>
      %parallel_loop3A_739 = tpu.bitcast %parallel_loop3A_738 : vector<16xi32> -> vector<16xf32>
      %parallel_loop3A_740 = arith.mulf %parallel_loop3A_739, %parallel_loop3A_639 : vector<16xf32>
      %parallel_loop3A_741 = arith.addf %parallel_loop3A_620, %parallel_loop3A_740 : vector<16xf32>
      %parallel_loop3A_742 = arith.mulf %parallel_loop3A_739, %parallel_loop3A_644 : vector<16xf32>
      %parallel_loop3A_743 = arith.addf %parallel_loop3A_621, %parallel_loop3A_742 : vector<16xf32>
      %parallel_loop3A_744 = arith.mulf %parallel_loop3A_739, %parallel_loop3A_649 : vector<16xf32>
      %parallel_loop3A_745 = arith.addf %parallel_loop3A_622, %parallel_loop3A_744 : vector<16xf32>
      %parallel_loop3A_746 = vector.broadcast %parallel_loop3A_610 : i32 to vector<16xi32>
      %parallel_loop3A_747 = arith.addi %mul3A_486, %parallel_loop3A_746 : vector<16xi32>
      %parallel_loop3A_748 = tpu.vector_load_idx %arg9[%parallel_loop3A_747] : memref<65536xf32, #tpu.memory_space<vmem>>[vector<16xi32>], vector<16xf32>,
      %parallel_loop3A_749 = tpu.bitcast %parallel_loop3A_748 : vector<16xf32> -> vector<16xi32>
      %parallel_loop3A_750 = arith.constant 32767 : i32
      %parallel_loop3A_751 = vector.broadcast %parallel_loop3A_750 : i32 to vector<16xi32>
      %parallel_loop3A_752 = arith.addi %parallel_loop3A_749, %parallel_loop3A_751 : vector<16xi32>
      %parallel_loop3A_753 = arith.constant 16 : i32
      %parallel_loop3A_754 = vector.broadcast %parallel_loop3A_753 : i32 to vector<16xi32>
      %parallel_loop3A_755 = arith.shrsi %parallel_loop3A_749, %parallel_loop3A_754 : vector<16xi32>
      %parallel_loop3A_756 = arith.constant 1 : i32
      %parallel_loop3A_757 = vector.broadcast %parallel_loop3A_756 : i32 to vector<16xi32>
      %parallel_loop3A_758 = arith.andi %parallel_loop3A_755, %parallel_loop3A_757 : vector<16xi32>
      %parallel_loop3A_759 = arith.addi %parallel_loop3A_752, %parallel_loop3A_758 : vector<16xi32>
      %parallel_loop3A_760 = arith.constant -65536 : i32
      %parallel_loop3A_761 = vector.broadcast %parallel_loop3A_760 : i32 to vector<16xi32>
      %parallel_loop3A_762 = arith.andi %parallel_loop3A_759, %parallel_loop3A_761 : vector<16xi32>
      %parallel_loop3A_763 = tpu.bitcast %parallel_loop3A_762 : vector<16xi32> -> vector<16xf32>
      %parallel_loop3A_764 = arith.mulf %parallel_loop3A_763, %parallel_loop3A_639 : vector<16xf32>
      %parallel_loop3A_765 = arith.addf %parallel_loop3A_623, %parallel_loop3A_764 : vector<16xf32>
      %parallel_loop3A_766 = arith.mulf %parallel_loop3A_763, %parallel_loop3A_644 : vector<16xf32>
      %parallel_loop3A_767 = arith.addf %parallel_loop3A_624, %parallel_loop3A_766 : vector<16xf32>
      %parallel_loop3A_768 = arith.mulf %parallel_loop3A_763, %parallel_loop3A_649 : vector<16xf32>
      %parallel_loop3A_769 = arith.addf %parallel_loop3A_625, %parallel_loop3A_768 : vector<16xf32>
      %parallel_loop3A_770 = vector.broadcast %parallel_loop3A_610 : i32 to vector<16xi32>
      %parallel_loop3A_771 = arith.addi %mul3A_492, %parallel_loop3A_770 : vector<16xi32>
      %parallel_loop3A_772 = tpu.vector_load_idx %arg9[%parallel_loop3A_771] : memref<65536xf32, #tpu.memory_space<vmem>>[vector<16xi32>], vector<16xf32>,
      %parallel_loop3A_773 = tpu.bitcast %parallel_loop3A_772 : vector<16xf32> -> vector<16xi32>
      %parallel_loop3A_774 = arith.constant 32767 : i32
      %parallel_loop3A_775 = vector.broadcast %parallel_loop3A_774 : i32 to vector<16xi32>
      %parallel_loop3A_776 = arith.addi %parallel_loop3A_773, %parallel_loop3A_775 : vector<16xi32>
      %parallel_loop3A_777 = arith.constant 16 : i32
      %parallel_loop3A_778 = vector.broadcast %parallel_loop3A_777 : i32 to vector<16xi32>
      %parallel_loop3A_779 = arith.shrsi %parallel_loop3A_773, %parallel_loop3A_778 : vector<16xi32>
      %parallel_loop3A_780 = arith.constant 1 : i32
      %parallel_loop3A_781 = vector.broadcast %parallel_loop3A_780 : i32 to vector<16xi32>
      %parallel_loop3A_782 = arith.andi %parallel_loop3A_779, %parallel_loop3A_781 : vector<16xi32>
      %parallel_loop3A_783 = arith.addi %parallel_loop3A_776, %parallel_loop3A_782 : vector<16xi32>
      %parallel_loop3A_784 = arith.constant -65536 : i32
      %parallel_loop3A_785 = vector.broadcast %parallel_loop3A_784 : i32 to vector<16xi32>
      %parallel_loop3A_786 = arith.andi %parallel_loop3A_783, %parallel_loop3A_785 : vector<16xi32>
      %parallel_loop3A_787 = tpu.bitcast %parallel_loop3A_786 : vector<16xi32> -> vector<16xf32>
      %parallel_loop3A_788 = arith.mulf %parallel_loop3A_787, %parallel_loop3A_639 : vector<16xf32>
      %parallel_loop3A_789 = arith.addf %parallel_loop3A_626, %parallel_loop3A_788 : vector<16xf32>
      %parallel_loop3A_790 = arith.mulf %parallel_loop3A_787, %parallel_loop3A_644 : vector<16xf32>
      %parallel_loop3A_791 = arith.addf %parallel_loop3A_627, %parallel_loop3A_790 : vector<16xf32>
      %parallel_loop3A_792 = arith.mulf %parallel_loop3A_787, %parallel_loop3A_649 : vector<16xf32>
      %parallel_loop3A_793 = arith.addf %parallel_loop3A_628, %parallel_loop3A_792 : vector<16xf32>
      %parallel_loop3A_794 = vector.broadcast %parallel_loop3A_610 : i32 to vector<16xi32>
      %parallel_loop3A_795 = arith.addi %mul3A_498, %parallel_loop3A_794 : vector<16xi32>
      %parallel_loop3A_796 = tpu.vector_load_idx %arg9[%parallel_loop3A_795] : memref<65536xf32, #tpu.memory_space<vmem>>[vector<16xi32>], vector<16xf32>,
      %parallel_loop3A_797 = tpu.bitcast %parallel_loop3A_796 : vector<16xf32> -> vector<16xi32>
      %parallel_loop3A_798 = arith.constant 32767 : i32
      %parallel_loop3A_799 = vector.broadcast %parallel_loop3A_798 : i32 to vector<16xi32>
      %parallel_loop3A_800 = arith.addi %parallel_loop3A_797, %parallel_loop3A_799 : vector<16xi32>
      %parallel_loop3A_801 = arith.constant 16 : i32
      %parallel_loop3A_802 = vector.broadcast %parallel_loop3A_801 : i32 to vector<16xi32>
      %parallel_loop3A_803 = arith.shrsi %parallel_loop3A_797, %parallel_loop3A_802 : vector<16xi32>
      %parallel_loop3A_804 = arith.constant 1 : i32
      %parallel_loop3A_805 = vector.broadcast %parallel_loop3A_804 : i32 to vector<16xi32>
      %parallel_loop3A_806 = arith.andi %parallel_loop3A_803, %parallel_loop3A_805 : vector<16xi32>
      %parallel_loop3A_807 = arith.addi %parallel_loop3A_800, %parallel_loop3A_806 : vector<16xi32>
      %parallel_loop3A_808 = arith.constant -65536 : i32
      %parallel_loop3A_809 = vector.broadcast %parallel_loop3A_808 : i32 to vector<16xi32>
      %parallel_loop3A_810 = arith.andi %parallel_loop3A_807, %parallel_loop3A_809 : vector<16xi32>
      %parallel_loop3A_811 = tpu.bitcast %parallel_loop3A_810 : vector<16xi32> -> vector<16xf32>
      %parallel_loop3A_812 = arith.mulf %parallel_loop3A_811, %parallel_loop3A_639 : vector<16xf32>
      %parallel_loop3A_813 = arith.addf %parallel_loop3A_629, %parallel_loop3A_812 : vector<16xf32>
      %parallel_loop3A_814 = arith.mulf %parallel_loop3A_811, %parallel_loop3A_644 : vector<16xf32>
      %parallel_loop3A_815 = arith.addf %parallel_loop3A_630, %parallel_loop3A_814 : vector<16xf32>
      %parallel_loop3A_816 = arith.mulf %parallel_loop3A_811, %parallel_loop3A_649 : vector<16xf32>
      %parallel_loop3A_817 = arith.addf %parallel_loop3A_631, %parallel_loop3A_816 : vector<16xf32>
      %parallel_loop3A_818 = vector.broadcast %parallel_loop3A_610 : i32 to vector<16xi32>
      %parallel_loop3A_819 = arith.addi %mul3A_504, %parallel_loop3A_818 : vector<16xi32>
      %parallel_loop3A_820 = tpu.vector_load_idx %arg9[%parallel_loop3A_819] : memref<65536xf32, #tpu.memory_space<vmem>>[vector<16xi32>], vector<16xf32>,
      %parallel_loop3A_821 = tpu.bitcast %parallel_loop3A_820 : vector<16xf32> -> vector<16xi32>
      %parallel_loop3A_822 = arith.constant 32767 : i32
      %parallel_loop3A_823 = vector.broadcast %parallel_loop3A_822 : i32 to vector<16xi32>
      %parallel_loop3A_824 = arith.addi %parallel_loop3A_821, %parallel_loop3A_823 : vector<16xi32>
      %parallel_loop3A_825 = arith.constant 16 : i32
      %parallel_loop3A_826 = vector.broadcast %parallel_loop3A_825 : i32 to vector<16xi32>
      %parallel_loop3A_827 = arith.shrsi %parallel_loop3A_821, %parallel_loop3A_826 : vector<16xi32>
      %parallel_loop3A_828 = arith.constant 1 : i32
      %parallel_loop3A_829 = vector.broadcast %parallel_loop3A_828 : i32 to vector<16xi32>
      %parallel_loop3A_830 = arith.andi %parallel_loop3A_827, %parallel_loop3A_829 : vector<16xi32>
      %parallel_loop3A_831 = arith.addi %parallel_loop3A_824, %parallel_loop3A_830 : vector<16xi32>
      %parallel_loop3A_832 = arith.constant -65536 : i32
      %parallel_loop3A_833 = vector.broadcast %parallel_loop3A_832 : i32 to vector<16xi32>
      %parallel_loop3A_834 = arith.andi %parallel_loop3A_831, %parallel_loop3A_833 : vector<16xi32>
      %parallel_loop3A_835 = tpu.bitcast %parallel_loop3A_834 : vector<16xi32> -> vector<16xf32>
      %parallel_loop3A_836 = arith.mulf %parallel_loop3A_835, %parallel_loop3A_639 : vector<16xf32>
      %parallel_loop3A_837 = arith.addf %parallel_loop3A_632, %parallel_loop3A_836 : vector<16xf32>
      %parallel_loop3A_838 = arith.mulf %parallel_loop3A_835, %parallel_loop3A_644 : vector<16xf32>
      %parallel_loop3A_839 = arith.addf %parallel_loop3A_633, %parallel_loop3A_838 : vector<16xf32>
      %parallel_loop3A_840 = arith.mulf %parallel_loop3A_835, %parallel_loop3A_649 : vector<16xf32>
      %parallel_loop3A_841 = arith.addf %parallel_loop3A_634, %parallel_loop3A_840 : vector<16xf32>
      scf.yield %parallel_loop3A_669, %parallel_loop3A_671, %parallel_loop3A_673, %parallel_loop3A_693, %parallel_loop3A_695, %parallel_loop3A_697, %parallel_loop3A_717, %parallel_loop3A_719, %parallel_loop3A_721, %parallel_loop3A_741, %parallel_loop3A_743, %parallel_loop3A_745, %parallel_loop3A_765, %parallel_loop3A_767, %parallel_loop3A_769, %parallel_loop3A_789, %parallel_loop3A_791, %parallel_loop3A_793, %parallel_loop3A_813, %parallel_loop3A_815, %parallel_loop3A_817, %parallel_loop3A_837, %parallel_loop3A_839, %parallel_loop3A_841 : vector<16xf32>, vector<16xf32>, vector<16xf32>, vector<16xf32>, vector<16xf32>, vector<16xf32>, vector<16xf32>, vector<16xf32>, vector<16xf32>, vector<16xf32>, vector<16xf32>, vector<16xf32>, vector<16xf32>, vector<16xf32>, vector<16xf32>, vector<16xf32>, vector<16xf32>, vector<16xf32>, vector<16xf32>, vector<16xf32>, vector<16xf32>, vector<16xf32>, vector<16xf32>, vector<16xf32>
    } {sc.loop_unroll_factor = 2 : i64, sc.parallel_access}
    %add3A_511 = vector.broadcast %squeeze3A : f32 to vector<16xf32>
    %add3A_512 = arith.addf %parallel_loop3A_510#0, %add3A_511 : vector<16xf32>
    %swap3A_513 = arith.constant 384 : index
    %swap3A_514 = tpu.vector_load %arg12[%swap3A_513] {strides = array<i32>} : memref<512xf32, #tpu.memory_space<vmem>>, vector<16xf32>,
    tpu.vector_store %arg12[%swap3A_513], %add3A_512 {strides = array<i32>} : memref<512xf32, #tpu.memory_space<vmem>>, vector<16xf32>,
    %add3A_515 = vector.broadcast %squeeze3A_7 : f32 to vector<16xf32>
    %add3A_516 = arith.addf %parallel_loop3A_510#1, %add3A_515 : vector<16xf32>
    %swap3A_517 = arith.constant 384 : index
    %swap3A_518 = tpu.vector_load %arg13[%swap3A_517] {strides = array<i32>} : memref<512xf32, #tpu.memory_space<vmem>>, vector<16xf32>,
    tpu.vector_store %arg13[%swap3A_517], %add3A_516 {strides = array<i32>} : memref<512xf32, #tpu.memory_space<vmem>>, vector<16xf32>,
    %add3A_519 = vector.broadcast %squeeze3A_9 : f32 to vector<16xf32>
    %add3A_520 = arith.addf %parallel_loop3A_510#2, %add3A_519 : vector<16xf32>
    %swap3A_521 = arith.constant 384 : index
    %swap3A_522 = tpu.vector_load %arg14[%swap3A_521] {strides = array<i32>} : memref<512xf32, #tpu.memory_space<vmem>>, vector<16xf32>,
    tpu.vector_store %arg14[%swap3A_521], %add3A_520 {strides = array<i32>} : memref<512xf32, #tpu.memory_space<vmem>>, vector<16xf32>,
    %add3A_523 = vector.broadcast %squeeze3A : f32 to vector<16xf32>
    %add3A_524 = arith.addf %parallel_loop3A_510#3, %add3A_523 : vector<16xf32>
    %swap3A_525 = arith.constant 400 : index
    %swap3A_526 = tpu.vector_load %arg12[%swap3A_525] {strides = array<i32>} : memref<512xf32, #tpu.memory_space<vmem>>, vector<16xf32>,
    tpu.vector_store %arg12[%swap3A_525], %add3A_524 {strides = array<i32>} : memref<512xf32, #tpu.memory_space<vmem>>, vector<16xf32>,
    %add3A_527 = vector.broadcast %squeeze3A_7 : f32 to vector<16xf32>
    %add3A_528 = arith.addf %parallel_loop3A_510#4, %add3A_527 : vector<16xf32>
    %swap3A_529 = arith.constant 400 : index
    %swap3A_530 = tpu.vector_load %arg13[%swap3A_529] {strides = array<i32>} : memref<512xf32, #tpu.memory_space<vmem>>, vector<16xf32>,
    tpu.vector_store %arg13[%swap3A_529], %add3A_528 {strides = array<i32>} : memref<512xf32, #tpu.memory_space<vmem>>, vector<16xf32>,
    %add3A_531 = vector.broadcast %squeeze3A_9 : f32 to vector<16xf32>
    %add3A_532 = arith.addf %parallel_loop3A_510#5, %add3A_531 : vector<16xf32>
    %swap3A_533 = arith.constant 400 : index
    %swap3A_534 = tpu.vector_load %arg14[%swap3A_533] {strides = array<i32>} : memref<512xf32, #tpu.memory_space<vmem>>, vector<16xf32>,
    tpu.vector_store %arg14[%swap3A_533], %add3A_532 {strides = array<i32>} : memref<512xf32, #tpu.memory_space<vmem>>, vector<16xf32>,
    %add3A_535 = vector.broadcast %squeeze3A : f32 to vector<16xf32>
    %add3A_536 = arith.addf %parallel_loop3A_510#6, %add3A_535 : vector<16xf32>
    %swap3A_537 = arith.constant 416 : index
    %swap3A_538 = tpu.vector_load %arg12[%swap3A_537] {strides = array<i32>} : memref<512xf32, #tpu.memory_space<vmem>>, vector<16xf32>,
    tpu.vector_store %arg12[%swap3A_537], %add3A_536 {strides = array<i32>} : memref<512xf32, #tpu.memory_space<vmem>>, vector<16xf32>,
    %add3A_539 = vector.broadcast %squeeze3A_7 : f32 to vector<16xf32>
    %add3A_540 = arith.addf %parallel_loop3A_510#7, %add3A_539 : vector<16xf32>
    %swap3A_541 = arith.constant 416 : index
    %swap3A_542 = tpu.vector_load %arg13[%swap3A_541] {strides = array<i32>} : memref<512xf32, #tpu.memory_space<vmem>>, vector<16xf32>,
    tpu.vector_store %arg13[%swap3A_541], %add3A_540 {strides = array<i32>} : memref<512xf32, #tpu.memory_space<vmem>>, vector<16xf32>,
    %add3A_543 = vector.broadcast %squeeze3A_9 : f32 to vector<16xf32>
    %add3A_544 = arith.addf %parallel_loop3A_510#8, %add3A_543 : vector<16xf32>
    %swap3A_545 = arith.constant 416 : index
    %swap3A_546 = tpu.vector_load %arg14[%swap3A_545] {strides = array<i32>} : memref<512xf32, #tpu.memory_space<vmem>>, vector<16xf32>,
    tpu.vector_store %arg14[%swap3A_545], %add3A_544 {strides = array<i32>} : memref<512xf32, #tpu.memory_space<vmem>>, vector<16xf32>,
    %add3A_547 = vector.broadcast %squeeze3A : f32 to vector<16xf32>
    %add3A_548 = arith.addf %parallel_loop3A_510#9, %add3A_547 : vector<16xf32>
    %swap3A_549 = arith.constant 432 : index
    %swap3A_550 = tpu.vector_load %arg12[%swap3A_549] {strides = array<i32>} : memref<512xf32, #tpu.memory_space<vmem>>, vector<16xf32>,
    tpu.vector_store %arg12[%swap3A_549], %add3A_548 {strides = array<i32>} : memref<512xf32, #tpu.memory_space<vmem>>, vector<16xf32>,
    %add3A_551 = vector.broadcast %squeeze3A_7 : f32 to vector<16xf32>
    %add3A_552 = arith.addf %parallel_loop3A_510#10, %add3A_551 : vector<16xf32>
    %swap3A_553 = arith.constant 432 : index
    %swap3A_554 = tpu.vector_load %arg13[%swap3A_553] {strides = array<i32>} : memref<512xf32, #tpu.memory_space<vmem>>, vector<16xf32>,
    tpu.vector_store %arg13[%swap3A_553], %add3A_552 {strides = array<i32>} : memref<512xf32, #tpu.memory_space<vmem>>, vector<16xf32>,
    %add3A_555 = vector.broadcast %squeeze3A_9 : f32 to vector<16xf32>
    %add3A_556 = arith.addf %parallel_loop3A_510#11, %add3A_555 : vector<16xf32>
    %swap3A_557 = arith.constant 432 : index
    %swap3A_558 = tpu.vector_load %arg14[%swap3A_557] {strides = array<i32>} : memref<512xf32, #tpu.memory_space<vmem>>, vector<16xf32>,
    tpu.vector_store %arg14[%swap3A_557], %add3A_556 {strides = array<i32>} : memref<512xf32, #tpu.memory_space<vmem>>, vector<16xf32>,
    %add3A_559 = vector.broadcast %squeeze3A : f32 to vector<16xf32>
    %add3A_560 = arith.addf %parallel_loop3A_510#12, %add3A_559 : vector<16xf32>
    %swap3A_561 = arith.constant 448 : index
    %swap3A_562 = tpu.vector_load %arg12[%swap3A_561] {strides = array<i32>} : memref<512xf32, #tpu.memory_space<vmem>>, vector<16xf32>,
    tpu.vector_store %arg12[%swap3A_561], %add3A_560 {strides = array<i32>} : memref<512xf32, #tpu.memory_space<vmem>>, vector<16xf32>,
    %add3A_563 = vector.broadcast %squeeze3A_7 : f32 to vector<16xf32>
    %add3A_564 = arith.addf %parallel_loop3A_510#13, %add3A_563 : vector<16xf32>
    %swap3A_565 = arith.constant 448 : index
    %swap3A_566 = tpu.vector_load %arg13[%swap3A_565] {strides = array<i32>} : memref<512xf32, #tpu.memory_space<vmem>>, vector<16xf32>,
    tpu.vector_store %arg13[%swap3A_565], %add3A_564 {strides = array<i32>} : memref<512xf32, #tpu.memory_space<vmem>>, vector<16xf32>,
    %add3A_567 = vector.broadcast %squeeze3A_9 : f32 to vector<16xf32>
    %add3A_568 = arith.addf %parallel_loop3A_510#14, %add3A_567 : vector<16xf32>
    %swap3A_569 = arith.constant 448 : index
    %swap3A_570 = tpu.vector_load %arg14[%swap3A_569] {strides = array<i32>} : memref<512xf32, #tpu.memory_space<vmem>>, vector<16xf32>,
    tpu.vector_store %arg14[%swap3A_569], %add3A_568 {strides = array<i32>} : memref<512xf32, #tpu.memory_space<vmem>>, vector<16xf32>,
    %add3A_571 = vector.broadcast %squeeze3A : f32 to vector<16xf32>
    %add3A_572 = arith.addf %parallel_loop3A_510#15, %add3A_571 : vector<16xf32>
    %swap3A_573 = arith.constant 464 : index
    %swap3A_574 = tpu.vector_load %arg12[%swap3A_573] {strides = array<i32>} : memref<512xf32, #tpu.memory_space<vmem>>, vector<16xf32>,
    tpu.vector_store %arg12[%swap3A_573], %add3A_572 {strides = array<i32>} : memref<512xf32, #tpu.memory_space<vmem>>, vector<16xf32>,
    %add3A_575 = vector.broadcast %squeeze3A_7 : f32 to vector<16xf32>
    %add3A_576 = arith.addf %parallel_loop3A_510#16, %add3A_575 : vector<16xf32>
    %swap3A_577 = arith.constant 464 : index
    %swap3A_578 = tpu.vector_load %arg13[%swap3A_577] {strides = array<i32>} : memref<512xf32, #tpu.memory_space<vmem>>, vector<16xf32>,
    tpu.vector_store %arg13[%swap3A_577], %add3A_576 {strides = array<i32>} : memref<512xf32, #tpu.memory_space<vmem>>, vector<16xf32>,
    %add3A_579 = vector.broadcast %squeeze3A_9 : f32 to vector<16xf32>
    %add3A_580 = arith.addf %parallel_loop3A_510#17, %add3A_579 : vector<16xf32>
    %swap3A_581 = arith.constant 464 : index
    %swap3A_582 = tpu.vector_load %arg14[%swap3A_581] {strides = array<i32>} : memref<512xf32, #tpu.memory_space<vmem>>, vector<16xf32>,
    tpu.vector_store %arg14[%swap3A_581], %add3A_580 {strides = array<i32>} : memref<512xf32, #tpu.memory_space<vmem>>, vector<16xf32>,
    %add3A_583 = vector.broadcast %squeeze3A : f32 to vector<16xf32>
    %add3A_584 = arith.addf %parallel_loop3A_510#18, %add3A_583 : vector<16xf32>
    %swap3A_585 = arith.constant 480 : index
    %swap3A_586 = tpu.vector_load %arg12[%swap3A_585] {strides = array<i32>} : memref<512xf32, #tpu.memory_space<vmem>>, vector<16xf32>,
    tpu.vector_store %arg12[%swap3A_585], %add3A_584 {strides = array<i32>} : memref<512xf32, #tpu.memory_space<vmem>>, vector<16xf32>,
    %add3A_587 = vector.broadcast %squeeze3A_7 : f32 to vector<16xf32>
    %add3A_588 = arith.addf %parallel_loop3A_510#19, %add3A_587 : vector<16xf32>
    %swap3A_589 = arith.constant 480 : index
    %swap3A_590 = tpu.vector_load %arg13[%swap3A_589] {strides = array<i32>} : memref<512xf32, #tpu.memory_space<vmem>>, vector<16xf32>,
    tpu.vector_store %arg13[%swap3A_589], %add3A_588 {strides = array<i32>} : memref<512xf32, #tpu.memory_space<vmem>>, vector<16xf32>,
    %add3A_591 = vector.broadcast %squeeze3A_9 : f32 to vector<16xf32>
    %add3A_592 = arith.addf %parallel_loop3A_510#20, %add3A_591 : vector<16xf32>
    %swap3A_593 = arith.constant 480 : index
    %swap3A_594 = tpu.vector_load %arg14[%swap3A_593] {strides = array<i32>} : memref<512xf32, #tpu.memory_space<vmem>>, vector<16xf32>,
    tpu.vector_store %arg14[%swap3A_593], %add3A_592 {strides = array<i32>} : memref<512xf32, #tpu.memory_space<vmem>>, vector<16xf32>,
    %add3A_595 = vector.broadcast %squeeze3A : f32 to vector<16xf32>
    %add3A_596 = arith.addf %parallel_loop3A_510#21, %add3A_595 : vector<16xf32>
    %swap3A_597 = arith.constant 496 : index
    %swap3A_598 = tpu.vector_load %arg12[%swap3A_597] {strides = array<i32>} : memref<512xf32, #tpu.memory_space<vmem>>, vector<16xf32>,
    tpu.vector_store %arg12[%swap3A_597], %add3A_596 {strides = array<i32>} : memref<512xf32, #tpu.memory_space<vmem>>, vector<16xf32>,
    %add3A_599 = vector.broadcast %squeeze3A_7 : f32 to vector<16xf32>
    %add3A_600 = arith.addf %parallel_loop3A_510#22, %add3A_599 : vector<16xf32>
    %swap3A_601 = arith.constant 496 : index
    %swap3A_602 = tpu.vector_load %arg13[%swap3A_601] {strides = array<i32>} : memref<512xf32, #tpu.memory_space<vmem>>, vector<16xf32>,
    tpu.vector_store %arg13[%swap3A_601], %add3A_600 {strides = array<i32>} : memref<512xf32, #tpu.memory_space<vmem>>, vector<16xf32>,
    %add3A_603 = vector.broadcast %squeeze3A_9 : f32 to vector<16xf32>
    %add3A_604 = arith.addf %parallel_loop3A_510#23, %add3A_603 : vector<16xf32>
    %swap3A_605 = arith.constant 496 : index
    %swap3A_606 = tpu.vector_load %arg14[%swap3A_605] {strides = array<i32>} : memref<512xf32, #tpu.memory_space<vmem>>, vector<16xf32>,
    tpu.vector_store %arg14[%swap3A_605], %add3A_604 {strides = array<i32>} : memref<512xf32, #tpu.memory_space<vmem>>, vector<16xf32>,
    %parallel_loop3A_607 = arith.constant 0 : i32
    %parallel_loop3A_608 = arith.constant 32 : i32
    %parallel_loop3A_609 = arith.constant 1 : i32
    scf.for %parallel_loop3A_610 = %parallel_loop3A_607 to %parallel_loop3A_608 step %parallel_loop3A_609  : i32 {
      %parallel_loop3A_611 = arith.constant 16 : i32
      %parallel_loop3A_612 = arith.muli %parallel_loop3A_610, %parallel_loop3A_611 : i32
      %parallel_loop3A_613 = arith.index_cast %parallel_loop3A_612 : i32 to index
      %parallel_loop3A_614 = tpu.vector_load %arg12[%parallel_loop3A_613] {strides = array<i32>} : memref<512xf32, #tpu.memory_space<vmem>>, vector<16xf32>,
      %parallel_loop3A_615 = arith.index_cast %parallel_loop3A_612 : i32 to index
      %parallel_loop3A_616 = tpu.vector_load %arg13[%parallel_loop3A_615] {strides = array<i32>} : memref<512xf32, #tpu.memory_space<vmem>>, vector<16xf32>,
      %parallel_loop3A_617 = arith.index_cast %parallel_loop3A_612 : i32 to index
      %parallel_loop3A_618 = tpu.vector_load %arg14[%parallel_loop3A_617] {strides = array<i32>} : memref<512xf32, #tpu.memory_space<vmem>>, vector<16xf32>,
      %parallel_loop3A_619 = arith.addi %mul3A_2, %parallel_loop3A_612 : i32
      %parallel_loop3A_620 = vector.broadcast %parallel_loop3A_619 : i32 to vector<16xi32>
      %parallel_loop3A_621 = arith.addi %parallel_loop3A_620, %iota3A : vector<16xi32>
      %parallel_loop3A_622 = arith.constant 3 : i32
      %parallel_loop3A_623 = vector.broadcast %parallel_loop3A_622 : i32 to vector<16xi32>
      %parallel_loop3A_624 = arith.muli %parallel_loop3A_621, %parallel_loop3A_623 : vector<16xi32>
      %parallel_loop3A_625 = arith.constant 1 : i32
      %parallel_loop3A_626 = vector.broadcast %parallel_loop3A_625 : i32 to vector<16xi32>
      %parallel_loop3A_627 = arith.addi %parallel_loop3A_624, %parallel_loop3A_626 : vector<16xi32>
      %parallel_loop3A_628 = arith.constant 2 : i32
      %parallel_loop3A_629 = vector.broadcast %parallel_loop3A_628 : i32 to vector<16xi32>
      %parallel_loop3A_630 = arith.addi %parallel_loop3A_624, %parallel_loop3A_629 : vector<16xi32>
      %parallel_loop3A_631 = arith.constant 0 : i32
      %parallel_loop3A_632 = arith.constant 42 : i32
      %parallel_loop3A_633 = arith.xori %parallel_loop3A_631, %parallel_loop3A_632 : i32
      %parallel_loop3A_634 = arith.constant 466688986 : i32
      %parallel_loop3A_635 = arith.xori %parallel_loop3A_633, %parallel_loop3A_634 : i32
      %parallel_loop3A_636 = arith.constant 0 : i32
      %parallel_loop3A_637 = vector.broadcast %parallel_loop3A_636 : i32 to vector<16xi32>
      %parallel_loop3A_638 = arith.constant 42 : i32
      %parallel_loop3A_639 = vector.broadcast %parallel_loop3A_638 : i32 to vector<16xi32>
      %parallel_loop3A_640 = arith.addi %parallel_loop3A_624, %parallel_loop3A_639 : vector<16xi32>
      %parallel_loop3A_641 = arith.constant 0 : i32
      %parallel_loop3A_642 = vector.broadcast %parallel_loop3A_641 : i32 to vector<16xi32>
      %parallel_loop3A_643 = arith.constant 42 : i32
      %parallel_loop3A_644 = vector.broadcast %parallel_loop3A_643 : i32 to vector<16xi32>
      %parallel_loop3A_645 = arith.addi %parallel_loop3A_627, %parallel_loop3A_644 : vector<16xi32>
      %parallel_loop3A_646 = arith.constant 0 : i32
      %parallel_loop3A_647 = vector.broadcast %parallel_loop3A_646 : i32 to vector<16xi32>
      %parallel_loop3A_648 = arith.constant 42 : i32
      %parallel_loop3A_649 = vector.broadcast %parallel_loop3A_648 : i32 to vector<16xi32>
      %parallel_loop3A_650 = arith.addi %parallel_loop3A_630, %parallel_loop3A_649 : vector<16xi32>
      %parallel_loop3A_651 = arith.addi %parallel_loop3A_637, %parallel_loop3A_640 : vector<16xi32>
      %parallel_loop3A_652 = arith.addi %parallel_loop3A_642, %parallel_loop3A_645 : vector<16xi32>
      %parallel_loop3A_653 = arith.addi %parallel_loop3A_647, %parallel_loop3A_650 : vector<16xi32>
      %parallel_loop3A_654 = arith.constant 13 : i32
      %parallel_loop3A_655 = vector.broadcast %parallel_loop3A_654 : i32 to vector<16xi32>
      %parallel_loop3A_656 = arith.shli %parallel_loop3A_640, %parallel_loop3A_655 : vector<16xi32>
      %parallel_loop3A_657 = arith.constant 19 : i32
      %parallel_loop3A_658 = vector.broadcast %parallel_loop3A_657 : i32 to vector<16xi32>
      %parallel_loop3A_659 = arith.shrui %parallel_loop3A_640, %parallel_loop3A_658 : vector<16xi32>
      %parallel_loop3A_660 = arith.ori %parallel_loop3A_656, %parallel_loop3A_659 : vector<16xi32>
      %parallel_loop3A_661 = arith.constant 13 : i32
      %parallel_loop3A_662 = vector.broadcast %parallel_loop3A_661 : i32 to vector<16xi32>
      %parallel_loop3A_663 = arith.shli %parallel_loop3A_645, %parallel_loop3A_662 : vector<16xi32>
      %parallel_loop3A_664 = arith.constant 19 : i32
      %parallel_loop3A_665 = vector.broadcast %parallel_loop3A_664 : i32 to vector<16xi32>
      %parallel_loop3A_666 = arith.shrui %parallel_loop3A_645, %parallel_loop3A_665 : vector<16xi32>
      %parallel_loop3A_667 = arith.ori %parallel_loop3A_663, %parallel_loop3A_666 : vector<16xi32>
      %parallel_loop3A_668 = arith.constant 13 : i32
      %parallel_loop3A_669 = vector.broadcast %parallel_loop3A_668 : i32 to vector<16xi32>
      %parallel_loop3A_670 = arith.shli %parallel_loop3A_650, %parallel_loop3A_669 : vector<16xi32>
      %parallel_loop3A_671 = arith.constant 19 : i32
      %parallel_loop3A_672 = vector.broadcast %parallel_loop3A_671 : i32 to vector<16xi32>
      %parallel_loop3A_673 = arith.shrui %parallel_loop3A_650, %parallel_loop3A_672 : vector<16xi32>
      %parallel_loop3A_674 = arith.ori %parallel_loop3A_670, %parallel_loop3A_673 : vector<16xi32>
      %parallel_loop3A_675 = arith.xori %parallel_loop3A_651, %parallel_loop3A_660 : vector<16xi32>
      %parallel_loop3A_676 = arith.xori %parallel_loop3A_652, %parallel_loop3A_667 : vector<16xi32>
      %parallel_loop3A_677 = arith.xori %parallel_loop3A_653, %parallel_loop3A_674 : vector<16xi32>
      %parallel_loop3A_678 = arith.addi %parallel_loop3A_651, %parallel_loop3A_675 : vector<16xi32>
      %parallel_loop3A_679 = arith.addi %parallel_loop3A_652, %parallel_loop3A_676 : vector<16xi32>
      %parallel_loop3A_680 = arith.addi %parallel_loop3A_653, %parallel_loop3A_677 : vector<16xi32>
      %parallel_loop3A_681 = arith.constant 15 : i32
      %parallel_loop3A_682 = vector.broadcast %parallel_loop3A_681 : i32 to vector<16xi32>
      %parallel_loop3A_683 = arith.shli %parallel_loop3A_675, %parallel_loop3A_682 : vector<16xi32>
      %parallel_loop3A_684 = arith.constant 17 : i32
      %parallel_loop3A_685 = vector.broadcast %parallel_loop3A_684 : i32 to vector<16xi32>
      %parallel_loop3A_686 = arith.shrui %parallel_loop3A_675, %parallel_loop3A_685 : vector<16xi32>
      %parallel_loop3A_687 = arith.ori %parallel_loop3A_683, %parallel_loop3A_686 : vector<16xi32>
      %parallel_loop3A_688 = arith.constant 15 : i32
      %parallel_loop3A_689 = vector.broadcast %parallel_loop3A_688 : i32 to vector<16xi32>
      %parallel_loop3A_690 = arith.shli %parallel_loop3A_676, %parallel_loop3A_689 : vector<16xi32>
      %parallel_loop3A_691 = arith.constant 17 : i32
      %parallel_loop3A_692 = vector.broadcast %parallel_loop3A_691 : i32 to vector<16xi32>
      %parallel_loop3A_693 = arith.shrui %parallel_loop3A_676, %parallel_loop3A_692 : vector<16xi32>
      %parallel_loop3A_694 = arith.ori %parallel_loop3A_690, %parallel_loop3A_693 : vector<16xi32>
      %parallel_loop3A_695 = arith.constant 15 : i32
      %parallel_loop3A_696 = vector.broadcast %parallel_loop3A_695 : i32 to vector<16xi32>
      %parallel_loop3A_697 = arith.shli %parallel_loop3A_677, %parallel_loop3A_696 : vector<16xi32>
      %parallel_loop3A_698 = arith.constant 17 : i32
      %parallel_loop3A_699 = vector.broadcast %parallel_loop3A_698 : i32 to vector<16xi32>
      %parallel_loop3A_700 = arith.shrui %parallel_loop3A_677, %parallel_loop3A_699 : vector<16xi32>
      %parallel_loop3A_701 = arith.ori %parallel_loop3A_697, %parallel_loop3A_700 : vector<16xi32>
      %parallel_loop3A_702 = arith.xori %parallel_loop3A_678, %parallel_loop3A_687 : vector<16xi32>
      %parallel_loop3A_703 = arith.xori %parallel_loop3A_679, %parallel_loop3A_694 : vector<16xi32>
      %parallel_loop3A_704 = arith.xori %parallel_loop3A_680, %parallel_loop3A_701 : vector<16xi32>
      %parallel_loop3A_705 = arith.addi %parallel_loop3A_678, %parallel_loop3A_702 : vector<16xi32>
      %parallel_loop3A_706 = arith.addi %parallel_loop3A_679, %parallel_loop3A_703 : vector<16xi32>
      %parallel_loop3A_707 = arith.addi %parallel_loop3A_680, %parallel_loop3A_704 : vector<16xi32>
      %parallel_loop3A_708 = arith.constant 26 : i32
      %parallel_loop3A_709 = vector.broadcast %parallel_loop3A_708 : i32 to vector<16xi32>
      %parallel_loop3A_710 = arith.shli %parallel_loop3A_702, %parallel_loop3A_709 : vector<16xi32>
      %parallel_loop3A_711 = arith.constant 6 : i32
      %parallel_loop3A_712 = vector.broadcast %parallel_loop3A_711 : i32 to vector<16xi32>
      %parallel_loop3A_713 = arith.shrui %parallel_loop3A_702, %parallel_loop3A_712 : vector<16xi32>
      %parallel_loop3A_714 = arith.ori %parallel_loop3A_710, %parallel_loop3A_713 : vector<16xi32>
      %parallel_loop3A_715 = arith.constant 26 : i32
      %parallel_loop3A_716 = vector.broadcast %parallel_loop3A_715 : i32 to vector<16xi32>
      %parallel_loop3A_717 = arith.shli %parallel_loop3A_703, %parallel_loop3A_716 : vector<16xi32>
      %parallel_loop3A_718 = arith.constant 6 : i32
      %parallel_loop3A_719 = vector.broadcast %parallel_loop3A_718 : i32 to vector<16xi32>
      %parallel_loop3A_720 = arith.shrui %parallel_loop3A_703, %parallel_loop3A_719 : vector<16xi32>
      %parallel_loop3A_721 = arith.ori %parallel_loop3A_717, %parallel_loop3A_720 : vector<16xi32>
      %parallel_loop3A_722 = arith.constant 26 : i32
      %parallel_loop3A_723 = vector.broadcast %parallel_loop3A_722 : i32 to vector<16xi32>
      %parallel_loop3A_724 = arith.shli %parallel_loop3A_704, %parallel_loop3A_723 : vector<16xi32>
      %parallel_loop3A_725 = arith.constant 6 : i32
      %parallel_loop3A_726 = vector.broadcast %parallel_loop3A_725 : i32 to vector<16xi32>
      %parallel_loop3A_727 = arith.shrui %parallel_loop3A_704, %parallel_loop3A_726 : vector<16xi32>
      %parallel_loop3A_728 = arith.ori %parallel_loop3A_724, %parallel_loop3A_727 : vector<16xi32>
      %parallel_loop3A_729 = arith.xori %parallel_loop3A_705, %parallel_loop3A_714 : vector<16xi32>
      %parallel_loop3A_730 = arith.xori %parallel_loop3A_706, %parallel_loop3A_721 : vector<16xi32>
      %parallel_loop3A_731 = arith.xori %parallel_loop3A_707, %parallel_loop3A_728 : vector<16xi32>
      %parallel_loop3A_732 = arith.addi %parallel_loop3A_705, %parallel_loop3A_729 : vector<16xi32>
      %parallel_loop3A_733 = arith.addi %parallel_loop3A_706, %parallel_loop3A_730 : vector<16xi32>
      %parallel_loop3A_734 = arith.addi %parallel_loop3A_707, %parallel_loop3A_731 : vector<16xi32>
      %parallel_loop3A_735 = arith.constant 6 : i32
      %parallel_loop3A_736 = vector.broadcast %parallel_loop3A_735 : i32 to vector<16xi32>
      %parallel_loop3A_737 = arith.shli %parallel_loop3A_729, %parallel_loop3A_736 : vector<16xi32>
      %parallel_loop3A_738 = arith.constant 26 : i32
      %parallel_loop3A_739 = vector.broadcast %parallel_loop3A_738 : i32 to vector<16xi32>
      %parallel_loop3A_740 = arith.shrui %parallel_loop3A_729, %parallel_loop3A_739 : vector<16xi32>
      %parallel_loop3A_741 = arith.ori %parallel_loop3A_737, %parallel_loop3A_740 : vector<16xi32>
      %parallel_loop3A_742 = arith.constant 6 : i32
      %parallel_loop3A_743 = vector.broadcast %parallel_loop3A_742 : i32 to vector<16xi32>
      %parallel_loop3A_744 = arith.shli %parallel_loop3A_730, %parallel_loop3A_743 : vector<16xi32>
      %parallel_loop3A_745 = arith.constant 26 : i32
      %parallel_loop3A_746 = vector.broadcast %parallel_loop3A_745 : i32 to vector<16xi32>
      %parallel_loop3A_747 = arith.shrui %parallel_loop3A_730, %parallel_loop3A_746 : vector<16xi32>
      %parallel_loop3A_748 = arith.ori %parallel_loop3A_744, %parallel_loop3A_747 : vector<16xi32>
      %parallel_loop3A_749 = arith.constant 6 : i32
      %parallel_loop3A_750 = vector.broadcast %parallel_loop3A_749 : i32 to vector<16xi32>
      %parallel_loop3A_751 = arith.shli %parallel_loop3A_731, %parallel_loop3A_750 : vector<16xi32>
      %parallel_loop3A_752 = arith.constant 26 : i32
      %parallel_loop3A_753 = vector.broadcast %parallel_loop3A_752 : i32 to vector<16xi32>
      %parallel_loop3A_754 = arith.shrui %parallel_loop3A_731, %parallel_loop3A_753 : vector<16xi32>
      %parallel_loop3A_755 = arith.ori %parallel_loop3A_751, %parallel_loop3A_754 : vector<16xi32>
      %parallel_loop3A_756 = arith.xori %parallel_loop3A_732, %parallel_loop3A_741 : vector<16xi32>
      %parallel_loop3A_757 = arith.xori %parallel_loop3A_733, %parallel_loop3A_748 : vector<16xi32>
      %parallel_loop3A_758 = arith.xori %parallel_loop3A_734, %parallel_loop3A_755 : vector<16xi32>
      %parallel_loop3A_759 = arith.constant 42 : i32
      %parallel_loop3A_760 = vector.broadcast %parallel_loop3A_759 : i32 to vector<16xi32>
      %parallel_loop3A_761 = arith.addi %parallel_loop3A_732, %parallel_loop3A_760 : vector<16xi32>
      %parallel_loop3A_762 = arith.constant 1 : i32
      %parallel_loop3A_763 = arith.addi %parallel_loop3A_635, %parallel_loop3A_762 : i32
      %parallel_loop3A_764 = vector.broadcast %parallel_loop3A_763 : i32 to vector<16xi32>
      %parallel_loop3A_765 = arith.addi %parallel_loop3A_756, %parallel_loop3A_764 : vector<16xi32>
      %parallel_loop3A_766 = arith.constant 42 : i32
      %parallel_loop3A_767 = vector.broadcast %parallel_loop3A_766 : i32 to vector<16xi32>
      %parallel_loop3A_768 = arith.addi %parallel_loop3A_733, %parallel_loop3A_767 : vector<16xi32>
      %parallel_loop3A_769 = arith.constant 1 : i32
      %parallel_loop3A_770 = arith.addi %parallel_loop3A_635, %parallel_loop3A_769 : i32
      %parallel_loop3A_771 = vector.broadcast %parallel_loop3A_770 : i32 to vector<16xi32>
      %parallel_loop3A_772 = arith.addi %parallel_loop3A_757, %parallel_loop3A_771 : vector<16xi32>
      %parallel_loop3A_773 = arith.constant 42 : i32
      %parallel_loop3A_774 = vector.broadcast %parallel_loop3A_773 : i32 to vector<16xi32>
      %parallel_loop3A_775 = arith.addi %parallel_loop3A_734, %parallel_loop3A_774 : vector<16xi32>
      %parallel_loop3A_776 = arith.constant 1 : i32
      %parallel_loop3A_777 = arith.addi %parallel_loop3A_635, %parallel_loop3A_776 : i32
      %parallel_loop3A_778 = vector.broadcast %parallel_loop3A_777 : i32 to vector<16xi32>
      %parallel_loop3A_779 = arith.addi %parallel_loop3A_758, %parallel_loop3A_778 : vector<16xi32>
      %parallel_loop3A_780 = arith.addi %parallel_loop3A_761, %parallel_loop3A_765 : vector<16xi32>
      %parallel_loop3A_781 = arith.addi %parallel_loop3A_768, %parallel_loop3A_772 : vector<16xi32>
      %parallel_loop3A_782 = arith.addi %parallel_loop3A_775, %parallel_loop3A_779 : vector<16xi32>
      %parallel_loop3A_783 = arith.constant 17 : i32
      %parallel_loop3A_784 = vector.broadcast %parallel_loop3A_783 : i32 to vector<16xi32>
      %parallel_loop3A_785 = arith.shli %parallel_loop3A_765, %parallel_loop3A_784 : vector<16xi32>
      %parallel_loop3A_786 = arith.constant 15 : i32
      %parallel_loop3A_787 = vector.broadcast %parallel_loop3A_786 : i32 to vector<16xi32>
      %parallel_loop3A_788 = arith.shrui %parallel_loop3A_765, %parallel_loop3A_787 : vector<16xi32>
      %parallel_loop3A_789 = arith.ori %parallel_loop3A_785, %parallel_loop3A_788 : vector<16xi32>
      %parallel_loop3A_790 = arith.constant 17 : i32
      %parallel_loop3A_791 = vector.broadcast %parallel_loop3A_790 : i32 to vector<16xi32>
      %parallel_loop3A_792 = arith.shli %parallel_loop3A_772, %parallel_loop3A_791 : vector<16xi32>
      %parallel_loop3A_793 = arith.constant 15 : i32
      %parallel_loop3A_794 = vector.broadcast %parallel_loop3A_793 : i32 to vector<16xi32>
      %parallel_loop3A_795 = arith.shrui %parallel_loop3A_772, %parallel_loop3A_794 : vector<16xi32>
      %parallel_loop3A_796 = arith.ori %parallel_loop3A_792, %parallel_loop3A_795 : vector<16xi32>
      %parallel_loop3A_797 = arith.constant 17 : i32
      %parallel_loop3A_798 = vector.broadcast %parallel_loop3A_797 : i32 to vector<16xi32>
      %parallel_loop3A_799 = arith.shli %parallel_loop3A_779, %parallel_loop3A_798 : vector<16xi32>
      %parallel_loop3A_800 = arith.constant 15 : i32
      %parallel_loop3A_801 = vector.broadcast %parallel_loop3A_800 : i32 to vector<16xi32>
      %parallel_loop3A_802 = arith.shrui %parallel_loop3A_779, %parallel_loop3A_801 : vector<16xi32>
      %parallel_loop3A_803 = arith.ori %parallel_loop3A_799, %parallel_loop3A_802 : vector<16xi32>
      %parallel_loop3A_804 = arith.xori %parallel_loop3A_780, %parallel_loop3A_789 : vector<16xi32>
      %parallel_loop3A_805 = arith.xori %parallel_loop3A_781, %parallel_loop3A_796 : vector<16xi32>
      %parallel_loop3A_806 = arith.xori %parallel_loop3A_782, %parallel_loop3A_803 : vector<16xi32>
      %parallel_loop3A_807 = arith.addi %parallel_loop3A_780, %parallel_loop3A_804 : vector<16xi32>
      %parallel_loop3A_808 = arith.addi %parallel_loop3A_781, %parallel_loop3A_805 : vector<16xi32>
      %parallel_loop3A_809 = arith.addi %parallel_loop3A_782, %parallel_loop3A_806 : vector<16xi32>
      %parallel_loop3A_810 = arith.constant 29 : i32
      %parallel_loop3A_811 = vector.broadcast %parallel_loop3A_810 : i32 to vector<16xi32>
      %parallel_loop3A_812 = arith.shli %parallel_loop3A_804, %parallel_loop3A_811 : vector<16xi32>
      %parallel_loop3A_813 = arith.constant 3 : i32
      %parallel_loop3A_814 = vector.broadcast %parallel_loop3A_813 : i32 to vector<16xi32>
      %parallel_loop3A_815 = arith.shrui %parallel_loop3A_804, %parallel_loop3A_814 : vector<16xi32>
      %parallel_loop3A_816 = arith.ori %parallel_loop3A_812, %parallel_loop3A_815 : vector<16xi32>
      %parallel_loop3A_817 = arith.constant 29 : i32
      %parallel_loop3A_818 = vector.broadcast %parallel_loop3A_817 : i32 to vector<16xi32>
      %parallel_loop3A_819 = arith.shli %parallel_loop3A_805, %parallel_loop3A_818 : vector<16xi32>
      %parallel_loop3A_820 = arith.constant 3 : i32
      %parallel_loop3A_821 = vector.broadcast %parallel_loop3A_820 : i32 to vector<16xi32>
      %parallel_loop3A_822 = arith.shrui %parallel_loop3A_805, %parallel_loop3A_821 : vector<16xi32>
      %parallel_loop3A_823 = arith.ori %parallel_loop3A_819, %parallel_loop3A_822 : vector<16xi32>
      %parallel_loop3A_824 = arith.constant 29 : i32
      %parallel_loop3A_825 = vector.broadcast %parallel_loop3A_824 : i32 to vector<16xi32>
      %parallel_loop3A_826 = arith.shli %parallel_loop3A_806, %parallel_loop3A_825 : vector<16xi32>
      %parallel_loop3A_827 = arith.constant 3 : i32
      %parallel_loop3A_828 = vector.broadcast %parallel_loop3A_827 : i32 to vector<16xi32>
      %parallel_loop3A_829 = arith.shrui %parallel_loop3A_806, %parallel_loop3A_828 : vector<16xi32>
      %parallel_loop3A_830 = arith.ori %parallel_loop3A_826, %parallel_loop3A_829 : vector<16xi32>
      %parallel_loop3A_831 = arith.xori %parallel_loop3A_807, %parallel_loop3A_816 : vector<16xi32>
      %parallel_loop3A_832 = arith.xori %parallel_loop3A_808, %parallel_loop3A_823 : vector<16xi32>
      %parallel_loop3A_833 = arith.xori %parallel_loop3A_809, %parallel_loop3A_830 : vector<16xi32>
      %parallel_loop3A_834 = arith.addi %parallel_loop3A_807, %parallel_loop3A_831 : vector<16xi32>
      %parallel_loop3A_835 = arith.addi %parallel_loop3A_808, %parallel_loop3A_832 : vector<16xi32>
      %parallel_loop3A_836 = arith.addi %parallel_loop3A_809, %parallel_loop3A_833 : vector<16xi32>
      %parallel_loop3A_837 = arith.constant 16 : i32
      %parallel_loop3A_838 = vector.broadcast %parallel_loop3A_837 : i32 to vector<16xi32>
      %parallel_loop3A_839 = arith.shli %parallel_loop3A_831, %parallel_loop3A_838 : vector<16xi32>
      %parallel_loop3A_840 = arith.constant 16 : i32
      %parallel_loop3A_841 = vector.broadcast %parallel_loop3A_840 : i32 to vector<16xi32>
      %parallel_loop3A_842 = arith.shrui %parallel_loop3A_831, %parallel_loop3A_841 : vector<16xi32>
      %parallel_loop3A_843 = arith.ori %parallel_loop3A_839, %parallel_loop3A_842 : vector<16xi32>
      %parallel_loop3A_844 = arith.constant 16 : i32
      %parallel_loop3A_845 = vector.broadcast %parallel_loop3A_844 : i32 to vector<16xi32>
      %parallel_loop3A_846 = arith.shli %parallel_loop3A_832, %parallel_loop3A_845 : vector<16xi32>
      %parallel_loop3A_847 = arith.constant 16 : i32
      %parallel_loop3A_848 = vector.broadcast %parallel_loop3A_847 : i32 to vector<16xi32>
      %parallel_loop3A_849 = arith.shrui %parallel_loop3A_832, %parallel_loop3A_848 : vector<16xi32>
      %parallel_loop3A_850 = arith.ori %parallel_loop3A_846, %parallel_loop3A_849 : vector<16xi32>
      %parallel_loop3A_851 = arith.constant 16 : i32
      %parallel_loop3A_852 = vector.broadcast %parallel_loop3A_851 : i32 to vector<16xi32>
      %parallel_loop3A_853 = arith.shli %parallel_loop3A_833, %parallel_loop3A_852 : vector<16xi32>
      %parallel_loop3A_854 = arith.constant 16 : i32
      %parallel_loop3A_855 = vector.broadcast %parallel_loop3A_854 : i32 to vector<16xi32>
      %parallel_loop3A_856 = arith.shrui %parallel_loop3A_833, %parallel_loop3A_855 : vector<16xi32>
      %parallel_loop3A_857 = arith.ori %parallel_loop3A_853, %parallel_loop3A_856 : vector<16xi32>
      %parallel_loop3A_858 = arith.xori %parallel_loop3A_834, %parallel_loop3A_843 : vector<16xi32>
      %parallel_loop3A_859 = arith.xori %parallel_loop3A_835, %parallel_loop3A_850 : vector<16xi32>
      %parallel_loop3A_860 = arith.xori %parallel_loop3A_836, %parallel_loop3A_857 : vector<16xi32>
      %parallel_loop3A_861 = arith.addi %parallel_loop3A_834, %parallel_loop3A_858 : vector<16xi32>
      %parallel_loop3A_862 = arith.addi %parallel_loop3A_835, %parallel_loop3A_859 : vector<16xi32>
      %parallel_loop3A_863 = arith.addi %parallel_loop3A_836, %parallel_loop3A_860 : vector<16xi32>
      %parallel_loop3A_864 = arith.constant 24 : i32
      %parallel_loop3A_865 = vector.broadcast %parallel_loop3A_864 : i32 to vector<16xi32>
      %parallel_loop3A_866 = arith.shli %parallel_loop3A_858, %parallel_loop3A_865 : vector<16xi32>
      %parallel_loop3A_867 = arith.constant 8 : i32
      %parallel_loop3A_868 = vector.broadcast %parallel_loop3A_867 : i32 to vector<16xi32>
      %parallel_loop3A_869 = arith.shrui %parallel_loop3A_858, %parallel_loop3A_868 : vector<16xi32>
      %parallel_loop3A_870 = arith.ori %parallel_loop3A_866, %parallel_loop3A_869 : vector<16xi32>
      %parallel_loop3A_871 = arith.constant 24 : i32
      %parallel_loop3A_872 = vector.broadcast %parallel_loop3A_871 : i32 to vector<16xi32>
      %parallel_loop3A_873 = arith.shli %parallel_loop3A_859, %parallel_loop3A_872 : vector<16xi32>
      %parallel_loop3A_874 = arith.constant 8 : i32
      %parallel_loop3A_875 = vector.broadcast %parallel_loop3A_874 : i32 to vector<16xi32>
      %parallel_loop3A_876 = arith.shrui %parallel_loop3A_859, %parallel_loop3A_875 : vector<16xi32>
      %parallel_loop3A_877 = arith.ori %parallel_loop3A_873, %parallel_loop3A_876 : vector<16xi32>
      %parallel_loop3A_878 = arith.constant 24 : i32
      %parallel_loop3A_879 = vector.broadcast %parallel_loop3A_878 : i32 to vector<16xi32>
      %parallel_loop3A_880 = arith.shli %parallel_loop3A_860, %parallel_loop3A_879 : vector<16xi32>
      %parallel_loop3A_881 = arith.constant 8 : i32
      %parallel_loop3A_882 = vector.broadcast %parallel_loop3A_881 : i32 to vector<16xi32>
      %parallel_loop3A_883 = arith.shrui %parallel_loop3A_860, %parallel_loop3A_882 : vector<16xi32>
      %parallel_loop3A_884 = arith.ori %parallel_loop3A_880, %parallel_loop3A_883 : vector<16xi32>
      %parallel_loop3A_885 = arith.xori %parallel_loop3A_861, %parallel_loop3A_870 : vector<16xi32>
      %parallel_loop3A_886 = arith.xori %parallel_loop3A_862, %parallel_loop3A_877 : vector<16xi32>
      %parallel_loop3A_887 = arith.xori %parallel_loop3A_863, %parallel_loop3A_884 : vector<16xi32>
      %parallel_loop3A_888 = vector.broadcast %parallel_loop3A_635 : i32 to vector<16xi32>
      %parallel_loop3A_889 = arith.addi %parallel_loop3A_861, %parallel_loop3A_888 : vector<16xi32>
      %parallel_loop3A_890 = arith.constant 0 : i32
      %parallel_loop3A_891 = arith.constant 2 : i32
      %parallel_loop3A_892 = arith.addi %parallel_loop3A_890, %parallel_loop3A_891 : i32
      %parallel_loop3A_893 = vector.broadcast %parallel_loop3A_892 : i32 to vector<16xi32>
      %parallel_loop3A_894 = arith.addi %parallel_loop3A_885, %parallel_loop3A_893 : vector<16xi32>
      %parallel_loop3A_895 = vector.broadcast %parallel_loop3A_635 : i32 to vector<16xi32>
      %parallel_loop3A_896 = arith.addi %parallel_loop3A_862, %parallel_loop3A_895 : vector<16xi32>
      %parallel_loop3A_897 = arith.constant 0 : i32
      %parallel_loop3A_898 = arith.constant 2 : i32
      %parallel_loop3A_899 = arith.addi %parallel_loop3A_897, %parallel_loop3A_898 : i32
      %parallel_loop3A_900 = vector.broadcast %parallel_loop3A_899 : i32 to vector<16xi32>
      %parallel_loop3A_901 = arith.addi %parallel_loop3A_886, %parallel_loop3A_900 : vector<16xi32>
      %parallel_loop3A_902 = vector.broadcast %parallel_loop3A_635 : i32 to vector<16xi32>
      %parallel_loop3A_903 = arith.addi %parallel_loop3A_863, %parallel_loop3A_902 : vector<16xi32>
      %parallel_loop3A_904 = arith.constant 0 : i32
      %parallel_loop3A_905 = arith.constant 2 : i32
      %parallel_loop3A_906 = arith.addi %parallel_loop3A_904, %parallel_loop3A_905 : i32
      %parallel_loop3A_907 = vector.broadcast %parallel_loop3A_906 : i32 to vector<16xi32>
      %parallel_loop3A_908 = arith.addi %parallel_loop3A_887, %parallel_loop3A_907 : vector<16xi32>
      %parallel_loop3A_909 = arith.addi %parallel_loop3A_889, %parallel_loop3A_894 : vector<16xi32>
      %parallel_loop3A_910 = arith.addi %parallel_loop3A_896, %parallel_loop3A_901 : vector<16xi32>
      %parallel_loop3A_911 = arith.addi %parallel_loop3A_903, %parallel_loop3A_908 : vector<16xi32>
      %parallel_loop3A_912 = arith.constant 13 : i32
      %parallel_loop3A_913 = vector.broadcast %parallel_loop3A_912 : i32 to vector<16xi32>
      %parallel_loop3A_914 = arith.shli %parallel_loop3A_894, %parallel_loop3A_913 : vector<16xi32>
      %parallel_loop3A_915 = arith.constant 19 : i32
      %parallel_loop3A_916 = vector.broadcast %parallel_loop3A_915 : i32 to vector<16xi32>
      %parallel_loop3A_917 = arith.shrui %parallel_loop3A_894, %parallel_loop3A_916 : vector<16xi32>
      %parallel_loop3A_918 = arith.ori %parallel_loop3A_914, %parallel_loop3A_917 : vector<16xi32>
      %parallel_loop3A_919 = arith.constant 13 : i32
      %parallel_loop3A_920 = vector.broadcast %parallel_loop3A_919 : i32 to vector<16xi32>
      %parallel_loop3A_921 = arith.shli %parallel_loop3A_901, %parallel_loop3A_920 : vector<16xi32>
      %parallel_loop3A_922 = arith.constant 19 : i32
      %parallel_loop3A_923 = vector.broadcast %parallel_loop3A_922 : i32 to vector<16xi32>
      %parallel_loop3A_924 = arith.shrui %parallel_loop3A_901, %parallel_loop3A_923 : vector<16xi32>
      %parallel_loop3A_925 = arith.ori %parallel_loop3A_921, %parallel_loop3A_924 : vector<16xi32>
      %parallel_loop3A_926 = arith.constant 13 : i32
      %parallel_loop3A_927 = vector.broadcast %parallel_loop3A_926 : i32 to vector<16xi32>
      %parallel_loop3A_928 = arith.shli %parallel_loop3A_908, %parallel_loop3A_927 : vector<16xi32>
      %parallel_loop3A_929 = arith.constant 19 : i32
      %parallel_loop3A_930 = vector.broadcast %parallel_loop3A_929 : i32 to vector<16xi32>
      %parallel_loop3A_931 = arith.shrui %parallel_loop3A_908, %parallel_loop3A_930 : vector<16xi32>
      %parallel_loop3A_932 = arith.ori %parallel_loop3A_928, %parallel_loop3A_931 : vector<16xi32>
      %parallel_loop3A_933 = arith.xori %parallel_loop3A_909, %parallel_loop3A_918 : vector<16xi32>
      %parallel_loop3A_934 = arith.xori %parallel_loop3A_910, %parallel_loop3A_925 : vector<16xi32>
      %parallel_loop3A_935 = arith.xori %parallel_loop3A_911, %parallel_loop3A_932 : vector<16xi32>
      %parallel_loop3A_936 = arith.addi %parallel_loop3A_909, %parallel_loop3A_933 : vector<16xi32>
      %parallel_loop3A_937 = arith.addi %parallel_loop3A_910, %parallel_loop3A_934 : vector<16xi32>
      %parallel_loop3A_938 = arith.addi %parallel_loop3A_911, %parallel_loop3A_935 : vector<16xi32>
      %parallel_loop3A_939 = arith.constant 15 : i32
      %parallel_loop3A_940 = vector.broadcast %parallel_loop3A_939 : i32 to vector<16xi32>
      %parallel_loop3A_941 = arith.shli %parallel_loop3A_933, %parallel_loop3A_940 : vector<16xi32>
      %parallel_loop3A_942 = arith.constant 17 : i32
      %parallel_loop3A_943 = vector.broadcast %parallel_loop3A_942 : i32 to vector<16xi32>
      %parallel_loop3A_944 = arith.shrui %parallel_loop3A_933, %parallel_loop3A_943 : vector<16xi32>
      %parallel_loop3A_945 = arith.ori %parallel_loop3A_941, %parallel_loop3A_944 : vector<16xi32>
      %parallel_loop3A_946 = arith.constant 15 : i32
      %parallel_loop3A_947 = vector.broadcast %parallel_loop3A_946 : i32 to vector<16xi32>
      %parallel_loop3A_948 = arith.shli %parallel_loop3A_934, %parallel_loop3A_947 : vector<16xi32>
      %parallel_loop3A_949 = arith.constant 17 : i32
      %parallel_loop3A_950 = vector.broadcast %parallel_loop3A_949 : i32 to vector<16xi32>
      %parallel_loop3A_951 = arith.shrui %parallel_loop3A_934, %parallel_loop3A_950 : vector<16xi32>
      %parallel_loop3A_952 = arith.ori %parallel_loop3A_948, %parallel_loop3A_951 : vector<16xi32>
      %parallel_loop3A_953 = arith.constant 15 : i32
      %parallel_loop3A_954 = vector.broadcast %parallel_loop3A_953 : i32 to vector<16xi32>
      %parallel_loop3A_955 = arith.shli %parallel_loop3A_935, %parallel_loop3A_954 : vector<16xi32>
      %parallel_loop3A_956 = arith.constant 17 : i32
      %parallel_loop3A_957 = vector.broadcast %parallel_loop3A_956 : i32 to vector<16xi32>
      %parallel_loop3A_958 = arith.shrui %parallel_loop3A_935, %parallel_loop3A_957 : vector<16xi32>
      %parallel_loop3A_959 = arith.ori %parallel_loop3A_955, %parallel_loop3A_958 : vector<16xi32>
      %parallel_loop3A_960 = arith.xori %parallel_loop3A_936, %parallel_loop3A_945 : vector<16xi32>
      %parallel_loop3A_961 = arith.xori %parallel_loop3A_937, %parallel_loop3A_952 : vector<16xi32>
      %parallel_loop3A_962 = arith.xori %parallel_loop3A_938, %parallel_loop3A_959 : vector<16xi32>
      %parallel_loop3A_963 = arith.addi %parallel_loop3A_936, %parallel_loop3A_960 : vector<16xi32>
      %parallel_loop3A_964 = arith.addi %parallel_loop3A_937, %parallel_loop3A_961 : vector<16xi32>
      %parallel_loop3A_965 = arith.addi %parallel_loop3A_938, %parallel_loop3A_962 : vector<16xi32>
      %parallel_loop3A_966 = arith.constant 26 : i32
      %parallel_loop3A_967 = vector.broadcast %parallel_loop3A_966 : i32 to vector<16xi32>
      %parallel_loop3A_968 = arith.shli %parallel_loop3A_960, %parallel_loop3A_967 : vector<16xi32>
      %parallel_loop3A_969 = arith.constant 6 : i32
      %parallel_loop3A_970 = vector.broadcast %parallel_loop3A_969 : i32 to vector<16xi32>
      %parallel_loop3A_971 = arith.shrui %parallel_loop3A_960, %parallel_loop3A_970 : vector<16xi32>
      %parallel_loop3A_972 = arith.ori %parallel_loop3A_968, %parallel_loop3A_971 : vector<16xi32>
      %parallel_loop3A_973 = arith.constant 26 : i32
      %parallel_loop3A_974 = vector.broadcast %parallel_loop3A_973 : i32 to vector<16xi32>
      %parallel_loop3A_975 = arith.shli %parallel_loop3A_961, %parallel_loop3A_974 : vector<16xi32>
      %parallel_loop3A_976 = arith.constant 6 : i32
      %parallel_loop3A_977 = vector.broadcast %parallel_loop3A_976 : i32 to vector<16xi32>
      %parallel_loop3A_978 = arith.shrui %parallel_loop3A_961, %parallel_loop3A_977 : vector<16xi32>
      %parallel_loop3A_979 = arith.ori %parallel_loop3A_975, %parallel_loop3A_978 : vector<16xi32>
      %parallel_loop3A_980 = arith.constant 26 : i32
      %parallel_loop3A_981 = vector.broadcast %parallel_loop3A_980 : i32 to vector<16xi32>
      %parallel_loop3A_982 = arith.shli %parallel_loop3A_962, %parallel_loop3A_981 : vector<16xi32>
      %parallel_loop3A_983 = arith.constant 6 : i32
      %parallel_loop3A_984 = vector.broadcast %parallel_loop3A_983 : i32 to vector<16xi32>
      %parallel_loop3A_985 = arith.shrui %parallel_loop3A_962, %parallel_loop3A_984 : vector<16xi32>
      %parallel_loop3A_986 = arith.ori %parallel_loop3A_982, %parallel_loop3A_985 : vector<16xi32>
      %parallel_loop3A_987 = arith.xori %parallel_loop3A_963, %parallel_loop3A_972 : vector<16xi32>
      %parallel_loop3A_988 = arith.xori %parallel_loop3A_964, %parallel_loop3A_979 : vector<16xi32>
      %parallel_loop3A_989 = arith.xori %parallel_loop3A_965, %parallel_loop3A_986 : vector<16xi32>
      %parallel_loop3A_990 = arith.addi %parallel_loop3A_963, %parallel_loop3A_987 : vector<16xi32>
      %parallel_loop3A_991 = arith.addi %parallel_loop3A_964, %parallel_loop3A_988 : vector<16xi32>
      %parallel_loop3A_992 = arith.addi %parallel_loop3A_965, %parallel_loop3A_989 : vector<16xi32>
      %parallel_loop3A_993 = arith.constant 6 : i32
      %parallel_loop3A_994 = vector.broadcast %parallel_loop3A_993 : i32 to vector<16xi32>
      %parallel_loop3A_995 = arith.shli %parallel_loop3A_987, %parallel_loop3A_994 : vector<16xi32>
      %parallel_loop3A_996 = arith.constant 26 : i32
      %parallel_loop3A_997 = vector.broadcast %parallel_loop3A_996 : i32 to vector<16xi32>
      %parallel_loop3A_998 = arith.shrui %parallel_loop3A_987, %parallel_loop3A_997 : vector<16xi32>
      %parallel_loop3A_999 = arith.ori %parallel_loop3A_995, %parallel_loop3A_998 : vector<16xi32>
      %parallel_loop3A_1000 = arith.constant 6 : i32
      %parallel_loop3A_1001 = vector.broadcast %parallel_loop3A_1000 : i32 to vector<16xi32>
      %parallel_loop3A_1002 = arith.shli %parallel_loop3A_988, %parallel_loop3A_1001 : vector<16xi32>
      %parallel_loop3A_1003 = arith.constant 26 : i32
      %parallel_loop3A_1004 = vector.broadcast %parallel_loop3A_1003 : i32 to vector<16xi32>
      %parallel_loop3A_1005 = arith.shrui %parallel_loop3A_988, %parallel_loop3A_1004 : vector<16xi32>
      %parallel_loop3A_1006 = arith.ori %parallel_loop3A_1002, %parallel_loop3A_1005 : vector<16xi32>
      %parallel_loop3A_1007 = arith.constant 6 : i32
      %parallel_loop3A_1008 = vector.broadcast %parallel_loop3A_1007 : i32 to vector<16xi32>
      %parallel_loop3A_1009 = arith.shli %parallel_loop3A_989, %parallel_loop3A_1008 : vector<16xi32>
      %parallel_loop3A_1010 = arith.constant 26 : i32
      %parallel_loop3A_1011 = vector.broadcast %parallel_loop3A_1010 : i32 to vector<16xi32>
      %parallel_loop3A_1012 = arith.shrui %parallel_loop3A_989, %parallel_loop3A_1011 : vector<16xi32>
      %parallel_loop3A_1013 = arith.ori %parallel_loop3A_1009, %parallel_loop3A_1012 : vector<16xi32>
      %parallel_loop3A_1014 = arith.xori %parallel_loop3A_990, %parallel_loop3A_999 : vector<16xi32>
      %parallel_loop3A_1015 = arith.xori %parallel_loop3A_991, %parallel_loop3A_1006 : vector<16xi32>
      %parallel_loop3A_1016 = arith.xori %parallel_loop3A_992, %parallel_loop3A_1013 : vector<16xi32>
      %parallel_loop3A_1017 = arith.constant 0 : i32
      %parallel_loop3A_1018 = vector.broadcast %parallel_loop3A_1017 : i32 to vector<16xi32>
      %parallel_loop3A_1019 = arith.addi %parallel_loop3A_990, %parallel_loop3A_1018 : vector<16xi32>
      %parallel_loop3A_1020 = arith.constant 42 : i32
      %parallel_loop3A_1021 = arith.constant 3 : i32
      %parallel_loop3A_1022 = arith.addi %parallel_loop3A_1020, %parallel_loop3A_1021 : i32
      %parallel_loop3A_1023 = vector.broadcast %parallel_loop3A_1022 : i32 to vector<16xi32>
      %parallel_loop3A_1024 = arith.addi %parallel_loop3A_1014, %parallel_loop3A_1023 : vector<16xi32>
      %parallel_loop3A_1025 = arith.constant 0 : i32
      %parallel_loop3A_1026 = vector.broadcast %parallel_loop3A_1025 : i32 to vector<16xi32>
      %parallel_loop3A_1027 = arith.addi %parallel_loop3A_991, %parallel_loop3A_1026 : vector<16xi32>
      %parallel_loop3A_1028 = arith.constant 42 : i32
      %parallel_loop3A_1029 = arith.constant 3 : i32
      %parallel_loop3A_1030 = arith.addi %parallel_loop3A_1028, %parallel_loop3A_1029 : i32
      %parallel_loop3A_1031 = vector.broadcast %parallel_loop3A_1030 : i32 to vector<16xi32>
      %parallel_loop3A_1032 = arith.addi %parallel_loop3A_1015, %parallel_loop3A_1031 : vector<16xi32>
      %parallel_loop3A_1033 = arith.constant 0 : i32
      %parallel_loop3A_1034 = vector.broadcast %parallel_loop3A_1033 : i32 to vector<16xi32>
      %parallel_loop3A_1035 = arith.addi %parallel_loop3A_992, %parallel_loop3A_1034 : vector<16xi32>
      %parallel_loop3A_1036 = arith.constant 42 : i32
      %parallel_loop3A_1037 = arith.constant 3 : i32
      %parallel_loop3A_1038 = arith.addi %parallel_loop3A_1036, %parallel_loop3A_1037 : i32
      %parallel_loop3A_1039 = vector.broadcast %parallel_loop3A_1038 : i32 to vector<16xi32>
      %parallel_loop3A_1040 = arith.addi %parallel_loop3A_1016, %parallel_loop3A_1039 : vector<16xi32>
      %parallel_loop3A_1041 = arith.addi %parallel_loop3A_1019, %parallel_loop3A_1024 : vector<16xi32>
      %parallel_loop3A_1042 = arith.addi %parallel_loop3A_1027, %parallel_loop3A_1032 : vector<16xi32>
      %parallel_loop3A_1043 = arith.addi %parallel_loop3A_1035, %parallel_loop3A_1040 : vector<16xi32>
      %parallel_loop3A_1044 = arith.constant 17 : i32
      %parallel_loop3A_1045 = vector.broadcast %parallel_loop3A_1044 : i32 to vector<16xi32>
      %parallel_loop3A_1046 = arith.shli %parallel_loop3A_1024, %parallel_loop3A_1045 : vector<16xi32>
      %parallel_loop3A_1047 = arith.constant 15 : i32
      %parallel_loop3A_1048 = vector.broadcast %parallel_loop3A_1047 : i32 to vector<16xi32>
      %parallel_loop3A_1049 = arith.shrui %parallel_loop3A_1024, %parallel_loop3A_1048 : vector<16xi32>
      %parallel_loop3A_1050 = arith.ori %parallel_loop3A_1046, %parallel_loop3A_1049 : vector<16xi32>
      %parallel_loop3A_1051 = arith.constant 17 : i32
      %parallel_loop3A_1052 = vector.broadcast %parallel_loop3A_1051 : i32 to vector<16xi32>
      %parallel_loop3A_1053 = arith.shli %parallel_loop3A_1032, %parallel_loop3A_1052 : vector<16xi32>
      %parallel_loop3A_1054 = arith.constant 15 : i32
      %parallel_loop3A_1055 = vector.broadcast %parallel_loop3A_1054 : i32 to vector<16xi32>
      %parallel_loop3A_1056 = arith.shrui %parallel_loop3A_1032, %parallel_loop3A_1055 : vector<16xi32>
      %parallel_loop3A_1057 = arith.ori %parallel_loop3A_1053, %parallel_loop3A_1056 : vector<16xi32>
      %parallel_loop3A_1058 = arith.constant 17 : i32
      %parallel_loop3A_1059 = vector.broadcast %parallel_loop3A_1058 : i32 to vector<16xi32>
      %parallel_loop3A_1060 = arith.shli %parallel_loop3A_1040, %parallel_loop3A_1059 : vector<16xi32>
      %parallel_loop3A_1061 = arith.constant 15 : i32
      %parallel_loop3A_1062 = vector.broadcast %parallel_loop3A_1061 : i32 to vector<16xi32>
      %parallel_loop3A_1063 = arith.shrui %parallel_loop3A_1040, %parallel_loop3A_1062 : vector<16xi32>
      %parallel_loop3A_1064 = arith.ori %parallel_loop3A_1060, %parallel_loop3A_1063 : vector<16xi32>
      %parallel_loop3A_1065 = arith.xori %parallel_loop3A_1041, %parallel_loop3A_1050 : vector<16xi32>
      %parallel_loop3A_1066 = arith.xori %parallel_loop3A_1042, %parallel_loop3A_1057 : vector<16xi32>
      %parallel_loop3A_1067 = arith.xori %parallel_loop3A_1043, %parallel_loop3A_1064 : vector<16xi32>
      %parallel_loop3A_1068 = arith.addi %parallel_loop3A_1041, %parallel_loop3A_1065 : vector<16xi32>
      %parallel_loop3A_1069 = arith.addi %parallel_loop3A_1042, %parallel_loop3A_1066 : vector<16xi32>
      %parallel_loop3A_1070 = arith.addi %parallel_loop3A_1043, %parallel_loop3A_1067 : vector<16xi32>
      %parallel_loop3A_1071 = arith.constant 29 : i32
      %parallel_loop3A_1072 = vector.broadcast %parallel_loop3A_1071 : i32 to vector<16xi32>
      %parallel_loop3A_1073 = arith.shli %parallel_loop3A_1065, %parallel_loop3A_1072 : vector<16xi32>
      %parallel_loop3A_1074 = arith.constant 3 : i32
      %parallel_loop3A_1075 = vector.broadcast %parallel_loop3A_1074 : i32 to vector<16xi32>
      %parallel_loop3A_1076 = arith.shrui %parallel_loop3A_1065, %parallel_loop3A_1075 : vector<16xi32>
      %parallel_loop3A_1077 = arith.ori %parallel_loop3A_1073, %parallel_loop3A_1076 : vector<16xi32>
      %parallel_loop3A_1078 = arith.constant 29 : i32
      %parallel_loop3A_1079 = vector.broadcast %parallel_loop3A_1078 : i32 to vector<16xi32>
      %parallel_loop3A_1080 = arith.shli %parallel_loop3A_1066, %parallel_loop3A_1079 : vector<16xi32>
      %parallel_loop3A_1081 = arith.constant 3 : i32
      %parallel_loop3A_1082 = vector.broadcast %parallel_loop3A_1081 : i32 to vector<16xi32>
      %parallel_loop3A_1083 = arith.shrui %parallel_loop3A_1066, %parallel_loop3A_1082 : vector<16xi32>
      %parallel_loop3A_1084 = arith.ori %parallel_loop3A_1080, %parallel_loop3A_1083 : vector<16xi32>
      %parallel_loop3A_1085 = arith.constant 29 : i32
      %parallel_loop3A_1086 = vector.broadcast %parallel_loop3A_1085 : i32 to vector<16xi32>
      %parallel_loop3A_1087 = arith.shli %parallel_loop3A_1067, %parallel_loop3A_1086 : vector<16xi32>
      %parallel_loop3A_1088 = arith.constant 3 : i32
      %parallel_loop3A_1089 = vector.broadcast %parallel_loop3A_1088 : i32 to vector<16xi32>
      %parallel_loop3A_1090 = arith.shrui %parallel_loop3A_1067, %parallel_loop3A_1089 : vector<16xi32>
      %parallel_loop3A_1091 = arith.ori %parallel_loop3A_1087, %parallel_loop3A_1090 : vector<16xi32>
      %parallel_loop3A_1092 = arith.xori %parallel_loop3A_1068, %parallel_loop3A_1077 : vector<16xi32>
      %parallel_loop3A_1093 = arith.xori %parallel_loop3A_1069, %parallel_loop3A_1084 : vector<16xi32>
      %parallel_loop3A_1094 = arith.xori %parallel_loop3A_1070, %parallel_loop3A_1091 : vector<16xi32>
      %parallel_loop3A_1095 = arith.addi %parallel_loop3A_1068, %parallel_loop3A_1092 : vector<16xi32>
      %parallel_loop3A_1096 = arith.addi %parallel_loop3A_1069, %parallel_loop3A_1093 : vector<16xi32>
      %parallel_loop3A_1097 = arith.addi %parallel_loop3A_1070, %parallel_loop3A_1094 : vector<16xi32>
      %parallel_loop3A_1098 = arith.constant 16 : i32
      %parallel_loop3A_1099 = vector.broadcast %parallel_loop3A_1098 : i32 to vector<16xi32>
      %parallel_loop3A_1100 = arith.shli %parallel_loop3A_1092, %parallel_loop3A_1099 : vector<16xi32>
      %parallel_loop3A_1101 = arith.constant 16 : i32
      %parallel_loop3A_1102 = vector.broadcast %parallel_loop3A_1101 : i32 to vector<16xi32>
      %parallel_loop3A_1103 = arith.shrui %parallel_loop3A_1092, %parallel_loop3A_1102 : vector<16xi32>
      %parallel_loop3A_1104 = arith.ori %parallel_loop3A_1100, %parallel_loop3A_1103 : vector<16xi32>
      %parallel_loop3A_1105 = arith.constant 16 : i32
      %parallel_loop3A_1106 = vector.broadcast %parallel_loop3A_1105 : i32 to vector<16xi32>
      %parallel_loop3A_1107 = arith.shli %parallel_loop3A_1093, %parallel_loop3A_1106 : vector<16xi32>
      %parallel_loop3A_1108 = arith.constant 16 : i32
      %parallel_loop3A_1109 = vector.broadcast %parallel_loop3A_1108 : i32 to vector<16xi32>
      %parallel_loop3A_1110 = arith.shrui %parallel_loop3A_1093, %parallel_loop3A_1109 : vector<16xi32>
      %parallel_loop3A_1111 = arith.ori %parallel_loop3A_1107, %parallel_loop3A_1110 : vector<16xi32>
      %parallel_loop3A_1112 = arith.constant 16 : i32
      %parallel_loop3A_1113 = vector.broadcast %parallel_loop3A_1112 : i32 to vector<16xi32>
      %parallel_loop3A_1114 = arith.shli %parallel_loop3A_1094, %parallel_loop3A_1113 : vector<16xi32>
      %parallel_loop3A_1115 = arith.constant 16 : i32
      %parallel_loop3A_1116 = vector.broadcast %parallel_loop3A_1115 : i32 to vector<16xi32>
      %parallel_loop3A_1117 = arith.shrui %parallel_loop3A_1094, %parallel_loop3A_1116 : vector<16xi32>
      %parallel_loop3A_1118 = arith.ori %parallel_loop3A_1114, %parallel_loop3A_1117 : vector<16xi32>
      %parallel_loop3A_1119 = arith.xori %parallel_loop3A_1095, %parallel_loop3A_1104 : vector<16xi32>
      %parallel_loop3A_1120 = arith.xori %parallel_loop3A_1096, %parallel_loop3A_1111 : vector<16xi32>
      %parallel_loop3A_1121 = arith.xori %parallel_loop3A_1097, %parallel_loop3A_1118 : vector<16xi32>
      %parallel_loop3A_1122 = arith.addi %parallel_loop3A_1095, %parallel_loop3A_1119 : vector<16xi32>
      %parallel_loop3A_1123 = arith.addi %parallel_loop3A_1096, %parallel_loop3A_1120 : vector<16xi32>
      %parallel_loop3A_1124 = arith.addi %parallel_loop3A_1097, %parallel_loop3A_1121 : vector<16xi32>
      %parallel_loop3A_1125 = arith.constant 24 : i32
      %parallel_loop3A_1126 = vector.broadcast %parallel_loop3A_1125 : i32 to vector<16xi32>
      %parallel_loop3A_1127 = arith.shli %parallel_loop3A_1119, %parallel_loop3A_1126 : vector<16xi32>
      %parallel_loop3A_1128 = arith.constant 8 : i32
      %parallel_loop3A_1129 = vector.broadcast %parallel_loop3A_1128 : i32 to vector<16xi32>
      %parallel_loop3A_1130 = arith.shrui %parallel_loop3A_1119, %parallel_loop3A_1129 : vector<16xi32>
      %parallel_loop3A_1131 = arith.ori %parallel_loop3A_1127, %parallel_loop3A_1130 : vector<16xi32>
      %parallel_loop3A_1132 = arith.constant 24 : i32
      %parallel_loop3A_1133 = vector.broadcast %parallel_loop3A_1132 : i32 to vector<16xi32>
      %parallel_loop3A_1134 = arith.shli %parallel_loop3A_1120, %parallel_loop3A_1133 : vector<16xi32>
      %parallel_loop3A_1135 = arith.constant 8 : i32
      %parallel_loop3A_1136 = vector.broadcast %parallel_loop3A_1135 : i32 to vector<16xi32>
      %parallel_loop3A_1137 = arith.shrui %parallel_loop3A_1120, %parallel_loop3A_1136 : vector<16xi32>
      %parallel_loop3A_1138 = arith.ori %parallel_loop3A_1134, %parallel_loop3A_1137 : vector<16xi32>
      %parallel_loop3A_1139 = arith.constant 24 : i32
      %parallel_loop3A_1140 = vector.broadcast %parallel_loop3A_1139 : i32 to vector<16xi32>
      %parallel_loop3A_1141 = arith.shli %parallel_loop3A_1121, %parallel_loop3A_1140 : vector<16xi32>
      %parallel_loop3A_1142 = arith.constant 8 : i32
      %parallel_loop3A_1143 = vector.broadcast %parallel_loop3A_1142 : i32 to vector<16xi32>
      %parallel_loop3A_1144 = arith.shrui %parallel_loop3A_1121, %parallel_loop3A_1143 : vector<16xi32>
      %parallel_loop3A_1145 = arith.ori %parallel_loop3A_1141, %parallel_loop3A_1144 : vector<16xi32>
      %parallel_loop3A_1146 = arith.xori %parallel_loop3A_1122, %parallel_loop3A_1131 : vector<16xi32>
      %parallel_loop3A_1147 = arith.xori %parallel_loop3A_1123, %parallel_loop3A_1138 : vector<16xi32>
      %parallel_loop3A_1148 = arith.xori %parallel_loop3A_1124, %parallel_loop3A_1145 : vector<16xi32>
      %parallel_loop3A_1149 = arith.constant 42 : i32
      %parallel_loop3A_1150 = vector.broadcast %parallel_loop3A_1149 : i32 to vector<16xi32>
      %parallel_loop3A_1151 = arith.addi %parallel_loop3A_1122, %parallel_loop3A_1150 : vector<16xi32>
      %parallel_loop3A_1152 = arith.constant 4 : i32
      %parallel_loop3A_1153 = arith.addi %parallel_loop3A_635, %parallel_loop3A_1152 : i32
      %parallel_loop3A_1154 = vector.broadcast %parallel_loop3A_1153 : i32 to vector<16xi32>
      %parallel_loop3A_1155 = arith.addi %parallel_loop3A_1146, %parallel_loop3A_1154 : vector<16xi32>
      %parallel_loop3A_1156 = arith.constant 42 : i32
      %parallel_loop3A_1157 = vector.broadcast %parallel_loop3A_1156 : i32 to vector<16xi32>
      %parallel_loop3A_1158 = arith.addi %parallel_loop3A_1123, %parallel_loop3A_1157 : vector<16xi32>
      %parallel_loop3A_1159 = arith.constant 4 : i32
      %parallel_loop3A_1160 = arith.addi %parallel_loop3A_635, %parallel_loop3A_1159 : i32
      %parallel_loop3A_1161 = vector.broadcast %parallel_loop3A_1160 : i32 to vector<16xi32>
      %parallel_loop3A_1162 = arith.addi %parallel_loop3A_1147, %parallel_loop3A_1161 : vector<16xi32>
      %parallel_loop3A_1163 = arith.constant 42 : i32
      %parallel_loop3A_1164 = vector.broadcast %parallel_loop3A_1163 : i32 to vector<16xi32>
      %parallel_loop3A_1165 = arith.addi %parallel_loop3A_1124, %parallel_loop3A_1164 : vector<16xi32>
      %parallel_loop3A_1166 = arith.constant 4 : i32
      %parallel_loop3A_1167 = arith.addi %parallel_loop3A_635, %parallel_loop3A_1166 : i32
      %parallel_loop3A_1168 = vector.broadcast %parallel_loop3A_1167 : i32 to vector<16xi32>
      %parallel_loop3A_1169 = arith.addi %parallel_loop3A_1148, %parallel_loop3A_1168 : vector<16xi32>
      %parallel_loop3A_1170 = arith.addi %parallel_loop3A_1151, %parallel_loop3A_1155 : vector<16xi32>
      %parallel_loop3A_1171 = arith.addi %parallel_loop3A_1158, %parallel_loop3A_1162 : vector<16xi32>
      %parallel_loop3A_1172 = arith.addi %parallel_loop3A_1165, %parallel_loop3A_1169 : vector<16xi32>
      %parallel_loop3A_1173 = arith.constant 13 : i32
      %parallel_loop3A_1174 = vector.broadcast %parallel_loop3A_1173 : i32 to vector<16xi32>
      %parallel_loop3A_1175 = arith.shli %parallel_loop3A_1155, %parallel_loop3A_1174 : vector<16xi32>
      %parallel_loop3A_1176 = arith.constant 19 : i32
      %parallel_loop3A_1177 = vector.broadcast %parallel_loop3A_1176 : i32 to vector<16xi32>
      %parallel_loop3A_1178 = arith.shrui %parallel_loop3A_1155, %parallel_loop3A_1177 : vector<16xi32>
      %parallel_loop3A_1179 = arith.ori %parallel_loop3A_1175, %parallel_loop3A_1178 : vector<16xi32>
      %parallel_loop3A_1180 = arith.constant 13 : i32
      %parallel_loop3A_1181 = vector.broadcast %parallel_loop3A_1180 : i32 to vector<16xi32>
      %parallel_loop3A_1182 = arith.shli %parallel_loop3A_1162, %parallel_loop3A_1181 : vector<16xi32>
      %parallel_loop3A_1183 = arith.constant 19 : i32
      %parallel_loop3A_1184 = vector.broadcast %parallel_loop3A_1183 : i32 to vector<16xi32>
      %parallel_loop3A_1185 = arith.shrui %parallel_loop3A_1162, %parallel_loop3A_1184 : vector<16xi32>
      %parallel_loop3A_1186 = arith.ori %parallel_loop3A_1182, %parallel_loop3A_1185 : vector<16xi32>
      %parallel_loop3A_1187 = arith.constant 13 : i32
      %parallel_loop3A_1188 = vector.broadcast %parallel_loop3A_1187 : i32 to vector<16xi32>
      %parallel_loop3A_1189 = arith.shli %parallel_loop3A_1169, %parallel_loop3A_1188 : vector<16xi32>
      %parallel_loop3A_1190 = arith.constant 19 : i32
      %parallel_loop3A_1191 = vector.broadcast %parallel_loop3A_1190 : i32 to vector<16xi32>
      %parallel_loop3A_1192 = arith.shrui %parallel_loop3A_1169, %parallel_loop3A_1191 : vector<16xi32>
      %parallel_loop3A_1193 = arith.ori %parallel_loop3A_1189, %parallel_loop3A_1192 : vector<16xi32>
      %parallel_loop3A_1194 = arith.xori %parallel_loop3A_1170, %parallel_loop3A_1179 : vector<16xi32>
      %parallel_loop3A_1195 = arith.xori %parallel_loop3A_1171, %parallel_loop3A_1186 : vector<16xi32>
      %parallel_loop3A_1196 = arith.xori %parallel_loop3A_1172, %parallel_loop3A_1193 : vector<16xi32>
      %parallel_loop3A_1197 = arith.addi %parallel_loop3A_1170, %parallel_loop3A_1194 : vector<16xi32>
      %parallel_loop3A_1198 = arith.addi %parallel_loop3A_1171, %parallel_loop3A_1195 : vector<16xi32>
      %parallel_loop3A_1199 = arith.addi %parallel_loop3A_1172, %parallel_loop3A_1196 : vector<16xi32>
      %parallel_loop3A_1200 = arith.constant 15 : i32
      %parallel_loop3A_1201 = vector.broadcast %parallel_loop3A_1200 : i32 to vector<16xi32>
      %parallel_loop3A_1202 = arith.shli %parallel_loop3A_1194, %parallel_loop3A_1201 : vector<16xi32>
      %parallel_loop3A_1203 = arith.constant 17 : i32
      %parallel_loop3A_1204 = vector.broadcast %parallel_loop3A_1203 : i32 to vector<16xi32>
      %parallel_loop3A_1205 = arith.shrui %parallel_loop3A_1194, %parallel_loop3A_1204 : vector<16xi32>
      %parallel_loop3A_1206 = arith.ori %parallel_loop3A_1202, %parallel_loop3A_1205 : vector<16xi32>
      %parallel_loop3A_1207 = arith.constant 15 : i32
      %parallel_loop3A_1208 = vector.broadcast %parallel_loop3A_1207 : i32 to vector<16xi32>
      %parallel_loop3A_1209 = arith.shli %parallel_loop3A_1195, %parallel_loop3A_1208 : vector<16xi32>
      %parallel_loop3A_1210 = arith.constant 17 : i32
      %parallel_loop3A_1211 = vector.broadcast %parallel_loop3A_1210 : i32 to vector<16xi32>
      %parallel_loop3A_1212 = arith.shrui %parallel_loop3A_1195, %parallel_loop3A_1211 : vector<16xi32>
      %parallel_loop3A_1213 = arith.ori %parallel_loop3A_1209, %parallel_loop3A_1212 : vector<16xi32>
      %parallel_loop3A_1214 = arith.constant 15 : i32
      %parallel_loop3A_1215 = vector.broadcast %parallel_loop3A_1214 : i32 to vector<16xi32>
      %parallel_loop3A_1216 = arith.shli %parallel_loop3A_1196, %parallel_loop3A_1215 : vector<16xi32>
      %parallel_loop3A_1217 = arith.constant 17 : i32
      %parallel_loop3A_1218 = vector.broadcast %parallel_loop3A_1217 : i32 to vector<16xi32>
      %parallel_loop3A_1219 = arith.shrui %parallel_loop3A_1196, %parallel_loop3A_1218 : vector<16xi32>
      %parallel_loop3A_1220 = arith.ori %parallel_loop3A_1216, %parallel_loop3A_1219 : vector<16xi32>
      %parallel_loop3A_1221 = arith.xori %parallel_loop3A_1197, %parallel_loop3A_1206 : vector<16xi32>
      %parallel_loop3A_1222 = arith.xori %parallel_loop3A_1198, %parallel_loop3A_1213 : vector<16xi32>
      %parallel_loop3A_1223 = arith.xori %parallel_loop3A_1199, %parallel_loop3A_1220 : vector<16xi32>
      %parallel_loop3A_1224 = arith.addi %parallel_loop3A_1197, %parallel_loop3A_1221 : vector<16xi32>
      %parallel_loop3A_1225 = arith.addi %parallel_loop3A_1198, %parallel_loop3A_1222 : vector<16xi32>
      %parallel_loop3A_1226 = arith.addi %parallel_loop3A_1199, %parallel_loop3A_1223 : vector<16xi32>
      %parallel_loop3A_1227 = arith.constant 26 : i32
      %parallel_loop3A_1228 = vector.broadcast %parallel_loop3A_1227 : i32 to vector<16xi32>
      %parallel_loop3A_1229 = arith.shli %parallel_loop3A_1221, %parallel_loop3A_1228 : vector<16xi32>
      %parallel_loop3A_1230 = arith.constant 6 : i32
      %parallel_loop3A_1231 = vector.broadcast %parallel_loop3A_1230 : i32 to vector<16xi32>
      %parallel_loop3A_1232 = arith.shrui %parallel_loop3A_1221, %parallel_loop3A_1231 : vector<16xi32>
      %parallel_loop3A_1233 = arith.ori %parallel_loop3A_1229, %parallel_loop3A_1232 : vector<16xi32>
      %parallel_loop3A_1234 = arith.constant 26 : i32
      %parallel_loop3A_1235 = vector.broadcast %parallel_loop3A_1234 : i32 to vector<16xi32>
      %parallel_loop3A_1236 = arith.shli %parallel_loop3A_1222, %parallel_loop3A_1235 : vector<16xi32>
      %parallel_loop3A_1237 = arith.constant 6 : i32
      %parallel_loop3A_1238 = vector.broadcast %parallel_loop3A_1237 : i32 to vector<16xi32>
      %parallel_loop3A_1239 = arith.shrui %parallel_loop3A_1222, %parallel_loop3A_1238 : vector<16xi32>
      %parallel_loop3A_1240 = arith.ori %parallel_loop3A_1236, %parallel_loop3A_1239 : vector<16xi32>
      %parallel_loop3A_1241 = arith.constant 26 : i32
      %parallel_loop3A_1242 = vector.broadcast %parallel_loop3A_1241 : i32 to vector<16xi32>
      %parallel_loop3A_1243 = arith.shli %parallel_loop3A_1223, %parallel_loop3A_1242 : vector<16xi32>
      %parallel_loop3A_1244 = arith.constant 6 : i32
      %parallel_loop3A_1245 = vector.broadcast %parallel_loop3A_1244 : i32 to vector<16xi32>
      %parallel_loop3A_1246 = arith.shrui %parallel_loop3A_1223, %parallel_loop3A_1245 : vector<16xi32>
      %parallel_loop3A_1247 = arith.ori %parallel_loop3A_1243, %parallel_loop3A_1246 : vector<16xi32>
      %parallel_loop3A_1248 = arith.xori %parallel_loop3A_1224, %parallel_loop3A_1233 : vector<16xi32>
      %parallel_loop3A_1249 = arith.xori %parallel_loop3A_1225, %parallel_loop3A_1240 : vector<16xi32>
      %parallel_loop3A_1250 = arith.xori %parallel_loop3A_1226, %parallel_loop3A_1247 : vector<16xi32>
      %parallel_loop3A_1251 = arith.addi %parallel_loop3A_1224, %parallel_loop3A_1248 : vector<16xi32>
      %parallel_loop3A_1252 = arith.addi %parallel_loop3A_1225, %parallel_loop3A_1249 : vector<16xi32>
      %parallel_loop3A_1253 = arith.addi %parallel_loop3A_1226, %parallel_loop3A_1250 : vector<16xi32>
      %parallel_loop3A_1254 = arith.constant 6 : i32
      %parallel_loop3A_1255 = vector.broadcast %parallel_loop3A_1254 : i32 to vector<16xi32>
      %parallel_loop3A_1256 = arith.shli %parallel_loop3A_1248, %parallel_loop3A_1255 : vector<16xi32>
      %parallel_loop3A_1257 = arith.constant 26 : i32
      %parallel_loop3A_1258 = vector.broadcast %parallel_loop3A_1257 : i32 to vector<16xi32>
      %parallel_loop3A_1259 = arith.shrui %parallel_loop3A_1248, %parallel_loop3A_1258 : vector<16xi32>
      %parallel_loop3A_1260 = arith.ori %parallel_loop3A_1256, %parallel_loop3A_1259 : vector<16xi32>
      %parallel_loop3A_1261 = arith.constant 6 : i32
      %parallel_loop3A_1262 = vector.broadcast %parallel_loop3A_1261 : i32 to vector<16xi32>
      %parallel_loop3A_1263 = arith.shli %parallel_loop3A_1249, %parallel_loop3A_1262 : vector<16xi32>
      %parallel_loop3A_1264 = arith.constant 26 : i32
      %parallel_loop3A_1265 = vector.broadcast %parallel_loop3A_1264 : i32 to vector<16xi32>
      %parallel_loop3A_1266 = arith.shrui %parallel_loop3A_1249, %parallel_loop3A_1265 : vector<16xi32>
      %parallel_loop3A_1267 = arith.ori %parallel_loop3A_1263, %parallel_loop3A_1266 : vector<16xi32>
      %parallel_loop3A_1268 = arith.constant 6 : i32
      %parallel_loop3A_1269 = vector.broadcast %parallel_loop3A_1268 : i32 to vector<16xi32>
      %parallel_loop3A_1270 = arith.shli %parallel_loop3A_1250, %parallel_loop3A_1269 : vector<16xi32>
      %parallel_loop3A_1271 = arith.constant 26 : i32
      %parallel_loop3A_1272 = vector.broadcast %parallel_loop3A_1271 : i32 to vector<16xi32>
      %parallel_loop3A_1273 = arith.shrui %parallel_loop3A_1250, %parallel_loop3A_1272 : vector<16xi32>
      %parallel_loop3A_1274 = arith.ori %parallel_loop3A_1270, %parallel_loop3A_1273 : vector<16xi32>
      %parallel_loop3A_1275 = arith.xori %parallel_loop3A_1251, %parallel_loop3A_1260 : vector<16xi32>
      %parallel_loop3A_1276 = arith.xori %parallel_loop3A_1252, %parallel_loop3A_1267 : vector<16xi32>
      %parallel_loop3A_1277 = arith.xori %parallel_loop3A_1253, %parallel_loop3A_1274 : vector<16xi32>
      %parallel_loop3A_1278 = vector.broadcast %parallel_loop3A_635 : i32 to vector<16xi32>
      %parallel_loop3A_1279 = arith.addi %parallel_loop3A_1251, %parallel_loop3A_1278 : vector<16xi32>
      %parallel_loop3A_1280 = arith.constant 0 : i32
      %parallel_loop3A_1281 = arith.constant 5 : i32
      %parallel_loop3A_1282 = arith.addi %parallel_loop3A_1280, %parallel_loop3A_1281 : i32
      %parallel_loop3A_1283 = vector.broadcast %parallel_loop3A_1282 : i32 to vector<16xi32>
      %parallel_loop3A_1284 = arith.addi %parallel_loop3A_1275, %parallel_loop3A_1283 : vector<16xi32>
      %parallel_loop3A_1285 = vector.broadcast %parallel_loop3A_635 : i32 to vector<16xi32>
      %parallel_loop3A_1286 = arith.addi %parallel_loop3A_1252, %parallel_loop3A_1285 : vector<16xi32>
      %parallel_loop3A_1287 = arith.constant 0 : i32
      %parallel_loop3A_1288 = arith.constant 5 : i32
      %parallel_loop3A_1289 = arith.addi %parallel_loop3A_1287, %parallel_loop3A_1288 : i32
      %parallel_loop3A_1290 = vector.broadcast %parallel_loop3A_1289 : i32 to vector<16xi32>
      %parallel_loop3A_1291 = arith.addi %parallel_loop3A_1276, %parallel_loop3A_1290 : vector<16xi32>
      %parallel_loop3A_1292 = vector.broadcast %parallel_loop3A_635 : i32 to vector<16xi32>
      %parallel_loop3A_1293 = arith.addi %parallel_loop3A_1253, %parallel_loop3A_1292 : vector<16xi32>
      %parallel_loop3A_1294 = arith.constant 0 : i32
      %parallel_loop3A_1295 = arith.constant 5 : i32
      %parallel_loop3A_1296 = arith.addi %parallel_loop3A_1294, %parallel_loop3A_1295 : i32
      %parallel_loop3A_1297 = vector.broadcast %parallel_loop3A_1296 : i32 to vector<16xi32>
      %parallel_loop3A_1298 = arith.addi %parallel_loop3A_1277, %parallel_loop3A_1297 : vector<16xi32>
      %parallel_loop3A_1299 = arith.xori %parallel_loop3A_1279, %parallel_loop3A_1284 : vector<16xi32>
      %parallel_loop3A_1300 = arith.xori %parallel_loop3A_1286, %parallel_loop3A_1291 : vector<16xi32>
      %parallel_loop3A_1301 = arith.xori %parallel_loop3A_1293, %parallel_loop3A_1298 : vector<16xi32>
      %parallel_loop3A_1302 = arith.constant 9 : i32
      %parallel_loop3A_1303 = vector.broadcast %parallel_loop3A_1302 : i32 to vector<16xi32>
      %parallel_loop3A_1304 = arith.shrui %parallel_loop3A_1299, %parallel_loop3A_1303 : vector<16xi32>
      %parallel_loop3A_1305 = arith.constant 1065353216 : i32
      %parallel_loop3A_1306 = vector.broadcast %parallel_loop3A_1305 : i32 to vector<16xi32>
      %parallel_loop3A_1307 = arith.ori %parallel_loop3A_1304, %parallel_loop3A_1306 : vector<16xi32>
      %parallel_loop3A_1308 = tpu.bitcast %parallel_loop3A_1307 : vector<16xi32> -> vector<16xf32>
      %parallel_loop3A_1309 = arith.constant 1.000000e+00 : f32
      %parallel_loop3A_1310 = vector.broadcast %parallel_loop3A_1309 : f32 to vector<16xf32>
      %parallel_loop3A_1311 = arith.subf %parallel_loop3A_1308, %parallel_loop3A_1310 : vector<16xf32>
      %parallel_loop3A_1312 = arith.constant 1.17549435E-38 : f32
      %parallel_loop3A_1313 = vector.broadcast %parallel_loop3A_1312 : f32 to vector<16xf32>
      %parallel_loop3A_1314 = arith.addf %parallel_loop3A_1311, %parallel_loop3A_1313 : vector<16xf32>
      %parallel_loop3A_1315 = arith.constant 1.17549435E-38 : f32
      %parallel_loop3A_1316 = vector.broadcast %parallel_loop3A_1315 : f32 to vector<16xf32>
      %parallel_loop3A_1317 = arith.maximumf %parallel_loop3A_1316, %parallel_loop3A_1314 : vector<16xf32>
      %parallel_loop3A_1318 = tpu.bitcast %parallel_loop3A_1317 : vector<16xf32> -> vector<16xi32>
      %parallel_loop3A_1319 = arith.constant 23 : i32
      %parallel_loop3A_1320 = vector.broadcast %parallel_loop3A_1319 : i32 to vector<16xi32>
      %parallel_loop3A_1321 = arith.shrsi %parallel_loop3A_1318, %parallel_loop3A_1320 : vector<16xi32>
      %parallel_loop3A_1322 = arith.constant 127 : i32
      %parallel_loop3A_1323 = vector.broadcast %parallel_loop3A_1322 : i32 to vector<16xi32>
      %parallel_loop3A_1324 = arith.subi %parallel_loop3A_1321, %parallel_loop3A_1323 : vector<16xi32>
      %parallel_loop3A_1325 = arith.constant 8388607 : i32
      %parallel_loop3A_1326 = vector.broadcast %parallel_loop3A_1325 : i32 to vector<16xi32>
      %parallel_loop3A_1327 = arith.andi %parallel_loop3A_1318, %parallel_loop3A_1326 : vector<16xi32>
      %parallel_loop3A_1328 = arith.constant 1065353216 : i32
      %parallel_loop3A_1329 = vector.broadcast %parallel_loop3A_1328 : i32 to vector<16xi32>
      %parallel_loop3A_1330 = arith.ori %parallel_loop3A_1327, %parallel_loop3A_1329 : vector<16xi32>
      %parallel_loop3A_1331 = tpu.bitcast %parallel_loop3A_1330 : vector<16xi32> -> vector<16xf32>
      %parallel_loop3A_1332 = arith.constant 1.41421354 : f32
      %parallel_loop3A_1333 = vector.broadcast %parallel_loop3A_1332 : f32 to vector<16xf32>
      %parallel_loop3A_1334 = arith.cmpf ogt, %parallel_loop3A_1331, %parallel_loop3A_1333 : vector<16xf32>
      %parallel_loop3A_1335 = arith.constant 5.000000e-01 : f32
      %parallel_loop3A_1336 = vector.broadcast %parallel_loop3A_1335 : f32 to vector<16xf32>
      %parallel_loop3A_1337 = arith.mulf %parallel_loop3A_1331, %parallel_loop3A_1336 : vector<16xf32>
      %parallel_loop3A_1338 = arith.select %parallel_loop3A_1334, %parallel_loop3A_1337, %parallel_loop3A_1331 : vector<16xi1>, vector<16xf32>
      %parallel_loop3A_1339 = arith.constant 1 : i32
      %parallel_loop3A_1340 = arith.constant 0 : i32
      %parallel_loop3A_1341 = vector.broadcast %parallel_loop3A_1339 : i32 to vector<16xi32>
      %parallel_loop3A_1342 = vector.broadcast %parallel_loop3A_1340 : i32 to vector<16xi32>
      %parallel_loop3A_1343 = arith.select %parallel_loop3A_1334, %parallel_loop3A_1341, %parallel_loop3A_1342 : vector<16xi1>, vector<16xi32>
      %parallel_loop3A_1344 = arith.addi %parallel_loop3A_1324, %parallel_loop3A_1343 : vector<16xi32>
      %parallel_loop3A_1345 = arith.sitofp %parallel_loop3A_1344 : vector<16xi32> to vector<16xf32>
      %parallel_loop3A_1346 = arith.constant 1.000000e+00 : f32
      %parallel_loop3A_1347 = vector.broadcast %parallel_loop3A_1346 : f32 to vector<16xf32>
      %parallel_loop3A_1348 = arith.subf %parallel_loop3A_1338, %parallel_loop3A_1347 : vector<16xf32>
      %parallel_loop3A_1349 = arith.constant 2.000000e+00 : f32
      %parallel_loop3A_1350 = vector.broadcast %parallel_loop3A_1349 : f32 to vector<16xf32>
      %parallel_loop3A_1351 = arith.addf %parallel_loop3A_1350, %parallel_loop3A_1348 : vector<16xf32>
      %parallel_loop3A_1352 = arith.divf %parallel_loop3A_1348, %parallel_loop3A_1351 : vector<16xf32>
      %parallel_loop3A_1353 = arith.mulf %parallel_loop3A_1352, %parallel_loop3A_1352 : vector<16xf32>
      %parallel_loop3A_1354 = arith.constant 0.111111112 : f32
      %parallel_loop3A_1355 = vector.broadcast %parallel_loop3A_1354 : f32 to vector<16xf32>
      %parallel_loop3A_1356 = arith.mulf %parallel_loop3A_1353, %parallel_loop3A_1355 : vector<16xf32>
      %parallel_loop3A_1357 = arith.constant 0.142857149 : f32
      %parallel_loop3A_1358 = vector.broadcast %parallel_loop3A_1357 : f32 to vector<16xf32>
      %parallel_loop3A_1359 = arith.addf %parallel_loop3A_1358, %parallel_loop3A_1356 : vector<16xf32>
      %parallel_loop3A_1360 = arith.mulf %parallel_loop3A_1353, %parallel_loop3A_1359 : vector<16xf32>
      %parallel_loop3A_1361 = arith.constant 2.000000e-01 : f32
      %parallel_loop3A_1362 = vector.broadcast %parallel_loop3A_1361 : f32 to vector<16xf32>
      %parallel_loop3A_1363 = arith.addf %parallel_loop3A_1362, %parallel_loop3A_1360 : vector<16xf32>
      %parallel_loop3A_1364 = arith.mulf %parallel_loop3A_1353, %parallel_loop3A_1363 : vector<16xf32>
      %parallel_loop3A_1365 = arith.constant 0.333333343 : f32
      %parallel_loop3A_1366 = vector.broadcast %parallel_loop3A_1365 : f32 to vector<16xf32>
      %parallel_loop3A_1367 = arith.addf %parallel_loop3A_1366, %parallel_loop3A_1364 : vector<16xf32>
      %parallel_loop3A_1368 = arith.mulf %parallel_loop3A_1353, %parallel_loop3A_1367 : vector<16xf32>
      %parallel_loop3A_1369 = arith.constant 1.000000e+00 : f32
      %parallel_loop3A_1370 = vector.broadcast %parallel_loop3A_1369 : f32 to vector<16xf32>
      %parallel_loop3A_1371 = arith.addf %parallel_loop3A_1370, %parallel_loop3A_1368 : vector<16xf32>
      %parallel_loop3A_1372 = arith.constant 0.693147182 : f32
      %parallel_loop3A_1373 = vector.broadcast %parallel_loop3A_1372 : f32 to vector<16xf32>
      %parallel_loop3A_1374 = arith.mulf %parallel_loop3A_1345, %parallel_loop3A_1373 : vector<16xf32>
      %parallel_loop3A_1375 = arith.constant 2.000000e+00 : f32
      %parallel_loop3A_1376 = vector.broadcast %parallel_loop3A_1375 : f32 to vector<16xf32>
      %parallel_loop3A_1377 = arith.mulf %parallel_loop3A_1376, %parallel_loop3A_1352 : vector<16xf32>
      %parallel_loop3A_1378 = arith.mulf %parallel_loop3A_1377, %parallel_loop3A_1371 : vector<16xf32>
      %parallel_loop3A_1379 = arith.addf %parallel_loop3A_1374, %parallel_loop3A_1378 : vector<16xf32>
      %parallel_loop3A_1380 = arith.constant 0.000000e+00 : f32
      %parallel_loop3A_1381 = vector.broadcast %parallel_loop3A_1380 : f32 to vector<16xf32>
      %parallel_loop3A_1382 = arith.subf %parallel_loop3A_1381, %parallel_loop3A_1379 : vector<16xf32>
      %parallel_loop3A_1383 = tpu.bitcast %parallel_loop3A_1382 : vector<16xf32> -> vector<16xi32>
      %parallel_loop3A_1384 = arith.constant 23 : i32
      %parallel_loop3A_1385 = vector.broadcast %parallel_loop3A_1384 : i32 to vector<16xi32>
      %parallel_loop3A_1386 = arith.shrsi %parallel_loop3A_1383, %parallel_loop3A_1385 : vector<16xi32>
      %parallel_loop3A_1387 = arith.constant 127 : i32
      %parallel_loop3A_1388 = vector.broadcast %parallel_loop3A_1387 : i32 to vector<16xi32>
      %parallel_loop3A_1389 = arith.subi %parallel_loop3A_1386, %parallel_loop3A_1388 : vector<16xi32>
      %parallel_loop3A_1390 = arith.constant 8388607 : i32
      %parallel_loop3A_1391 = vector.broadcast %parallel_loop3A_1390 : i32 to vector<16xi32>
      %parallel_loop3A_1392 = arith.andi %parallel_loop3A_1383, %parallel_loop3A_1391 : vector<16xi32>
      %parallel_loop3A_1393 = arith.constant 1065353216 : i32
      %parallel_loop3A_1394 = vector.broadcast %parallel_loop3A_1393 : i32 to vector<16xi32>
      %parallel_loop3A_1395 = arith.ori %parallel_loop3A_1392, %parallel_loop3A_1394 : vector<16xi32>
      %parallel_loop3A_1396 = tpu.bitcast %parallel_loop3A_1395 : vector<16xi32> -> vector<16xf32>
      %parallel_loop3A_1397 = arith.constant 1.41421354 : f32
      %parallel_loop3A_1398 = vector.broadcast %parallel_loop3A_1397 : f32 to vector<16xf32>
      %parallel_loop3A_1399 = arith.cmpf ogt, %parallel_loop3A_1396, %parallel_loop3A_1398 : vector<16xf32>
      %parallel_loop3A_1400 = arith.constant 5.000000e-01 : f32
      %parallel_loop3A_1401 = vector.broadcast %parallel_loop3A_1400 : f32 to vector<16xf32>
      %parallel_loop3A_1402 = arith.mulf %parallel_loop3A_1396, %parallel_loop3A_1401 : vector<16xf32>
      %parallel_loop3A_1403 = arith.select %parallel_loop3A_1399, %parallel_loop3A_1402, %parallel_loop3A_1396 : vector<16xi1>, vector<16xf32>
      %parallel_loop3A_1404 = arith.constant 1 : i32
      %parallel_loop3A_1405 = arith.constant 0 : i32
      %parallel_loop3A_1406 = vector.broadcast %parallel_loop3A_1404 : i32 to vector<16xi32>
      %parallel_loop3A_1407 = vector.broadcast %parallel_loop3A_1405 : i32 to vector<16xi32>
      %parallel_loop3A_1408 = arith.select %parallel_loop3A_1399, %parallel_loop3A_1406, %parallel_loop3A_1407 : vector<16xi1>, vector<16xi32>
      %parallel_loop3A_1409 = arith.addi %parallel_loop3A_1389, %parallel_loop3A_1408 : vector<16xi32>
      %parallel_loop3A_1410 = arith.sitofp %parallel_loop3A_1409 : vector<16xi32> to vector<16xf32>
      %parallel_loop3A_1411 = arith.constant 1.000000e+00 : f32
      %parallel_loop3A_1412 = vector.broadcast %parallel_loop3A_1411 : f32 to vector<16xf32>
      %parallel_loop3A_1413 = arith.subf %parallel_loop3A_1403, %parallel_loop3A_1412 : vector<16xf32>
      %parallel_loop3A_1414 = arith.constant 2.000000e+00 : f32
      %parallel_loop3A_1415 = vector.broadcast %parallel_loop3A_1414 : f32 to vector<16xf32>
      %parallel_loop3A_1416 = arith.addf %parallel_loop3A_1415, %parallel_loop3A_1413 : vector<16xf32>
      %parallel_loop3A_1417 = arith.divf %parallel_loop3A_1413, %parallel_loop3A_1416 : vector<16xf32>
      %parallel_loop3A_1418 = arith.mulf %parallel_loop3A_1417, %parallel_loop3A_1417 : vector<16xf32>
      %parallel_loop3A_1419 = arith.constant 0.111111112 : f32
      %parallel_loop3A_1420 = vector.broadcast %parallel_loop3A_1419 : f32 to vector<16xf32>
      %parallel_loop3A_1421 = arith.mulf %parallel_loop3A_1418, %parallel_loop3A_1420 : vector<16xf32>
      %parallel_loop3A_1422 = arith.constant 0.142857149 : f32
      %parallel_loop3A_1423 = vector.broadcast %parallel_loop3A_1422 : f32 to vector<16xf32>
      %parallel_loop3A_1424 = arith.addf %parallel_loop3A_1423, %parallel_loop3A_1421 : vector<16xf32>
      %parallel_loop3A_1425 = arith.mulf %parallel_loop3A_1418, %parallel_loop3A_1424 : vector<16xf32>
      %parallel_loop3A_1426 = arith.constant 2.000000e-01 : f32
      %parallel_loop3A_1427 = vector.broadcast %parallel_loop3A_1426 : f32 to vector<16xf32>
      %parallel_loop3A_1428 = arith.addf %parallel_loop3A_1427, %parallel_loop3A_1425 : vector<16xf32>
      %parallel_loop3A_1429 = arith.mulf %parallel_loop3A_1418, %parallel_loop3A_1428 : vector<16xf32>
      %parallel_loop3A_1430 = arith.constant 0.333333343 : f32
      %parallel_loop3A_1431 = vector.broadcast %parallel_loop3A_1430 : f32 to vector<16xf32>
      %parallel_loop3A_1432 = arith.addf %parallel_loop3A_1431, %parallel_loop3A_1429 : vector<16xf32>
      %parallel_loop3A_1433 = arith.mulf %parallel_loop3A_1418, %parallel_loop3A_1432 : vector<16xf32>
      %parallel_loop3A_1434 = arith.constant 1.000000e+00 : f32
      %parallel_loop3A_1435 = vector.broadcast %parallel_loop3A_1434 : f32 to vector<16xf32>
      %parallel_loop3A_1436 = arith.addf %parallel_loop3A_1435, %parallel_loop3A_1433 : vector<16xf32>
      %parallel_loop3A_1437 = arith.constant 0.693147182 : f32
      %parallel_loop3A_1438 = vector.broadcast %parallel_loop3A_1437 : f32 to vector<16xf32>
      %parallel_loop3A_1439 = arith.mulf %parallel_loop3A_1410, %parallel_loop3A_1438 : vector<16xf32>
      %parallel_loop3A_1440 = arith.constant 2.000000e+00 : f32
      %parallel_loop3A_1441 = vector.broadcast %parallel_loop3A_1440 : f32 to vector<16xf32>
      %parallel_loop3A_1442 = arith.mulf %parallel_loop3A_1441, %parallel_loop3A_1417 : vector<16xf32>
      %parallel_loop3A_1443 = arith.mulf %parallel_loop3A_1442, %parallel_loop3A_1436 : vector<16xf32>
      %parallel_loop3A_1444 = arith.addf %parallel_loop3A_1439, %parallel_loop3A_1443 : vector<16xf32>
      %parallel_loop3A_1445 = arith.constant 0.000000e+00 : f32
      %parallel_loop3A_1446 = vector.broadcast %parallel_loop3A_1445 : f32 to vector<16xf32>
      %parallel_loop3A_1447 = arith.subf %parallel_loop3A_1446, %parallel_loop3A_1444 : vector<16xf32>
      %parallel_loop3A_1448 = arith.constant 9 : i32
      %parallel_loop3A_1449 = vector.broadcast %parallel_loop3A_1448 : i32 to vector<16xi32>
      %parallel_loop3A_1450 = arith.shrui %parallel_loop3A_1300, %parallel_loop3A_1449 : vector<16xi32>
      %parallel_loop3A_1451 = arith.constant 1065353216 : i32
      %parallel_loop3A_1452 = vector.broadcast %parallel_loop3A_1451 : i32 to vector<16xi32>
      %parallel_loop3A_1453 = arith.ori %parallel_loop3A_1450, %parallel_loop3A_1452 : vector<16xi32>
      %parallel_loop3A_1454 = tpu.bitcast %parallel_loop3A_1453 : vector<16xi32> -> vector<16xf32>
      %parallel_loop3A_1455 = arith.constant 1.000000e+00 : f32
      %parallel_loop3A_1456 = vector.broadcast %parallel_loop3A_1455 : f32 to vector<16xf32>
      %parallel_loop3A_1457 = arith.subf %parallel_loop3A_1454, %parallel_loop3A_1456 : vector<16xf32>
      %parallel_loop3A_1458 = arith.constant 1.17549435E-38 : f32
      %parallel_loop3A_1459 = vector.broadcast %parallel_loop3A_1458 : f32 to vector<16xf32>
      %parallel_loop3A_1460 = arith.addf %parallel_loop3A_1457, %parallel_loop3A_1459 : vector<16xf32>
      %parallel_loop3A_1461 = arith.constant 1.17549435E-38 : f32
      %parallel_loop3A_1462 = vector.broadcast %parallel_loop3A_1461 : f32 to vector<16xf32>
      %parallel_loop3A_1463 = arith.maximumf %parallel_loop3A_1462, %parallel_loop3A_1460 : vector<16xf32>
      %parallel_loop3A_1464 = tpu.bitcast %parallel_loop3A_1463 : vector<16xf32> -> vector<16xi32>
      %parallel_loop3A_1465 = arith.constant 23 : i32
      %parallel_loop3A_1466 = vector.broadcast %parallel_loop3A_1465 : i32 to vector<16xi32>
      %parallel_loop3A_1467 = arith.shrsi %parallel_loop3A_1464, %parallel_loop3A_1466 : vector<16xi32>
      %parallel_loop3A_1468 = arith.constant 127 : i32
      %parallel_loop3A_1469 = vector.broadcast %parallel_loop3A_1468 : i32 to vector<16xi32>
      %parallel_loop3A_1470 = arith.subi %parallel_loop3A_1467, %parallel_loop3A_1469 : vector<16xi32>
      %parallel_loop3A_1471 = arith.constant 8388607 : i32
      %parallel_loop3A_1472 = vector.broadcast %parallel_loop3A_1471 : i32 to vector<16xi32>
      %parallel_loop3A_1473 = arith.andi %parallel_loop3A_1464, %parallel_loop3A_1472 : vector<16xi32>
      %parallel_loop3A_1474 = arith.constant 1065353216 : i32
      %parallel_loop3A_1475 = vector.broadcast %parallel_loop3A_1474 : i32 to vector<16xi32>
      %parallel_loop3A_1476 = arith.ori %parallel_loop3A_1473, %parallel_loop3A_1475 : vector<16xi32>
      %parallel_loop3A_1477 = tpu.bitcast %parallel_loop3A_1476 : vector<16xi32> -> vector<16xf32>
      %parallel_loop3A_1478 = arith.constant 1.41421354 : f32
      %parallel_loop3A_1479 = vector.broadcast %parallel_loop3A_1478 : f32 to vector<16xf32>
      %parallel_loop3A_1480 = arith.cmpf ogt, %parallel_loop3A_1477, %parallel_loop3A_1479 : vector<16xf32>
      %parallel_loop3A_1481 = arith.constant 5.000000e-01 : f32
      %parallel_loop3A_1482 = vector.broadcast %parallel_loop3A_1481 : f32 to vector<16xf32>
      %parallel_loop3A_1483 = arith.mulf %parallel_loop3A_1477, %parallel_loop3A_1482 : vector<16xf32>
      %parallel_loop3A_1484 = arith.select %parallel_loop3A_1480, %parallel_loop3A_1483, %parallel_loop3A_1477 : vector<16xi1>, vector<16xf32>
      %parallel_loop3A_1485 = arith.constant 1 : i32
      %parallel_loop3A_1486 = arith.constant 0 : i32
      %parallel_loop3A_1487 = vector.broadcast %parallel_loop3A_1485 : i32 to vector<16xi32>
      %parallel_loop3A_1488 = vector.broadcast %parallel_loop3A_1486 : i32 to vector<16xi32>
      %parallel_loop3A_1489 = arith.select %parallel_loop3A_1480, %parallel_loop3A_1487, %parallel_loop3A_1488 : vector<16xi1>, vector<16xi32>
      %parallel_loop3A_1490 = arith.addi %parallel_loop3A_1470, %parallel_loop3A_1489 : vector<16xi32>
      %parallel_loop3A_1491 = arith.sitofp %parallel_loop3A_1490 : vector<16xi32> to vector<16xf32>
      %parallel_loop3A_1492 = arith.constant 1.000000e+00 : f32
      %parallel_loop3A_1493 = vector.broadcast %parallel_loop3A_1492 : f32 to vector<16xf32>
      %parallel_loop3A_1494 = arith.subf %parallel_loop3A_1484, %parallel_loop3A_1493 : vector<16xf32>
      %parallel_loop3A_1495 = arith.constant 2.000000e+00 : f32
      %parallel_loop3A_1496 = vector.broadcast %parallel_loop3A_1495 : f32 to vector<16xf32>
      %parallel_loop3A_1497 = arith.addf %parallel_loop3A_1496, %parallel_loop3A_1494 : vector<16xf32>
      %parallel_loop3A_1498 = arith.divf %parallel_loop3A_1494, %parallel_loop3A_1497 : vector<16xf32>
      %parallel_loop3A_1499 = arith.mulf %parallel_loop3A_1498, %parallel_loop3A_1498 : vector<16xf32>
      %parallel_loop3A_1500 = arith.constant 0.111111112 : f32
      %parallel_loop3A_1501 = vector.broadcast %parallel_loop3A_1500 : f32 to vector<16xf32>
      %parallel_loop3A_1502 = arith.mulf %parallel_loop3A_1499, %parallel_loop3A_1501 : vector<16xf32>
      %parallel_loop3A_1503 = arith.constant 0.142857149 : f32
      %parallel_loop3A_1504 = vector.broadcast %parallel_loop3A_1503 : f32 to vector<16xf32>
      %parallel_loop3A_1505 = arith.addf %parallel_loop3A_1504, %parallel_loop3A_1502 : vector<16xf32>
      %parallel_loop3A_1506 = arith.mulf %parallel_loop3A_1499, %parallel_loop3A_1505 : vector<16xf32>
      %parallel_loop3A_1507 = arith.constant 2.000000e-01 : f32
      %parallel_loop3A_1508 = vector.broadcast %parallel_loop3A_1507 : f32 to vector<16xf32>
      %parallel_loop3A_1509 = arith.addf %parallel_loop3A_1508, %parallel_loop3A_1506 : vector<16xf32>
      %parallel_loop3A_1510 = arith.mulf %parallel_loop3A_1499, %parallel_loop3A_1509 : vector<16xf32>
      %parallel_loop3A_1511 = arith.constant 0.333333343 : f32
      %parallel_loop3A_1512 = vector.broadcast %parallel_loop3A_1511 : f32 to vector<16xf32>
      %parallel_loop3A_1513 = arith.addf %parallel_loop3A_1512, %parallel_loop3A_1510 : vector<16xf32>
      %parallel_loop3A_1514 = arith.mulf %parallel_loop3A_1499, %parallel_loop3A_1513 : vector<16xf32>
      %parallel_loop3A_1515 = arith.constant 1.000000e+00 : f32
      %parallel_loop3A_1516 = vector.broadcast %parallel_loop3A_1515 : f32 to vector<16xf32>
      %parallel_loop3A_1517 = arith.addf %parallel_loop3A_1516, %parallel_loop3A_1514 : vector<16xf32>
      %parallel_loop3A_1518 = arith.constant 0.693147182 : f32
      %parallel_loop3A_1519 = vector.broadcast %parallel_loop3A_1518 : f32 to vector<16xf32>
      %parallel_loop3A_1520 = arith.mulf %parallel_loop3A_1491, %parallel_loop3A_1519 : vector<16xf32>
      %parallel_loop3A_1521 = arith.constant 2.000000e+00 : f32
      %parallel_loop3A_1522 = vector.broadcast %parallel_loop3A_1521 : f32 to vector<16xf32>
      %parallel_loop3A_1523 = arith.mulf %parallel_loop3A_1522, %parallel_loop3A_1498 : vector<16xf32>
      %parallel_loop3A_1524 = arith.mulf %parallel_loop3A_1523, %parallel_loop3A_1517 : vector<16xf32>
      %parallel_loop3A_1525 = arith.addf %parallel_loop3A_1520, %parallel_loop3A_1524 : vector<16xf32>
      %parallel_loop3A_1526 = arith.constant 0.000000e+00 : f32
      %parallel_loop3A_1527 = vector.broadcast %parallel_loop3A_1526 : f32 to vector<16xf32>
      %parallel_loop3A_1528 = arith.subf %parallel_loop3A_1527, %parallel_loop3A_1525 : vector<16xf32>
      %parallel_loop3A_1529 = tpu.bitcast %parallel_loop3A_1528 : vector<16xf32> -> vector<16xi32>
      %parallel_loop3A_1530 = arith.constant 23 : i32
      %parallel_loop3A_1531 = vector.broadcast %parallel_loop3A_1530 : i32 to vector<16xi32>
      %parallel_loop3A_1532 = arith.shrsi %parallel_loop3A_1529, %parallel_loop3A_1531 : vector<16xi32>
      %parallel_loop3A_1533 = arith.constant 127 : i32
      %parallel_loop3A_1534 = vector.broadcast %parallel_loop3A_1533 : i32 to vector<16xi32>
      %parallel_loop3A_1535 = arith.subi %parallel_loop3A_1532, %parallel_loop3A_1534 : vector<16xi32>
      %parallel_loop3A_1536 = arith.constant 8388607 : i32
      %parallel_loop3A_1537 = vector.broadcast %parallel_loop3A_1536 : i32 to vector<16xi32>
      %parallel_loop3A_1538 = arith.andi %parallel_loop3A_1529, %parallel_loop3A_1537 : vector<16xi32>
      %parallel_loop3A_1539 = arith.constant 1065353216 : i32
      %parallel_loop3A_1540 = vector.broadcast %parallel_loop3A_1539 : i32 to vector<16xi32>
      %parallel_loop3A_1541 = arith.ori %parallel_loop3A_1538, %parallel_loop3A_1540 : vector<16xi32>
      %parallel_loop3A_1542 = tpu.bitcast %parallel_loop3A_1541 : vector<16xi32> -> vector<16xf32>
      %parallel_loop3A_1543 = arith.constant 1.41421354 : f32
      %parallel_loop3A_1544 = vector.broadcast %parallel_loop3A_1543 : f32 to vector<16xf32>
      %parallel_loop3A_1545 = arith.cmpf ogt, %parallel_loop3A_1542, %parallel_loop3A_1544 : vector<16xf32>
      %parallel_loop3A_1546 = arith.constant 5.000000e-01 : f32
      %parallel_loop3A_1547 = vector.broadcast %parallel_loop3A_1546 : f32 to vector<16xf32>
      %parallel_loop3A_1548 = arith.mulf %parallel_loop3A_1542, %parallel_loop3A_1547 : vector<16xf32>
      %parallel_loop3A_1549 = arith.select %parallel_loop3A_1545, %parallel_loop3A_1548, %parallel_loop3A_1542 : vector<16xi1>, vector<16xf32>
      %parallel_loop3A_1550 = arith.constant 1 : i32
      %parallel_loop3A_1551 = arith.constant 0 : i32
      %parallel_loop3A_1552 = vector.broadcast %parallel_loop3A_1550 : i32 to vector<16xi32>
      %parallel_loop3A_1553 = vector.broadcast %parallel_loop3A_1551 : i32 to vector<16xi32>
      %parallel_loop3A_1554 = arith.select %parallel_loop3A_1545, %parallel_loop3A_1552, %parallel_loop3A_1553 : vector<16xi1>, vector<16xi32>
      %parallel_loop3A_1555 = arith.addi %parallel_loop3A_1535, %parallel_loop3A_1554 : vector<16xi32>
      %parallel_loop3A_1556 = arith.sitofp %parallel_loop3A_1555 : vector<16xi32> to vector<16xf32>
      %parallel_loop3A_1557 = arith.constant 1.000000e+00 : f32
      %parallel_loop3A_1558 = vector.broadcast %parallel_loop3A_1557 : f32 to vector<16xf32>
      %parallel_loop3A_1559 = arith.subf %parallel_loop3A_1549, %parallel_loop3A_1558 : vector<16xf32>
      %parallel_loop3A_1560 = arith.constant 2.000000e+00 : f32
      %parallel_loop3A_1561 = vector.broadcast %parallel_loop3A_1560 : f32 to vector<16xf32>
      %parallel_loop3A_1562 = arith.addf %parallel_loop3A_1561, %parallel_loop3A_1559 : vector<16xf32>
      %parallel_loop3A_1563 = arith.divf %parallel_loop3A_1559, %parallel_loop3A_1562 : vector<16xf32>
      %parallel_loop3A_1564 = arith.mulf %parallel_loop3A_1563, %parallel_loop3A_1563 : vector<16xf32>
      %parallel_loop3A_1565 = arith.constant 0.111111112 : f32
      %parallel_loop3A_1566 = vector.broadcast %parallel_loop3A_1565 : f32 to vector<16xf32>
      %parallel_loop3A_1567 = arith.mulf %parallel_loop3A_1564, %parallel_loop3A_1566 : vector<16xf32>
      %parallel_loop3A_1568 = arith.constant 0.142857149 : f32
      %parallel_loop3A_1569 = vector.broadcast %parallel_loop3A_1568 : f32 to vector<16xf32>
      %parallel_loop3A_1570 = arith.addf %parallel_loop3A_1569, %parallel_loop3A_1567 : vector<16xf32>
      %parallel_loop3A_1571 = arith.mulf %parallel_loop3A_1564, %parallel_loop3A_1570 : vector<16xf32>
      %parallel_loop3A_1572 = arith.constant 2.000000e-01 : f32
      %parallel_loop3A_1573 = vector.broadcast %parallel_loop3A_1572 : f32 to vector<16xf32>
      %parallel_loop3A_1574 = arith.addf %parallel_loop3A_1573, %parallel_loop3A_1571 : vector<16xf32>
      %parallel_loop3A_1575 = arith.mulf %parallel_loop3A_1564, %parallel_loop3A_1574 : vector<16xf32>
      %parallel_loop3A_1576 = arith.constant 0.333333343 : f32
      %parallel_loop3A_1577 = vector.broadcast %parallel_loop3A_1576 : f32 to vector<16xf32>
      %parallel_loop3A_1578 = arith.addf %parallel_loop3A_1577, %parallel_loop3A_1575 : vector<16xf32>
      %parallel_loop3A_1579 = arith.mulf %parallel_loop3A_1564, %parallel_loop3A_1578 : vector<16xf32>
      %parallel_loop3A_1580 = arith.constant 1.000000e+00 : f32
      %parallel_loop3A_1581 = vector.broadcast %parallel_loop3A_1580 : f32 to vector<16xf32>
      %parallel_loop3A_1582 = arith.addf %parallel_loop3A_1581, %parallel_loop3A_1579 : vector<16xf32>
      %parallel_loop3A_1583 = arith.constant 0.693147182 : f32
      %parallel_loop3A_1584 = vector.broadcast %parallel_loop3A_1583 : f32 to vector<16xf32>
      %parallel_loop3A_1585 = arith.mulf %parallel_loop3A_1556, %parallel_loop3A_1584 : vector<16xf32>
      %parallel_loop3A_1586 = arith.constant 2.000000e+00 : f32
      %parallel_loop3A_1587 = vector.broadcast %parallel_loop3A_1586 : f32 to vector<16xf32>
      %parallel_loop3A_1588 = arith.mulf %parallel_loop3A_1587, %parallel_loop3A_1563 : vector<16xf32>
      %parallel_loop3A_1589 = arith.mulf %parallel_loop3A_1588, %parallel_loop3A_1582 : vector<16xf32>
      %parallel_loop3A_1590 = arith.addf %parallel_loop3A_1585, %parallel_loop3A_1589 : vector<16xf32>
      %parallel_loop3A_1591 = arith.constant 0.000000e+00 : f32
      %parallel_loop3A_1592 = vector.broadcast %parallel_loop3A_1591 : f32 to vector<16xf32>
      %parallel_loop3A_1593 = arith.subf %parallel_loop3A_1592, %parallel_loop3A_1590 : vector<16xf32>
      %parallel_loop3A_1594 = arith.constant 9 : i32
      %parallel_loop3A_1595 = vector.broadcast %parallel_loop3A_1594 : i32 to vector<16xi32>
      %parallel_loop3A_1596 = arith.shrui %parallel_loop3A_1301, %parallel_loop3A_1595 : vector<16xi32>
      %parallel_loop3A_1597 = arith.constant 1065353216 : i32
      %parallel_loop3A_1598 = vector.broadcast %parallel_loop3A_1597 : i32 to vector<16xi32>
      %parallel_loop3A_1599 = arith.ori %parallel_loop3A_1596, %parallel_loop3A_1598 : vector<16xi32>
      %parallel_loop3A_1600 = tpu.bitcast %parallel_loop3A_1599 : vector<16xi32> -> vector<16xf32>
      %parallel_loop3A_1601 = arith.constant 1.000000e+00 : f32
      %parallel_loop3A_1602 = vector.broadcast %parallel_loop3A_1601 : f32 to vector<16xf32>
      %parallel_loop3A_1603 = arith.subf %parallel_loop3A_1600, %parallel_loop3A_1602 : vector<16xf32>
      %parallel_loop3A_1604 = arith.constant 1.17549435E-38 : f32
      %parallel_loop3A_1605 = vector.broadcast %parallel_loop3A_1604 : f32 to vector<16xf32>
      %parallel_loop3A_1606 = arith.addf %parallel_loop3A_1603, %parallel_loop3A_1605 : vector<16xf32>
      %parallel_loop3A_1607 = arith.constant 1.17549435E-38 : f32
      %parallel_loop3A_1608 = vector.broadcast %parallel_loop3A_1607 : f32 to vector<16xf32>
      %parallel_loop3A_1609 = arith.maximumf %parallel_loop3A_1608, %parallel_loop3A_1606 : vector<16xf32>
      %parallel_loop3A_1610 = tpu.bitcast %parallel_loop3A_1609 : vector<16xf32> -> vector<16xi32>
      %parallel_loop3A_1611 = arith.constant 23 : i32
      %parallel_loop3A_1612 = vector.broadcast %parallel_loop3A_1611 : i32 to vector<16xi32>
      %parallel_loop3A_1613 = arith.shrsi %parallel_loop3A_1610, %parallel_loop3A_1612 : vector<16xi32>
      %parallel_loop3A_1614 = arith.constant 127 : i32
      %parallel_loop3A_1615 = vector.broadcast %parallel_loop3A_1614 : i32 to vector<16xi32>
      %parallel_loop3A_1616 = arith.subi %parallel_loop3A_1613, %parallel_loop3A_1615 : vector<16xi32>
      %parallel_loop3A_1617 = arith.constant 8388607 : i32
      %parallel_loop3A_1618 = vector.broadcast %parallel_loop3A_1617 : i32 to vector<16xi32>
      %parallel_loop3A_1619 = arith.andi %parallel_loop3A_1610, %parallel_loop3A_1618 : vector<16xi32>
      %parallel_loop3A_1620 = arith.constant 1065353216 : i32
      %parallel_loop3A_1621 = vector.broadcast %parallel_loop3A_1620 : i32 to vector<16xi32>
      %parallel_loop3A_1622 = arith.ori %parallel_loop3A_1619, %parallel_loop3A_1621 : vector<16xi32>
      %parallel_loop3A_1623 = tpu.bitcast %parallel_loop3A_1622 : vector<16xi32> -> vector<16xf32>
      %parallel_loop3A_1624 = arith.constant 1.41421354 : f32
      %parallel_loop3A_1625 = vector.broadcast %parallel_loop3A_1624 : f32 to vector<16xf32>
      %parallel_loop3A_1626 = arith.cmpf ogt, %parallel_loop3A_1623, %parallel_loop3A_1625 : vector<16xf32>
      %parallel_loop3A_1627 = arith.constant 5.000000e-01 : f32
      %parallel_loop3A_1628 = vector.broadcast %parallel_loop3A_1627 : f32 to vector<16xf32>
      %parallel_loop3A_1629 = arith.mulf %parallel_loop3A_1623, %parallel_loop3A_1628 : vector<16xf32>
      %parallel_loop3A_1630 = arith.select %parallel_loop3A_1626, %parallel_loop3A_1629, %parallel_loop3A_1623 : vector<16xi1>, vector<16xf32>
      %parallel_loop3A_1631 = arith.constant 1 : i32
      %parallel_loop3A_1632 = arith.constant 0 : i32
      %parallel_loop3A_1633 = vector.broadcast %parallel_loop3A_1631 : i32 to vector<16xi32>
      %parallel_loop3A_1634 = vector.broadcast %parallel_loop3A_1632 : i32 to vector<16xi32>
      %parallel_loop3A_1635 = arith.select %parallel_loop3A_1626, %parallel_loop3A_1633, %parallel_loop3A_1634 : vector<16xi1>, vector<16xi32>
      %parallel_loop3A_1636 = arith.addi %parallel_loop3A_1616, %parallel_loop3A_1635 : vector<16xi32>
      %parallel_loop3A_1637 = arith.sitofp %parallel_loop3A_1636 : vector<16xi32> to vector<16xf32>
      %parallel_loop3A_1638 = arith.constant 1.000000e+00 : f32
      %parallel_loop3A_1639 = vector.broadcast %parallel_loop3A_1638 : f32 to vector<16xf32>
      %parallel_loop3A_1640 = arith.subf %parallel_loop3A_1630, %parallel_loop3A_1639 : vector<16xf32>
      %parallel_loop3A_1641 = arith.constant 2.000000e+00 : f32
      %parallel_loop3A_1642 = vector.broadcast %parallel_loop3A_1641 : f32 to vector<16xf32>
      %parallel_loop3A_1643 = arith.addf %parallel_loop3A_1642, %parallel_loop3A_1640 : vector<16xf32>
      %parallel_loop3A_1644 = arith.divf %parallel_loop3A_1640, %parallel_loop3A_1643 : vector<16xf32>
      %parallel_loop3A_1645 = arith.mulf %parallel_loop3A_1644, %parallel_loop3A_1644 : vector<16xf32>
      %parallel_loop3A_1646 = arith.constant 0.111111112 : f32
      %parallel_loop3A_1647 = vector.broadcast %parallel_loop3A_1646 : f32 to vector<16xf32>
      %parallel_loop3A_1648 = arith.mulf %parallel_loop3A_1645, %parallel_loop3A_1647 : vector<16xf32>
      %parallel_loop3A_1649 = arith.constant 0.142857149 : f32
      %parallel_loop3A_1650 = vector.broadcast %parallel_loop3A_1649 : f32 to vector<16xf32>
      %parallel_loop3A_1651 = arith.addf %parallel_loop3A_1650, %parallel_loop3A_1648 : vector<16xf32>
      %parallel_loop3A_1652 = arith.mulf %parallel_loop3A_1645, %parallel_loop3A_1651 : vector<16xf32>
      %parallel_loop3A_1653 = arith.constant 2.000000e-01 : f32
      %parallel_loop3A_1654 = vector.broadcast %parallel_loop3A_1653 : f32 to vector<16xf32>
      %parallel_loop3A_1655 = arith.addf %parallel_loop3A_1654, %parallel_loop3A_1652 : vector<16xf32>
      %parallel_loop3A_1656 = arith.mulf %parallel_loop3A_1645, %parallel_loop3A_1655 : vector<16xf32>
      %parallel_loop3A_1657 = arith.constant 0.333333343 : f32
      %parallel_loop3A_1658 = vector.broadcast %parallel_loop3A_1657 : f32 to vector<16xf32>
      %parallel_loop3A_1659 = arith.addf %parallel_loop3A_1658, %parallel_loop3A_1656 : vector<16xf32>
      %parallel_loop3A_1660 = arith.mulf %parallel_loop3A_1645, %parallel_loop3A_1659 : vector<16xf32>
      %parallel_loop3A_1661 = arith.constant 1.000000e+00 : f32
      %parallel_loop3A_1662 = vector.broadcast %parallel_loop3A_1661 : f32 to vector<16xf32>
      %parallel_loop3A_1663 = arith.addf %parallel_loop3A_1662, %parallel_loop3A_1660 : vector<16xf32>
      %parallel_loop3A_1664 = arith.constant 0.693147182 : f32
      %parallel_loop3A_1665 = vector.broadcast %parallel_loop3A_1664 : f32 to vector<16xf32>
      %parallel_loop3A_1666 = arith.mulf %parallel_loop3A_1637, %parallel_loop3A_1665 : vector<16xf32>
      %parallel_loop3A_1667 = arith.constant 2.000000e+00 : f32
      %parallel_loop3A_1668 = vector.broadcast %parallel_loop3A_1667 : f32 to vector<16xf32>
      %parallel_loop3A_1669 = arith.mulf %parallel_loop3A_1668, %parallel_loop3A_1644 : vector<16xf32>
      %parallel_loop3A_1670 = arith.mulf %parallel_loop3A_1669, %parallel_loop3A_1663 : vector<16xf32>
      %parallel_loop3A_1671 = arith.addf %parallel_loop3A_1666, %parallel_loop3A_1670 : vector<16xf32>
      %parallel_loop3A_1672 = arith.constant 0.000000e+00 : f32
      %parallel_loop3A_1673 = vector.broadcast %parallel_loop3A_1672 : f32 to vector<16xf32>
      %parallel_loop3A_1674 = arith.subf %parallel_loop3A_1673, %parallel_loop3A_1671 : vector<16xf32>
      %parallel_loop3A_1675 = tpu.bitcast %parallel_loop3A_1674 : vector<16xf32> -> vector<16xi32>
      %parallel_loop3A_1676 = arith.constant 23 : i32
      %parallel_loop3A_1677 = vector.broadcast %parallel_loop3A_1676 : i32 to vector<16xi32>
      %parallel_loop3A_1678 = arith.shrsi %parallel_loop3A_1675, %parallel_loop3A_1677 : vector<16xi32>
      %parallel_loop3A_1679 = arith.constant 127 : i32
      %parallel_loop3A_1680 = vector.broadcast %parallel_loop3A_1679 : i32 to vector<16xi32>
      %parallel_loop3A_1681 = arith.subi %parallel_loop3A_1678, %parallel_loop3A_1680 : vector<16xi32>
      %parallel_loop3A_1682 = arith.constant 8388607 : i32
      %parallel_loop3A_1683 = vector.broadcast %parallel_loop3A_1682 : i32 to vector<16xi32>
      %parallel_loop3A_1684 = arith.andi %parallel_loop3A_1675, %parallel_loop3A_1683 : vector<16xi32>
      %parallel_loop3A_1685 = arith.constant 1065353216 : i32
      %parallel_loop3A_1686 = vector.broadcast %parallel_loop3A_1685 : i32 to vector<16xi32>
      %parallel_loop3A_1687 = arith.ori %parallel_loop3A_1684, %parallel_loop3A_1686 : vector<16xi32>
      %parallel_loop3A_1688 = tpu.bitcast %parallel_loop3A_1687 : vector<16xi32> -> vector<16xf32>
      %parallel_loop3A_1689 = arith.constant 1.41421354 : f32
      %parallel_loop3A_1690 = vector.broadcast %parallel_loop3A_1689 : f32 to vector<16xf32>
      %parallel_loop3A_1691 = arith.cmpf ogt, %parallel_loop3A_1688, %parallel_loop3A_1690 : vector<16xf32>
      %parallel_loop3A_1692 = arith.constant 5.000000e-01 : f32
      %parallel_loop3A_1693 = vector.broadcast %parallel_loop3A_1692 : f32 to vector<16xf32>
      %parallel_loop3A_1694 = arith.mulf %parallel_loop3A_1688, %parallel_loop3A_1693 : vector<16xf32>
      %parallel_loop3A_1695 = arith.select %parallel_loop3A_1691, %parallel_loop3A_1694, %parallel_loop3A_1688 : vector<16xi1>, vector<16xf32>
      %parallel_loop3A_1696 = arith.constant 1 : i32
      %parallel_loop3A_1697 = arith.constant 0 : i32
      %parallel_loop3A_1698 = vector.broadcast %parallel_loop3A_1696 : i32 to vector<16xi32>
      %parallel_loop3A_1699 = vector.broadcast %parallel_loop3A_1697 : i32 to vector<16xi32>
      %parallel_loop3A_1700 = arith.select %parallel_loop3A_1691, %parallel_loop3A_1698, %parallel_loop3A_1699 : vector<16xi1>, vector<16xi32>
      %parallel_loop3A_1701 = arith.addi %parallel_loop3A_1681, %parallel_loop3A_1700 : vector<16xi32>
      %parallel_loop3A_1702 = arith.sitofp %parallel_loop3A_1701 : vector<16xi32> to vector<16xf32>
      %parallel_loop3A_1703 = arith.constant 1.000000e+00 : f32
      %parallel_loop3A_1704 = vector.broadcast %parallel_loop3A_1703 : f32 to vector<16xf32>
      %parallel_loop3A_1705 = arith.subf %parallel_loop3A_1695, %parallel_loop3A_1704 : vector<16xf32>
      %parallel_loop3A_1706 = arith.constant 2.000000e+00 : f32
      %parallel_loop3A_1707 = vector.broadcast %parallel_loop3A_1706 : f32 to vector<16xf32>
      %parallel_loop3A_1708 = arith.addf %parallel_loop3A_1707, %parallel_loop3A_1705 : vector<16xf32>
      %parallel_loop3A_1709 = arith.divf %parallel_loop3A_1705, %parallel_loop3A_1708 : vector<16xf32>
      %parallel_loop3A_1710 = arith.mulf %parallel_loop3A_1709, %parallel_loop3A_1709 : vector<16xf32>
      %parallel_loop3A_1711 = arith.constant 0.111111112 : f32
      %parallel_loop3A_1712 = vector.broadcast %parallel_loop3A_1711 : f32 to vector<16xf32>
      %parallel_loop3A_1713 = arith.mulf %parallel_loop3A_1710, %parallel_loop3A_1712 : vector<16xf32>
      %parallel_loop3A_1714 = arith.constant 0.142857149 : f32
      %parallel_loop3A_1715 = vector.broadcast %parallel_loop3A_1714 : f32 to vector<16xf32>
      %parallel_loop3A_1716 = arith.addf %parallel_loop3A_1715, %parallel_loop3A_1713 : vector<16xf32>
      %parallel_loop3A_1717 = arith.mulf %parallel_loop3A_1710, %parallel_loop3A_1716 : vector<16xf32>
      %parallel_loop3A_1718 = arith.constant 2.000000e-01 : f32
      %parallel_loop3A_1719 = vector.broadcast %parallel_loop3A_1718 : f32 to vector<16xf32>
      %parallel_loop3A_1720 = arith.addf %parallel_loop3A_1719, %parallel_loop3A_1717 : vector<16xf32>
      %parallel_loop3A_1721 = arith.mulf %parallel_loop3A_1710, %parallel_loop3A_1720 : vector<16xf32>
      %parallel_loop3A_1722 = arith.constant 0.333333343 : f32
      %parallel_loop3A_1723 = vector.broadcast %parallel_loop3A_1722 : f32 to vector<16xf32>
      %parallel_loop3A_1724 = arith.addf %parallel_loop3A_1723, %parallel_loop3A_1721 : vector<16xf32>
      %parallel_loop3A_1725 = arith.mulf %parallel_loop3A_1710, %parallel_loop3A_1724 : vector<16xf32>
      %parallel_loop3A_1726 = arith.constant 1.000000e+00 : f32
      %parallel_loop3A_1727 = vector.broadcast %parallel_loop3A_1726 : f32 to vector<16xf32>
      %parallel_loop3A_1728 = arith.addf %parallel_loop3A_1727, %parallel_loop3A_1725 : vector<16xf32>
      %parallel_loop3A_1729 = arith.constant 0.693147182 : f32
      %parallel_loop3A_1730 = vector.broadcast %parallel_loop3A_1729 : f32 to vector<16xf32>
      %parallel_loop3A_1731 = arith.mulf %parallel_loop3A_1702, %parallel_loop3A_1730 : vector<16xf32>
      %parallel_loop3A_1732 = arith.constant 2.000000e+00 : f32
      %parallel_loop3A_1733 = vector.broadcast %parallel_loop3A_1732 : f32 to vector<16xf32>
      %parallel_loop3A_1734 = arith.mulf %parallel_loop3A_1733, %parallel_loop3A_1709 : vector<16xf32>
      %parallel_loop3A_1735 = arith.mulf %parallel_loop3A_1734, %parallel_loop3A_1728 : vector<16xf32>
      %parallel_loop3A_1736 = arith.addf %parallel_loop3A_1731, %parallel_loop3A_1735 : vector<16xf32>
      %parallel_loop3A_1737 = arith.constant 0.000000e+00 : f32
      %parallel_loop3A_1738 = vector.broadcast %parallel_loop3A_1737 : f32 to vector<16xf32>
      %parallel_loop3A_1739 = arith.subf %parallel_loop3A_1738, %parallel_loop3A_1736 : vector<16xf32>
      %parallel_loop3A_1740 = arith.addf %parallel_loop3A_1447, %parallel_loop3A_614 : vector<16xf32>
      %parallel_loop3A_1741 = arith.addf %parallel_loop3A_1593, %parallel_loop3A_616 : vector<16xf32>
      %parallel_loop3A_1742 = arith.addf %parallel_loop3A_1739, %parallel_loop3A_618 : vector<16xf32>
      %parallel_loop3A_1743 = arith.cmpf ogt, %parallel_loop3A_1741, %parallel_loop3A_1740 : vector<16xf32>
      %parallel_loop3A_1744 = arith.constant 1 : i32
      %parallel_loop3A_1745 = arith.constant 0 : i32
      %parallel_loop3A_1746 = vector.broadcast %parallel_loop3A_1744 : i32 to vector<16xi32>
      %parallel_loop3A_1747 = vector.broadcast %parallel_loop3A_1745 : i32 to vector<16xi32>
      %parallel_loop3A_1748 = arith.select %parallel_loop3A_1743, %parallel_loop3A_1746, %parallel_loop3A_1747 : vector<16xi1>, vector<16xi32>
      %parallel_loop3A_1749 = arith.maximumf %parallel_loop3A_1740, %parallel_loop3A_1741 : vector<16xf32>
      %parallel_loop3A_1750 = arith.cmpf ogt, %parallel_loop3A_1742, %parallel_loop3A_1749 : vector<16xf32>
      %parallel_loop3A_1751 = arith.constant 2 : i32
      %parallel_loop3A_1752 = vector.broadcast %parallel_loop3A_1751 : i32 to vector<16xi32>
      %parallel_loop3A_1753 = arith.select %parallel_loop3A_1750, %parallel_loop3A_1752, %parallel_loop3A_1748 : vector<16xi1>, vector<16xi32>
      %parallel_loop3A_1754 = arith.maximumf %parallel_loop3A_614, %parallel_loop3A_616 : vector<16xf32>
      %parallel_loop3A_1755 = arith.maximumf %parallel_loop3A_1754, %parallel_loop3A_618 : vector<16xf32>
      %parallel_loop3A_1756 = arith.subf %parallel_loop3A_614, %parallel_loop3A_1755 : vector<16xf32>
      %parallel_loop3A_1757 = math.exp %parallel_loop3A_1756 : vector<16xf32>
      %parallel_loop3A_1758 = arith.subf %parallel_loop3A_616, %parallel_loop3A_1755 : vector<16xf32>
      %parallel_loop3A_1759 = math.exp %parallel_loop3A_1758 : vector<16xf32>
      %parallel_loop3A_1760 = arith.subf %parallel_loop3A_618, %parallel_loop3A_1755 : vector<16xf32>
      %parallel_loop3A_1761 = math.exp %parallel_loop3A_1760 : vector<16xf32>
      %parallel_loop3A_1762 = arith.addf %parallel_loop3A_1757, %parallel_loop3A_1759 : vector<16xf32>
      %parallel_loop3A_1763 = arith.addf %parallel_loop3A_1762, %parallel_loop3A_1761 : vector<16xf32>
      %parallel_loop3A_1764 = tpu.bitcast %parallel_loop3A_1763 : vector<16xf32> -> vector<16xi32>
      %parallel_loop3A_1765 = arith.constant 23 : i32
      %parallel_loop3A_1766 = vector.broadcast %parallel_loop3A_1765 : i32 to vector<16xi32>
      %parallel_loop3A_1767 = arith.shrsi %parallel_loop3A_1764, %parallel_loop3A_1766 : vector<16xi32>
      %parallel_loop3A_1768 = arith.constant 127 : i32
      %parallel_loop3A_1769 = vector.broadcast %parallel_loop3A_1768 : i32 to vector<16xi32>
      %parallel_loop3A_1770 = arith.subi %parallel_loop3A_1767, %parallel_loop3A_1769 : vector<16xi32>
      %parallel_loop3A_1771 = arith.constant 8388607 : i32
      %parallel_loop3A_1772 = vector.broadcast %parallel_loop3A_1771 : i32 to vector<16xi32>
      %parallel_loop3A_1773 = arith.andi %parallel_loop3A_1764, %parallel_loop3A_1772 : vector<16xi32>
      %parallel_loop3A_1774 = arith.constant 1065353216 : i32
      %parallel_loop3A_1775 = vector.broadcast %parallel_loop3A_1774 : i32 to vector<16xi32>
      %parallel_loop3A_1776 = arith.ori %parallel_loop3A_1773, %parallel_loop3A_1775 : vector<16xi32>
      %parallel_loop3A_1777 = tpu.bitcast %parallel_loop3A_1776 : vector<16xi32> -> vector<16xf32>
      %parallel_loop3A_1778 = arith.constant 1.41421354 : f32
      %parallel_loop3A_1779 = vector.broadcast %parallel_loop3A_1778 : f32 to vector<16xf32>
      %parallel_loop3A_1780 = arith.cmpf ogt, %parallel_loop3A_1777, %parallel_loop3A_1779 : vector<16xf32>
      %parallel_loop3A_1781 = arith.constant 5.000000e-01 : f32
      %parallel_loop3A_1782 = vector.broadcast %parallel_loop3A_1781 : f32 to vector<16xf32>
      %parallel_loop3A_1783 = arith.mulf %parallel_loop3A_1777, %parallel_loop3A_1782 : vector<16xf32>
      %parallel_loop3A_1784 = arith.select %parallel_loop3A_1780, %parallel_loop3A_1783, %parallel_loop3A_1777 : vector<16xi1>, vector<16xf32>
      %parallel_loop3A_1785 = arith.constant 1 : i32
      %parallel_loop3A_1786 = arith.constant 0 : i32
      %parallel_loop3A_1787 = vector.broadcast %parallel_loop3A_1785 : i32 to vector<16xi32>
      %parallel_loop3A_1788 = vector.broadcast %parallel_loop3A_1786 : i32 to vector<16xi32>
      %parallel_loop3A_1789 = arith.select %parallel_loop3A_1780, %parallel_loop3A_1787, %parallel_loop3A_1788 : vector<16xi1>, vector<16xi32>
      %parallel_loop3A_1790 = arith.addi %parallel_loop3A_1770, %parallel_loop3A_1789 : vector<16xi32>
      %parallel_loop3A_1791 = arith.sitofp %parallel_loop3A_1790 : vector<16xi32> to vector<16xf32>
      %parallel_loop3A_1792 = arith.constant 1.000000e+00 : f32
      %parallel_loop3A_1793 = vector.broadcast %parallel_loop3A_1792 : f32 to vector<16xf32>
      %parallel_loop3A_1794 = arith.subf %parallel_loop3A_1784, %parallel_loop3A_1793 : vector<16xf32>
      %parallel_loop3A_1795 = arith.constant 2.000000e+00 : f32
      %parallel_loop3A_1796 = vector.broadcast %parallel_loop3A_1795 : f32 to vector<16xf32>
      %parallel_loop3A_1797 = arith.addf %parallel_loop3A_1796, %parallel_loop3A_1794 : vector<16xf32>
      %parallel_loop3A_1798 = arith.divf %parallel_loop3A_1794, %parallel_loop3A_1797 : vector<16xf32>
      %parallel_loop3A_1799 = arith.mulf %parallel_loop3A_1798, %parallel_loop3A_1798 : vector<16xf32>
      %parallel_loop3A_1800 = arith.constant 0.111111112 : f32
      %parallel_loop3A_1801 = vector.broadcast %parallel_loop3A_1800 : f32 to vector<16xf32>
      %parallel_loop3A_1802 = arith.mulf %parallel_loop3A_1799, %parallel_loop3A_1801 : vector<16xf32>
      %parallel_loop3A_1803 = arith.constant 0.142857149 : f32
      %parallel_loop3A_1804 = vector.broadcast %parallel_loop3A_1803 : f32 to vector<16xf32>
      %parallel_loop3A_1805 = arith.addf %parallel_loop3A_1804, %parallel_loop3A_1802 : vector<16xf32>
      %parallel_loop3A_1806 = arith.mulf %parallel_loop3A_1799, %parallel_loop3A_1805 : vector<16xf32>
      %parallel_loop3A_1807 = arith.constant 2.000000e-01 : f32
      %parallel_loop3A_1808 = vector.broadcast %parallel_loop3A_1807 : f32 to vector<16xf32>
      %parallel_loop3A_1809 = arith.addf %parallel_loop3A_1808, %parallel_loop3A_1806 : vector<16xf32>
      %parallel_loop3A_1810 = arith.mulf %parallel_loop3A_1799, %parallel_loop3A_1809 : vector<16xf32>
      %parallel_loop3A_1811 = arith.constant 0.333333343 : f32
      %parallel_loop3A_1812 = vector.broadcast %parallel_loop3A_1811 : f32 to vector<16xf32>
      %parallel_loop3A_1813 = arith.addf %parallel_loop3A_1812, %parallel_loop3A_1810 : vector<16xf32>
      %parallel_loop3A_1814 = arith.mulf %parallel_loop3A_1799, %parallel_loop3A_1813 : vector<16xf32>
      %parallel_loop3A_1815 = arith.constant 1.000000e+00 : f32
      %parallel_loop3A_1816 = vector.broadcast %parallel_loop3A_1815 : f32 to vector<16xf32>
      %parallel_loop3A_1817 = arith.addf %parallel_loop3A_1816, %parallel_loop3A_1814 : vector<16xf32>
      %parallel_loop3A_1818 = arith.constant 0.693147182 : f32
      %parallel_loop3A_1819 = vector.broadcast %parallel_loop3A_1818 : f32 to vector<16xf32>
      %parallel_loop3A_1820 = arith.mulf %parallel_loop3A_1791, %parallel_loop3A_1819 : vector<16xf32>
      %parallel_loop3A_1821 = arith.constant 2.000000e+00 : f32
      %parallel_loop3A_1822 = vector.broadcast %parallel_loop3A_1821 : f32 to vector<16xf32>
      %parallel_loop3A_1823 = arith.mulf %parallel_loop3A_1822, %parallel_loop3A_1798 : vector<16xf32>
      %parallel_loop3A_1824 = arith.mulf %parallel_loop3A_1823, %parallel_loop3A_1817 : vector<16xf32>
      %parallel_loop3A_1825 = arith.addf %parallel_loop3A_1820, %parallel_loop3A_1824 : vector<16xf32>
      %parallel_loop3A_1826 = arith.subf %parallel_loop3A_614, %parallel_loop3A_1755 : vector<16xf32>
      %parallel_loop3A_1827 = arith.subf %parallel_loop3A_1826, %parallel_loop3A_1825 : vector<16xf32>
      %parallel_loop3A_1828 = arith.subf %parallel_loop3A_616, %parallel_loop3A_1755 : vector<16xf32>
      %parallel_loop3A_1829 = arith.subf %parallel_loop3A_1828, %parallel_loop3A_1825 : vector<16xf32>
      %parallel_loop3A_1830 = arith.subf %parallel_loop3A_618, %parallel_loop3A_1755 : vector<16xf32>
      %parallel_loop3A_1831 = arith.subf %parallel_loop3A_1830, %parallel_loop3A_1825 : vector<16xf32>
      %parallel_loop3A_1832 = arith.constant 0 : i32
      %parallel_loop3A_1833 = vector.broadcast %parallel_loop3A_1832 : i32 to vector<16xi32>
      %parallel_loop3A_1834 = arith.cmpi eq, %parallel_loop3A_1753, %parallel_loop3A_1833 : vector<16xi32>
      %parallel_loop3A_1835 = arith.constant 1 : i32
      %parallel_loop3A_1836 = vector.broadcast %parallel_loop3A_1835 : i32 to vector<16xi32>
      %parallel_loop3A_1837 = arith.cmpi eq, %parallel_loop3A_1753, %parallel_loop3A_1836 : vector<16xi32>
      %parallel_loop3A_1838 = arith.select %parallel_loop3A_1837, %parallel_loop3A_1829, %parallel_loop3A_1831 : vector<16xi1>, vector<16xf32>
      %parallel_loop3A_1839 = arith.select %parallel_loop3A_1834, %parallel_loop3A_1827, %parallel_loop3A_1838 : vector<16xi1>, vector<16xf32>
      %parallel_loop3A_1840 = math.exp %parallel_loop3A_1829 : vector<16xf32>
      %parallel_loop3A_1841 = tpu.bitcast %parallel_loop3A_1840 : vector<16xf32> -> vector<16xi32>
      %parallel_loop3A_1842 = arith.constant 23 : i32
      %parallel_loop3A_1843 = vector.broadcast %parallel_loop3A_1842 : i32 to vector<16xi32>
      %parallel_loop3A_1844 = arith.shrsi %parallel_loop3A_1841, %parallel_loop3A_1843 : vector<16xi32>
      %parallel_loop3A_1845 = arith.constant 127 : i32
      %parallel_loop3A_1846 = vector.broadcast %parallel_loop3A_1845 : i32 to vector<16xi32>
      %parallel_loop3A_1847 = arith.subi %parallel_loop3A_1844, %parallel_loop3A_1846 : vector<16xi32>
      %parallel_loop3A_1848 = arith.constant 8388607 : i32
      %parallel_loop3A_1849 = vector.broadcast %parallel_loop3A_1848 : i32 to vector<16xi32>
      %parallel_loop3A_1850 = arith.andi %parallel_loop3A_1841, %parallel_loop3A_1849 : vector<16xi32>
      %parallel_loop3A_1851 = arith.constant 1065353216 : i32
      %parallel_loop3A_1852 = vector.broadcast %parallel_loop3A_1851 : i32 to vector<16xi32>
      %parallel_loop3A_1853 = arith.ori %parallel_loop3A_1850, %parallel_loop3A_1852 : vector<16xi32>
      %parallel_loop3A_1854 = tpu.bitcast %parallel_loop3A_1853 : vector<16xi32> -> vector<16xf32>
      %parallel_loop3A_1855 = arith.constant 1.41421354 : f32
      %parallel_loop3A_1856 = vector.broadcast %parallel_loop3A_1855 : f32 to vector<16xf32>
      %parallel_loop3A_1857 = arith.cmpf ogt, %parallel_loop3A_1854, %parallel_loop3A_1856 : vector<16xf32>
      %parallel_loop3A_1858 = arith.constant 5.000000e-01 : f32
      %parallel_loop3A_1859 = vector.broadcast %parallel_loop3A_1858 : f32 to vector<16xf32>
      %parallel_loop3A_1860 = arith.mulf %parallel_loop3A_1854, %parallel_loop3A_1859 : vector<16xf32>
      %parallel_loop3A_1861 = arith.select %parallel_loop3A_1857, %parallel_loop3A_1860, %parallel_loop3A_1854 : vector<16xi1>, vector<16xf32>
      %parallel_loop3A_1862 = arith.constant 1 : i32
      %parallel_loop3A_1863 = arith.constant 0 : i32
      %parallel_loop3A_1864 = vector.broadcast %parallel_loop3A_1862 : i32 to vector<16xi32>
      %parallel_loop3A_1865 = vector.broadcast %parallel_loop3A_1863 : i32 to vector<16xi32>
      %parallel_loop3A_1866 = arith.select %parallel_loop3A_1857, %parallel_loop3A_1864, %parallel_loop3A_1865 : vector<16xi1>, vector<16xi32>
      %parallel_loop3A_1867 = arith.addi %parallel_loop3A_1847, %parallel_loop3A_1866 : vector<16xi32>
      %parallel_loop3A_1868 = arith.sitofp %parallel_loop3A_1867 : vector<16xi32> to vector<16xf32>
      %parallel_loop3A_1869 = arith.constant 1.000000e+00 : f32
      %parallel_loop3A_1870 = vector.broadcast %parallel_loop3A_1869 : f32 to vector<16xf32>
      %parallel_loop3A_1871 = arith.subf %parallel_loop3A_1861, %parallel_loop3A_1870 : vector<16xf32>
      %parallel_loop3A_1872 = arith.constant 2.000000e+00 : f32
      %parallel_loop3A_1873 = vector.broadcast %parallel_loop3A_1872 : f32 to vector<16xf32>
      %parallel_loop3A_1874 = arith.addf %parallel_loop3A_1873, %parallel_loop3A_1871 : vector<16xf32>
      %parallel_loop3A_1875 = arith.divf %parallel_loop3A_1871, %parallel_loop3A_1874 : vector<16xf32>
      %parallel_loop3A_1876 = arith.mulf %parallel_loop3A_1875, %parallel_loop3A_1875 : vector<16xf32>
      %parallel_loop3A_1877 = arith.constant 0.111111112 : f32
      %parallel_loop3A_1878 = vector.broadcast %parallel_loop3A_1877 : f32 to vector<16xf32>
      %parallel_loop3A_1879 = arith.mulf %parallel_loop3A_1876, %parallel_loop3A_1878 : vector<16xf32>
      %parallel_loop3A_1880 = arith.constant 0.142857149 : f32
      %parallel_loop3A_1881 = vector.broadcast %parallel_loop3A_1880 : f32 to vector<16xf32>
      %parallel_loop3A_1882 = arith.addf %parallel_loop3A_1881, %parallel_loop3A_1879 : vector<16xf32>
      %parallel_loop3A_1883 = arith.mulf %parallel_loop3A_1876, %parallel_loop3A_1882 : vector<16xf32>
      %parallel_loop3A_1884 = arith.constant 2.000000e-01 : f32
      %parallel_loop3A_1885 = vector.broadcast %parallel_loop3A_1884 : f32 to vector<16xf32>
      %parallel_loop3A_1886 = arith.addf %parallel_loop3A_1885, %parallel_loop3A_1883 : vector<16xf32>
      %parallel_loop3A_1887 = arith.mulf %parallel_loop3A_1876, %parallel_loop3A_1886 : vector<16xf32>
      %parallel_loop3A_1888 = arith.constant 0.333333343 : f32
      %parallel_loop3A_1889 = vector.broadcast %parallel_loop3A_1888 : f32 to vector<16xf32>
      %parallel_loop3A_1890 = arith.addf %parallel_loop3A_1889, %parallel_loop3A_1887 : vector<16xf32>
      %parallel_loop3A_1891 = arith.mulf %parallel_loop3A_1876, %parallel_loop3A_1890 : vector<16xf32>
      %parallel_loop3A_1892 = arith.constant 1.000000e+00 : f32
      %parallel_loop3A_1893 = vector.broadcast %parallel_loop3A_1892 : f32 to vector<16xf32>
      %parallel_loop3A_1894 = arith.addf %parallel_loop3A_1893, %parallel_loop3A_1891 : vector<16xf32>
      %parallel_loop3A_1895 = arith.constant 0.693147182 : f32
      %parallel_loop3A_1896 = vector.broadcast %parallel_loop3A_1895 : f32 to vector<16xf32>
      %parallel_loop3A_1897 = arith.mulf %parallel_loop3A_1868, %parallel_loop3A_1896 : vector<16xf32>
      %parallel_loop3A_1898 = arith.constant 2.000000e+00 : f32
      %parallel_loop3A_1899 = vector.broadcast %parallel_loop3A_1898 : f32 to vector<16xf32>
      %parallel_loop3A_1900 = arith.mulf %parallel_loop3A_1899, %parallel_loop3A_1875 : vector<16xf32>
      %parallel_loop3A_1901 = arith.mulf %parallel_loop3A_1900, %parallel_loop3A_1894 : vector<16xf32>
      %parallel_loop3A_1902 = arith.addf %parallel_loop3A_1897, %parallel_loop3A_1901 : vector<16xf32>
      %parallel_loop3A_1903 = arith.constant 0.000000e+00 : f32
      %parallel_loop3A_1904 = vector.broadcast %parallel_loop3A_1903 : f32 to vector<16xf32>
      %parallel_loop3A_1905 = arith.subf %parallel_loop3A_1904, %parallel_loop3A_1902 : vector<16xf32>
      %parallel_loop3A_1906 = arith.index_cast %parallel_loop3A_612 : i32 to index
      %parallel_loop3A_1907 = tpu.vector_load %arg15[%parallel_loop3A_1906] {strides = array<i32>} : memref<512xi32, #tpu.memory_space<vmem>>, vector<16xi32>,
      tpu.vector_store %arg15[%parallel_loop3A_1906], %parallel_loop3A_1753 {strides = array<i32>} : memref<512xi32, #tpu.memory_space<vmem>>, vector<16xi32>,
      %parallel_loop3A_1908 = arith.index_cast %parallel_loop3A_612 : i32 to index
      %parallel_loop3A_1909 = tpu.vector_load %arg16[%parallel_loop3A_1908] {strides = array<i32>} : memref<512xf32, #tpu.memory_space<vmem>>, vector<16xf32>,
      tpu.vector_store %arg16[%parallel_loop3A_1908], %parallel_loop3A_1839 {strides = array<i32>} : memref<512xf32, #tpu.memory_space<vmem>>, vector<16xf32>,
      %parallel_loop3A_1910 = arith.index_cast %parallel_loop3A_612 : i32 to index
      %parallel_loop3A_1911 = tpu.vector_load %arg17[%parallel_loop3A_1910] {strides = array<i32>} : memref<512xf32, #tpu.memory_space<vmem>>, vector<16xf32>,
      tpu.vector_store %arg17[%parallel_loop3A_1910], %parallel_loop3A_1905 {strides = array<i32>} : memref<512xf32, #tpu.memory_space<vmem>>, vector<16xf32>,
      %parallel_loop3A_1912 = arith.index_cast %parallel_loop3A_612 : i32 to index
      %parallel_loop3A_1913 = tpu.vector_load %arg18[%parallel_loop3A_1912] {strides = array<i32>} : memref<512xf32, #tpu.memory_space<vmem>>, vector<16xf32>,
      tpu.vector_store %arg18[%parallel_loop3A_1912], %parallel_loop3A_1840 {strides = array<i32>} : memref<512xf32, #tpu.memory_space<vmem>>, vector<16xf32>,
    } {sc.loop_unroll_factor = 2 : i64, sc.parallel_access}
    "tpu.region"() ({
      %run_scoped3A = tpu.sem_alloc : memref<!tpu.dma_semaphore, #tpu.memory_space<semaphore_mem>>
      %dma_start3A = tpu.memref_slice %arg5[%mul3A_2] : memref<16384xi32, #tpu.memory_space<hbm>> -> memref<512xi32, #tpu.memory_space<hbm>>
      %dma_start3A_610 = tpu.memref_slice %arg5[%mul3A_2] : memref<16384xi32, #tpu.memory_space<hbm>> -> memref<512xi32, #tpu.memory_space<hbm>>
      tpu.enqueue_dma source(%arg15 : memref<512xi32, #tpu.memory_space<vmem>>) target(%dma_start3A_610 : memref<512xi32, #tpu.memory_space<hbm>>) target_semaphore(%run_scoped3A : memref<!tpu.dma_semaphore, #tpu.memory_space<semaphore_mem>>)
      %dma_wait3A = tpu.memref_slice %arg5[%mul3A_2] : memref<16384xi32, #tpu.memory_space<hbm>> -> memref<512xi32, #tpu.memory_space<hbm>>
      %dma_wait3A_611 = tpu.memref_slice %arg5[%mul3A_2] : memref<16384xi32, #tpu.memory_space<hbm>> -> memref<512xi32, #tpu.memory_space<hbm>>
      tpu.wait_dma2 semaphore(%run_scoped3A : memref<!tpu.dma_semaphore, #tpu.memory_space<semaphore_mem>>) src(%arg15 : memref<512xi32, #tpu.memory_space<vmem>>) dst(%dma_wait3A_611 : memref<512xi32, #tpu.memory_space<hbm>>)
      tpu.yield
    }) : () -> ()
    "tpu.region"() ({
      %run_scoped3A = tpu.sem_alloc : memref<!tpu.dma_semaphore, #tpu.memory_space<semaphore_mem>>
      %dma_start3A = tpu.memref_slice %arg6[%mul3A_2] : memref<16384xf32, #tpu.memory_space<hbm>> -> memref<512xf32, #tpu.memory_space<hbm>>
      %dma_start3A_610 = tpu.memref_slice %arg6[%mul3A_2] : memref<16384xf32, #tpu.memory_space<hbm>> -> memref<512xf32, #tpu.memory_space<hbm>>
      tpu.enqueue_dma source(%arg16 : memref<512xf32, #tpu.memory_space<vmem>>) target(%dma_start3A_610 : memref<512xf32, #tpu.memory_space<hbm>>) target_semaphore(%run_scoped3A : memref<!tpu.dma_semaphore, #tpu.memory_space<semaphore_mem>>)
      %dma_wait3A = tpu.memref_slice %arg6[%mul3A_2] : memref<16384xf32, #tpu.memory_space<hbm>> -> memref<512xf32, #tpu.memory_space<hbm>>
      %dma_wait3A_611 = tpu.memref_slice %arg6[%mul3A_2] : memref<16384xf32, #tpu.memory_space<hbm>> -> memref<512xf32, #tpu.memory_space<hbm>>
      tpu.wait_dma2 semaphore(%run_scoped3A : memref<!tpu.dma_semaphore, #tpu.memory_space<semaphore_mem>>) src(%arg16 : memref<512xf32, #tpu.memory_space<vmem>>) dst(%dma_wait3A_611 : memref<512xf32, #tpu.memory_space<hbm>>)
      tpu.yield
    }) : () -> ()
    "tpu.region"() ({
      %run_scoped3A = tpu.sem_alloc : memref<!tpu.dma_semaphore, #tpu.memory_space<semaphore_mem>>
      %dma_start3A = tpu.memref_slice %arg7[%mul3A_2] : memref<16384xf32, #tpu.memory_space<hbm>> -> memref<512xf32, #tpu.memory_space<hbm>>
      %dma_start3A_610 = tpu.memref_slice %arg7[%mul3A_2] : memref<16384xf32, #tpu.memory_space<hbm>> -> memref<512xf32, #tpu.memory_space<hbm>>
      tpu.enqueue_dma source(%arg17 : memref<512xf32, #tpu.memory_space<vmem>>) target(%dma_start3A_610 : memref<512xf32, #tpu.memory_space<hbm>>) target_semaphore(%run_scoped3A : memref<!tpu.dma_semaphore, #tpu.memory_space<semaphore_mem>>)
      %dma_wait3A = tpu.memref_slice %arg7[%mul3A_2] : memref<16384xf32, #tpu.memory_space<hbm>> -> memref<512xf32, #tpu.memory_space<hbm>>
      %dma_wait3A_611 = tpu.memref_slice %arg7[%mul3A_2] : memref<16384xf32, #tpu.memory_space<hbm>> -> memref<512xf32, #tpu.memory_space<hbm>>
      tpu.wait_dma2 semaphore(%run_scoped3A : memref<!tpu.dma_semaphore, #tpu.memory_space<semaphore_mem>>) src(%arg17 : memref<512xf32, #tpu.memory_space<vmem>>) dst(%dma_wait3A_611 : memref<512xf32, #tpu.memory_space<hbm>>)
      tpu.yield
    }) : () -> ()
    "tpu.region"() ({
      %run_scoped3A = tpu.sem_alloc : memref<!tpu.dma_semaphore, #tpu.memory_space<semaphore_mem>>
      %dma_start3A = tpu.memref_slice %arg8[%mul3A_2] : memref<16384xf32, #tpu.memory_space<hbm>> -> memref<512xf32, #tpu.memory_space<hbm>>
      %dma_start3A_610 = tpu.memref_slice %arg8[%mul3A_2] : memref<16384xf32, #tpu.memory_space<hbm>> -> memref<512xf32, #tpu.memory_space<hbm>>
      tpu.enqueue_dma source(%arg18 : memref<512xf32, #tpu.memory_space<vmem>>) target(%dma_start3A_610 : memref<512xf32, #tpu.memory_space<hbm>>) target_semaphore(%run_scoped3A : memref<!tpu.dma_semaphore, #tpu.memory_space<semaphore_mem>>)
      %dma_wait3A = tpu.memref_slice %arg8[%mul3A_2] : memref<16384xf32, #tpu.memory_space<hbm>> -> memref<512xf32, #tpu.memory_space<hbm>>
      %dma_wait3A_611 = tpu.memref_slice %arg8[%mul3A_2] : memref<16384xf32, #tpu.memory_space<hbm>> -> memref<512xf32, #tpu.memory_space<hbm>>
      tpu.wait_dma2 semaphore(%run_scoped3A : memref<!tpu.dma_semaphore, #tpu.memory_space<semaphore_mem>>) src(%arg18 : memref<512xf32, #tpu.memory_space<vmem>>) dst(%dma_wait3A_611 : memref<512xf32, #tpu.memory_space<hbm>>)
      tpu.yield
    }) : () -> ()
    return
  }
}

</mosaic_0001>

<sc_bundles>
// kernel: kernel.3.cloned.1.call-start
scs
__scs_entry_jumppad:
0x0: {  	(pc) =	sbr.rel $0x88, $3  }
0x1: {  	(tag) =	ssettag $0x0;
	lr =	simm.s32 $0x1  }
0x2: {  	[smem:$0x3F9E] =	sst lr;
	_ =	strace $0xD0000000  }
0x3: {  	_ = 	snop  }
0x4: {  	_ = 	snop  }
0x5: {  	_ = 	snop  }
0x6: {  	_ = 	snop  }
0x7: {  	_ = 	snop  }
__scs_overlays_trampoline_lowered:
0x8: {  	[smem:$0x3FAD] =	sst s0  }
0x9: {  	[smem:$0x3FAE] =	sst s1  }
0xa: {  	[smem:$0x3FAF] =	sst s2  }
0xb: {  	[smem:$0x3FB0] =	sst s3  }
0xc: {  	[smem:$0x3FB1] =	sst s4  }
0xd: {  	[smem:$0x3FB2] =	sst s5  }
0xe: {  	[smem:$0x3FB3] =	sst s6  }
0xf: {  	[smem:$0x3FB4] =	sst s7  }
0x10: {  	[smem:$0x3FB5] =	sst s8  }
0x11: {  	[smem:$0x3FB6] =	sst s9;
	s0 =	simm.s32 @!p0 $0x0  }
0x12: {  	s1 =	sld [smem:$0x3F9C];
	s0 =	simm.s32 @p0 $0x1  }
0x13: {  	[smem:$0x3FB7] =	sst s0;
	s0 =	simm.s32 @!p1 $0x0  }
0x14: {  	s2 =	sld [smem:$0x3F9B];
	s0 =	simm.s32 @p1 $0x1  }
0x15: {  	[smem:$0x3FB8] =	sst s0;
	s0 =	simm.s32 @!p2 $0x0  }
0x16: {  	s3 =	sld [smem:$0x3FDB];
	s0 =	simm.s32 @p2 $0x1  }
0x17: {  	s4 =	simm.s32 $0x1BF5;
	[smem:$0x3FBA] =	sst s0  }
0x18: {  	s0 =	sld [smem:$0x3F9D];
	_ =	swait.ge [sflag:s4], $0x0  }
0x19: {  	s7 =	sld [smem:$0x3F9E]  }
0x1a: {  	s8 =	sadd.s32 $0xFFFFE003, lr  }
0x1b: {  	s9 =	sadd.s32 $0xFFFFFEF7, lr;
	s5 =	simm.s32 $0xFFFFFFFF;
	p2 =	slt.u32 s8, $0xFFFFF086  }
0x1c: {  	p1 =	slt.u32 s9, $0xF7A;
	s5 =	simm.s32 @!p2 $0x0  }
0x1d: {  	s5 =	simm.s32 @p1 $0x1;
	p0 =	seq.s32 s7, s2  }
0x1e: {  	s7 =	smul.u32 @!p0 $0xF7A, s2;
	p2 =	seq.s32 @!p0 s5, $0x0  }
0x1f: {  	s9 =	smul.u32 $0xF7A, s1;
	s8 =	simm.s32 @!p0 $0x1BF5;
	p2 =	por !p2, p0  }
0x20: {  	[sflag:s8] =	ssyncset.s32 @!p0 $0xFFFFF086;
	s6 =	sadd.s32 @!p0 s3, s7;
	s7 =	simm.s32 @!p0 $0x108  }
0x21: {  	s3 =	sadd.s32 s3, s9;
	s6 =	sadd.s32 @!p0 $0x88, s6;
	s7 =	simm.s32 @p2 $0x1082  }
0x22: {  	[simem:s7], [sflag:s8] =	dma.local @!p0 [hbm:s6], $0xF7A  }
0x23: {  	s9 =	sor.u32 $0xD0000000, s2;
	s6 =	simm.s32 $0x108;
	_ =	swait.ge @!p0 [sflag:s8], $0x0  }
0x24: {  	s3 =	sadd.s32 $0x88, s3;
	s6 =	simm.s32 @!p1 $0x1082;
	[sflag:s4] =	ssyncset.s32 $0xFFFFF086  }
0x25: {  	[simem:s6], [sflag:s4] =	dma.local [hbm:s3], $0xF7A  }
0x26: {  	[smem:$0x3F9E] =	sst s1;
	(tag) =	ssettag s2;
	_ =	strace s9  }
0x27: {  	s1 =	sld [smem:$0x3FAE]  }
0x28: {  	s2 =	sld [smem:$0x3FAF]  }
0x29: {  	s4 =	sld [smem:$0x3FB1]  }
0x2a: {  	p0 =	seq.s32 s5, $0x0;
	s5 =	sld [smem:$0x3FB2]  }
0x2b: {  	s6 =	sld [smem:$0x3FB3]  }
0x2c: {  	s7 =	sld [smem:$0x3FB4]  }
0x2d: {  	s3 =	simm.s32 $0x108;
	s8 =	sld [smem:$0x3FB5]  }
0x2e: {  	s3 =	simm.s32 @!p0 $0x1082;
	s9 =	sld [smem:$0x3FB6]  }
0x2f: {  	lr =	sadd.s32 s0, s3;
	s0 =	sld [smem:$0x3FAD]  }
0x30: {  	s3 =	sld [smem:$0x3FB0]  }
0x31: {  	[smem:$0x3FB9] =	sst s10  }
0x32: {  	s10 =	sld [smem:$0x3FB7];
	_ =	sdelay $0x3  }
0x33: {  	p0 =	seq.s32 s10, $0x1;
	s10 =	sld [smem:$0x3FB9];
	_ =	sdelay $0x3  }
0x34: {  	[smem:$0x3FB9] =	sst s10  }
0x35: {  	s10 =	sld [smem:$0x3FB8];
	_ =	sdelay $0x3  }
0x36: {  	p1 =	seq.s32 s10, $0x1;
	s10 =	sld [smem:$0x3FB9];
	_ =	sdelay $0x3  }
0x37: {  	[smem:$0x3FB9] =	sst s10  }
0x38: {  	s10 =	sld [smem:$0x3FBA]  }
0x39: {  	_ = 	snop;
	(pc) =	sbr.ind lr, $3  }
0x3a: {  	_ = 	snop  }
0x3b: {  	_ = 	snop  }
0x3c: {  	p2 =	seq.s32 s10, $0x1;
	s10 =	sld [smem:$0x3FB9]  }
0x3d: {  	_ =	shalt  }
0x3e: {  	_ =	shalt  }
0x3f: {  	_ =	shalt  }
0x40: {  	_ =	shalt  }
0x41: {  	_ =	shalt  }
0x42: {  	_ =	shalt  }
0x43: {  	_ =	shalt  }
0x44: {  	_ =	shalt  }
0x45: {  	_ =	shalt  }
0x46: {  	_ =	shalt  }
0x47: {  	_ =	shalt  }
0x48: {  	_ =	shalt  }
0x49: {  	_ =	shalt  }
0x4a: {  	_ =	shalt  }
0x4b: {  	_ =	shalt  }
0x4c: {  	_ =	shalt  }
0x4d: {  	_ =	shalt  }
0x4e: {  	_ =	shalt  }
0x4f: {  	_ =	shalt  }
0x50: {  	_ =	shalt  }
0x51: {  	_ =	shalt  }
0x52: {  	_ =	shalt  }
0x53: {  	_ =	shalt  }
0x54: {  	_ =	shalt  }
0x55: {  	_ =	shalt  }
0x56: {  	_ =	shalt  }
0x57: {  	_ =	shalt  }
0x58: {  	_ =	shalt  }
0x59: {  	_ =	shalt  }
0x5a: {  	_ =	shalt  }
0x5b: {  	_ =	shalt  }
0x5c: {  	_ =	shalt  }
0x5d: {  	_ =	shalt  }
0x5e: {  	_ =	shalt  }
0x5f: {  	_ =	shalt  }
0x60: {  	_ =	shalt  }
0x61: {  	_ =	shalt  }
0x62: {  	_ =	shalt  }
0x63: {  	_ =	shalt  }
0x64: {  	_ =	shalt  }
0x65: {  	_ =	shalt  }
0x66: {  	_ =	shalt  }
0x67: {  	_ =	shalt  }
0x68: {  	_ =	shalt  }
0x69: {  	_ =	shalt  }
0x6a: {  	_ =	shalt  }
0x6b: {  	_ =	shalt  }
0x6c: {  	_ =	shalt  }
0x6d: {  	_ =	shalt  }
0x6e: {  	_ =	shalt  }
0x6f: {  	_ =	shalt  }
0x70: {  	_ =	shalt  }
0x71: {  	_ =	shalt  }
0x72: {  	_ =	shalt  }
0x73: {  	_ =	shalt  }
0x74: {  	_ =	shalt  }
0x75: {  	_ =	shalt  }
0x76: {  	_ =	shalt  }
0x77: {  	_ =	shalt  }
0x78: {  	_ =	shalt  }
0x79: {  	_ =	shalt  }
0x7a: {  	_ =	shalt  }
0x7b: {  	_ =	shalt  }
0x7c: {  	_ =	shalt  }
0x7d: {  	_ =	shalt  }
0x7e: {  	_ =	shalt  }
0x7f: {  	_ =	shalt  }
0x80: {  	_ =	shalt  }
0x81: {  	_ =	shalt  }
0x82: {  	_ =	shalt  }
0x83: {  	_ =	shalt  }
0x84: {  	_ =	shalt  }
0x85: {  	_ =	shalt  }
0x86: {  	_ =	shalt  }
0x87: {  	_ =	shalt  }
.Lfunc_end0:
.L_simem_size_0:
called_computation_lowered:
.L_overlay_start_0:
0x88: {  	s2 =	sld [smem:$0x3FD9]  }
0x89: {  	s3 =	sld [smem:$0x3FFE];
	_ =	sdelay $0x1  }
0x8a: {  	s1 =	srdreg.scid  }
0x8b: {  	s0 =	sand.u32 $0x1, s1  }
0x8c: {  	s14 =	sshll.u32 s0, $0xA;
	s2 =	sadd.s32 s3, s2  }
0x8d: {  	s2 =	sadd.s32 s2, s14  }
0x8e: {  	[smem:$0x3FC5] =	sst s2  }
0x8f: {  	_ = 	snop  }
0x90: {  	s2 =	sld [smem:$0x3FD0];
	_ =	sdelay $0x2  }
0x91: {  	s4 =	simm.s32 $0xA;
	s5 =	simm.s32 $0x10;
	s15 =	sld [smem:$0x3FC9]  }
0x92: {  	[smem:s5], [sflag:s4] =	dma.local [hbm:s2], $0x1  }
0x93: {  	_ =	swait.eq [sflag:s4], $0x1  }
0x94: {  	s16 =	sld [smem:$0x10]  }
0x95: {  	s17 =	sld [smem:$0x11];
	[sflag:s4] =	ssyncset.done $0x0  }
0x96: {  	s6 =	sld [smem:$0x12];
	[sflag:s4] =	ssyncadd.s32 $0xFFFFFFFF  }
0x97: {  	s18 =	sld [smem:$0x13];
	(tm) =	ssettm $0x1  }
0x98: {  	s7 =	sld [smem:$0x3FFB];
	_ =	sdelay $0x3  }
0x99: {  	_ =	strace s7  }
0x9a: {  	s7 =	sld [smem:$0x3FFC];
	_ =	sdelay $0x3  }
0x9b: {  	_ =	strace s7  }
0x9c: {  	s7 =	sld [smem:$0x3FFD];
	_ =	sdelay $0x3  }
0x9d: {  	_ =	strace s7  }
0x9e: {  	_ =	strace $0x8FFFFFFF  }
0x9f: {  	s19 =	sld [smem:$0x3FDB];
	_ =	sdelay $0x1  }
0xa0: {  	s8 =	simm.s32 $_scs_section_size  }
0xa1: {  	s9 =	simm.s32 $_size__tile_overlayer_lowered;
	s10 =	simm.s32 $_tile_overlayer_lowered  }
0xa2: {  	s22 =	simm.s32 $0x1BFF;
	s21 =	sshll.u32 s10, $0x1;
	s7 =	sadd.s32 s8, s19  }
0xa3: {  	s11 =	simm.s32 $0x0;
	s20 =	sshll.u32 s9, $0x1;
	s9 =	sadd.s32 s21, s7  }
0xa4: {  	[timem:s11], [sflag:s22] =	dma.local [hbm:s9], s20  }
0xa5: {  	_ =	swait.ge [sflag:s22], s20  }
0xa6: {  	s8 =	ssub.s32 $0x0, s20;
	[sflag:s22] =	ssyncset.done $0x0  }
0xa7: {  	[sflag:s22] =	ssyncadd.s32 s8;
	_ =	sdelay $0x1  }
0xa8: {  	s23 =	simm.s32 $0x1B8B  }
0xa9: {  	_ =	swait.ge [sflag:s23], $0x1  }
0xaa: {  	[sflag:s23] =	ssyncset.done $0x0  }
0xab: {  	s25 =	simm.s32 $0x1B8E;
	s24 =	sld [smem:$0x3FFE];
	[sflag:s23] =	ssyncadd.s32 $0xFFFFFFFF  }
0xac: {  	s26 =	simm.s32 $execute0_lowered;
	[smem:$0x3FD2] =	sst s25  }
0xad: {  	s9 =	sshll.u32 s26, $0x1;
	_ =	strace $0x80000046;
	[dreg:$0x1] =	wrdreg $0xFFFFFFFF  }
0xae: {  	s28 =	simm.s32 $_size_execute0_lowered;
	s7 =	sadd.s32 s7, s9;
	[dreg:$0x0] =	wrdreg $0x0  }
0xaf: {  	s9 =	sshll.u32 s28, $0x1;
	[dreg:$0x2] =	wrdreg s7  }
0xb0: {  	[dreg:$0x3] =	wrdreg s9  }
0xb1: {  	[dreg:$0x4] =	wrdreg $0xC0  }
0xb2: {  	_ =	task [dreg:s11], $0x5FFFF  }
0xb3: {  	[dreg:$0x1] =	wrdreg $0xFFFFFFFF  }
0xb4: {  	[dreg:$0x0] =	wrdreg $0x60  }
0xb5: {  	[dreg:$0x2] =	wrdreg s15  }
0xb6: {  	[dreg:$0x3] =	wrdreg s24  }
0xb7: {  	[dreg:$0x4] =	wrdreg s16  }
0xb8: {  	[dreg:$0x5] =	wrdreg s17  }
0xb9: {  	[dreg:$0x6] =	wrdreg s6  }
0xba: {  	[dreg:$0x7] =	wrdreg s18  }
0xbb: {  	[dreg:$0x8] =	wrdreg $0x9  }
0xbc: {  	_ =	task.clear_ibuf [dreg:s11], $0x9FFFF;
	_ =	strace $0x90000046  }
0xbd: {  	s29 =	simm.s32 $0x9;
	_ =	strace $0x80000048  }
0xbe: {  	_ =	swait.ge [sflag:s29], $0x1  }
0xbf: {  	[sflag:s29] =	ssyncadd.s32 $0xFFFFFFFF  }
0xc0: {  	_ =	strace $0x90000048  }
0xc1: {  	_ =	sfence  }
0xc2: {  	s30 =	sld [smem:$0x0];
	_ =	sdelay $0x2  }
0xc3: {  	s31 =	sshll.u32 s1, $0xD;
	s1 =	sshrl.u32 s1, $0x2  }
0xc4: {  	s3 =	sand.u32 $0x4000, s31;
	s1 =	sadd.s32 s1, s30  }
0xc5: {  	s0 =	sor.u32 s3, s0;
	s1 =	sshll.u32 s1, $0x11  }
0xc6: {  	s0 =	sor.u32 s1, s0  }
0xc7: {  	s0 =	sadd.s32 $0x8F2B, s0  }
0xc8: {  	[sflag:s0] =	ssyncadd.remote.s32 $0x1  }
0xc9: {  	_ =	sfence.sel $0xFFFF  }
0xca: {  	[dreg:$0x0] =	wrdreg $0xFFFFFFFF;
	(pc) =	sbr.abs _section_cstart, $3  }
0xcb: {  	[dreg:$0x1] =	wrdreg $0xFFFFFFFF  }
0xcc: {  	_ =	task.clear_ibuf [dreg:s11], $0x2FFFF;
	_ =	strace $0x9FFFFFFF  }
0xcd: {  	(tm) =	ssettm $0x7FFFFFFF  }
tec
execute0_lowered:
.L_overlay_start_1:
0x0: {  	(tag) =	ssettag $0x1  }
0x1: {  	s5 =	rddreg [dreg:$0x0]  }
0x2: {  	s4 =	rddreg [dreg:$0x1]  }
0x3: {  	s6 =	rddreg [dreg:$0x2]  }
0x4: {  	s7 =	rddreg [dreg:$0x3]  }
0x5: {  	s8 =	rddreg [dreg:$0x4]  }
0x6: {  	s9 =	rddreg [dreg:$0x5]  }
0x7: {  	s0 =	rddreg [dreg:$0x6];
	s2 =	simm.s32 $0x0;
	s10 =	srdreg.scid;
	v0 =	vlaneseq.u32  }
0x8: {  	s1 =	stileid.u32;
	s15 =	simm.s32 $0x1C880;
	s16 =	simm.s32 $0x1CA80;
	v11 =	vmul.u32 $0x80, v0  }
0x9: {  	s17 =	simm.s32 $0x1CC80;
	s18 =	simm.s32 $0x0;
	[smem:$0x7FF] =	sst s2  }
0xa: {  	s3 =	sadd.s32 $0xA00, s4;
	s10 =	sand.u32 $0x1, s10;
	_ =	strace $0x80000047;
	v12 =	vor.u32 $0x800, v11;
	[tilespmem:$0x1FF80] =	vst v11  }
0xb: {  	s11 =	sshll.u32 s1, $0x1;
	s4 =	sadd.s32 $0x800, s4;
	s30 =	sshll.u32 s1, $0xA;
	v13 =	vor.u32 $0x1000, v11;
	[tilespmem:$0x1FF90] =	vst v12  }
0xc: {  	s12 =	ssub.s32 $0x2, s10;
	s11 =	sor.u32 s10, s11;
	s10 =	sshll.u32 s10, $0x9;
	v14 =	vor.u32 $0x1800, v11;
	[tilespmem:$0x1FFA0] =	vst v13  }
0xd: {  	s13 =	sshrl.u32 s12, $0x1;
	s14 =	sshll.u32 s11, $0xD;
	s11 =	sshll.u32 s11, $0x6;
	v15 =	vor.u32 $0x2000, v11;
	[tilespmem:$0x1FFB0] =	vst v14  }
0xe: {  	s31 =	sor.u32 s10, s30;
	v16 =	vor.u32 $0x2800, v11;
	s12 =	ssub.s32 s12, s13;
	s5 =	sadd.s32 s5, s14;
	[tilespmem:$0x1FFC0] =	vst v15  }
0xf: {  	v17 =	vor.u32 $0x3000, v11;
	s6 =	sadd.s32 s6, s11;
	s7 =	sadd.s32 s7, s11;
	s8 =	sadd.s32 s8, s11;
	[tilespmem:$0x1FFD0] =	vst v16  }
0x10: {  	v21 =	vor.u32 $0x3800, v11;
	s9 =	sadd.s32 s9, s11;
	s11 =	sor.u32 $0x10, s31;
	s13 =	simm.s32 $0x1C000;
	[tilespmem:$0x1FFE0] =	vst v17  }
0x11: {  	s14 =	simm.s32 $0x1C680;
	[tilespmem:$0x1FFF0] =	vst v21;
	s10 =	smax.u32 s12, $0x1;
	s12 =	simm.s32 $0x1  }
.LBB2_1:
0x12: {  	[tilespmem:s2], [sflag:$0x1] =	stream.linear.gather [hbm4b:s5+s2], $0x10000, $0x38;
	[tilespmem:$0x1CE80] =	vst v63  }
0x13: {  	_ =	swait.ge [sflag:s12], $0x10000  }
0x14: {  	[sflag:s12] =	ssyncset.done $0x0  }
0x15: {  	s19 =	simm.s32 $0x10000;
	[sflag:s12] =	ssyncadd.s32 $0xFFFF0000  }
0x16: {  	[tilespmem:s19], [sflag:$0x1] =	stream.linear.gather [hbm4b:s3+s2], $0xC000, $0x38;
	[tilespmem:$0x1CE80] =	vst v63  }
0x17: {  	_ =	swait.ge [sflag:s12], $0xC000  }
0x18: {  	s20 =	simm.s32 $0x1;
	[sflag:s12] =	ssyncset.done $0x0  }
0x19: {  	v0 =	vor.u32 s20, v21;
	[sflag:s12] =	ssyncadd.s32 $0xFFFF4000  }
0x1a: {  	[tilespmem:s13], [sflag:$0x1] =	stream.linear.gather [hbm4b:s4+s2], $0x80, $0x38;
	[tilespmem:$0x1CE80] =	vst v63  }
0x1b: {  	v1 =	vor.u32 s20, v15;
	_ =	swait.ge [sflag:s12], $0x80  }
0x1c: {  	[sflag:s12] =	ssyncset.done $0x0  }
0x1d: {  	v3 =	vor.u32 s20, v11;
	[sflag:s12] =	ssyncadd.s32 $0xFFFFFF80  }
0x1e: {  	v0 =	vld.idx.msk [tilespmem:v0+s2+$0x0], $0xffff;
	_ =	sdelay $0x1  }
0x1f: {  	v1 =	vld.idx.msk [tilespmem:v1+s2+$0x0], $0xffff;
	_ =	sdelay $0x1  }
0x20: {  	v3 =	vld.idx.msk [tilespmem:v3+s2+$0x0], $0xffff  }
0x21: {  	v2 =	vor.u32 s20, v14;
	v4 =	vshrl.u32 v0, $0x10  }
0x22: {  	v4 =	vand.u32 $0x1, v4  }
0x23: {  	v0 =	vadd.s32 v4, v0;
	v4 =	vshrl.u32 v1, $0x10  }
0x24: {  	v4 =	vand.u32 $0x1, v4  }
0x25: {  	v18 =	vld [tilespmem:s19+$0x4080];
	v7 =	vshrl.u32 v3, $0x10;
	v1 =	vadd.s32 v4, v1;
	v4 =	vor.u32 s20, v16  }
0x26: {  	v2 =	vld.idx.msk [tilespmem:v2+s2+$0x0], $0xffff;
	v7 =	vand.u32 $0x1, v7  }
0x27: {  	v10 =	vimm.f32 $0.0e+00;
	v44 =	vimm.f32 $0.0e+00;
	v6 =	vld [tilespmem:s19+$0x8080];
	v3 =	vadd.s32 v7, v3  }
0x28: {  	v45 =	vimm.f32 $0.0e+00;
	v46 =	vimm.f32 $0.0e+00;
	v3 =	vadd.s32 $0x7FFF, v3  }
0x29: {  	v59 =	vimm.f32 $0.0e+00;
	v58 =	vimm.f32 $0.0e+00;
	v20 =	vld [tilespmem:s19+$0x80];
	v52 =	vand.u32 $0xFFFF0000, v3  }
0x2a: {  	v40 =	vimm.f32 $0.0e+00;
	v8 =	vor.u32 s20, v12;
	v3 =	vld.idx.msk [tilespmem:v4+s2+$0x0], $0xffff;
	v4 =	vmul.f32 v52, v18  }
0x2b: {  	v37 =	vimm.f32 $0.0e+00;
	v33 =	vimm.f32 $0.0e+00;
	v5 =	vshrl.u32 v2, $0x10  }
0x2c: {  	v38 =	vimm.f32 $0.0e+00;
	v5 =	vand.u32 $0x1, v5;
	[tilespmem:$0x1FEC0] =	vst v4;
	v4 =	vmul.f32 v52, v6  }
0x2d: {  	v9 =	vor.u32 s20, v17;
	v2 =	vadd.s32 v5, v2;
	v0 =	vadd.s32 $0x7FFF, v0  }
0x2e: {  	v49 =	vimm.f32 $0.0e+00;
	v2 =	vadd.s32 $0x7FFF, v2;
	v0 =	vand.u32 $0xFFFF0000, v0;
	[tilespmem:$0x1FED0] =	vst v4  }
0x2f: {  	v51 =	vimm.f32 $0.0e+00;
	v2 =	vand.u32 $0xFFFF0000, v2;
	v4 =	vld.idx.msk [tilespmem:v8+s2+$0x0], $0xffff;
	v8 =	vmul.f32 v0, v20  }
0x30: {  	v30 =	vimm.f32 $0.0e+00;
	v7 =	vor.u32 s20, v13;
	v19 =	vmul.f32 v2, v18  }
0x31: {  	v42 =	vimm.f32 $0.0e+00;
	v5 =	vor.u32 s2, v13;
	v22 =	vmul.f32 v2, v6;
	[tilespmem:$0x1FEE0] =	vst v8  }
0x32: {  	v39 =	vimm.f32 $0.0e+00;
	v43 =	vimm.f32 $0.0e+00;
	v8 =	vld.idx.msk [tilespmem:v9+s2+$0x0], $0xffff;
	v9 =	vmul.f32 v0, v6;
	[tilespmem:$0x1FF00] =	vst v19  }
0x33: {  	v41 =	vimm.f32 $0.0e+00;
	v36 =	vimm.f32 $0.0e+00;
	v2 =	vmul.f32 v2, v20;
	[tilespmem:$0x1FF10] =	vst v22  }
0x34: {  	v14 =	vor.u32 s2, v14;
	v13 =	vor.u32 s2, v21;
	v21 =	vor.u32 s2, v11;
	[tilespmem:$0x1FEF0] =	vst v9  }
0x35: {  	v11 =	vimm.f32 $0.0e+00;
	v56 =	vmul.f32 v0, v18;
	v0 =	vor.u32 s2, v17;
	v7 =	vld.idx.msk [tilespmem:v7+s2+$0x0], $0xffff;
	[tilespmem:$0x1FF20] =	vst v2  }
0x36: {  	v1 =	vadd.s32 $0x7FFF, v1;
	v23 =	vshrl.u32 v3, $0x10;
	v22 =	vor.u32 s2, v12;
	v62 =	vld.idx.msk [tilespmem:v5+s2+$0x0], $0xffff  }
0x37: {  	v23 =	vand.u32 $0x1, v23;
	v9 =	vor.u32 s2, v16;
	v2 =	vshrl.u32 v4, $0x10;
	v28 =	vld [tilespmem:s19+$0x4000]  }
0x38: {  	v1 =	vand.u32 $0xFFFF0000, v1;
	v3 =	vadd.s32 v23, v3;
	v2 =	vand.u32 $0x1, v2;
	v50 =	vld [tilespmem:s19+$0x0]  }
0x39: {  	v19 =	vor.u32 s2, v15;
	v3 =	vadd.s32 $0x7FFF, v3;
	v2 =	vadd.s32 v2, v4;
	v4 =	vld.idx.msk [tilespmem:v13+s2+$0x0], $0xffff  }
0x3a: {  	v48 =	vmul.f32 v1, v18;
	v47 =	vmul.f32 v1, v20;
	v25 =	vand.u32 $0xFFFF0000, v3;
	v0 =	vld.idx.msk [tilespmem:v0+s2+$0x0], $0xffff  }
0x3b: {  	v23 =	vmul.f32 v25, v20;
	v34 =	vmul.f32 v25, v18;
	v24 =	vshrl.u32 v8, $0x10;
	v63 =	vld.idx.msk [tilespmem:v22+s2+$0x0], $0xffff  }
0x3c: {  	v55 =	vmul.f32 v25, v6;
	v24 =	vand.u32 $0x1, v24;
	v2 =	vadd.s32 $0x7FFF, v2;
	v27 =	vld.idx.msk [tilespmem:v9+s2+$0x0], $0xffff  }
0x3d: {  	v22 =	vimm.f32 $0.0e+00;
	v8 =	vadd.s32 v24, v8;
	v13 =	vand.u32 $0xFFFF0000, v2;
	v2 =	vld.idx.msk [tilespmem:v14+s2+$0x0], $0xffff  }
0x3e: {  	v14 =	vld.idx.msk [tilespmem:v19+s2+$0x0], $0xffff;
	v24 =	vmul.f32 v1, v6;
	v8 =	vadd.s32 $0x7FFF, v8;
	v26 =	vmul.f32 v13, v20  }
0x3f: {  	v9 =	vld.idx.msk [tilespmem:v21+s2+$0x0], $0xffff;
	v54 =	vmul.f32 v13, v18;
	v3 =	vand.u32 $0xFFFF0000, v8;
	v8 =	vshrl.u32 v7, $0x10  }
0x40: {  	[tilespmem:$0x1FF30] =	vst v11;
	v11 =	vld [tilespmem:$0x1C000];
	v57 =	vmul.f32 v13, v6;
	v29 =	vmul.f32 v3, v18;
	v8 =	vand.u32 $0x1, v8  }
0x41: {  	v35 =	vmul.f32 v3, v20;
	v5 =	vshrl.u32 v4, $0x10;
	v1 =	vshrl.u32 v0, $0x10  }
0x42: {  	v53 =	vmul.f32 v3, v6;
	v3 =	vshrl.u32 v63, $0x10;
	v7 =	vadd.s32 v8, v7  }
0x43: {  	v5 =	vand.u32 $0x1, v5;
	v1 =	vand.u32 $0x1, v1;
	v7 =	vadd.s32 $0x7FFF, v7  }
0x44: {  	v4 =	vadd.s32 v5, v4;
	v0 =	vadd.s32 v1, v0;
	v5 =	vshrl.u32 v62, $0x10  }
0x45: {  	[tilespmem:$0x1FF40] =	vst v11;
	v11 =	vimm.f32 $0.0e+00;
	v60 =	vand.u32 $0xFFFF0000, v7;
	v1 =	vadd.s32 $0x7FFF, v4  }
0x46: {  	v4 =	vshrl.u32 v27, $0x10;
	v7 =	vshrl.u32 v2, $0x10;
	v0 =	vadd.s32 $0x7FFF, v0  }
0x47: {  	[tilespmem:$0x1FF50] =	vst v11;
	v11 =	vimm.f32 $0.0e+00;
	v32 =	vmul.f32 v60, v6;
	v1 =	vand.u32 $0xFFFF0000, v1  }
0x48: {  	v13 =	vand.u32 $0x1, v4;
	v4 =	vshrl.u32 v14, $0x10;
	v6 =	vand.u32 $0xFFFF0000, v0  }
0x49: {  	v61 =	vld [tilespmem:s19+$0x8000];
	[tilespmem:$0x1FF60] =	vst v11;
	v11 =	vimm.f32 $0.0e+00;
	v8 =	vmul.f32 v1, v28;
	v19 =	vand.u32 $0x1, v4  }
0x4a: {  	v4 =	vshrl.u32 v9, $0x10;
	v14 =	vadd.s32 v19, v14;
	v19 =	vadd.s32 v13, v27  }
0x4b: {  	v27 =	vimm.f32 $0.0e+00;
	v0 =	vadd.s32 $0x7FFF, v14;
	v14 =	vand.u32 $0x1, v7  }
0x4c: {  	s23 =	simm.s32 $0x2;
	[tilespmem:$0x1FF70] =	vst v11;
	v7 =	vmul.f32 v1, v50;
	v13 =	vand.u32 $0xFFFF0000, v0;
	v0 =	vadd.s32 $0x7FFF, v19  }
.LBB2_2:
0x4d: {  	v31 =	vmov v26;
	v26 =	vld [tilespmem:$0x1FFF0];
	v8 =	vadd.f32 v8, v44  }
0x4e: {  	v25 =	vld [tilespmem:$0x1FFB0]  }
0x4f: {  	v44 =	vadd.f32 v56, v8;
	v56 =	vmov v32;
	v32 =	vld [tilespmem:$0x1FFC0];
	_ =	sdelay $0x1  }
0x50: {  	s22 =	sadd.s32 $0x1, s23;
	v2 =	vadd.s32 v14, v2;
	v14 =	vmul.f32 v13, v50  }
0x51: {  	v16 =	vmul.f32 v6, v50;
	v52 =	vmul.f32 v52, v20;
	v15 =	vor.u32 s22, v26  }
0x52: {  	v19 =	vmul.f32 v6, v28;
	v4 =	vand.u32 $0x1, v4;
	v11 =	vor.u32 s22, v25  }
0x53: {  	v10 =	vadd.f32 v14, v10;
	v14 =	vmul.f32 v13, v28;
	v8 =	vor.u32 s22, v32  }
0x54: {  	v3 =	vand.u32 $0x1, v3;
	v0 =	vand.u32 $0xFFFF0000, v0;
	v17 =	vadd.s32 $0x7FFF, v2  }
0x55: {  	v4 =	vadd.s32 v4, v9;
	v3 =	vadd.s32 v3, v63;
	v14 =	vadd.f32 v14, v45  }
0x56: {  	v9 =	vmul.f32 v60, v20;
	v3 =	vadd.s32 $0x7FFF, v3;
	v16 =	vadd.f32 v16, v33;
	v15 =	vld.idx.msk [tilespmem:v15+s2+$0x0], $0xffff  }
0x57: {  	v3 =	vand.u32 $0xFFFF0000, v3;
	v20 =	vmul.f32 v0, v61;
	v45 =	vadd.f32 v48, v14;
	v2 =	vld.idx.msk [tilespmem:v11+s2+$0x0], $0xffff  }
0x58: {  	v14 =	vmul.f32 v3, v61;
	v11 =	vmul.f32 v60, v18;
	v18 =	vadd.f32 v19, v37;
	v8 =	vld.idx.msk [tilespmem:v8+s2+$0x0], $0xffff  }
0x59: {  	v33 =	vadd.f32 v35, v16;
	v20 =	vadd.f32 v20, v22;
	v19 =	vmul.f32 v3, v28  }
0x5a: {  	v16 =	vand.u32 $0xFFFF0000, v17;
	v14 =	vadd.f32 v14, v38;
	v37 =	vadd.f32 v29, v18  }
0x5b: {  	v22 =	vld [tilespmem:$0x1FF30];
	v18 =	vmul.f32 v16, v50;
	v19 =	vadd.f32 v19, v30;
	v30 =	vshrl.u32 v15, $0x10  }
0x5c: {  	v1 =	vmul.f32 v1, v61;
	v38 =	vadd.f32 v57, v14;
	v14 =	vand.u32 $0x1, v30  }
0x5d: {  	v21 =	vld [tilespmem:$0x1FF80];
	v14 =	vadd.s32 v14, v15;
	v15 =	vadd.f32 v18, v27;
	v18 =	vshrl.u32 v8, $0x10  }
0x5e: {  	v1 =	vadd.f32 v1, v59;
	v59 =	vmul.f32 v0, v28;
	v27 =	vld [tilespmem:$0x1FF70];
	v18 =	vand.u32 $0x1, v18  }
0x5f: {  	v8 =	vadd.s32 v18, v8;
	v18 =	vld [tilespmem:$0x1FF20]  }
0x60: {  	v5 =	vand.u32 $0x1, v5;
	v22 =	vadd.f32 v59, v22  }
0x61: {  	v5 =	vadd.s32 v5, v62;
	v4 =	vadd.s32 $0x7FFF, v4;
	v30 =	vadd.f32 v54, v19  }
0x62: {  	v0 =	vmul.f32 v0, v50;
	v19 =	vadd.f32 v34, v22;
	v22 =	vadd.f32 v55, v20;
	v20 =	vld [tilespmem:$0x1FF50]  }
0x63: {  	v5 =	vadd.s32 $0x7FFF, v5;
	v13 =	vmul.f32 v13, v61;
	v6 =	vmul.f32 v6, v61  }
0x64: {  	v12 =	vor.u32 s22, v21;
	v0 =	vadd.f32 v0, v27;
	v27 =	vadd.f32 v18, v15;
	v15 =	vld [tilespmem:$0x1FF10]  }
0x65: {  	v13 =	vadd.f32 v13, v46;
	v29 =	vmul.f32 v16, v28;
	v16 =	vmul.f32 v16, v61  }
0x66: {  	v4 =	vand.u32 $0xFFFF0000, v4;
	v5 =	vand.u32 $0xFFFF0000, v5;
	v6 =	vadd.f32 v6, v40  }
0x67: {  	v63 =	vld [tilespmem:$0x1FFE0];
	v46 =	vadd.f32 v24, v13;
	v24 =	vmul.f32 v4, v50;
	v16 =	vadd.f32 v16, v20  }
0x68: {  	v62 =	vmul.f32 v5, v50;
	v40 =	vadd.f32 v53, v6;
	v20 =	vld [tilespmem:$0x1FF60]  }
0x69: {  	v60 =	vmul.f32 v4, v28;
	v6 =	vadd.f32 v24, v49;
	v12 =	vld.idx.msk [tilespmem:v12+s2+$0x0], $0xffff;
	v15 =	vadd.f32 v15, v16  }
0x6a: {  	v24 =	vmul.f32 v5, v61;
	v5 =	vmul.f32 v5, v28;
	v28 =	vld [tilespmem:$0x1FF90];
	v0 =	vadd.f32 v23, v0  }
0x6b: {  	v7 =	vadd.f32 v7, v58;
	v3 =	vmul.f32 v3, v50;
	[tilespmem:$0x1FF50] =	vst v15;
	v15 =	vld [tilespmem:$0x1FF00]  }
0x6c: {  	v10 =	vadd.f32 v47, v10;
	v5 =	vadd.f32 v5, v41;
	[tilespmem:$0x1FF70] =	vst v0;
	v0 =	vld [tilespmem:$0x1FEE0]  }
0x6d: {  	v3 =	vadd.f32 v3, v42;
	v20 =	vadd.f32 v29, v20;
	v29 =	vld [tilespmem:$0x1FFD0]  }
0x6e: {  	s19 =	sadd.s32 $0x100, s19;
	v4 =	vmul.f32 v4, v61;
	v41 =	vadd.f32 v11, v5;
	v5 =	vld [tilespmem:$0x1FED0];
	[tilespmem:$0x1FF30] =	vst v19;
	v19 =	vadd.f32 v62, v39  }
0x6f: {  	v17 =	vadd.f32 v60, v51;
	v42 =	vadd.f32 v31, v3;
	v18 =	vld [tilespmem:s19+$0x4080];
	v16 =	vshrl.u32 v12, $0x10  }
0x70: {  	v39 =	vadd.f32 v9, v19;
	v9 =	vld [tilespmem:$0x1FEC0];
	v3 =	vand.u32 $0x1, v16;
	v15 =	vadd.f32 v15, v20  }
0x71: {  	v4 =	vadd.f32 v4, v36;
	v49 =	vadd.f32 v52, v6;
	v6 =	vld [tilespmem:s19+$0x8080];
	v3 =	vadd.s32 v3, v12  }
0x72: {  	v58 =	vadd.f32 v0, v7;
	v0 =	vor.u32 s22, v29;
	v3 =	vadd.s32 $0x7FFF, v3;
	[tilespmem:$0x1FF60] =	vst v15;
	v15 =	vld [tilespmem:$0x1FEF0]  }
0x73: {  	v24 =	vadd.f32 v24, v43;
	v13 =	vshrl.u32 v2, $0x10;
	v23 =	vld [tilespmem:$0x1FFA0];
	v52 =	vand.u32 $0xFFFF0000, v3  }
0x74: {  	v36 =	vadd.f32 v5, v4;
	v7 =	vor.u32 s22, v63;
	v4 =	vmul.f32 v52, v18;
	v20 =	vld [tilespmem:s19+$0x80]  }
0x75: {  	v14 =	vadd.s32 $0x7FFF, v14;
	v51 =	vadd.f32 v9, v17;
	v9 =	vand.u32 $0x1, v13  }
0x76: {  	v8 =	vadd.s32 $0x7FFF, v8;
	v2 =	vadd.s32 v9, v2;
	[tilespmem:$0x1FEC0] =	vst v4;
	v4 =	vmul.f32 v52, v6  }
0x77: {  	v0 =	vld.idx.msk [tilespmem:v0+s2+$0x0], $0xffff;
	v59 =	vadd.f32 v15, v1;
	v1 =	vand.u32 $0xFFFF0000, v8;
	v8 =	vor.u32 s22, v28  }
0x78: {  	v43 =	vadd.f32 v56, v24;
	v14 =	vand.u32 $0xFFFF0000, v14;
	v2 =	vadd.s32 $0x7FFF, v2  }
0x79: {  	s21 =	smov.u32 s23;
	v2 =	vand.u32 $0xFFFF0000, v2;
	[tilespmem:$0x1FED0] =	vst v4;
	v4 =	vld.idx.msk [tilespmem:v7+s2+$0x0], $0xffff;
	v7 =	vmul.f32 v14, v20;
	v15 =	vor.u32 s22, v23  }
0x7a: {  	v11 =	vor.u32 s21, v25;
	v9 =	vor.u32 s21, v26;
	v13 =	vmul.f32 v2, v6  }
0x7b: {  	v5 =	vor.u32 s21, v23;
	v56 =	vmul.f32 v14, v18;
	[tilespmem:$0x1FEE0] =	vst v7;
	v7 =	vmul.f32 v14, v6  }
0x7c: {  	[tilespmem:$0x1FF10] =	vst v13;
	v13 =	vor.u32 s21, v21;
	v12 =	vor.u32 s21, v32;
	v16 =	vshrl.u32 v0, $0x10;
	v3 =	vld.idx.msk [tilespmem:v8+s2+$0x0], $0xffff  }
0x7d: {  	v16 =	vand.u32 $0x1, v16;
	[tilespmem:$0x1FEF0] =	vst v7;
	v7 =	vor.u32 s21, v29;
	v8 =	vmul.f32 v2, v18  }
0x7e: {  	v0 =	vadd.s32 v16, v0;
	v14 =	vor.u32 s21, v28;
	v17 =	vshrl.u32 v4, $0x10;
	v15 =	vld.idx.msk [tilespmem:v15+s2+$0x0], $0xffff  }
0x7f: {  	v0 =	vadd.s32 $0x7FFF, v0;
	v2 =	vmul.f32 v2, v20;
	[tilespmem:$0x1FF00] =	vst v8;
	v8 =	vor.u32 s21, v63  }
0x80: {  	v19 =	vld.idx.msk [tilespmem:v9+s2+$0x0], $0xffff;
	v48 =	vmul.f32 v1, v18;
	v47 =	vmul.f32 v1, v20;
	v17 =	vand.u32 $0x1, v17  }
0x81: {  	v62 =	vld.idx.msk [tilespmem:v5+s2+$0x0], $0xffff;
	v0 =	vand.u32 $0xFFFF0000, v0;
	v24 =	vmul.f32 v1, v6;
	[tilespmem:$0x1FF20] =	vst v2;
	v2 =	vshrl.u32 v3, $0x10  }
0x82: {  	v23 =	vmul.f32 v0, v20;
	v34 =	vmul.f32 v0, v18;
	v7 =	vld.idx.msk [tilespmem:v7+s2+$0x0], $0xffff;
	v2 =	vand.u32 $0x1, v2  }
0x83: {  	v55 =	vmul.f32 v0, v6;
	v63 =	vld.idx.msk [tilespmem:v14+s2+$0x0], $0xffff;
	v9 =	vshrl.u32 v15, $0x10;
	v2 =	vadd.s32 v2, v3  }
0x84: {  	v9 =	vand.u32 $0x1, v9;
	v3 =	vadd.s32 v17, v4;
	v4 =	vld.idx.msk [tilespmem:v8+s2+$0x0], $0xffff;
	v2 =	vadd.s32 $0x7FFF, v2  }
0x85: {  	v5 =	vadd.s32 v9, v15;
	v3 =	vadd.s32 $0x7FFF, v3;
	v8 =	vand.u32 $0xFFFF0000, v2;
	v2 =	vld.idx.msk [tilespmem:v11+s2+$0x0], $0xffff  }
0x86: {  	v5 =	vadd.s32 $0x7FFF, v5;
	v3 =	vand.u32 $0xFFFF0000, v3;
	v11 =	vld.idx.msk [tilespmem:v12+s2+$0x0], $0xffff;
	v12 =	vshrl.u32 v19, $0x10  }
0x87: {  	v60 =	vand.u32 $0xFFFF0000, v5;
	v26 =	vmul.f32 v8, v20;
	v29 =	vmul.f32 v3, v18  }
0x88: {  	v35 =	vmul.f32 v3, v20;
	v54 =	vmul.f32 v8, v18;
	v12 =	vand.u32 $0x1, v12  }
0x89: {  	v28 =	vld [tilespmem:s19+$0x4000];
	v32 =	vmul.f32 v60, v6;
	v57 =	vmul.f32 v8, v6;
	v8 =	vshrl.u32 v7, $0x10  }
0x8a: {  	v9 =	vld.idx.msk [tilespmem:v13+s2+$0x0], $0xffff;
	v53 =	vmul.f32 v3, v6;
	v3 =	vshrl.u32 v63, $0x10;
	v1 =	vshrl.u32 v4, $0x10  }
0x8b: {  	v5 =	vadd.s32 v12, v19;
	v13 =	vand.u32 $0x1, v8;
	v1 =	vand.u32 $0x1, v1  }
0x8c: {  	p0 =	slt.u32 s23, $0x7E;
	v50 =	vld [tilespmem:s19+$0x0];
	v7 =	vadd.s32 v13, v7;
	v4 =	vadd.s32 v1, v4;
	v1 =	vadd.s32 $0x7FFF, v5  }
.Ltmp0:
0x8d: {  	v5 =	vshrl.u32 v62, $0x10;
	v12 =	vshrl.u32 v2, $0x10;
	v14 =	vshrl.u32 v11, $0x10;
	(pc) =	sbr.rel @p0 .LBB2_2-.Ltmp0, $4  }
0x8e: {  	v1 =	vand.u32 $0xFFFF0000, v1;
	v14 =	vand.u32 $0x1, v14;
	v15 =	vadd.s32 $0x7FFF, v4  }
0x8f: {  	v4 =	vshrl.u32 v9, $0x10;
	v8 =	vmul.f32 v1, v28;
	v0 =	vadd.s32 v14, v11  }
0x90: {  	s20 =	sadd.s32 $0x2, s23;
	v6 =	vand.u32 $0xFFFF0000, v15;
	v14 =	vand.u32 $0x1, v12;
	v0 =	vadd.s32 $0x7FFF, v0  }
0x91: {  	s23 =	smov.u32 s20;
	v61 =	vld [tilespmem:s19+$0x8000];
	v13 =	vand.u32 $0xFFFF0000, v0;
	v0 =	vadd.s32 $0x7FFF, v7;
	v7 =	vmul.f32 v1, v50  }
0x92: {  	v11 =	vmul.f32 v13, v50;
	v12 =	vmul.f32 v13, v28;
	v14 =	vadd.s32 v14, v2  }
0x93: {  	v2 =	vadd.f32 v8, v44;
	v4 =	vand.u32 $0x1, v4;
	v3 =	vand.u32 $0x1, v3  }
0x94: {  	v5 =	vand.u32 $0x1, v5;
	v4 =	vadd.s32 v4, v9;
	v3 =	vadd.s32 v3, v63  }
0x95: {  	v5 =	vadd.s32 v5, v62;
	v10 =	vadd.f32 v11, v10;
	v8 =	vadd.f32 v12, v45  }
0x96: {  	v2 =	vadd.f32 v56, v2;
	v4 =	vadd.s32 $0x7FFF, v4;
	v3 =	vadd.s32 $0x7FFF, v3  }
0x97: {  	v5 =	vadd.s32 $0x7FFF, v5;
	v56 =	vmul.f32 v60, v20;
	v3 =	vand.u32 $0xFFFF0000, v3  }
0x98: {  	v4 =	vand.u32 $0xFFFF0000, v4;
	v5 =	vand.u32 $0xFFFF0000, v5;
	v13 =	vmul.f32 v13, v61  }
0x99: {  	v9 =	vadd.f32 v47, v10;
	v10 =	vmul.f32 v3, v61;
	v16 =	vmul.f32 v3, v28  }
0x9a: {  	v8 =	vadd.f32 v48, v8;
	v17 =	vmul.f32 v4, v50;
	v19 =	vmul.f32 v4, v28  }
0x9b: {  	v21 =	vld [tilespmem:$0x1FF40];
	v4 =	vmul.f32 v4, v61;
	v3 =	vmul.f32 v3, v50;
	v11 =	vadd.f32 v13, v46  }
0x9c: {  	v13 =	vadd.s32 $0x7FFF, v14;
	v14 =	vmul.f32 v52, v20;
	v17 =	vadd.f32 v17, v49  }
0x9d: {  	v47 =	vmul.f32 v5, v50;
	v10 =	vadd.f32 v10, v38;
	v16 =	vadd.f32 v16, v30;
	v52 =	vld [tilespmem:$0x1FED0]  }
0x9e: {  	v19 =	vadd.f32 v19, v51;
	v30 =	vmul.f32 v5, v61;
	v14 =	vadd.f32 v14, v17;
	v17 =	vld [tilespmem:$0x1FEC0]  }
0x9f: {  	v3 =	vadd.f32 v3, v42;
	v5 =	vmul.f32 v5, v28;
	v31 =	vadd.f32 v47, v39  }
0xa0: {  	v4 =	vadd.f32 v4, v36;
	v49 =	vbroadcast v21, $0x0;
	v10 =	vadd.f32 v57, v10  }
0xa1: {  	v51 =	vbroadcast v21, $0x1;
	v16 =	vadd.f32 v54, v16;
	v3 =	vadd.f32 v26, v3  }
0xa2: {  	v54 =	vbroadcast v21, $0x2;
	v14 =	vadd.f32 v14, v49;
	v4 =	vadd.f32 v52, v4  }
0xa3: {  	v13 =	vand.u32 $0xFFFF0000, v13;
	v57 =	vld [tilespmem:$0x1FF60];
	v3 =	vadd.f32 v3, v49;
	v17 =	vadd.f32 v17, v19  }
0xa4: {  	v11 =	vadd.f32 v24, v11;
	v24 =	vmul.f32 v13, v50;
	[tilespmem:$0x1C080] =	vst v14;
	v4 =	vadd.f32 v4, v54  }
0xa5: {  	v48 =	vmul.f32 v13, v61;
	v30 =	vadd.f32 v30, v43;
	[tilespmem:$0x1C090] =	vst v3;
	v17 =	vadd.f32 v17, v51  }
0xa6: {  	v5 =	vadd.f32 v5, v41;
	v13 =	vmul.f32 v13, v28;
	[tilespmem:$0x1C480] =	vst v4;
	v4 =	vadd.f32 v16, v51;
	v16 =	vld [tilespmem:$0x1FF00]  }
0xa7: {  	v14 =	vmul.f32 v60, v18;
	v3 =	vadd.f32 v10, v54;
	[tilespmem:$0x1C280] =	vst v17;
	v17 =	vadd.f32 v56, v31  }
0xa8: {  	v20 =	vld [tilespmem:$0x1FF50];
	v10 =	vadd.f32 v32, v30;
	v13 =	vadd.f32 v13, v57  }
0xa9: {  	v5 =	vadd.f32 v14, v5;
	v14 =	vld [tilespmem:$0x1FF20];
	[tilespmem:$0x1C290] =	vst v4;
	v4 =	vadd.f32 v17, v49;
	_ =	sdelay $0x1  }
0xaa: {  	v13 =	vadd.f32 v16, v13;
	v16 =	vld [tilespmem:$0x1FF10];
	[tilespmem:$0x1C0A0] =	vst v4;
	v4 =	vadd.f32 v10, v54  }
0xab: {  	v24 =	vadd.f32 v24, v27  }
0xac: {  	v20 =	vadd.f32 v48, v20;
	[tilespmem:$0x1C4A0] =	vst v4;
	v4 =	vadd.f32 v13, v51;
	v13 =	vld [tilespmem:$0x1FF70]  }
0xad: {  	[tilespmem:$0x1C490] =	vst v3;
	v3 =	vadd.f32 v5, v51;
	v14 =	vadd.f32 v14, v24  }
0xae: {  	v0 =	vand.u32 $0xFFFF0000, v0  }
0xaf: {  	[tilespmem:$0x1C2A0] =	vst v3;
	v10 =	vmul.f32 v0, v50;
	v3 =	vadd.f32 v14, v49;
	v16 =	vadd.f32 v16, v20  }
0xb0: {  	v15 =	vmul.f32 v6, v28;
	v5 =	vmul.f32 v0, v61  }
0xb1: {  	v12 =	vmul.f32 v6, v50;
	[tilespmem:$0x1C0B0] =	vst v3;
	v3 =	vadd.f32 v16, v54;
	v10 =	vadd.f32 v10, v13  }
0xb2: {  	v6 =	vmul.f32 v6, v61;
	v5 =	vadd.f32 v5, v22;
	[tilespmem:$0x1C2B0] =	vst v4;
	v4 =	vadd.f32 v9, v49  }
0xb3: {  	[tilespmem:$0x1C4B0] =	vst v3;
	v3 =	vadd.f32 v8, v51;
	v9 =	vadd.f32 v23, v10  }
0xb4: {  	v6 =	vadd.f32 v6, v40;
	v13 =	vld [tilespmem:$0x1FF30]  }
0xb5: {  	v5 =	vadd.f32 v55, v5;
	[tilespmem:$0x1C2C0] =	vst v3;
	v3 =	vadd.f32 v9, v49  }
0xb6: {  	v15 =	vadd.f32 v15, v37;
	[tilespmem:$0x1C0C0] =	vst v4;
	v4 =	vadd.f32 v11, v54  }
0xb7: {  	v0 =	vmul.f32 v0, v28;
	[tilespmem:$0x1C0D0] =	vst v3;
	v3 =	vadd.f32 v5, v54;
	v5 =	vadd.f32 v53, v6;
	v6 =	vld [tilespmem:$0x1FEE0];
	_ =	sdelay $0x1  }
0xb8: {  	[tilespmem:$0x1C4C0] =	vst v4;
	v4 =	vadd.f32 v29, v15;
	v0 =	vadd.f32 v0, v13  }
0xb9: {  	v7 =	vadd.f32 v7, v58;
	v12 =	vadd.f32 v12, v33  }
0xba: {  	v0 =	vadd.f32 v34, v0;
	[tilespmem:$0x1C4D0] =	vst v3;
	v3 =	vadd.f32 v4, v51;
	v4 =	vld [tilespmem:$0x1FEF0]  }
0xbb: {  	v6 =	vadd.f32 v6, v7;
	v7 =	vld [tilespmem:$0x1FF80]  }
0xbc: {  	v1 =	vmul.f32 v1, v61;
	[tilespmem:$0x1FE10] =	vst v49;
	v8 =	vadd.f32 v35, v12;
	v0 =	vadd.f32 v0, v51  }
0xbd: {  	[tilespmem:$0x1FE20] =	vst v51  }
0xbe: {  	v1 =	vadd.f32 v1, v59;
	[tilespmem:$0x1C2D0] =	vst v0;
	v0 =	vadd.f32 v8, v49  }
0xbf: {  	[tilespmem:$0x1FE30] =	vst v54  }
0xc0: {  	s19 =	simm.s32 $0x1;
	v1 =	vadd.f32 v4, v1;
	[tilespmem:$0x1C0E0] =	vst v0;
	v0 =	vadd.f32 v5, v54;
	v8 =	vor.u32 $0x4000, v7  }
0xc1: {  	[tilespmem:$0x1C2E0] =	vst v3;
	v3 =	vadd.f32 v6, v49;
	v9 =	vor.u32 $0x4800, v7;
	v4 =	vor.u32 s19, v8  }
0xc2: {  	[tilespmem:$0x1C4E0] =	vst v0;
	v0 =	vadd.f32 v2, v51;
	v10 =	vor.u32 $0x5000, v7;
	v2 =	vor.u32 s19, v9  }
0xc3: {  	[tilespmem:$0x1C0F0] =	vst v3;
	v1 =	vadd.f32 v1, v54;
	v11 =	vor.u32 $0x5800, v7;
	v3 =	vor.u32 s19, v10  }
0xc4: {  	v12 =	vor.u32 $0x6000, v7;
	[tilespmem:$0x1C2F0] =	vst v0;
	v0 =	vor.u32 s19, v11  }
0xc5: {  	v13 =	vor.u32 $0x6800, v7;
	[tilespmem:$0x1C4F0] =	vst v1;
	v1 =	vor.u32 s19, v12  }
0xc6: {  	v14 =	vor.u32 $0x7000, v7;
	v5 =	vor.u32 s19, v13;
	v4 =	vld.idx.msk [tilespmem:v4+s2+$0x0], $0xffff  }
0xc7: {  	v15 =	vor.u32 $0x7800, v7;
	v6 =	vor.u32 s19, v14;
	v2 =	vld.idx.msk [tilespmem:v2+s2+$0x0], $0xffff  }
0xc8: {  	s20 =	simm.s32 $0x0;
	v7 =	vor.u32 s19, v15;
	v3 =	vld.idx.msk [tilespmem:v3+s2+$0x0], $0xffff;
	[tilespmem:$0x1FE40] =	vst v8  }
0xc9: {  	v8 =	vor.u32 s20, v8;
	v0 =	vld.idx.msk [tilespmem:v0+s2+$0x0], $0xffff;
	[tilespmem:$0x1FE50] =	vst v9  }
0xca: {  	v44 =	vimm.f32 $0.0e+00;
	v1 =	vld.idx.msk [tilespmem:v1+s2+$0x0], $0xffff;
	[tilespmem:$0x1FE60] =	vst v10  }
0xcb: {  	v42 =	vimm.f32 $0.0e+00;
	v40 =	vimm.f32 $0.0e+00;
	v9 =	vor.u32 s20, v9;
	v5 =	vld.idx.msk [tilespmem:v5+s2+$0x0], $0xffff;
	[tilespmem:$0x1FE70] =	vst v11  }
0xcc: {  	v38 =	vimm.f32 $0.0e+00;
	v39 =	vimm.f32 $0.0e+00;
	v10 =	vor.u32 s20, v10;
	v6 =	vld.idx.msk [tilespmem:v6+s2+$0x0], $0xffff;
	[tilespmem:$0x1FE80] =	vst v12  }
0xcd: {  	v21 =	vimm.f32 $0.0e+00;
	v43 =	vimm.f32 $0.0e+00;
	v41 =	vimm.f32 $0.0e+00;
	v7 =	vld.idx.msk [tilespmem:v7+s2+$0x0], $0xffff  }
0xce: {  	v11 =	vor.u32 s20, v11;
	v12 =	vor.u32 s20, v12;
	v8 =	vld.idx.msk [tilespmem:v8+s2+$0x0], $0xffff;
	[tilespmem:$0x1FE90] =	vst v13;
	v13 =	vor.u32 s20, v13  }
0xcf: {  	v22 =	vshrl.u32 v4, $0x10;
	v23 =	vshrl.u32 v2, $0x10;
	v24 =	vshrl.u32 v3, $0x10  }
0xd0: {  	v9 =	vld.idx.msk [tilespmem:v9+s2+$0x0], $0xffff;
	[tilespmem:$0x1FEA0] =	vst v14;
	v14 =	vor.u32 s20, v14;
	v25 =	vshrl.u32 v0, $0x10;
	v22 =	vand.u32 $0x1, v22  }
0xd1: {  	v23 =	vand.u32 $0x1, v23;
	v24 =	vand.u32 $0x1, v24;
	v10 =	vld.idx.msk [tilespmem:v10+s2+$0x0], $0xffff;
	[tilespmem:$0x1FEB0] =	vst v15;
	v15 =	vor.u32 s20, v15  }
0xd2: {  	v26 =	vshrl.u32 v1, $0x10;
	v25 =	vand.u32 $0x1, v25;
	v4 =	vadd.s32 v22, v4  }
0xd3: {  	v2 =	vadd.s32 v23, v2;
	v3 =	vadd.s32 v24, v3;
	v27 =	vshrl.u32 v5, $0x10  }
0xd4: {  	v26 =	vand.u32 $0x1, v26;
	v0 =	vadd.s32 v25, v0;
	v4 =	vadd.s32 $0x7FFF, v4  }
0xd5: {  	v2 =	vadd.s32 $0x7FFF, v2;
	v3 =	vadd.s32 $0x7FFF, v3;
	v28 =	vshrl.u32 v6, $0x10  }
0xd6: {  	v27 =	vand.u32 $0x1, v27;
	v1 =	vadd.s32 v26, v1;
	v0 =	vadd.s32 $0x7FFF, v0  }
0xd7: {  	v4 =	vand.u32 $0xFFFF0000, v4;
	v29 =	vshrl.u32 v8, $0x10;
	v31 =	vshrl.u32 v7, $0x10  }
0xd8: {  	s19 =	simm.s32 $0x10000;
	v11 =	vld.idx.msk [tilespmem:v11+s2+$0x0], $0xffff;
	v28 =	vand.u32 $0x1, v28;
	v5 =	vadd.s32 v27, v5;
	v1 =	vadd.s32 $0x7FFF, v1  }
0xd9: {  	v22 =	vld [tilespmem:s19+$0x80];
	v30 =	vshrl.u32 v9, $0x10;
	v29 =	vand.u32 $0x1, v29;
	v31 =	vand.u32 $0x1, v31  }
0xda: {  	v12 =	vld.idx.msk [tilespmem:v12+s2+$0x0], $0xffff;
	v6 =	vadd.s32 v28, v6;
	v23 =	vadd.s32 $0x7FFF, v5;
	v1 =	vand.u32 $0xFFFF0000, v1  }
0xdb: {  	v58 =	vshrl.u32 v10, $0x10;
	v30 =	vand.u32 $0x1, v30;
	v7 =	vadd.s32 v31, v7  }
0xdc: {  	v13 =	vld.idx.msk [tilespmem:v13+s2+$0x0], $0xffff;
	v8 =	vadd.s32 v29, v8;
	v24 =	vadd.s32 $0x7FFF, v6;
	v31 =	vand.u32 $0xFFFF0000, v0  }
0xdd: {  	v59 =	vshrl.u32 v11, $0x10;
	v32 =	vand.u32 $0x1, v58;
	v9 =	vadd.s32 v30, v9  }
0xde: {  	v8 =	vadd.s32 $0x7FFF, v8;
	v7 =	vadd.s32 $0x7FFF, v7;
	v29 =	vmul.f32 v4, v22  }
0xdf: {  	v14 =	vld.idx.msk [tilespmem:v14+s2+$0x0], $0xffff;
	v0 =	vmul.f32 v31, v22;
	v60 =	vshrl.u32 v12, $0x10;
	v33 =	vand.u32 $0x1, v59  }
0xe0: {  	v10 =	vadd.s32 v32, v10;
	v25 =	vadd.s32 $0x7FFF, v9;
	v9 =	vand.u32 $0xFFFF0000, v2  }
0xe1: {  	v15 =	vld.idx.msk [tilespmem:v15+s2+$0x0], $0xffff;
	v47 =	vand.u32 $0xFFFF0000, v7;
	v61 =	vshrl.u32 v13, $0x10;
	v34 =	vand.u32 $0x1, v60  }
0xe2: {  	v11 =	vadd.s32 v33, v11;
	v26 =	vadd.s32 $0x7FFF, v10;
	v10 =	vand.u32 $0xFFFF0000, v3  }
0xe3: {  	v5 =	vmul.f32 v9, v22;
	v25 =	vand.u32 $0xFFFF0000, v25;
	v50 =	vmul.f32 v47, v22  }
0xe4: {  	v62 =	vshrl.u32 v14, $0x10;
	v35 =	vand.u32 $0x1, v61;
	v12 =	vadd.s32 v34, v12  }
0xe5: {  	v32 =	vld [tilespmem:s19+$0x4080];
	v27 =	vadd.s32 $0x7FFF, v11;
	v3 =	vmul.f32 v10, v22;
	v61 =	vmul.f32 v1, v22  }
0xe6: {  	v34 =	vimm.f32 $0.0e+00;
	v63 =	vshrl.u32 v15, $0x10;
	v36 =	vand.u32 $0x1, v62  }
0xe7: {  	v33 =	vld [tilespmem:s19+$0x8080];
	v13 =	vadd.s32 v35, v13;
	v28 =	vadd.s32 $0x7FFF, v12;
	v35 =	vimm.f32 $0.0e+00  }
0xe8: {  	v37 =	vand.u32 $0x1, v63;
	v14 =	vadd.s32 v36, v14;
	v13 =	vadd.s32 $0x7FFF, v13  }
0xe9: {  	v7 =	vand.u32 $0xFFFF0000, v28;
	v36 =	vimm.f32 $0.0e+00;
	v28 =	vimm.f32 $0.0e+00  }
0xea: {  	v15 =	vadd.s32 v37, v15;
	v30 =	vmul.f32 v4, v32;
	v2 =	vmul.f32 v9, v32  }
0xeb: {  	v14 =	vadd.s32 $0x7FFF, v14;
	v12 =	vmul.f32 v10, v32;
	v62 =	vmul.f32 v1, v32  }
0xec: {  	v37 =	vimm.f32 $0.0e+00;
	v15 =	vadd.s32 $0x7FFF, v15;
	v6 =	vmul.f32 v4, v33  }
0xed: {  	v48 =	vld [tilespmem:s19+$0x0];
	v11 =	vmul.f32 v9, v33;
	v4 =	vand.u32 $0xFFFF0000, v23;
	v23 =	vand.u32 $0xFFFF0000, v24  }
0xee: {  	v49 =	vld [tilespmem:s19+$0x4000];
	v63 =	vmul.f32 v10, v33;
	v9 =	vmul.f32 v31, v32;
	v24 =	vand.u32 $0xFFFF0000, v8  }
0xef: {  	v51 =	vld [tilespmem:s19+$0x8000];
	v10 =	vmul.f32 v31, v33;
	v60 =	vmul.f32 v1, v33;
	v1 =	vand.u32 $0xFFFF0000, v26  }
0xf0: {  	v8 =	vand.u32 $0xFFFF0000, v27;
	v58 =	vmul.f32 v4, v22;
	v56 =	vmul.f32 v4, v32  }
0xf1: {  	v59 =	vand.u32 $0xFFFF0000, v14;
	v55 =	vmul.f32 v4, v33;
	v54 =	vmul.f32 v23, v22  }
0xf2: {  	v27 =	vimm.f32 $0.0e+00;
	v53 =	vmul.f32 v23, v32;
	v52 =	vmul.f32 v23, v33  }
0xf3: {  	v4 =	vand.u32 $0xFFFF0000, v13;
	v13 =	vmul.f32 v24, v48;
	v22 =	vmul.f32 v24, v49  }
0xf4: {  	v26 =	vimm.f32 $0.0e+00;
	v14 =	vmul.f32 v24, v51;
	v23 =	vmul.f32 v25, v48  }
0xf5: {  	v57 =	vand.u32 $0xFFFF0000, v15;
	v15 =	vmul.f32 v25, v51;
	v24 =	vadd.f32 v13, v21  }
0xf6: {  	v22 =	vadd.f32 v22, v21;
	v13 =	vmul.f32 v25, v49;
	v45 =	vadd.f32 v14, v21  }
0xf7: {  	v46 =	vadd.f32 v23, v21;
	v14 =	vmul.f32 v1, v48;
	v25 =	vimm.f32 $0.0e+00  }
0xf8: {  	v23 =	vimm.f32 $0.0e+00;
	v31 =	vadd.f32 v29, v24;
	v30 =	vadd.f32 v30, v22  }
0xf9: {  	s20 =	simm.s32 $0x2;
	v29 =	vimm.f32 $0.0e+00;
	v24 =	vimm.f32 $0.0e+00;
	v22 =	vimm.f32 $0.0e+00  }
.LBB2_4:
0xfa: {  	v16 =	vmul.f32 v1, v49;
	v45 =	vadd.f32 v6, v45  }
0xfb: {  	v1 =	vmul.f32 v1, v51;
	v46 =	vadd.f32 v5, v46;
	v5 =	vadd.f32 v13, v21  }
0xfc: {  	v6 =	vadd.f32 v15, v44;
	v13 =	vadd.f32 v14, v42;
	v15 =	vmul.f32 v8, v48  }
0xfd: {  	v14 =	vadd.f32 v16, v43;
	v16 =	vmul.f32 v8, v49;
	v1 =	vadd.f32 v1, v40  }
0xfe: {  	v21 =	vadd.f32 v2, v5;
	v44 =	vadd.f32 v11, v6;
	v2 =	vmul.f32 v8, v51  }
0xff: {  	v42 =	vadd.f32 v3, v13;
	v3 =	vadd.f32 v15, v41;
	v5 =	vmul.f32 v7, v48  }
0x100: {  	v8 =	vmul.f32 v7, v49;
	v43 =	vadd.f32 v12, v14;
	v6 =	vadd.f32 v16, v38  }
0x101: {  	v7 =	vmul.f32 v7, v51;
	v40 =	vadd.f32 v63, v1;
	v2 =	vadd.f32 v2, v39  }
0x102: {  	v41 =	vadd.f32 v0, v3;
	v0 =	vmul.f32 v4, v48;
	v1 =	vadd.f32 v5, v34  }
0x103: {  	v15 =	vld [tilespmem:$0x1FEB0];
	v3 =	vmul.f32 v4, v49;
	v5 =	vadd.f32 v7, v36;
	v38 =	vadd.f32 v9, v6  }
0x104: {  	v4 =	vmul.f32 v4, v51;
	v39 =	vadd.f32 v10, v2;
	v2 =	vadd.f32 v8, v35  }
0x105: {  	v6 =	vmul.f32 v59, v48;
	v0 =	vadd.f32 v0, v37;
	v34 =	vadd.f32 v61, v1  }
0x106: {  	v14 =	vld [tilespmem:$0x1FEA0];
	v1 =	vmul.f32 v59, v49;
	v36 =	vadd.f32 v60, v5;
	v35 =	vadd.f32 v62, v2  }
0x107: {  	s21 =	sadd.s32 $0x1, s20;
	v5 =	vmul.f32 v57, v48;
	v37 =	vadd.f32 v58, v0;
	v2 =	vadd.f32 v4, v28  }
0x108: {  	v9 =	vld [tilespmem:$0x1FE50];
	v7 =	vor.u32 s21, v15;
	v4 =	vadd.f32 v6, v27;
	v1 =	vadd.f32 v1, v26  }
0x109: {  	v10 =	vld [tilespmem:$0x1FE60];
	v0 =	vadd.f32 v3, v29;
	v3 =	vmul.f32 v59, v51;
	v6 =	vmul.f32 v57, v49  }
0x10a: {  	v11 =	vld [tilespmem:$0x1FE70];
	v15 =	vor.u32 s20, v15;
	v27 =	vadd.f32 v54, v4;
	v26 =	vadd.f32 v53, v1  }
0x10b: {  	v12 =	vld [tilespmem:$0x1FE80];
	v1 =	vadd.f32 v3, v25;
	v4 =	vadd.f32 v6, v23;
	v6 =	vor.u32 s21, v14  }
0x10c: {  	v13 =	vld [tilespmem:$0x1FE90];
	v28 =	vadd.f32 v55, v2;
	v2 =	vadd.f32 v5, v24;
	v14 =	vor.u32 s20, v14  }
0x10d: {  	v8 =	vld [tilespmem:$0x1FE40];
	v3 =	vmul.f32 v47, v32;
	v25 =	vadd.f32 v52, v1;
	v1 =	vor.u32 s21, v9  }
0x10e: {  	v24 =	vadd.f32 v50, v2;
	v2 =	vor.u32 s21, v10;
	v7 =	vld.idx.msk [tilespmem:v7+s2+$0x0], $0xffff  }
0x10f: {  	v23 =	vadd.f32 v3, v4;
	v3 =	vor.u32 s21, v11;
	v15 =	vld.idx.msk [tilespmem:v15+s2+$0x0], $0xffff  }
0x110: {  	v4 =	vor.u32 s21, v12;
	v6 =	vld.idx.msk [tilespmem:v6+s2+$0x0], $0xffff  }
0x111: {  	v9 =	vor.u32 s20, v9;
	v14 =	vld.idx.msk [tilespmem:v14+s2+$0x0], $0xffff  }
0x112: {  	v29 =	vadd.f32 v56, v0;
	v0 =	vmul.f32 v57, v51;
	v10 =	vor.u32 s20, v10;
	v1 =	vld.idx.msk [tilespmem:v1+s2+$0x0], $0xffff  }
0x113: {  	v11 =	vor.u32 s20, v11;
	v2 =	vld.idx.msk [tilespmem:v2+s2+$0x0], $0xffff  }
0x114: {  	v5 =	vmul.f32 v47, v33;
	v0 =	vadd.f32 v0, v22;
	v12 =	vor.u32 s20, v12;
	v3 =	vld.idx.msk [tilespmem:v3+s2+$0x0], $0xffff  }
0x115: {  	v4 =	vld.idx.msk [tilespmem:v4+s2+$0x0], $0xffff  }
0x116: {  	v22 =	vadd.f32 v5, v0;
	v0 =	vor.u32 s21, v8;
	v5 =	vor.u32 s21, v13;
	v9 =	vld.idx.msk [tilespmem:v9+s2+$0x0], $0xffff  }
0x117: {  	v8 =	vor.u32 s20, v8;
	v10 =	vld.idx.msk [tilespmem:v10+s2+$0x0], $0xffff;
	v53 =	vshrl.u32 v7, $0x10;
	v61 =	vshrl.u32 v15, $0x10  }
0x118: {  	v13 =	vor.u32 s20, v13;
	v11 =	vld.idx.msk [tilespmem:v11+s2+$0x0], $0xffff;
	v53 =	vand.u32 $0x1, v53;
	v59 =	vand.u32 $0x1, v61  }
0x119: {  	v12 =	vld.idx.msk [tilespmem:v12+s2+$0x0], $0xffff;
	v7 =	vadd.s32 v53, v7;
	v15 =	vadd.s32 v59, v15;
	v50 =	vshrl.u32 v6, $0x10  }
0x11a: {  	v60 =	vshrl.u32 v14, $0x10;
	v7 =	vadd.s32 $0x7FFF, v7;
	v15 =	vadd.s32 $0x7FFF, v15  }
0x11b: {  	v0 =	vld.idx.msk [tilespmem:v0+s2+$0x0], $0xffff;
	v50 =	vand.u32 $0x1, v50;
	v58 =	vand.u32 $0x1, v60;
	v32 =	vshrl.u32 v1, $0x10  }
0x11c: {  	v5 =	vld.idx.msk [tilespmem:v5+s2+$0x0], $0xffff;
	v33 =	vshrl.u32 v2, $0x10;
	v47 =	vshrl.u32 v3, $0x10;
	v48 =	vshrl.u32 v4, $0x10  }
0x11d: {  	v8 =	vld.idx.msk [tilespmem:v8+s2+$0x0], $0xffff;
	v52 =	vshrl.u32 v9, $0x10;
	v54 =	vshrl.u32 v10, $0x10;
	v55 =	vshrl.u32 v11, $0x10  }
0x11e: {  	v13 =	vld.idx.msk [tilespmem:v13+s2+$0x0], $0xffff;
	v62 =	vshrl.u32 v12, $0x10;
	v6 =	vadd.s32 v50, v6;
	v14 =	vadd.s32 v58, v14  }
0x11f: {  	v32 =	vand.u32 $0x1, v32;
	v33 =	vand.u32 $0x1, v33;
	v47 =	vand.u32 $0x1, v47  }
0x120: {  	v48 =	vand.u32 $0x1, v48;
	v52 =	vand.u32 $0x1, v52;
	v54 =	vand.u32 $0x1, v54  }
0x121: {  	v55 =	vand.u32 $0x1, v55;
	v56 =	vand.u32 $0x1, v62;
	v14 =	vadd.s32 $0x7FFF, v14  }
0x122: {  	v16 =	vshrl.u32 v0, $0x10;
	v49 =	vshrl.u32 v5, $0x10;
	v51 =	vshrl.u32 v8, $0x10  }
0x123: {  	v63 =	vshrl.u32 v13, $0x10;
	v1 =	vadd.s32 v32, v1;
	v2 =	vadd.s32 v33, v2  }
0x124: {  	v3 =	vadd.s32 v47, v3;
	v4 =	vadd.s32 v48, v4;
	v9 =	vadd.s32 v52, v9  }
0x125: {  	v10 =	vadd.s32 v54, v10;
	v11 =	vadd.s32 v55, v11;
	v12 =	vadd.s32 v56, v12  }
0x126: {  	v47 =	vand.u32 $0xFFFF0000, v7;
	v16 =	vand.u32 $0x1, v16;
	v49 =	vand.u32 $0x1, v49  }
0x127: {  	s19 =	sadd.s32 $0x100, s19;
	v51 =	vand.u32 $0x1, v51;
	v57 =	vand.u32 $0x1, v63;
	v1 =	vadd.s32 $0x7FFF, v1  }
0x128: {  	v32 =	vld [tilespmem:s19+$0x4080];
	v2 =	vadd.s32 $0x7FFF, v2;
	v3 =	vadd.s32 $0x7FFF, v3;
	v4 =	vadd.s32 $0x7FFF, v4  }
0x129: {  	v33 =	vld [tilespmem:s19+$0x8080];
	v63 =	vadd.s32 $0x7FFF, v6;
	v50 =	vadd.s32 $0x7FFF, v9;
	v52 =	vadd.s32 $0x7FFF, v10  }
0x12a: {  	v53 =	vadd.s32 $0x7FFF, v11;
	v54 =	vadd.s32 $0x7FFF, v12;
	v0 =	vadd.s32 v16, v0  }
0x12b: {  	v5 =	vadd.s32 v49, v5;
	v8 =	vadd.s32 v51, v8;
	v13 =	vadd.s32 v57, v13  }
0x12c: {  	v1 =	vand.u32 $0xFFFF0000, v1;
	v9 =	vand.u32 $0xFFFF0000, v2;
	v0 =	vadd.s32 $0x7FFF, v0  }
0x12d: {  	v4 =	vand.u32 $0xFFFF0000, v4;
	v57 =	vand.u32 $0xFFFF0000, v63;
	v0 =	vand.u32 $0xFFFF0000, v0  }
0x12e: {  	v16 =	vld [tilespmem:s19+$0x80];
	v62 =	vadd.s32 $0x7FFF, v5;
	v18 =	vmul.f32 v0, v32;
	v6 =	vmul.f32 v0, v33  }
0x12f: {  	v8 =	vadd.s32 $0x7FFF, v8;
	v2 =	vmul.f32 v1, v32;
	v11 =	vmul.f32 v1, v33  }
0x130: {  	v55 =	vand.u32 $0xFFFF0000, v62;
	v12 =	vmul.f32 v9, v32;
	v63 =	vmul.f32 v9, v33  }
0x131: {  	v19 =	vand.u32 $0xFFFF0000, v8;
	v62 =	vmul.f32 v4, v32;
	v60 =	vmul.f32 v4, v33  }
0x132: {  	v8 =	vand.u32 $0xFFFF0000, v53;
	v56 =	vmul.f32 v55, v32;
	v53 =	vmul.f32 v57, v32  }
0x133: {  	v48 =	vld [tilespmem:s19+$0x0];
	v10 =	vand.u32 $0xFFFF0000, v3;
	v17 =	vmul.f32 v0, v16;
	v5 =	vmul.f32 v1, v16  }
0x134: {  	v59 =	vand.u32 $0xFFFF0000, v14;
	v49 =	vld [tilespmem:s19+$0x4000];
	v3 =	vmul.f32 v9, v16;
	v0 =	vmul.f32 v10, v16  }
0x135: {  	v20 =	vand.u32 $0xFFFF0000, v50;
	v51 =	vld [tilespmem:s19+$0x8000];
	v9 =	vmul.f32 v10, v32;
	v10 =	vmul.f32 v10, v33  }
0x136: {  	v7 =	vand.u32 $0xFFFF0000, v54;
	v61 =	vmul.f32 v4, v16;
	v58 =	vmul.f32 v55, v16  }
0x137: {  	v13 =	vadd.s32 $0x7FFF, v13;
	v55 =	vmul.f32 v55, v33;
	v54 =	vmul.f32 v57, v16  }
0x138: {  	p0 =	slt.u32 s20, $0x7E;
	v1 =	vand.u32 $0xFFFF0000, v52;
	v52 =	vmul.f32 v57, v33;
	v50 =	vmul.f32 v47, v16  }
.Ltmp1:
0x139: {  	v4 =	vand.u32 $0xFFFF0000, v13;
	v13 =	vmul.f32 v19, v48;
	v16 =	vmul.f32 v19, v49;
	(pc) =	sbr.rel @p0 .LBB2_4-.Ltmp1, $4  }
0x13a: {  	v14 =	vmul.f32 v19, v51;
	v19 =	vmul.f32 v20, v48;
	v57 =	vand.u32 $0xFFFF0000, v15  }
0x13b: {  	v15 =	vmul.f32 v20, v51;
	v31 =	vadd.f32 v13, v31;
	v16 =	vadd.f32 v16, v30  }
0x13c: {  	v13 =	vmul.f32 v20, v49;
	v45 =	vadd.f32 v14, v45;
	v46 =	vadd.f32 v19, v46  }
0x13d: {  	s20 =	sadd.s32 $0x2, s20;
	v14 =	vmul.f32 v1, v48;
	v31 =	vadd.f32 v17, v31;
	v30 =	vadd.f32 v18, v16  }
0x13e: {  	v6 =	vadd.f32 v6, v45  }
0x13f: {  	v16 =	vmul.f32 v1, v49;
	v5 =	vadd.f32 v5, v46;
	v13 =	vadd.f32 v13, v21  }
0x140: {  	v15 =	vadd.f32 v15, v44;
	v1 =	vmul.f32 v1, v51;
	v14 =	vadd.f32 v14, v42  }
0x141: {  	v17 =	vmul.f32 v8, v48;
	v19 =	vld [tilespmem:$0x1FE30];
	v16 =	vadd.f32 v16, v43;
	v2 =	vadd.f32 v2, v13  }
0x142: {  	v18 =	vld [tilespmem:$0x1FE20];
	v13 =	vmul.f32 v8, v49;
	v11 =	vadd.f32 v11, v15;
	v1 =	vadd.f32 v1, v40  }
0x143: {  	v8 =	vmul.f32 v8, v51;
	v3 =	vadd.f32 v3, v14;
	v14 =	vadd.f32 v17, v41  }
0x144: {  	v12 =	vadd.f32 v12, v16;
	v13 =	vadd.f32 v13, v38  }
0x145: {  	v15 =	vmul.f32 v7, v48;
	v8 =	vadd.f32 v8, v39;
	v1 =	vadd.f32 v63, v1  }
0x146: {  	v17 =	vld [tilespmem:$0x1FE10];
	v16 =	vmul.f32 v7, v49;
	v0 =	vadd.f32 v0, v14;
	v6 =	vadd.f32 v6, v19  }
0x147: {  	v7 =	vmul.f32 v7, v51;
	v2 =	vadd.f32 v2, v18;
	v9 =	vadd.f32 v9, v13  }
0x148: {  	v8 =	vadd.f32 v10, v8;
	v10 =	vadd.f32 v15, v34  }
0x149: {  	v13 =	vmul.f32 v4, v48;
	v14 =	vadd.f32 v16, v35;
	v7 =	vadd.f32 v7, v36  }
0x14a: {  	v16 =	vadd.f32 v30, v18;
	v1 =	vadd.f32 v1, v19;
	[tilespmem:$0x1C500] =	vst v6  }
0x14b: {  	[tilespmem:$0x1C310] =	vst v2;
	v13 =	vadd.f32 v13, v37;
	v15 =	vadd.f32 v31, v17  }
0x14c: {  	v10 =	vadd.f32 v61, v10;
	v5 =	vadd.f32 v5, v17;
	[tilespmem:$0x1C520] =	vst v1  }
0x14d: {  	v6 =	vmul.f32 v59, v48;
	v14 =	vadd.f32 v62, v14;
	v2 =	vadd.f32 v3, v17;
	[tilespmem:$0x1C100] =	vst v15  }
0x14e: {  	v7 =	vadd.f32 v60, v7;
	v0 =	vadd.f32 v0, v17;
	[tilespmem:$0x1C110] =	vst v5  }
0x14f: {  	v1 =	vadd.f32 v9, v18;
	v3 =	vadd.f32 v6, v27;
	v15 =	vmul.f32 v4, v49;
	[tilespmem:$0x1C120] =	vst v2  }
0x150: {  	v4 =	vmul.f32 v4, v51;
	v13 =	vadd.f32 v58, v13;
	[tilespmem:$0x1C130] =	vst v0;
	v0 =	vadd.f32 v8, v19  }
0x151: {  	v5 =	vadd.f32 v11, v19;
	v11 =	vmul.f32 v59, v49;
	[tilespmem:$0x1C330] =	vst v1;
	v1 =	vadd.f32 v10, v17  }
0x152: {  	v4 =	vadd.f32 v4, v28;
	[tilespmem:$0x1C530] =	vst v0;
	v0 =	vadd.f32 v14, v18  }
0x153: {  	v3 =	vadd.f32 v54, v3;
	[tilespmem:$0x1C510] =	vst v5;
	v6 =	vadd.f32 v11, v26  }
0x154: {  	v4 =	vadd.f32 v55, v4;
	[tilespmem:$0x1C340] =	vst v0;
	v0 =	vadd.f32 v13, v17  }
0x155: {  	v9 =	vmul.f32 v57, v49;
	v15 =	vadd.f32 v15, v29;
	v5 =	vadd.f32 v12, v18;
	[tilespmem:$0x1C140] =	vst v1  }
0x156: {  	v8 =	vmul.f32 v57, v48;
	v6 =	vadd.f32 v53, v6;
	[tilespmem:$0x1C150] =	vst v0;
	v0 =	vadd.f32 v4, v19  }
0x157: {  	v1 =	vadd.f32 v7, v19;
	v2 =	vadd.f32 v56, v15;
	[tilespmem:$0x1C320] =	vst v5;
	v5 =	vmul.f32 v59, v51  }
0x158: {  	v10 =	vmul.f32 v57, v51;
	v8 =	vadd.f32 v8, v24;
	[tilespmem:$0x1C550] =	vst v0;
	v0 =	vadd.f32 v6, v18;
	v6 =	vld [tilespmem:$0x1FF80]  }
0x159: {  	[tilespmem:$0x1C540] =	vst v1;
	v5 =	vadd.f32 v5, v25;
	v1 =	vadd.f32 v2, v18  }
0x15a: {  	v7 =	vadd.f32 v9, v23;
	v9 =	vadd.f32 v10, v22;
	v2 =	vmul.f32 v47, v32  }
0x15b: {  	v4 =	vmul.f32 v47, v33;
	v5 =	vadd.f32 v52, v5;
	[tilespmem:$0x1C350] =	vst v1;
	v1 =	vadd.f32 v3, v17  }
0x15c: {  	[tilespmem:$0x1C300] =	vst v16;
	v8 =	vadd.f32 v50, v8;
	v2 =	vadd.f32 v2, v7  }
0x15d: {  	s19 =	simm.s32 $0x1;
	v3 =	vadd.f32 v4, v9;
	[tilespmem:$0x1C160] =	vst v1;
	v1 =	vadd.f32 v5, v19;
	v9 =	vor.u32 $0x8000, v6  }
0x15e: {  	[tilespmem:$0x1C360] =	vst v0;
	v0 =	vadd.f32 v8, v17;
	v10 =	vor.u32 $0x8800, v6;
	v4 =	vor.u32 s19, v9  }
0x15f: {  	[tilespmem:$0x1C560] =	vst v1;
	v1 =	vadd.f32 v2, v18;
	v11 =	vor.u32 $0x9000, v6;
	v2 =	vor.u32 s19, v10  }
0x160: {  	[tilespmem:$0x1C170] =	vst v0;
	v0 =	vadd.f32 v3, v19;
	v12 =	vor.u32 $0x9800, v6;
	v3 =	vor.u32 s19, v11  }
0x161: {  	v13 =	vor.u32 $0xA000, v6;
	[tilespmem:$0x1C370] =	vst v1;
	v1 =	vor.u32 s19, v12  }
0x162: {  	v14 =	vor.u32 $0xA800, v6;
	[tilespmem:$0x1C570] =	vst v0;
	v0 =	vor.u32 s19, v13  }
0x163: {  	v15 =	vor.u32 $0xB000, v6;
	v5 =	vor.u32 s19, v14;
	v4 =	vld.idx.msk [tilespmem:v4+s2+$0x0], $0xffff  }
0x164: {  	v16 =	vor.u32 $0xB800, v6;
	v6 =	vor.u32 s19, v15;
	v2 =	vld.idx.msk [tilespmem:v2+s2+$0x0], $0xffff  }
0x165: {  	s20 =	simm.s32 $0x0;
	v7 =	vor.u32 s19, v16;
	v3 =	vld.idx.msk [tilespmem:v3+s2+$0x0], $0xffff;
	[tilespmem:$0x1FD90] =	vst v9  }
0x166: {  	v21 =	vimm.f32 $0.0e+00;
	v8 =	vor.u32 s20, v9;
	v1 =	vld.idx.msk [tilespmem:v1+s2+$0x0], $0xffff;
	[tilespmem:$0x1FDA0] =	vst v10  }
0x167: {  	v44 =	vimm.f32 $0.0e+00;
	v42 =	vimm.f32 $0.0e+00;
	v9 =	vor.u32 s20, v10;
	v0 =	vld.idx.msk [tilespmem:v0+s2+$0x0], $0xffff;
	[tilespmem:$0x1FDB0] =	vst v11  }
0x168: {  	v43 =	vimm.f32 $0.0e+00;
	v40 =	vimm.f32 $0.0e+00;
	v41 =	vimm.f32 $0.0e+00;
	v5 =	vld.idx.msk [tilespmem:v5+s2+$0x0], $0xffff;
	[tilespmem:$0x1FDC0] =	vst v12  }
0x169: {  	v38 =	vimm.f32 $0.0e+00;
	v39 =	vimm.f32 $0.0e+00;
	v10 =	vor.u32 s20, v11;
	v6 =	vld.idx.msk [tilespmem:v6+s2+$0x0], $0xffff;
	[tilespmem:$0x1FDD0] =	vst v13  }
0x16a: {  	v11 =	vor.u32 s20, v12;
	v12 =	vor.u32 s20, v13;
	v13 =	vor.u32 s20, v14;
	v7 =	vld.idx.msk [tilespmem:v7+s2+$0x0], $0xffff  }
0x16b: {  	v8 =	vld.idx.msk [tilespmem:v8+s2+$0x0], $0xffff;
	[tilespmem:$0x1FDE0] =	vst v14;
	v14 =	vor.u32 s20, v15;
	v22 =	vshrl.u32 v4, $0x10;
	v23 =	vshrl.u32 v2, $0x10  }
0x16c: {  	v24 =	vshrl.u32 v3, $0x10;
	v9 =	vld.idx.msk [tilespmem:v9+s2+$0x0], $0xffff;
	[tilespmem:$0x1FDF0] =	vst v15;
	v15 =	vor.u32 s20, v16;
	v25 =	vshrl.u32 v1, $0x10  }
0x16d: {  	v22 =	vand.u32 $0x1, v22;
	v23 =	vand.u32 $0x1, v23;
	v24 =	vand.u32 $0x1, v24  }
0x16e: {  	v26 =	vshrl.u32 v0, $0x10;
	v25 =	vand.u32 $0x1, v25;
	v4 =	vadd.s32 v22, v4  }
0x16f: {  	v2 =	vadd.s32 v23, v2;
	v3 =	vadd.s32 v24, v3;
	v27 =	vshrl.u32 v5, $0x10  }
0x170: {  	v26 =	vand.u32 $0x1, v26;
	v1 =	vadd.s32 v25, v1;
	v4 =	vadd.s32 $0x7FFF, v4  }
0x171: {  	v2 =	vadd.s32 $0x7FFF, v2;
	v3 =	vadd.s32 $0x7FFF, v3;
	v28 =	vshrl.u32 v6, $0x10  }
0x172: {  	v10 =	vld.idx.msk [tilespmem:v10+s2+$0x0], $0xffff;
	[tilespmem:$0x1FE00] =	vst v16;
	v27 =	vand.u32 $0x1, v27;
	v0 =	vadd.s32 v26, v0;
	v1 =	vadd.s32 $0x7FFF, v1  }
0x173: {  	v11 =	vld.idx.msk [tilespmem:v11+s2+$0x0], $0xffff;
	v4 =	vand.u32 $0xFFFF0000, v4;
	v29 =	vshrl.u32 v8, $0x10;
	v31 =	vshrl.u32 v7, $0x10  }
0x174: {  	v12 =	vld.idx.msk [tilespmem:v12+s2+$0x0], $0xffff;
	v28 =	vand.u32 $0x1, v28;
	v5 =	vadd.s32 v27, v5;
	v0 =	vadd.s32 $0x7FFF, v0  }
0x175: {  	s19 =	simm.s32 $0x10000;
	v1 =	vand.u32 $0xFFFF0000, v1;
	v30 =	vshrl.u32 v9, $0x10;
	v29 =	vand.u32 $0x1, v29  }
0x176: {  	v22 =	vld [tilespmem:s19+$0x80];
	v31 =	vand.u32 $0x1, v31;
	v6 =	vadd.s32 v28, v6;
	v23 =	vadd.s32 $0x7FFF, v5  }
0x177: {  	v13 =	vld.idx.msk [tilespmem:v13+s2+$0x0], $0xffff;
	v58 =	vshrl.u32 v10, $0x10;
	v30 =	vand.u32 $0x1, v30;
	v7 =	vadd.s32 v31, v7  }
0x178: {  	v8 =	vadd.s32 v29, v8;
	v24 =	vadd.s32 $0x7FFF, v6;
	v23 =	vand.u32 $0xFFFF0000, v23  }
0x179: {  	v59 =	vshrl.u32 v11, $0x10;
	v60 =	vshrl.u32 v12, $0x10;
	v32 =	vand.u32 $0x1, v58  }
0x17a: {  	v14 =	vld.idx.msk [tilespmem:v14+s2+$0x0], $0xffff;
	v9 =	vadd.s32 v30, v9;
	v8 =	vadd.s32 $0x7FFF, v8;
	v7 =	vadd.s32 $0x7FFF, v7  }
0x17b: {  	v29 =	vmul.f32 v4, v22;
	v24 =	vand.u32 $0xFFFF0000, v24;
	v58 =	vmul.f32 v23, v22  }
0x17c: {  	v61 =	vshrl.u32 v13, $0x10;
	v33 =	vand.u32 $0x1, v59;
	v34 =	vand.u32 $0x1, v60  }
0x17d: {  	v15 =	vld.idx.msk [tilespmem:v15+s2+$0x0], $0xffff;
	v10 =	vadd.s32 v32, v10;
	v25 =	vadd.s32 $0x7FFF, v9;
	v9 =	vand.u32 $0xFFFF0000, v2  }
0x17e: {  	v47 =	vand.u32 $0xFFFF0000, v7;
	v31 =	vand.u32 $0xFFFF0000, v8;
	v54 =	vmul.f32 v24, v22  }
0x17f: {  	v62 =	vshrl.u32 v14, $0x10;
	v35 =	vand.u32 $0x1, v61;
	v11 =	vadd.s32 v33, v11  }
0x180: {  	v12 =	vadd.s32 v34, v12;
	v26 =	vadd.s32 $0x7FFF, v10;
	v10 =	vand.u32 $0xFFFF0000, v3  }
0x181: {  	v5 =	vmul.f32 v9, v22;
	v25 =	vand.u32 $0xFFFF0000, v25;
	v50 =	vmul.f32 v47, v22  }
0x182: {  	v32 =	vld [tilespmem:s19+$0x4080];
	v34 =	vimm.f32 $0.0e+00;
	v63 =	vshrl.u32 v15, $0x10;
	v36 =	vand.u32 $0x1, v62  }
0x183: {  	v13 =	vadd.s32 v35, v13;
	v27 =	vadd.s32 $0x7FFF, v11;
	v28 =	vadd.s32 $0x7FFF, v12  }
0x184: {  	v51 =	vld [tilespmem:s19+$0x8000];
	v3 =	vmul.f32 v10, v22;
	v35 =	vimm.f32 $0.0e+00;
	v37 =	vand.u32 $0x1, v63  }
0x185: {  	v33 =	vld [tilespmem:s19+$0x8080];
	v14 =	vadd.s32 v36, v14;
	v13 =	vadd.s32 $0x7FFF, v13;
	v8 =	vand.u32 $0xFFFF0000, v27  }
0x186: {  	v7 =	vand.u32 $0xFFFF0000, v28;
	v36 =	vimm.f32 $0.0e+00;
	v28 =	vimm.f32 $0.0e+00  }
0x187: {  	v27 =	vimm.f32 $0.0e+00;
	v30 =	vmul.f32 v4, v32;
	v2 =	vmul.f32 v9, v32  }
0x188: {  	v14 =	vadd.s32 $0x7FFF, v14;
	v12 =	vmul.f32 v10, v32;
	v56 =	vmul.f32 v23, v32  }
0x189: {  	v48 =	vld [tilespmem:s19+$0x0];
	v53 =	vmul.f32 v24, v32;
	v59 =	vand.u32 $0xFFFF0000, v14;
	v14 =	vmul.f32 v31, v51  }
0x18a: {  	v15 =	vadd.s32 v37, v15;
	v6 =	vmul.f32 v4, v33;
	v11 =	vmul.f32 v9, v33  }
0x18b: {  	v49 =	vld [tilespmem:s19+$0x4000];
	v4 =	vand.u32 $0xFFFF0000, v0;
	v63 =	vmul.f32 v10, v33;
	v0 =	vmul.f32 v1, v22  }
0x18c: {  	v37 =	vimm.f32 $0.0e+00;
	v9 =	vmul.f32 v1, v32;
	v10 =	vmul.f32 v1, v33  }
0x18d: {  	v15 =	vadd.s32 $0x7FFF, v15;
	v55 =	vmul.f32 v23, v33;
	v52 =	vmul.f32 v24, v33  }
0x18e: {  	v1 =	vand.u32 $0xFFFF0000, v26;
	v23 =	vmul.f32 v25, v48;
	v61 =	vmul.f32 v4, v22  }
0x18f: {  	v57 =	vand.u32 $0xFFFF0000, v15;
	v62 =	vmul.f32 v4, v32;
	v60 =	vmul.f32 v4, v33  }
0x190: {  	v4 =	vand.u32 $0xFFFF0000, v13;
	v13 =	vmul.f32 v31, v48;
	v22 =	vmul.f32 v31, v49  }
0x191: {  	v15 =	vmul.f32 v25, v51;
	v26 =	vimm.f32 $0.0e+00;
	v45 =	vadd.f32 v14, v21  }
0x192: {  	v14 =	vmul.f32 v1, v48;
	v24 =	vadd.f32 v13, v21;
	v22 =	vadd.f32 v22, v21  }
0x193: {  	v46 =	vadd.f32 v23, v21;
	v23 =	vimm.f32 $0.0e+00;
	v13 =	vmul.f32 v25, v49  }
0x194: {  	v25 =	vimm.f32 $0.0e+00;
	v31 =	vadd.f32 v29, v24;
	v30 =	vadd.f32 v30, v22  }
0x195: {  	s20 =	simm.s32 $0x2;
	v29 =	vimm.f32 $0.0e+00;
	v24 =	vimm.f32 $0.0e+00;
	v22 =	vimm.f32 $0.0e+00  }
.LBB2_6:
0x196: {  	v16 =	vmul.f32 v1, v49;
	v45 =	vadd.f32 v6, v45  }
0x197: {  	v1 =	vmul.f32 v1, v51;
	v46 =	vadd.f32 v5, v46;
	v5 =	vadd.f32 v13, v21  }
0x198: {  	v6 =	vadd.f32 v15, v44;
	v13 =	vadd.f32 v14, v42;
	v15 =	vmul.f32 v8, v48  }
0x199: {  	v14 =	vadd.f32 v16, v43;
	v16 =	vmul.f32 v8, v49;
	v1 =	vadd.f32 v1, v40  }
0x19a: {  	v21 =	vadd.f32 v2, v5;
	v44 =	vadd.f32 v11, v6;
	v2 =	vmul.f32 v8, v51  }
0x19b: {  	v42 =	vadd.f32 v3, v13;
	v3 =	vadd.f32 v15, v41;
	v5 =	vmul.f32 v7, v48  }
0x19c: {  	v8 =	vmul.f32 v7, v49;
	v43 =	vadd.f32 v12, v14;
	v6 =	vadd.f32 v16, v38  }
0x19d: {  	v7 =	vmul.f32 v7, v51;
	v40 =	vadd.f32 v63, v1;
	v2 =	vadd.f32 v2, v39  }
0x19e: {  	v41 =	vadd.f32 v0, v3;
	v0 =	vmul.f32 v4, v48;
	v1 =	vadd.f32 v5, v34  }
0x19f: {  	v15 =	vld [tilespmem:$0x1FE00];
	v3 =	vmul.f32 v4, v49;
	v5 =	vadd.f32 v7, v36;
	v38 =	vadd.f32 v9, v6  }
0x1a0: {  	v4 =	vmul.f32 v4, v51;
	v39 =	vadd.f32 v10, v2;
	v2 =	vadd.f32 v8, v35  }
0x1a1: {  	v6 =	vmul.f32 v59, v48;
	v0 =	vadd.f32 v0, v37;
	v34 =	vadd.f32 v61, v1  }
0x1a2: {  	v14 =	vld [tilespmem:$0x1FDF0];
	v1 =	vmul.f32 v59, v49;
	v36 =	vadd.f32 v60, v5;
	v35 =	vadd.f32 v62, v2  }
0x1a3: {  	s21 =	sadd.s32 $0x1, s20;
	v5 =	vmul.f32 v57, v48;
	v37 =	vadd.f32 v58, v0;
	v2 =	vadd.f32 v4, v28  }
0x1a4: {  	v9 =	vld [tilespmem:$0x1FDA0];
	v7 =	vor.u32 s21, v15;
	v4 =	vadd.f32 v6, v27;
	v1 =	vadd.f32 v1, v26  }
0x1a5: {  	v10 =	vld [tilespmem:$0x1FDB0];
	v0 =	vadd.f32 v3, v29;
	v3 =	vmul.f32 v59, v51;
	v6 =	vmul.f32 v57, v49  }
0x1a6: {  	v11 =	vld [tilespmem:$0x1FDC0];
	v15 =	vor.u32 s20, v15;
	v27 =	vadd.f32 v54, v4;
	v26 =	vadd.f32 v53, v1  }
0x1a7: {  	v12 =	vld [tilespmem:$0x1FDD0];
	v1 =	vadd.f32 v3, v25;
	v4 =	vadd.f32 v6, v23;
	v6 =	vor.u32 s21, v14  }
0x1a8: {  	v13 =	vld [tilespmem:$0x1FDE0];
	v28 =	vadd.f32 v55, v2;
	v2 =	vadd.f32 v5, v24;
	v14 =	vor.u32 s20, v14  }
0x1a9: {  	v8 =	vld [tilespmem:$0x1FD90];
	v3 =	vmul.f32 v47, v32;
	v25 =	vadd.f32 v52, v1;
	v1 =	vor.u32 s21, v9  }
0x1aa: {  	v24 =	vadd.f32 v50, v2;
	v2 =	vor.u32 s21, v10;
	v7 =	vld.idx.msk [tilespmem:v7+s2+$0x0], $0xffff  }
0x1ab: {  	v23 =	vadd.f32 v3, v4;
	v3 =	vor.u32 s21, v11;
	v15 =	vld.idx.msk [tilespmem:v15+s2+$0x0], $0xffff  }
0x1ac: {  	v4 =	vor.u32 s21, v12;
	v6 =	vld.idx.msk [tilespmem:v6+s2+$0x0], $0xffff  }
0x1ad: {  	v9 =	vor.u32 s20, v9;
	v14 =	vld.idx.msk [tilespmem:v14+s2+$0x0], $0xffff  }
0x1ae: {  	v29 =	vadd.f32 v56, v0;
	v0 =	vmul.f32 v57, v51;
	v10 =	vor.u32 s20, v10;
	v1 =	vld.idx.msk [tilespmem:v1+s2+$0x0], $0xffff  }
0x1af: {  	v11 =	vor.u32 s20, v11;
	v2 =	vld.idx.msk [tilespmem:v2+s2+$0x0], $0xffff  }
0x1b0: {  	v5 =	vmul.f32 v47, v33;
	v0 =	vadd.f32 v0, v22;
	v12 =	vor.u32 s20, v12;
	v3 =	vld.idx.msk [tilespmem:v3+s2+$0x0], $0xffff  }
0x1b1: {  	v4 =	vld.idx.msk [tilespmem:v4+s2+$0x0], $0xffff  }
0x1b2: {  	v22 =	vadd.f32 v5, v0;
	v0 =	vor.u32 s21, v8;
	v5 =	vor.u32 s21, v13;
	v9 =	vld.idx.msk [tilespmem:v9+s2+$0x0], $0xffff  }
0x1b3: {  	v8 =	vor.u32 s20, v8;
	v10 =	vld.idx.msk [tilespmem:v10+s2+$0x0], $0xffff;
	v53 =	vshrl.u32 v7, $0x10;
	v61 =	vshrl.u32 v15, $0x10  }
0x1b4: {  	v13 =	vor.u32 s20, v13;
	v11 =	vld.idx.msk [tilespmem:v11+s2+$0x0], $0xffff;
	v53 =	vand.u32 $0x1, v53;
	v59 =	vand.u32 $0x1, v61  }
0x1b5: {  	v12 =	vld.idx.msk [tilespmem:v12+s2+$0x0], $0xffff;
	v7 =	vadd.s32 v53, v7;
	v15 =	vadd.s32 v59, v15;
	v50 =	vshrl.u32 v6, $0x10  }
0x1b6: {  	v60 =	vshrl.u32 v14, $0x10;
	v7 =	vadd.s32 $0x7FFF, v7;
	v15 =	vadd.s32 $0x7FFF, v15  }
0x1b7: {  	v0 =	vld.idx.msk [tilespmem:v0+s2+$0x0], $0xffff;
	v50 =	vand.u32 $0x1, v50;
	v58 =	vand.u32 $0x1, v60;
	v32 =	vshrl.u32 v1, $0x10  }
0x1b8: {  	v5 =	vld.idx.msk [tilespmem:v5+s2+$0x0], $0xffff;
	v33 =	vshrl.u32 v2, $0x10;
	v47 =	vshrl.u32 v3, $0x10;
	v48 =	vshrl.u32 v4, $0x10  }
0x1b9: {  	v8 =	vld.idx.msk [tilespmem:v8+s2+$0x0], $0xffff;
	v52 =	vshrl.u32 v9, $0x10;
	v54 =	vshrl.u32 v10, $0x10;
	v55 =	vshrl.u32 v11, $0x10  }
0x1ba: {  	v13 =	vld.idx.msk [tilespmem:v13+s2+$0x0], $0xffff;
	v62 =	vshrl.u32 v12, $0x10;
	v6 =	vadd.s32 v50, v6;
	v14 =	vadd.s32 v58, v14  }
0x1bb: {  	v32 =	vand.u32 $0x1, v32;
	v33 =	vand.u32 $0x1, v33;
	v47 =	vand.u32 $0x1, v47  }
0x1bc: {  	v48 =	vand.u32 $0x1, v48;
	v52 =	vand.u32 $0x1, v52;
	v54 =	vand.u32 $0x1, v54  }
0x1bd: {  	v55 =	vand.u32 $0x1, v55;
	v56 =	vand.u32 $0x1, v62;
	v14 =	vadd.s32 $0x7FFF, v14  }
0x1be: {  	v16 =	vshrl.u32 v0, $0x10;
	v49 =	vshrl.u32 v5, $0x10;
	v51 =	vshrl.u32 v8, $0x10  }
0x1bf: {  	v63 =	vshrl.u32 v13, $0x10;
	v1 =	vadd.s32 v32, v1;
	v2 =	vadd.s32 v33, v2  }
0x1c0: {  	v3 =	vadd.s32 v47, v3;
	v4 =	vadd.s32 v48, v4;
	v9 =	vadd.s32 v52, v9  }
0x1c1: {  	v10 =	vadd.s32 v54, v10;
	v11 =	vadd.s32 v55, v11;
	v12 =	vadd.s32 v56, v12  }
0x1c2: {  	v47 =	vand.u32 $0xFFFF0000, v7;
	v16 =	vand.u32 $0x1, v16;
	v49 =	vand.u32 $0x1, v49  }
0x1c3: {  	s19 =	sadd.s32 $0x100, s19;
	v51 =	vand.u32 $0x1, v51;
	v57 =	vand.u32 $0x1, v63;
	v1 =	vadd.s32 $0x7FFF, v1  }
0x1c4: {  	v32 =	vld [tilespmem:s19+$0x4080];
	v2 =	vadd.s32 $0x7FFF, v2;
	v3 =	vadd.s32 $0x7FFF, v3;
	v4 =	vadd.s32 $0x7FFF, v4  }
0x1c5: {  	v33 =	vld [tilespmem:s19+$0x8080];
	v63 =	vadd.s32 $0x7FFF, v6;
	v50 =	vadd.s32 $0x7FFF, v9;
	v52 =	vadd.s32 $0x7FFF, v10  }
0x1c6: {  	v53 =	vadd.s32 $0x7FFF, v11;
	v54 =	vadd.s32 $0x7FFF, v12;
	v0 =	vadd.s32 v16, v0  }
0x1c7: {  	v5 =	vadd.s32 v49, v5;
	v8 =	vadd.s32 v51, v8;
	v13 =	vadd.s32 v57, v13  }
0x1c8: {  	v1 =	vand.u32 $0xFFFF0000, v1;
	v9 =	vand.u32 $0xFFFF0000, v2;
	v0 =	vadd.s32 $0x7FFF, v0  }
0x1c9: {  	v4 =	vand.u32 $0xFFFF0000, v4;
	v57 =	vand.u32 $0xFFFF0000, v63;
	v0 =	vand.u32 $0xFFFF0000, v0  }
0x1ca: {  	v16 =	vld [tilespmem:s19+$0x80];
	v62 =	vadd.s32 $0x7FFF, v5;
	v18 =	vmul.f32 v0, v32;
	v6 =	vmul.f32 v0, v33  }
0x1cb: {  	v8 =	vadd.s32 $0x7FFF, v8;
	v2 =	vmul.f32 v1, v32;
	v11 =	vmul.f32 v1, v33  }
0x1cc: {  	v55 =	vand.u32 $0xFFFF0000, v62;
	v12 =	vmul.f32 v9, v32;
	v63 =	vmul.f32 v9, v33  }
0x1cd: {  	v19 =	vand.u32 $0xFFFF0000, v8;
	v62 =	vmul.f32 v4, v32;
	v60 =	vmul.f32 v4, v33  }
0x1ce: {  	v8 =	vand.u32 $0xFFFF0000, v53;
	v56 =	vmul.f32 v55, v32;
	v53 =	vmul.f32 v57, v32  }
0x1cf: {  	v48 =	vld [tilespmem:s19+$0x0];
	v10 =	vand.u32 $0xFFFF0000, v3;
	v17 =	vmul.f32 v0, v16;
	v5 =	vmul.f32 v1, v16  }
0x1d0: {  	v59 =	vand.u32 $0xFFFF0000, v14;
	v49 =	vld [tilespmem:s19+$0x4000];
	v3 =	vmul.f32 v9, v16;
	v0 =	vmul.f32 v10, v16  }
0x1d1: {  	v20 =	vand.u32 $0xFFFF0000, v50;
	v51 =	vld [tilespmem:s19+$0x8000];
	v9 =	vmul.f32 v10, v32;
	v10 =	vmul.f32 v10, v33  }
0x1d2: {  	v7 =	vand.u32 $0xFFFF0000, v54;
	v61 =	vmul.f32 v4, v16;
	v58 =	vmul.f32 v55, v16  }
0x1d3: {  	v13 =	vadd.s32 $0x7FFF, v13;
	v55 =	vmul.f32 v55, v33;
	v54 =	vmul.f32 v57, v16  }
0x1d4: {  	p0 =	slt.u32 s20, $0x7E;
	v1 =	vand.u32 $0xFFFF0000, v52;
	v52 =	vmul.f32 v57, v33;
	v50 =	vmul.f32 v47, v16  }
.Ltmp2:
0x1d5: {  	v4 =	vand.u32 $0xFFFF0000, v13;
	v13 =	vmul.f32 v19, v48;
	v16 =	vmul.f32 v19, v49;
	(pc) =	sbr.rel @p0 .LBB2_6-.Ltmp2, $4  }
0x1d6: {  	v14 =	vmul.f32 v19, v51;
	v19 =	vmul.f32 v20, v48;
	v57 =	vand.u32 $0xFFFF0000, v15  }
0x1d7: {  	v15 =	vmul.f32 v20, v51;
	v31 =	vadd.f32 v13, v31;
	v16 =	vadd.f32 v16, v30  }
0x1d8: {  	v13 =	vmul.f32 v20, v49;
	v45 =	vadd.f32 v14, v45;
	v46 =	vadd.f32 v19, v46  }
0x1d9: {  	s20 =	sadd.s32 $0x2, s20;
	v14 =	vmul.f32 v1, v48;
	v31 =	vadd.f32 v17, v31;
	v30 =	vadd.f32 v18, v16  }
0x1da: {  	v6 =	vadd.f32 v6, v45  }
0x1db: {  	v16 =	vmul.f32 v1, v49;
	v5 =	vadd.f32 v5, v46;
	v13 =	vadd.f32 v13, v21  }
0x1dc: {  	v15 =	vadd.f32 v15, v44;
	v1 =	vmul.f32 v1, v51;
	v14 =	vadd.f32 v14, v42  }
0x1dd: {  	v17 =	vmul.f32 v8, v48;
	v19 =	vld [tilespmem:$0x1FE30];
	v16 =	vadd.f32 v16, v43;
	v2 =	vadd.f32 v2, v13  }
0x1de: {  	v18 =	vld [tilespmem:$0x1FE20];
	v13 =	vmul.f32 v8, v49;
	v11 =	vadd.f32 v11, v15;
	v1 =	vadd.f32 v1, v40  }
0x1df: {  	v8 =	vmul.f32 v8, v51;
	v3 =	vadd.f32 v3, v14;
	v14 =	vadd.f32 v17, v41  }
0x1e0: {  	v12 =	vadd.f32 v12, v16;
	v13 =	vadd.f32 v13, v38  }
0x1e1: {  	v15 =	vmul.f32 v7, v48;
	v8 =	vadd.f32 v8, v39;
	v1 =	vadd.f32 v63, v1  }
0x1e2: {  	v17 =	vld [tilespmem:$0x1FE10];
	v16 =	vmul.f32 v7, v49;
	v0 =	vadd.f32 v0, v14;
	v6 =	vadd.f32 v6, v19  }
0x1e3: {  	v7 =	vmul.f32 v7, v51;
	v2 =	vadd.f32 v2, v18;
	v9 =	vadd.f32 v9, v13  }
0x1e4: {  	v8 =	vadd.f32 v10, v8;
	v10 =	vadd.f32 v15, v34  }
0x1e5: {  	v13 =	vmul.f32 v4, v48;
	v14 =	vadd.f32 v16, v35;
	v7 =	vadd.f32 v7, v36  }
0x1e6: {  	v16 =	vadd.f32 v30, v18;
	v1 =	vadd.f32 v1, v19;
	[tilespmem:$0x1C580] =	vst v6  }
0x1e7: {  	[tilespmem:$0x1C390] =	vst v2;
	v13 =	vadd.f32 v13, v37;
	v15 =	vadd.f32 v31, v17  }
0x1e8: {  	v10 =	vadd.f32 v61, v10;
	v5 =	vadd.f32 v5, v17;
	[tilespmem:$0x1C5A0] =	vst v1  }
0x1e9: {  	v6 =	vmul.f32 v59, v48;
	v14 =	vadd.f32 v62, v14;
	v2 =	vadd.f32 v3, v17;
	[tilespmem:$0x1C180] =	vst v15  }
0x1ea: {  	v7 =	vadd.f32 v60, v7;
	v0 =	vadd.f32 v0, v17;
	[tilespmem:$0x1C190] =	vst v5  }
0x1eb: {  	v1 =	vadd.f32 v9, v18;
	v3 =	vadd.f32 v6, v27;
	v15 =	vmul.f32 v4, v49;
	[tilespmem:$0x1C1A0] =	vst v2  }
0x1ec: {  	v4 =	vmul.f32 v4, v51;
	v13 =	vadd.f32 v58, v13;
	[tilespmem:$0x1C1B0] =	vst v0;
	v0 =	vadd.f32 v8, v19  }
0x1ed: {  	v5 =	vadd.f32 v11, v19;
	v11 =	vmul.f32 v59, v49;
	[tilespmem:$0x1C3B0] =	vst v1;
	v1 =	vadd.f32 v10, v17  }
0x1ee: {  	v4 =	vadd.f32 v4, v28;
	[tilespmem:$0x1C5B0] =	vst v0;
	v0 =	vadd.f32 v14, v18  }
0x1ef: {  	v3 =	vadd.f32 v54, v3;
	[tilespmem:$0x1C590] =	vst v5;
	v6 =	vadd.f32 v11, v26  }
0x1f0: {  	v4 =	vadd.f32 v55, v4;
	[tilespmem:$0x1C3C0] =	vst v0;
	v0 =	vadd.f32 v13, v17  }
0x1f1: {  	v9 =	vmul.f32 v57, v49;
	v15 =	vadd.f32 v15, v29;
	v5 =	vadd.f32 v12, v18;
	[tilespmem:$0x1C1C0] =	vst v1  }
0x1f2: {  	v8 =	vmul.f32 v57, v48;
	v6 =	vadd.f32 v53, v6;
	[tilespmem:$0x1C1D0] =	vst v0;
	v0 =	vadd.f32 v4, v19  }
0x1f3: {  	v1 =	vadd.f32 v7, v19;
	v2 =	vadd.f32 v56, v15;
	[tilespmem:$0x1C3A0] =	vst v5;
	v5 =	vmul.f32 v59, v51  }
0x1f4: {  	v10 =	vmul.f32 v57, v51;
	v8 =	vadd.f32 v8, v24;
	[tilespmem:$0x1C5D0] =	vst v0;
	v0 =	vadd.f32 v6, v18;
	v6 =	vld [tilespmem:$0x1FF80]  }
0x1f5: {  	[tilespmem:$0x1C5C0] =	vst v1;
	v5 =	vadd.f32 v5, v25;
	v1 =	vadd.f32 v2, v18  }
0x1f6: {  	v7 =	vadd.f32 v9, v23;
	v9 =	vadd.f32 v10, v22;
	v2 =	vmul.f32 v47, v32  }
0x1f7: {  	v4 =	vmul.f32 v47, v33;
	v5 =	vadd.f32 v52, v5;
	[tilespmem:$0x1C3D0] =	vst v1;
	v1 =	vadd.f32 v3, v17  }
0x1f8: {  	[tilespmem:$0x1C380] =	vst v16;
	v8 =	vadd.f32 v50, v8;
	v2 =	vadd.f32 v2, v7  }
0x1f9: {  	s19 =	simm.s32 $0x1;
	v3 =	vadd.f32 v4, v9;
	[tilespmem:$0x1C1E0] =	vst v1;
	v1 =	vadd.f32 v5, v19;
	v9 =	vor.u32 $0xC000, v6  }
0x1fa: {  	[tilespmem:$0x1C3E0] =	vst v0;
	v0 =	vadd.f32 v8, v17;
	v10 =	vor.u32 $0xC800, v6;
	v4 =	vor.u32 s19, v9  }
0x1fb: {  	[tilespmem:$0x1C5E0] =	vst v1;
	v1 =	vadd.f32 v2, v18;
	v11 =	vor.u32 $0xD000, v6;
	v2 =	vor.u32 s19, v10  }
0x1fc: {  	[tilespmem:$0x1C1F0] =	vst v0;
	v0 =	vadd.f32 v3, v19;
	v12 =	vor.u32 $0xD800, v6;
	v3 =	vor.u32 s19, v11  }
0x1fd: {  	v13 =	vor.u32 $0xE000, v6;
	[tilespmem:$0x1C3F0] =	vst v1;
	v1 =	vor.u32 s19, v12  }
0x1fe: {  	v14 =	vor.u32 $0xE800, v6;
	[tilespmem:$0x1C5F0] =	vst v0;
	v0 =	vor.u32 s19, v13  }
0x1ff: {  	v15 =	vor.u32 $0xF000, v6;
	v5 =	vor.u32 s19, v14;
	v4 =	vld.idx.msk [tilespmem:v4+s2+$0x0], $0xffff  }
0x200: {  	v16 =	vor.u32 $0xF800, v6;
	v6 =	vor.u32 s19, v15;
	v2 =	vld.idx.msk [tilespmem:v2+s2+$0x0], $0xffff  }
0x201: {  	s20 =	simm.s32 $0x0;
	v7 =	vor.u32 s19, v16;
	v3 =	vld.idx.msk [tilespmem:v3+s2+$0x0], $0xffff;
	[tilespmem:$0x1FD10] =	vst v9  }
0x202: {  	v21 =	vimm.f32 $0.0e+00;
	v8 =	vor.u32 s20, v9;
	v1 =	vld.idx.msk [tilespmem:v1+s2+$0x0], $0xffff;
	[tilespmem:$0x1FD20] =	vst v10  }
0x203: {  	v44 =	vimm.f32 $0.0e+00;
	v42 =	vimm.f32 $0.0e+00;
	v9 =	vor.u32 s20, v10;
	v0 =	vld.idx.msk [tilespmem:v0+s2+$0x0], $0xffff;
	[tilespmem:$0x1FD30] =	vst v11  }
0x204: {  	v43 =	vimm.f32 $0.0e+00;
	v40 =	vimm.f32 $0.0e+00;
	v41 =	vimm.f32 $0.0e+00;
	v5 =	vld.idx.msk [tilespmem:v5+s2+$0x0], $0xffff;
	[tilespmem:$0x1FD40] =	vst v12  }
0x205: {  	v38 =	vimm.f32 $0.0e+00;
	v39 =	vimm.f32 $0.0e+00;
	v10 =	vor.u32 s20, v11;
	v6 =	vld.idx.msk [tilespmem:v6+s2+$0x0], $0xffff;
	[tilespmem:$0x1FD50] =	vst v13  }
0x206: {  	v11 =	vor.u32 s20, v12;
	v12 =	vor.u32 s20, v13;
	v13 =	vor.u32 s20, v14;
	v7 =	vld.idx.msk [tilespmem:v7+s2+$0x0], $0xffff  }
0x207: {  	v8 =	vld.idx.msk [tilespmem:v8+s2+$0x0], $0xffff;
	[tilespmem:$0x1FD60] =	vst v14;
	v14 =	vor.u32 s20, v15;
	v22 =	vshrl.u32 v4, $0x10;
	v23 =	vshrl.u32 v2, $0x10  }
0x208: {  	v24 =	vshrl.u32 v3, $0x10;
	v9 =	vld.idx.msk [tilespmem:v9+s2+$0x0], $0xffff;
	[tilespmem:$0x1FD70] =	vst v15;
	v15 =	vor.u32 s20, v16;
	v25 =	vshrl.u32 v1, $0x10  }
0x209: {  	v22 =	vand.u32 $0x1, v22;
	v23 =	vand.u32 $0x1, v23;
	v24 =	vand.u32 $0x1, v24  }
0x20a: {  	v26 =	vshrl.u32 v0, $0x10;
	v25 =	vand.u32 $0x1, v25;
	v4 =	vadd.s32 v22, v4  }
0x20b: {  	v2 =	vadd.s32 v23, v2;
	v3 =	vadd.s32 v24, v3;
	v27 =	vshrl.u32 v5, $0x10  }
0x20c: {  	v26 =	vand.u32 $0x1, v26;
	v1 =	vadd.s32 v25, v1;
	v4 =	vadd.s32 $0x7FFF, v4  }
0x20d: {  	v2 =	vadd.s32 $0x7FFF, v2;
	v3 =	vadd.s32 $0x7FFF, v3;
	v28 =	vshrl.u32 v6, $0x10  }
0x20e: {  	v10 =	vld.idx.msk [tilespmem:v10+s2+$0x0], $0xffff;
	[tilespmem:$0x1FD80] =	vst v16;
	v27 =	vand.u32 $0x1, v27;
	v0 =	vadd.s32 v26, v0;
	v1 =	vadd.s32 $0x7FFF, v1  }
0x20f: {  	v11 =	vld.idx.msk [tilespmem:v11+s2+$0x0], $0xffff;
	v4 =	vand.u32 $0xFFFF0000, v4;
	v2 =	vand.u32 $0xFFFF0000, v2;
	v29 =	vshrl.u32 v8, $0x10  }
0x210: {  	v12 =	vld.idx.msk [tilespmem:v12+s2+$0x0], $0xffff;
	v31 =	vshrl.u32 v7, $0x10;
	v28 =	vand.u32 $0x1, v28;
	v5 =	vadd.s32 v27, v5  }
0x211: {  	s19 =	simm.s32 $0x10000;
	v0 =	vadd.s32 $0x7FFF, v0;
	v1 =	vand.u32 $0xFFFF0000, v1;
	v30 =	vshrl.u32 v9, $0x10  }
0x212: {  	v22 =	vld [tilespmem:s19+$0x80];
	v29 =	vand.u32 $0x1, v29;
	v31 =	vand.u32 $0x1, v31;
	v6 =	vadd.s32 v28, v6  }
0x213: {  	v13 =	vld.idx.msk [tilespmem:v13+s2+$0x0], $0xffff;
	v23 =	vadd.s32 $0x7FFF, v5;
	v58 =	vshrl.u32 v10, $0x10;
	v30 =	vand.u32 $0x1, v30  }
0x214: {  	v7 =	vadd.s32 v31, v7;
	v8 =	vadd.s32 v29, v8;
	v24 =	vadd.s32 $0x7FFF, v6  }
0x215: {  	v23 =	vand.u32 $0xFFFF0000, v23;
	v59 =	vshrl.u32 v11, $0x10;
	v60 =	vshrl.u32 v12, $0x10  }
0x216: {  	v14 =	vld.idx.msk [tilespmem:v14+s2+$0x0], $0xffff;
	v32 =	vand.u32 $0x1, v58;
	v9 =	vadd.s32 v30, v9;
	v8 =	vadd.s32 $0x7FFF, v8  }
0x217: {  	v7 =	vadd.s32 $0x7FFF, v7;
	v29 =	vmul.f32 v4, v22;
	v6 =	vmul.f32 v2, v22  }
0x218: {  	v24 =	vand.u32 $0xFFFF0000, v24;
	v58 =	vmul.f32 v23, v22;
	v61 =	vshrl.u32 v13, $0x10  }
0x219: {  	v15 =	vld.idx.msk [tilespmem:v15+s2+$0x0], $0xffff;
	v33 =	vand.u32 $0x1, v59;
	v34 =	vand.u32 $0x1, v60;
	v10 =	vadd.s32 v32, v10  }
0x21a: {  	v25 =	vadd.s32 $0x7FFF, v9;
	v9 =	vand.u32 $0xFFFF0000, v3;
	v47 =	vand.u32 $0xFFFF0000, v7  }
0x21b: {  	v31 =	vand.u32 $0xFFFF0000, v8;
	v54 =	vmul.f32 v24, v22;
	v62 =	vshrl.u32 v14, $0x10  }
0x21c: {  	v35 =	vand.u32 $0x1, v61;
	v11 =	vadd.s32 v33, v11;
	v12 =	vadd.s32 v34, v12  }
0x21d: {  	v26 =	vadd.s32 $0x7FFF, v10;
	v25 =	vand.u32 $0xFFFF0000, v25;
	v50 =	vmul.f32 v47, v22  }
0x21e: {  	v32 =	vld [tilespmem:s19+$0x4080];
	v34 =	vimm.f32 $0.0e+00;
	v63 =	vshrl.u32 v15, $0x10;
	v36 =	vand.u32 $0x1, v62  }
0x21f: {  	v13 =	vadd.s32 v35, v13;
	v27 =	vadd.s32 $0x7FFF, v11;
	v28 =	vadd.s32 $0x7FFF, v12  }
0x220: {  	v51 =	vld [tilespmem:s19+$0x8000];
	v35 =	vimm.f32 $0.0e+00;
	v37 =	vand.u32 $0x1, v63;
	v14 =	vadd.s32 v36, v14  }
0x221: {  	v33 =	vld [tilespmem:s19+$0x8080];
	v13 =	vadd.s32 $0x7FFF, v13;
	v63 =	vmul.f32 v1, v22;
	v8 =	vand.u32 $0xFFFF0000, v27  }
0x222: {  	v7 =	vand.u32 $0xFFFF0000, v28;
	v36 =	vimm.f32 $0.0e+00;
	v28 =	vimm.f32 $0.0e+00  }
0x223: {  	v27 =	vimm.f32 $0.0e+00;
	v30 =	vmul.f32 v4, v32;
	v11 =	vmul.f32 v2, v32  }
0x224: {  	v14 =	vadd.s32 $0x7FFF, v14;
	v3 =	vmul.f32 v9, v32;
	v56 =	vmul.f32 v23, v32  }
0x225: {  	v48 =	vld [tilespmem:s19+$0x0];
	v53 =	vmul.f32 v24, v32;
	v59 =	vand.u32 $0xFFFF0000, v14;
	v14 =	vmul.f32 v31, v51  }
0x226: {  	v15 =	vadd.s32 v37, v15;
	v5 =	vmul.f32 v4, v33;
	v12 =	vmul.f32 v2, v33  }
0x227: {  	v49 =	vld [tilespmem:s19+$0x4000];
	v4 =	vand.u32 $0xFFFF0000, v0;
	v2 =	vmul.f32 v9, v22;
	v0 =	vmul.f32 v9, v33  }
0x228: {  	v37 =	vimm.f32 $0.0e+00;
	v9 =	vmul.f32 v1, v32;
	v10 =	vmul.f32 v1, v33  }
0x229: {  	v15 =	vadd.s32 $0x7FFF, v15;
	v55 =	vmul.f32 v23, v33;
	v52 =	vmul.f32 v24, v33  }
0x22a: {  	v1 =	vand.u32 $0xFFFF0000, v26;
	v23 =	vmul.f32 v25, v48;
	v62 =	vmul.f32 v4, v22  }
0x22b: {  	v57 =	vand.u32 $0xFFFF0000, v15;
	v61 =	vmul.f32 v4, v32;
	v60 =	vmul.f32 v4, v33  }
0x22c: {  	v4 =	vand.u32 $0xFFFF0000, v13;
	v13 =	vmul.f32 v31, v48;
	v22 =	vmul.f32 v31, v49  }
0x22d: {  	v15 =	vmul.f32 v25, v51;
	v26 =	vimm.f32 $0.0e+00;
	v45 =	vadd.f32 v14, v21  }
0x22e: {  	v14 =	vmul.f32 v1, v48;
	v24 =	vadd.f32 v13, v21;
	v22 =	vadd.f32 v22, v21  }
0x22f: {  	v46 =	vadd.f32 v23, v21;
	v23 =	vimm.f32 $0.0e+00;
	v13 =	vmul.f32 v25, v49  }
0x230: {  	v25 =	vimm.f32 $0.0e+00;
	v31 =	vadd.f32 v29, v24;
	v30 =	vadd.f32 v30, v22  }
0x231: {  	s20 =	simm.s32 $0x2;
	v29 =	vimm.f32 $0.0e+00;
	v24 =	vimm.f32 $0.0e+00;
	v22 =	vimm.f32 $0.0e+00  }
.LBB2_8:
0x232: {  	v16 =	vmul.f32 v1, v49;
	v45 =	vadd.f32 v5, v45;
	v46 =	vadd.f32 v6, v46  }
0x233: {  	v1 =	vmul.f32 v1, v51;
	v5 =	vadd.f32 v13, v21;
	v6 =	vadd.f32 v15, v44  }
0x234: {  	v13 =	vadd.f32 v14, v42;
	v15 =	vmul.f32 v8, v48;
	v14 =	vadd.f32 v16, v43  }
0x235: {  	v16 =	vmul.f32 v8, v49;
	v1 =	vadd.f32 v1, v40;
	v21 =	vadd.f32 v11, v5  }
0x236: {  	v44 =	vadd.f32 v12, v6;
	v5 =	vmul.f32 v8, v51;
	v42 =	vadd.f32 v2, v13  }
0x237: {  	v2 =	vadd.f32 v15, v41;
	v8 =	vmul.f32 v7, v49;
	v43 =	vadd.f32 v3, v14  }
0x238: {  	v3 =	vmul.f32 v7, v48;
	v6 =	vadd.f32 v16, v38;
	v40 =	vadd.f32 v0, v1  }
0x239: {  	v0 =	vmul.f32 v4, v48;
	v5 =	vadd.f32 v5, v39;
	v41 =	vadd.f32 v63, v2  }
0x23a: {  	v7 =	vmul.f32 v7, v51;
	v2 =	vadd.f32 v8, v36;
	v38 =	vadd.f32 v9, v6  }
0x23b: {  	v15 =	vld [tilespmem:$0x1FD80];
	v1 =	vadd.f32 v3, v35;
	v3 =	vmul.f32 v4, v49;
	v0 =	vadd.f32 v0, v34  }
0x23c: {  	v4 =	vmul.f32 v4, v51;
	v39 =	vadd.f32 v10, v5;
	v5 =	vadd.f32 v7, v37  }
0x23d: {  	v6 =	vmul.f32 v59, v48;
	v36 =	vadd.f32 v61, v2;
	v35 =	vadd.f32 v62, v1  }
0x23e: {  	v14 =	vld [tilespmem:$0x1FD70];
	v1 =	vmul.f32 v59, v49;
	v34 =	vadd.f32 v58, v0;
	v0 =	vadd.f32 v3, v29  }
0x23f: {  	s21 =	sadd.s32 $0x1, s20;
	v2 =	vadd.f32 v4, v28;
	v3 =	vmul.f32 v59, v51;
	v4 =	vadd.f32 v6, v27  }
0x240: {  	v10 =	vld [tilespmem:$0x1FD30];
	v6 =	vmul.f32 v57, v49;
	v7 =	vor.u32 s21, v15;
	v15 =	vor.u32 s20, v15  }
0x241: {  	v11 =	vld [tilespmem:$0x1FD40];
	v37 =	vadd.f32 v60, v5;
	v5 =	vmul.f32 v57, v48;
	v29 =	vadd.f32 v56, v0  }
0x242: {  	v8 =	vld [tilespmem:$0x1FD10];
	v28 =	vadd.f32 v55, v2;
	v0 =	vmul.f32 v57, v51;
	v27 =	vadd.f32 v54, v4  }
0x243: {  	v9 =	vld [tilespmem:$0x1FD20];
	v4 =	vadd.f32 v6, v23;
	v6 =	vor.u32 s21, v14;
	v2 =	vadd.f32 v5, v24  }
0x244: {  	v12 =	vld [tilespmem:$0x1FD50];
	v1 =	vadd.f32 v1, v26;
	v14 =	vor.u32 s20, v14;
	v5 =	vmul.f32 v47, v33  }
0x245: {  	v13 =	vld [tilespmem:$0x1FD60];
	v0 =	vadd.f32 v0, v22;
	v24 =	vadd.f32 v50, v2;
	v2 =	vor.u32 s21, v10  }
0x246: {  	v26 =	vadd.f32 v53, v1;
	v1 =	vadd.f32 v3, v25;
	v10 =	vor.u32 s20, v10;
	v7 =	vld.idx.msk [tilespmem:v7+s2+$0x0], $0xffff  }
0x247: {  	v3 =	vmul.f32 v47, v32;
	v15 =	vld.idx.msk [tilespmem:v15+s2+$0x0], $0xffff;
	v22 =	vadd.f32 v5, v0;
	v0 =	vor.u32 s21, v8  }
0x248: {  	v25 =	vadd.f32 v52, v1;
	v1 =	vor.u32 s21, v9;
	v6 =	vld.idx.msk [tilespmem:v6+s2+$0x0], $0xffff  }
0x249: {  	v23 =	vadd.f32 v3, v4;
	v3 =	vor.u32 s21, v11;
	v14 =	vld.idx.msk [tilespmem:v14+s2+$0x0], $0xffff  }
0x24a: {  	v4 =	vor.u32 s21, v12;
	v2 =	vld.idx.msk [tilespmem:v2+s2+$0x0], $0xffff  }
0x24b: {  	v5 =	vor.u32 s21, v13;
	v10 =	vld.idx.msk [tilespmem:v10+s2+$0x0], $0xffff  }
0x24c: {  	v8 =	vor.u32 s20, v8;
	v0 =	vld.idx.msk [tilespmem:v0+s2+$0x0], $0xffff  }
0x24d: {  	v9 =	vor.u32 s20, v9;
	v1 =	vld.idx.msk [tilespmem:v1+s2+$0x0], $0xffff  }
0x24e: {  	v11 =	vor.u32 s20, v11;
	v3 =	vld.idx.msk [tilespmem:v3+s2+$0x0], $0xffff  }
0x24f: {  	v12 =	vor.u32 s20, v12;
	v4 =	vld.idx.msk [tilespmem:v4+s2+$0x0], $0xffff  }
0x250: {  	v13 =	vor.u32 s20, v13;
	v5 =	vld.idx.msk [tilespmem:v5+s2+$0x0], $0xffff  }
0x251: {  	v53 =	vshrl.u32 v7, $0x10;
	v61 =	vshrl.u32 v15, $0x10;
	v8 =	vld.idx.msk [tilespmem:v8+s2+$0x0], $0xffff  }
0x252: {  	v9 =	vld.idx.msk [tilespmem:v9+s2+$0x0], $0xffff;
	v53 =	vand.u32 $0x1, v53;
	v59 =	vand.u32 $0x1, v61  }
0x253: {  	v11 =	vld.idx.msk [tilespmem:v11+s2+$0x0], $0xffff;
	v50 =	vshrl.u32 v6, $0x10;
	v60 =	vshrl.u32 v14, $0x10;
	v7 =	vadd.s32 v53, v7  }
0x254: {  	v12 =	vld.idx.msk [tilespmem:v12+s2+$0x0], $0xffff;
	v15 =	vadd.s32 v59, v15;
	v50 =	vand.u32 $0x1, v50;
	v58 =	vand.u32 $0x1, v60  }
0x255: {  	v13 =	vld.idx.msk [tilespmem:v13+s2+$0x0], $0xffff;
	v7 =	vadd.s32 $0x7FFF, v7;
	v15 =	vadd.s32 $0x7FFF, v15;
	v6 =	vadd.s32 v50, v6  }
0x256: {  	v14 =	vadd.s32 v58, v14;
	v33 =	vshrl.u32 v2, $0x10;
	v54 =	vshrl.u32 v10, $0x10  }
0x257: {  	v14 =	vadd.s32 $0x7FFF, v14;
	v16 =	vshrl.u32 v0, $0x10;
	v32 =	vshrl.u32 v1, $0x10  }
0x258: {  	v47 =	vshrl.u32 v3, $0x10;
	v48 =	vshrl.u32 v4, $0x10;
	v49 =	vshrl.u32 v5, $0x10  }
0x259: {  	v51 =	vshrl.u32 v8, $0x10;
	v52 =	vshrl.u32 v9, $0x10;
	v55 =	vshrl.u32 v11, $0x10  }
0x25a: {  	v62 =	vshrl.u32 v12, $0x10;
	v63 =	vshrl.u32 v13, $0x10;
	v33 =	vand.u32 $0x1, v33  }
0x25b: {  	v54 =	vand.u32 $0x1, v54;
	v59 =	vand.u32 $0xFFFF0000, v14;
	v16 =	vand.u32 $0x1, v16  }
0x25c: {  	v32 =	vand.u32 $0x1, v32;
	v47 =	vand.u32 $0x1, v47;
	v48 =	vand.u32 $0x1, v48  }
0x25d: {  	v49 =	vand.u32 $0x1, v49;
	v51 =	vand.u32 $0x1, v51;
	v52 =	vand.u32 $0x1, v52  }
0x25e: {  	v55 =	vand.u32 $0x1, v55;
	v56 =	vand.u32 $0x1, v62;
	v57 =	vand.u32 $0x1, v63  }
0x25f: {  	v2 =	vadd.s32 v33, v2;
	v10 =	vadd.s32 v54, v10;
	v63 =	vadd.s32 $0x7FFF, v6  }
0x260: {  	v0 =	vadd.s32 v16, v0;
	v1 =	vadd.s32 v32, v1;
	v3 =	vadd.s32 v47, v3  }
0x261: {  	v4 =	vadd.s32 v48, v4;
	v5 =	vadd.s32 v49, v5;
	v8 =	vadd.s32 v51, v8  }
0x262: {  	s19 =	sadd.s32 $0x100, s19;
	v9 =	vadd.s32 v52, v9;
	v11 =	vadd.s32 v55, v11;
	v12 =	vadd.s32 v56, v12  }
0x263: {  	v33 =	vld [tilespmem:s19+$0x8080];
	v13 =	vadd.s32 v57, v13;
	v2 =	vadd.s32 $0x7FFF, v2;
	v52 =	vadd.s32 $0x7FFF, v10  }
0x264: {  	v16 =	vld [tilespmem:s19+$0x80];
	v57 =	vand.u32 $0xFFFF0000, v63;
	v47 =	vand.u32 $0xFFFF0000, v7;
	v0 =	vadd.s32 $0x7FFF, v0  }
0x265: {  	v32 =	vld [tilespmem:s19+$0x4080];
	v1 =	vadd.s32 $0x7FFF, v1;
	v3 =	vadd.s32 $0x7FFF, v3;
	v4 =	vadd.s32 $0x7FFF, v4  }
0x266: {  	v62 =	vadd.s32 $0x7FFF, v5;
	v8 =	vadd.s32 $0x7FFF, v8;
	v50 =	vadd.s32 $0x7FFF, v9  }
0x267: {  	v54 =	vadd.s32 $0x7FFF, v12;
	v0 =	vand.u32 $0xFFFF0000, v0;
	v1 =	vand.u32 $0xFFFF0000, v1  }
0x268: {  	v4 =	vand.u32 $0xFFFF0000, v4;
	v5 =	vmul.f32 v0, v33;
	v12 =	vmul.f32 v1, v33  }
0x269: {  	v53 =	vadd.s32 $0x7FFF, v11;
	v60 =	vmul.f32 v4, v33;
	v17 =	vmul.f32 v0, v16  }
0x26a: {  	v9 =	vand.u32 $0xFFFF0000, v2;
	v18 =	vmul.f32 v0, v32;
	v6 =	vmul.f32 v1, v16  }
0x26b: {  	v13 =	vadd.s32 $0x7FFF, v13;
	v11 =	vmul.f32 v1, v32;
	v2 =	vmul.f32 v9, v16  }
0x26c: {  	v10 =	vand.u32 $0xFFFF0000, v3;
	v3 =	vmul.f32 v9, v32;
	v0 =	vmul.f32 v9, v33  }
0x26d: {  	v48 =	vld [tilespmem:s19+$0x0];
	v55 =	vand.u32 $0xFFFF0000, v62;
	v63 =	vmul.f32 v10, v16;
	v9 =	vmul.f32 v10, v32  }
0x26e: {  	v49 =	vld [tilespmem:s19+$0x4000];
	v19 =	vand.u32 $0xFFFF0000, v8;
	v10 =	vmul.f32 v10, v33;
	v62 =	vmul.f32 v4, v16  }
0x26f: {  	v51 =	vld [tilespmem:s19+$0x8000];
	v20 =	vand.u32 $0xFFFF0000, v50;
	v61 =	vmul.f32 v4, v32;
	v58 =	vmul.f32 v55, v16  }
0x270: {  	v8 =	vand.u32 $0xFFFF0000, v53;
	v56 =	vmul.f32 v55, v32;
	v55 =	vmul.f32 v55, v33  }
0x271: {  	v7 =	vand.u32 $0xFFFF0000, v54;
	v54 =	vmul.f32 v57, v16;
	v53 =	vmul.f32 v57, v32  }
0x272: {  	p0 =	slt.u32 s20, $0x7E;
	v1 =	vand.u32 $0xFFFF0000, v52;
	v52 =	vmul.f32 v57, v33;
	v50 =	vmul.f32 v47, v16  }
.Ltmp3:
0x273: {  	v4 =	vand.u32 $0xFFFF0000, v13;
	v13 =	vmul.f32 v19, v48;
	v16 =	vmul.f32 v19, v49;
	(pc) =	sbr.rel @p0 .LBB2_8-.Ltmp3, $4  }
0x274: {  	v14 =	vmul.f32 v19, v51;
	v19 =	vmul.f32 v20, v48;
	v57 =	vand.u32 $0xFFFF0000, v15  }
0x275: {  	v15 =	vmul.f32 v20, v51;
	v31 =	vadd.f32 v13, v31;
	v16 =	vadd.f32 v16, v30  }
0x276: {  	v13 =	vmul.f32 v20, v49;
	v45 =	vadd.f32 v14, v45;
	v46 =	vadd.f32 v19, v46  }
0x277: {  	s20 =	sadd.s32 $0x2, s20;
	v14 =	vmul.f32 v1, v48;
	v31 =	vadd.f32 v17, v31;
	v30 =	vadd.f32 v18, v16  }
0x278: {  	v5 =	vadd.f32 v5, v45  }
0x279: {  	v16 =	vmul.f32 v1, v49;
	v6 =	vadd.f32 v6, v46;
	v13 =	vadd.f32 v13, v21  }
0x27a: {  	v15 =	vadd.f32 v15, v44;
	v46 =	vmul.f32 v1, v51;
	v17 =	vmul.f32 v8, v48  }
0x27b: {  	v18 =	vmul.f32 v8, v49;
	v14 =	vadd.f32 v14, v42;
	v16 =	vadd.f32 v16, v43  }
0x27c: {  	v19 =	vmul.f32 v8, v51;
	v11 =	vadd.f32 v11, v13;
	v12 =	vadd.f32 v12, v15  }
0x27d: {  	v21 =	vmul.f32 v7, v48;
	v1 =	vadd.f32 v46, v40;
	v20 =	vadd.f32 v17, v41  }
0x27e: {  	v38 =	vadd.f32 v18, v38;
	v8 =	vadd.f32 v19, v39;
	v17 =	vld [tilespmem:$0x1FE10]  }
0x27f: {  	v43 =	vadd.f32 v21, v35;
	v18 =	vld [tilespmem:$0x1FE20];
	v2 =	vadd.f32 v2, v14  }
0x280: {  	v39 =	vmul.f32 v7, v49;
	v19 =	vld [tilespmem:$0x1FE30];
	v3 =	vadd.f32 v3, v16;
	v0 =	vadd.f32 v0, v1  }
0x281: {  	v41 =	vmul.f32 v7, v51;
	v40 =	vadd.f32 v63, v20;
	v9 =	vadd.f32 v9, v38  }
0x282: {  	v42 =	vmul.f32 v4, v48;
	v8 =	vadd.f32 v10, v8;
	v44 =	vadd.f32 v39, v36  }
0x283: {  	v7 =	vadd.f32 v41, v37;
	v45 =	vadd.f32 v31, v17  }
0x284: {  	v10 =	vadd.f32 v42, v34;
	v46 =	vadd.f32 v30, v18  }
0x285: {  	v13 =	vadd.f32 v62, v43;
	v5 =	vadd.f32 v5, v19;
	[tilespmem:$0x1C200] =	vst v45  }
0x286: {  	v14 =	vadd.f32 v61, v44;
	v6 =	vadd.f32 v6, v17;
	[tilespmem:$0x1C400] =	vst v46  }
0x287: {  	v20 =	vmul.f32 v4, v51;
	v7 =	vadd.f32 v60, v7;
	v16 =	vadd.f32 v11, v18;
	[tilespmem:$0x1C600] =	vst v5  }
0x288: {  	v34 =	vmul.f32 v59, v49;
	v10 =	vadd.f32 v58, v10;
	v21 =	vadd.f32 v12, v19;
	[tilespmem:$0x1C210] =	vst v6  }
0x289: {  	v63 =	vmul.f32 v4, v49;
	v4 =	vadd.f32 v20, v28;
	v2 =	vadd.f32 v2, v17;
	[tilespmem:$0x1C410] =	vst v16  }
0x28a: {  	v36 =	vadd.f32 v34, v26;
	v3 =	vadd.f32 v3, v18;
	[tilespmem:$0x1C610] =	vst v21  }
0x28b: {  	v31 =	vadd.f32 v63, v29;
	v0 =	vadd.f32 v0, v19;
	[tilespmem:$0x1C220] =	vst v2  }
0x28c: {  	v42 =	vmul.f32 v57, v48;
	v1 =	vadd.f32 v40, v17;
	v38 =	vadd.f32 v9, v18;
	[tilespmem:$0x1C420] =	vst v3  }
0x28d: {  	v44 =	vmul.f32 v57, v49;
	v39 =	vadd.f32 v8, v19;
	v41 =	vadd.f32 v13, v17;
	[tilespmem:$0x1C620] =	vst v0  }
0x28e: {  	v30 =	vmul.f32 v59, v48;
	v8 =	vadd.f32 v42, v24;
	v4 =	vadd.f32 v55, v4;
	[tilespmem:$0x1C230] =	vst v1  }
0x28f: {  	v43 =	vadd.f32 v14, v18;
	v48 =	vadd.f32 v10, v17;
	[tilespmem:$0x1C430] =	vst v38  }
0x290: {  	v40 =	vmul.f32 v59, v51;
	v9 =	vadd.f32 v44, v23;
	v35 =	vadd.f32 v30, v27;
	[tilespmem:$0x1C630] =	vst v39  }
0x291: {  	v37 =	vadd.f32 v56, v31;
	v2 =	vadd.f32 v53, v36;
	[tilespmem:$0x1C240] =	vst v41  }
0x292: {  	v5 =	vadd.f32 v40, v25;
	v45 =	vadd.f32 v7, v19;
	[tilespmem:$0x1C440] =	vst v43  }
0x293: {  	v46 =	vmul.f32 v57, v51;
	v57 =	vadd.f32 v50, v8;
	[tilespmem:$0x1C250] =	vst v48;
	v53 =	vadd.f32 v4, v19  }
0x294: {  	v6 =	vadd.f32 v54, v35;
	[tilespmem:$0x1C640] =	vst v45;
	v49 =	vadd.f32 v37, v18  }
0x295: {  	v51 =	vadd.f32 v46, v22;
	v54 =	vmul.f32 v47, v32;
	v58 =	vadd.f32 v2, v18;
	[tilespmem:$0x1C650] =	vst v53  }
0x296: {  	v56 =	vmul.f32 v47, v33;
	v5 =	vadd.f32 v52, v5;
	v61 =	vadd.f32 v57, v17;
	[tilespmem:$0x1C450] =	vst v49  }
0x297: {  	v55 =	vadd.f32 v6, v17;
	v59 =	vadd.f32 v54, v9;
	[tilespmem:$0x1C460] =	vst v58  }
0x298: {  	v60 =	vadd.f32 v5, v19;
	v3 =	vadd.f32 v56, v51;
	[tilespmem:$0x1C270] =	vst v61  }
0x299: {  	[tilespmem:$0x1C260] =	vst v55;
	v62 =	vadd.f32 v59, v18  }
0x29a: {  	s19 =	simm.s32 $0xFFFFFFFE;
	s20 =	simm.s32 $0x1C090;
	s21 =	simm.s32 $0x1C290;
	[tilespmem:$0x1C660] =	vst v60;
	v63 =	vadd.f32 v3, v19  }
0x29b: {  	s22 =	simm.s32 $0x1C490;
	s23 =	simm.s32 $0x1C690;
	s24 =	simm.s32 $0x1C890;
	[tilespmem:$0x1C470] =	vst v62  }
0x29c: {  	s25 =	simm.s32 $0x1CA90;
	s26 =	simm.s32 $0x1CC90;
	s28 =	smov.u32 s11;
	v44 =	vimm.s32 $0x0;
	v43 =	vlaneseq.u32;
	[tilespmem:$0x1C670] =	vst v63  }
.LBB2_10:
0x29d: {  	s29 =	sadd.s32 $0xFFFFFFF0, s28  }
0x29e: {  	v0 =	vmov s29  }
0x29f: {  	v0 =	vmul.u32 $0x3, v0  }
0x2a0: {  	v1 =	vmul.u32 $0x3, v43  }
0x2a1: {  	v0 =	vbroadcast v0, $0x0  }
0x2a2: {  	v13 =	vadd.s32 $0x2A, v1  }
0x2a3: {  	v2 =	vadd.s32 v13, v0  }
0x2a4: {  	v3 =	vshrl.u32 v2, $0x13;
	v4 =	vshll.u32 v2, $0xD  }
0x2a5: {  	v3 =	vor.u32 v3, v4  }
0x2a6: {  	v3 =	vxor.u32 v2, v3  }
0x2a7: {  	v32 =	vshrl.u32 v3, $0x11;
	v5 =	vshll.u32 v3, $0xF  }
0x2a8: {  	v2 =	vadd.s32 v2, v3;
	v33 =	vor.u32 v32, v5  }
0x2a9: {  	v3 =	vxor.u32 v33, v2  }
0x2aa: {  	v34 =	vshrl.u32 v3, $0x6;
	v35 =	vshll.u32 v3, $0x1A  }
0x2ab: {  	v2 =	vadd.s32 v2, v3;
	v36 =	vor.u32 v34, v35  }
0x2ac: {  	v3 =	vxor.u32 v36, v2  }
0x2ad: {  	v37 =	vshrl.u32 v3, $0x1A;
	v38 =	vshll.u32 v3, $0x6  }
0x2ae: {  	v2 =	vadd.s32 v2, v3;
	v39 =	vor.u32 v37, v38  }
0x2af: {  	v3 =	vxor.u32 v39, v2  }
0x2b0: {  	v3 =	vadd.s32 $0x1BD11BF1, v3  }
0x2b1: {  	v2 =	vadd.s32 v3, v2;
	v40 =	vshrl.u32 v3, $0xF;
	v3 =	vshll.u32 v3, $0x11  }
0x2b2: {  	v2 =	vadd.s32 $0x2A, v2;
	v3 =	vor.u32 v40, v3  }
0x2b3: {  	v3 =	vxor.u32 v3, v2  }
0x2b4: {  	v41 =	vshrl.u32 v3, $0x3;
	v42 =	vshll.u32 v3, $0x1D  }
0x2b5: {  	v2 =	vadd.s32 v2, v3;
	v45 =	vor.u32 v41, v42  }
0x2b6: {  	v3 =	vxor.u32 v45, v2  }
0x2b7: {  	v46 =	vshrl.u32 v3, $0x10;
	v47 =	vshll.u32 v3, $0x10  }
0x2b8: {  	v2 =	vadd.s32 v2, v3;
	v48 =	vor.u32 v46, v47  }
0x2b9: {  	v3 =	vxor.u32 v48, v2  }
0x2ba: {  	v49 =	vshrl.u32 v3, $0x8;
	v50 =	vshll.u32 v3, $0x18  }
0x2bb: {  	v2 =	vadd.s32 v2, v3;
	v51 =	vor.u32 v49, v50  }
0x2bc: {  	v3 =	vxor.u32 v51, v2  }
0x2bd: {  	v3 =	vadd.s32 $0x2, v3  }
0x2be: {  	v2 =	vadd.s32 v3, v2;
	v52 =	vshrl.u32 v3, $0x13;
	v3 =	vshll.u32 v3, $0xD  }
0x2bf: {  	v53 =	vadd.s32 $0x1BD11BF0, v2;
	v54 =	vor.u32 v52, v3  }
0x2c0: {  	v28 =	vadd.s32 $0x2B, v1;
	v2 =	vxor.u32 v54, v53  }
0x2c1: {  	v29 =	vadd.s32 $0x2C, v1;
	v57 =	vshrl.u32 v2, $0x11;
	v6 =	vshll.u32 v2, $0xF  }
0x2c2: {  	v55 =	vadd.s32 v28, v0;
	v1 =	vadd.s32 v53, v2;
	v58 =	vor.u32 v57, v6  }
0x2c3: {  	v0 =	vadd.s32 v29, v0;
	v56 =	vshrl.u32 v55, $0x13;
	v2 =	vxor.u32 v58, v1  }
0x2c4: {  	v7 =	vshll.u32 v55, $0xD;
	v61 =	vshrl.u32 v2, $0x6;
	v8 =	vshll.u32 v2, $0x1A  }
0x2c5: {  	v59 =	vshrl.u32 v0, $0x13;
	v1 =	vadd.s32 v1, v2;
	v62 =	vor.u32 v61, v8  }
0x2c6: {  	v60 =	vshll.u32 v0, $0xD;
	v4 =	vor.u32 v56, v7;
	v2 =	vxor.u32 v62, v1  }
0x2c7: {  	v4 =	vxor.u32 v55, v4;
	v63 =	vshrl.u32 v2, $0x1A;
	v9 =	vshll.u32 v2, $0x6  }
0x2c8: {  	v5 =	vor.u32 v59, v60;
	v1 =	vadd.s32 v1, v2;
	v10 =	vor.u32 v63, v9  }
0x2c9: {  	v11 =	vshrl.u32 v4, $0x11;
	v5 =	vxor.u32 v0, v5;
	v2 =	vxor.u32 v10, v1  }
0x2ca: {  	v0 =	vadd.s32 v0, v5;
	v12 =	vshrl.u32 v5, $0x11;
	v2 =	vadd.s32 $0x2D, v2  }
0x2cb: {  	v3 =	vadd.s32 v55, v4;
	v14 =	vshrl.u32 v2, $0xF;
	v15 =	vshll.u32 v2, $0x11  }
0x2cc: {  	v4 =	vshll.u32 v4, $0xF;
	v1 =	vadd.s32 v1, v2;
	v16 =	vor.u32 v14, v15  }
0x2cd: {  	v5 =	vshll.u32 v5, $0xF;
	v4 =	vor.u32 v11, v4;
	v2 =	vxor.u32 v16, v1  }
0x2ce: {  	v4 =	vxor.u32 v4, v3;
	v18 =	vshrl.u32 v2, $0x3;
	v19 =	vshll.u32 v2, $0x1D  }
0x2cf: {  	v17 =	vshrl.u32 v4, $0x6;
	v1 =	vadd.s32 v1, v2;
	v20 =	vor.u32 v18, v19  }
0x2d0: {  	v3 =	vadd.s32 v3, v4;
	v9 =	vshll.u32 v4, $0x1A;
	v2 =	vxor.u32 v20, v1  }
0x2d1: {  	v21 =	vor.u32 v17, v9;
	v22 =	vshrl.u32 v2, $0x10;
	v23 =	vshll.u32 v2, $0x10  }
0x2d2: {  	v4 =	vxor.u32 v21, v3;
	v1 =	vadd.s32 v1, v2;
	v24 =	vor.u32 v22, v23  }
0x2d3: {  	v5 =	vor.u32 v12, v5;
	v3 =	vadd.s32 v3, v4;
	v2 =	vxor.u32 v24, v1  }
0x2d4: {  	v25 =	vshrl.u32 v4, $0x1A;
	v26 =	vshrl.u32 v2, $0x8;
	v27 =	vshll.u32 v2, $0x18  }
0x2d5: {  	v4 =	vshll.u32 v4, $0x6;
	v1 =	vadd.s32 v1, v2;
	v30 =	vor.u32 v26, v27  }
0x2d6: {  	v5 =	vxor.u32 v5, v0;
	v4 =	vor.u32 v25, v4;
	v2 =	vxor.u32 v30, v1  }
0x2d7: {  	v0 =	vadd.s32 v0, v5;
	v4 =	vxor.u32 v4, v3;
	v2 =	vadd.s32 $0x1BD11BF4, v2  }
0x2d8: {  	v1 =	vadd.s32 v2, v1;
	v32 =	vshrl.u32 v2, $0x13;
	v2 =	vshll.u32 v2, $0xD  }
0x2d9: {  	v4 =	vadd.s32 $0x1BD11BF1, v4;
	v1 =	vadd.s32 $0x2A, v1;
	v2 =	vor.u32 v32, v2  }
0x2da: {  	v31 =	vshrl.u32 v5, $0x6;
	v3 =	vadd.s32 v4, v3;
	v2 =	vxor.u32 v2, v1  }
0x2db: {  	v33 =	vshrl.u32 v4, $0xF;
	v34 =	vshrl.u32 v2, $0x11;
	v35 =	vshll.u32 v2, $0xF  }
0x2dc: {  	v4 =	vshll.u32 v4, $0x11;
	v1 =	vadd.s32 v1, v2;
	v36 =	vor.u32 v34, v35  }
0x2dd: {  	v3 =	vadd.s32 $0x2A, v3;
	v4 =	vor.u32 v33, v4;
	v2 =	vxor.u32 v36, v1  }
0x2de: {  	v4 =	vxor.u32 v4, v3;
	v38 =	vshrl.u32 v2, $0x6;
	v39 =	vshll.u32 v2, $0x1A  }
0x2df: {  	v3 =	vadd.s32 v3, v4;
	v1 =	vadd.s32 v1, v2;
	v40 =	vor.u32 v38, v39  }
0x2e0: {  	v37 =	vshrl.u32 v4, $0x3;
	v4 =	vshll.u32 v4, $0x1D;
	v2 =	vxor.u32 v40, v1  }
0x2e1: {  	v4 =	vor.u32 v37, v4;
	v42 =	vshrl.u32 v2, $0x1A;
	v45 =	vshll.u32 v2, $0x6  }
0x2e2: {  	v4 =	vxor.u32 v4, v3;
	v1 =	vadd.s32 v1, v2;
	v46 =	vor.u32 v42, v45  }
0x2e3: {  	v5 =	vshll.u32 v5, $0x1A;
	v41 =	vshrl.u32 v4, $0x10;
	v2 =	vxor.u32 v46, v1  }
0x2e4: {  	v10 =	vshll.u32 v4, $0x10;
	v1 =	vadd.s32 $0x1BD11BF0, v1;
	v2 =	vadd.s32 $0x5, v2  }
0x2e5: {  	v3 =	vadd.s32 v3, v4;
	v47 =	vor.u32 v41, v10;
	v1 =	vxor.u32 v1, v2  }
0x2e6: {  	v52 =	vor.u32 v31, v5;
	v4 =	vxor.u32 v47, v3;
	v1 =	vshrl.u32 v1, $0x9  }
0x2e7: {  	v48 =	vshrl.u32 v4, $0x8;
	v49 =	vshll.u32 v4, $0x18;
	v1 =	vor.u32 $0x3F800000, v1  }
0x2e8: {  	v50 =	vadd.s32 v3, v4;
	v51 =	vor.u32 v48, v49;
	v1 =	vadd.f32 $-1.000000000e+00, v1  }
0x2e9: {  	v4 =	vxor.u32 v52, v0;
	v3 =	vxor.u32 v51, v50  }
0x2ea: {  	v0 =	vadd.s32 v0, v4;
	v3 =	vadd.s32 $0x2, v3;
	v1 =	vadd.f32 $1.175494350e-38, v1  }
0x2eb: {  	v53 =	vshrl.u32 v3, $0x13;
	v2 =	vadd.s32 v3, v50;
	v3 =	vshll.u32 v3, $0xD  }
0x2ec: {  	v2 =	vadd.s32 $0x1BD11BF0, v2;
	v3 =	vor.u32 v53, v3;
	v1 =	vmax.f32 v1, $1.175494350e-38  }
0x2ed: {  	v58 =	vshrl.u32 v4, $0x1A;
	v3 =	vxor.u32 v3, v2;
	v57 =	vand.u32 $0x7FFFFF, v1  }
0x2ee: {  	v54 =	vshrl.u32 v3, $0x11;
	v55 =	vshll.u32 v3, $0xF;
	v5 =	vor.u32 $0x3F800000, v57  }
0x2ef: {  	v2 =	vadd.s32 v2, v3;
	v56 =	vor.u32 v54, v55;
	v61 =	vmul.f32 $5.000000000e-01, v5  }
0x2f0: {  	v4 =	vshll.u32 v4, $0x6;
	v3 =	vxor.u32 v56, v2;
	vm0 =	vgt.f32 v5, $1.414213540e+00  }
0x2f1: {  	v59 =	vshrl.u32 v3, $0x6;
	v60 =	vshll.u32 v3, $0x1A;
	v5 =	vsel vm0, v61, v5  }
0x2f2: {  	v2 =	vadd.s32 v2, v3;
	v62 =	vor.u32 v59, v60;
	v5 =	vadd.f32 $-1.000000000e+00, v5  }
0x2f3: {  	v4 =	vor.u32 v58, v4;
	v3 =	vxor.u32 v62, v2  }
0x2f4: {  	v63 =	vshrl.u32 v3, $0x1A;
	v12 =	vshll.u32 v3, $0x6;
	v15 =	vadd.f32 $2.000000000e+00, v5  }
0x2f5: {  	v4 =	vxor.u32 v4, v0;
	v2 =	vadd.s32 v2, v3;
	v14 =	vor.u32 v63, v12  }
0x2f6: {  	v4 =	vadd.s32 $0x1BD11BF1, v4;
	v3 =	vxor.u32 v14, v2;
	(erf) = vrcp.f32 v15  }
0x2f7: {  	v0 =	vadd.s32 v4, v0;
	v3 =	vadd.s32 $0x2D, v3  }
0x2f8: {  	v19 =	vshrl.u32 v4, $0xF;
	v16 =	vshrl.u32 v3, $0xF;
	v17 =	vshll.u32 v3, $0x11  }
0x2f9: {  	v4 =	vshll.u32 v4, $0x11;
	v2 =	vadd.s32 v2, v3;
	v18 =	vor.u32 v16, v17  }
0x2fa: {  	v0 =	vadd.s32 $0x2A, v0;
	v4 =	vor.u32 v19, v4;
	v3 =	vxor.u32 v18, v2  }
0x2fb: {  	v4 =	vxor.u32 v4, v0;
	v20 =	vshrl.u32 v3, $0x3;
	v21 =	vshll.u32 v3, $0x1D  }
0x2fc: {  	v23 =	vshrl.u32 v4, $0x3;
	v2 =	vadd.s32 v2, v3;
	v22 =	vor.u32 v20, v21  }
0x2fd: {  	v26 =	vshll.u32 v4, $0x1D;
	v0 =	vadd.s32 v0, v4;
	v3 =	vxor.u32 v22, v2  }
0x2fe: {  	v30 =	vor.u32 v23, v26;
	v24 =	vshrl.u32 v3, $0x10;
	v25 =	vshll.u32 v3, $0x10  }
0x2ff: {  	v4 =	vxor.u32 v30, v0;
	v2 =	vadd.s32 v2, v3;
	v27 =	vor.u32 v24, v25;
	v33 =	vpop (erf)  }
0x300: {  	v35 =	vshrl.u32 v4, $0x10;
	v3 =	vxor.u32 v27, v2;
	v5 =	vmul.f32 v33, v5  }
0x301: {  	v36 =	vshll.u32 v4, $0x10;
	v31 =	vshrl.u32 v3, $0x8;
	v32 =	vshll.u32 v3, $0x18  }
0x302: {  	v2 =	vadd.s32 v2, v3;
	v34 =	vor.u32 v31, v32;
	v8 =	vmul.f32 v5, v5  }
0x303: {  	v0 =	vadd.s32 v0, v4;
	v37 =	vor.u32 v35, v36;
	v3 =	vxor.u32 v34, v2  }
0x304: {  	v4 =	vxor.u32 v37, v0;
	v3 =	vadd.s32 $0x1BD11BF4, v3;
	v39 =	vmul.f32 $1.111111120e-01, v8  }
0x305: {  	v40 =	vshrl.u32 v4, $0x8;
	v2 =	vadd.s32 v3, v2  }
0x306: {  	v38 =	vshrl.u32 v3, $0x13;
	v3 =	vshll.u32 v3, $0xD;
	v7 =	vadd.f32 $1.428571490e-01, v39  }
0x307: {  	v41 =	vshll.u32 v4, $0x18;
	v2 =	vadd.s32 $0x2A, v2;
	v3 =	vor.u32 v38, v3  }
0x308: {  	v0 =	vadd.s32 v0, v4;
	v3 =	vxor.u32 v3, v2;
	v7 =	vmul.f32 v7, v8  }
0x309: {  	v46 =	vor.u32 v40, v41;
	v42 =	vshrl.u32 v3, $0x11;
	v11 =	vshll.u32 v3, $0xF  }
0x30a: {  	v2 =	vadd.s32 v2, v3;
	v45 =	vor.u32 v42, v11;
	v7 =	vadd.f32 $2.000000030e-01, v7  }
0x30b: {  	v4 =	vxor.u32 v46, v0;
	v1 =	vshra.s32 v1, $0x17;
	v3 =	vxor.u32 v45, v2  }
0x30c: {  	v47 =	vshrl.u32 v3, $0x6;
	v48 =	vshll.u32 v3, $0x1A;
	v50 =	vmul.f32 v7, v8  }
0x30d: {  	v52 =	vsel vm0, $0x1, v44;
	v2 =	vadd.s32 v2, v3;
	v49 =	vor.u32 v47, v48  }
0x30e: {  	v1 =	vadd.s32 v52, v1;
	v3 =	vxor.u32 v49, v2;
	v6 =	vadd.f32 $3.333333430e-01, v50  }
0x30f: {  	v2 =	vadd.s32 v2, v3;
	v51 =	vshrl.u32 v3, $0x1A;
	v3 =	vshll.u32 v3, $0x6  }
0x310: {  	v1 =	vadd.s32 $0xFFFFFF81, v1;
	v3 =	vor.u32 v51, v3;
	v6 =	vmul.f32 v6, v8  }
0x311: {  	v1 =	vcvt.s32.f32 v1;
	v5 =	vadd.f32 v5, v5;
	v3 =	vxor.u32 v3, v2  }
0x312: {  	v2 =	vadd.s32 $0x1BD11BF0, v2;
	v3 =	vadd.s32 $0x5, v3;
	v6 =	vadd.f32 $1.000000000e+00, v6  }
0x313: {  	v4 =	vadd.s32 $0x2, v4;
	v2 =	vxor.u32 v2, v3  }
0x314: {  	v1 =	vmul.f32 $6.931471820e-01, v1;
	v2 =	vshrl.u32 v2, $0x9;
	v54 =	vmul.f32 v6, v5  }
0x315: {  	v0 =	vadd.s32 v4, v0;
	v53 =	vshrl.u32 v4, $0x13;
	v2 =	vor.u32 $0x3F800000, v2  }
0x316: {  	v4 =	vshll.u32 v4, $0xD;
	v2 =	vadd.f32 $-1.000000000e+00, v2;
	v1 =	vadd.f32 v54, v1  }
0x317: {  	v0 =	vadd.s32 $0x1BD11BF0, v0;
	v4 =	vor.u32 v53, v4  }
0x318: {  	v4 =	vxor.u32 v4, v0;
	v57 =	vadd.f32 $1.175494350e-38, v2;
	v10 =	vsub.f32 $0.0e+00, v1  }
0x319: {  	v55 =	vshrl.u32 v4, $0x11;
	v56 =	vshll.u32 v4, $0xF  }
0x31a: {  	v0 =	vadd.s32 v0, v4;
	v1 =	vmax.f32 v57, $1.175494350e-38;
	v59 =	vand.u32 $0x7FFFFF, v10  }
0x31b: {  	v58 =	vor.u32 v55, v56;
	v60 =	vand.u32 $0x7FFFFF, v1;
	v3 =	vor.u32 $0x3F800000, v59  }
0x31c: {  	v2 =	vxor.u32 v58, v0;
	v4 =	vor.u32 $0x3F800000, v60;
	v62 =	vmul.f32 $5.000000000e-01, v3  }
0x31d: {  	v0 =	vadd.s32 v0, v2;
	v63 =	vmul.f32 $5.000000000e-01, v4;
	vm9 =	vgt.f32 v3, $1.414213540e+00  }
0x31e: {  	v61 =	vshrl.u32 v2, $0x6;
	vm1 =	vgt.f32 v4, $1.414213540e+00;
	v3 =	vsel vm9, v62, v3  }
0x31f: {  	v2 =	vshll.u32 v2, $0x1A;
	v9 =	vsel vm1, v63, v4;
	v15 =	vadd.f32 $-1.000000000e+00, v3  }
0x320: {  	v2 =	vor.u32 v61, v2;
	v3 =	vadd.f32 $-1.000000000e+00, v9  }
0x321: {  	v2 =	vxor.u32 v2, v0;
	v16 =	vadd.f32 $2.000000000e+00, v15  }
0x322: {  	v11 =	vshrl.u32 v2, $0x1A;
	v12 =	vshll.u32 v2, $0x6;
	v17 =	vadd.f32 $2.000000000e+00, v3  }
0x323: {  	v0 =	vadd.s32 v0, v2;
	v14 =	vor.u32 v11, v12;
	(erf) = vrcp.f32 v16  }
0x324: {  	v2 =	vxor.u32 v14, v0;
	(erf) = vrcp.f32 v17  }
0x325: {  	v2 =	vadd.s32 $0x2D, v2  }
0x326: {  	v18 =	vshrl.u32 v2, $0xF;
	v19 =	vshll.u32 v2, $0x11  }
0x327: {  	v0 =	vadd.s32 v0, v2;
	v20 =	vor.u32 v18, v19  }
0x328: {  	v2 =	vxor.u32 v20, v0  }
0x329: {  	v21 =	vshrl.u32 v2, $0x3;
	v22 =	vshll.u32 v2, $0x1D  }
0x32a: {  	v0 =	vadd.s32 v0, v2;
	v23 =	vor.u32 v21, v22  }
0x32b: {  	v2 =	vxor.u32 v23, v0  }
0x32c: {  	v24 =	vshrl.u32 v2, $0x10;
	v25 =	vshll.u32 v2, $0x10;
	v20 =	vpop (erf)  }
0x32d: {  	v0 =	vadd.s32 v0, v2;
	v26 =	vor.u32 v24, v25;
	v31 =	vpop (erf)  }
0x32e: {  	v2 =	vxor.u32 v26, v0;
	v3 =	vmul.f32 v31, v3  }
0x32f: {  	v27 =	vshrl.u32 v2, $0x8;
	v30 =	vshll.u32 v2, $0x18  }
0x330: {  	v0 =	vadd.s32 v0, v2;
	v32 =	vor.u32 v27, v30;
	v33 =	vmul.f32 v3, v3  }
0x331: {  	v2 =	vxor.u32 v32, v0  }
0x332: {  	v2 =	vadd.s32 $0x1BD11BF4, v2;
	v35 =	vmul.f32 $1.111111120e-01, v33  }
0x333: {  	v0 =	vadd.s32 v2, v0  }
0x334: {  	v34 =	vshrl.u32 v2, $0x13;
	v2 =	vshll.u32 v2, $0xD;
	v36 =	vadd.f32 $1.428571490e-01, v35  }
0x335: {  	v0 =	vadd.s32 $0x2A, v0;
	v2 =	vor.u32 v34, v2  }
0x336: {  	v2 =	vxor.u32 v2, v0;
	v5 =	vmul.f32 v36, v33  }
0x337: {  	v37 =	vshrl.u32 v2, $0x11;
	v38 =	vshll.u32 v2, $0xF  }
0x338: {  	v0 =	vadd.s32 v0, v2;
	v39 =	vor.u32 v37, v38;
	v5 =	vadd.f32 $2.000000030e-01, v5  }
0x339: {  	v1 =	vshra.s32 v1, $0x17;
	v2 =	vxor.u32 v39, v0  }
0x33a: {  	v40 =	vshrl.u32 v2, $0x6;
	v41 =	vshll.u32 v2, $0x1A;
	v5 =	vmul.f32 v5, v33  }
0x33b: {  	v46 =	vsel vm1, $0x1, v44;
	v0 =	vadd.s32 v0, v2;
	v42 =	vor.u32 v40, v41  }
0x33c: {  	v1 =	vadd.s32 v46, v1;
	v2 =	vxor.u32 v42, v0;
	v5 =	vadd.f32 $3.333333430e-01, v5  }
0x33d: {  	v0 =	vadd.s32 v0, v2;
	v45 =	vshrl.u32 v2, $0x1A;
	v2 =	vshll.u32 v2, $0x6  }
0x33e: {  	v1 =	vadd.s32 $0xFFFFFF81, v1;
	v2 =	vor.u32 v45, v2;
	v4 =	vmul.f32 v5, v33  }
0x33f: {  	v1 =	vcvt.s32.f32 v1;
	v3 =	vadd.f32 v3, v3;
	v2 =	vxor.u32 v2, v0  }
0x340: {  	v0 =	vadd.s32 $0x1BD11BF0, v0;
	v2 =	vadd.s32 $0x5, v2;
	v4 =	vadd.f32 $1.000000000e+00, v4  }
0x341: {  	v0 =	vxor.u32 v0, v2  }
0x342: {  	v1 =	vmul.f32 $6.931471820e-01, v1;
	v0 =	vshrl.u32 v0, $0x9;
	v47 =	vmul.f32 v4, v3  }
0x343: {  	v0 =	vor.u32 $0x3F800000, v0  }
0x344: {  	v0 =	vadd.f32 $-1.000000000e+00, v0;
	v1 =	vadd.f32 v47, v1;
	_ =	sdelay $0x1  }
0x345: {  	v0 =	vadd.f32 $1.175494350e-38, v0;
	v21 =	vsub.f32 $0.0e+00, v1;
	_ =	sdelay $0x1  }
0x346: {  	v0 =	vmax.f32 v0, $1.175494350e-38;
	v1 =	vand.u32 $0x7FFFFF, v21  }
0x347: {  	v48 =	vand.u32 $0x7FFFFF, v0;
	v1 =	vor.u32 $0x3F800000, v1  }
0x348: {  	v2 =	vor.u32 $0x3F800000, v48;
	v49 =	vmul.f32 $5.000000000e-01, v1  }
0x349: {  	v50 =	vmul.f32 $5.000000000e-01, v2;
	vm10 =	vgt.f32 v1, $1.414213540e+00  }
0x34a: {  	vm2 =	vgt.f32 v2, $1.414213540e+00;
	v1 =	vsel vm10, v49, v1  }
0x34b: {  	v51 =	vsel vm2, v50, v2;
	v23 =	vadd.f32 $-1.000000000e+00, v1  }
0x34c: {  	v1 =	vadd.f32 $-1.000000000e+00, v51  }
0x34d: {  	v52 =	vadd.f32 $2.000000000e+00, v23  }
0x34e: {  	v53 =	vadd.f32 $2.000000000e+00, v1  }
0x34f: {  	(erf) = vrcp.f32 v52  }
0x350: {  	(erf) = vrcp.f32 v53;
	_ =	sdelay $0x7  }
0x351: {  	v24 =	vpop (erf)  }
0x352: {  	v54 =	vpop (erf)  }
0x353: {  	v1 =	vmul.f32 v54, v1;
	_ =	sdelay $0x1  }
0x354: {  	v2 =	vmul.f32 v1, v1;
	_ =	sdelay $0x1  }
0x355: {  	v55 =	vmul.f32 $1.111111120e-01, v2;
	_ =	sdelay $0x1  }
0x356: {  	v3 =	vadd.f32 $1.428571490e-01, v55;
	_ =	sdelay $0x1  }
0x357: {  	v3 =	vmul.f32 v3, v2;
	_ =	sdelay $0x1  }
0x358: {  	v3 =	vadd.f32 $2.000000030e-01, v3;
	_ =	sdelay $0x1  }
0x359: {  	v3 =	vmul.f32 v3, v2;
	_ =	sdelay $0x1  }
0x35a: {  	v3 =	vadd.f32 $3.333333430e-01, v3  }
0x35b: {  	v0 =	vshra.s32 v0, $0x17;
	v56 =	vsel vm2, $0x1, v44  }
0x35c: {  	v0 =	vadd.s32 v56, v0;
	v2 =	vmul.f32 v3, v2  }
0x35d: {  	v0 =	vadd.s32 $0xFFFFFF81, v0  }
0x35e: {  	v0 =	vcvt.s32.f32 v0;
	v1 =	vadd.f32 v1, v1;
	v2 =	vadd.f32 $1.000000000e+00, v2;
	_ =	sdelay $0x1  }
0x35f: {  	v0 =	vmul.f32 $6.931471820e-01, v0;
	v1 =	vmul.f32 v2, v1;
	_ =	sdelay $0x1  }
0x360: {  	v0 =	vadd.f32 v1, v0;
	_ =	sdelay $0x1  }
0x361: {  	v19 =	vld [tilespmem:s21+$0xFFFFFFF0];
	v22 =	vsub.f32 $0.0e+00, v0  }
0x362: {  	v17 =	vld [tilespmem:s20+$0xFFFFFFF0]  }
0x363: {  	v18 =	vld [tilespmem:s22+$0xFFFFFFF0];
	v0 =	vand.u32 $0x7FFFFF, v22  }
0x364: {  	v0 =	vor.u32 $0x3F800000, v0  }
0x365: {  	v57 =	vmul.f32 $5.000000000e-01, v0  }
0x366: {  	vm3 =	vgt.f32 v0, $1.414213540e+00  }
0x367: {  	v58 =	vmax.f32 v17, v19;
	v0 =	vsel vm3, v57, v0  }
0x368: {  	v59 =	vmax.f32 v58, v18;
	v25 =	vadd.f32 $-1.000000000e+00, v0  }
0x369: {  	v11 =	vsub.f32 v17, v59  }
0x36a: {  	v61 =	vsub.f32 v19, v59;
	v60 =	vadd.f32 $2.000000000e+00, v25  }
0x36b: {  	v62 =	vmul.f32 $1.442695020e+00, v11  }
0x36c: {  	v12 =	vsub.f32 v18, v59;
	v63 =	vmul.f32 $1.442695020e+00, v61;
	(erf) = vrcp.f32 v60  }
0x36d: {  	(erf) = vpow2.f32 v62  }
0x36e: {  	v0 =	vmul.f32 $1.442695020e+00, v12;
	(erf) = vpow2.f32 v63;
	_ =	sdelay $0x1  }
0x36f: {  	(erf) = vpow2.f32 v0;
	_ =	sdelay $0x4  }
0x370: {  	v26 =	vpop (erf)  }
0x371: {  	v4 =	vpop (erf)  }
0x372: {  	v1 =	vpop (erf)  }
0x373: {  	v0 =	vadd.f32 v1, v4  }
0x374: {  	v5 =	vpop (erf)  }
0x375: {  	v0 =	vadd.f32 v0, v5;
	_ =	sdelay $0x1  }
0x376: {  	v1 =	vand.u32 $0x7FFFFF, v0  }
0x377: {  	v1 =	vor.u32 $0x3F800000, v1  }
0x378: {  	v6 =	vmul.f32 $5.000000000e-01, v1  }
0x379: {  	vm11 =	vgt.f32 v1, $1.414213540e+00  }
0x37a: {  	v1 =	vsel vm11, v6, v1  }
0x37b: {  	v1 =	vadd.f32 $-1.000000000e+00, v1;
	_ =	sdelay $0x1  }
0x37c: {  	v7 =	vadd.f32 $2.000000000e+00, v1;
	_ =	sdelay $0x1  }
0x37d: {  	(erf) = vrcp.f32 v7;
	_ =	sdelay $0x8  }
0x37e: {  	v3 =	vpop (erf)  }
0x37f: {  	v1 =	vmul.f32 v3, v1;
	_ =	sdelay $0x1  }
0x380: {  	v3 =	vmul.f32 v1, v1;
	_ =	sdelay $0x1  }
0x381: {  	v8 =	vmul.f32 $1.111111120e-01, v3;
	_ =	sdelay $0x1  }
0x382: {  	v4 =	vadd.f32 $1.428571490e-01, v8;
	_ =	sdelay $0x1  }
0x383: {  	v4 =	vmul.f32 v4, v3  }
0x384: {  	v9 =	vmov s28  }
0x385: {  	v5 =	vmul.u32 $0x3, v9;
	v4 =	vadd.f32 $2.000000030e-01, v4;
	_ =	sdelay $0x1  }
0x386: {  	v5 =	vbroadcast v5, $0x0;
	v4 =	vmul.f32 v4, v3;
	_ =	sdelay $0x1  }
0x387: {  	v16 =	vadd.s32 v13, v5;
	v4 =	vadd.f32 $3.333333430e-01, v4  }
0x388: {  	v0 =	vshra.s32 v0, $0x17;
	v14 =	vsel vm11, $0x1, v44;
	v27 =	vshrl.u32 v16, $0x13  }
0x389: {  	v30 =	vshll.u32 v16, $0xD;
	v0 =	vadd.s32 v14, v0;
	v3 =	vmul.f32 v4, v3  }
0x38a: {  	v6 =	vor.u32 v27, v30;
	v0 =	vadd.s32 $0xFFFFFF81, v0  }
0x38b: {  	v6 =	vxor.u32 v16, v6;
	v1 =	vadd.f32 v1, v1;
	v3 =	vadd.f32 $1.000000000e+00, v3  }
0x38c: {  	v0 =	vcvt.s32.f32 v0;
	v31 =	vshrl.u32 v6, $0x11;
	v32 =	vshll.u32 v6, $0xF  }
0x38d: {  	v4 =	vadd.s32 v16, v6;
	v1 =	vmul.f32 v3, v1;
	v3 =	vor.u32 v31, v32  }
0x38e: {  	v0 =	vmul.f32 $6.931471820e-01, v0;
	v33 =	vxor.u32 v3, v4  }
0x38f: {  	v34 =	vshrl.u32 v33, $0x6;
	v3 =	vshll.u32 v33, $0x1A  }
0x390: {  	v14 =	vadd.f32 v1, v0;
	v0 =	vadd.s32 v4, v33;
	v1 =	vor.u32 v34, v3  }
0x391: {  	v1 =	vxor.u32 v1, v0  }
0x392: {  	v35 =	vshrl.u32 v1, $0x1A;
	v36 =	vshll.u32 v1, $0x6  }
0x393: {  	v0 =	vadd.s32 v0, v1;
	v37 =	vor.u32 v35, v36  }
0x394: {  	v1 =	vxor.u32 v37, v0  }
0x395: {  	v1 =	vadd.s32 $0x1BD11BF1, v1  }
0x396: {  	v0 =	vadd.s32 v1, v0;
	v38 =	vshrl.u32 v1, $0xF;
	v1 =	vshll.u32 v1, $0x11  }
0x397: {  	v0 =	vadd.s32 $0x2A, v0;
	v1 =	vor.u32 v38, v1  }
0x398: {  	v1 =	vxor.u32 v1, v0  }
0x399: {  	v39 =	vshrl.u32 v1, $0x3;
	v40 =	vshll.u32 v1, $0x1D  }
0x39a: {  	v0 =	vadd.s32 v0, v1;
	v41 =	vor.u32 v39, v40  }
0x39b: {  	v1 =	vxor.u32 v41, v0  }
0x39c: {  	v13 =	vsub.f32 v61, v14;
	v42 =	vshrl.u32 v1, $0x10;
	v45 =	vshll.u32 v1, $0x10  }
0x39d: {  	v0 =	vadd.s32 v0, v1;
	v46 =	vor.u32 v42, v45  }
0x39e: {  	v2 =	vmul.f32 $1.442695020e+00, v13;
	v1 =	vxor.u32 v46, v0  }
0x39f: {  	v48 =	vshrl.u32 v1, $0x8;
	v49 =	vshll.u32 v1, $0x18  }
0x3a0: {  	(erf) = vpow2.f32 v2;
	v0 =	vadd.s32 v0, v1;
	v51 =	vor.u32 v48, v49  }
0x3a1: {  	v1 =	vxor.u32 v51, v0  }
0x3a2: {  	v53 =	vadd.s32 v28, v5;
	v54 =	vadd.s32 v29, v5;
	v1 =	vadd.s32 $0x2, v1  }
0x3a3: {  	v0 =	vadd.s32 v1, v0;
	v52 =	vshrl.u32 v1, $0x13;
	v1 =	vshll.u32 v1, $0xD  }
0x3a4: {  	v55 =	vshrl.u32 v53, $0x13;
	v0 =	vadd.s32 $0x1BD11BF0, v0;
	v1 =	vor.u32 v52, v1  }
0x3a5: {  	v58 =	vshll.u32 v53, $0xD;
	v60 =	vshrl.u32 v54, $0x13;
	v1 =	vxor.u32 v1, v0  }
0x3a6: {  	v4 =	vor.u32 v55, v58;
	v56 =	vshrl.u32 v1, $0x11;
	v57 =	vshll.u32 v1, $0xF  }
0x3a7: {  	v4 =	vxor.u32 v53, v4;
	v0 =	vadd.s32 v0, v1;
	v59 =	vor.u32 v56, v57  }
0x3a8: {  	v61 =	vshll.u32 v54, $0xD;
	v30 =	vshrl.u32 v4, $0x11;
	v1 =	vxor.u32 v59, v0  }
0x3a9: {  	v5 =	vor.u32 v60, v61;
	v16 =	vpop (erf);
	v62 =	vshrl.u32 v1, $0x6;
	v63 =	vshll.u32 v1, $0x1A  }
0x3aa: {  	v47 =	vand.u32 $0x7FFFFF, v16;
	v0 =	vadd.s32 v0, v1;
	v8 =	vor.u32 v62, v63  }
0x3ab: {  	v5 =	vxor.u32 v54, v5;
	v2 =	vor.u32 $0x3F800000, v47;
	v1 =	vxor.u32 v8, v0  }
0x3ac: {  	v50 =	vmul.f32 $5.000000000e-01, v2;
	v9 =	vshrl.u32 v1, $0x1A;
	v28 =	vshll.u32 v1, $0x6  }
0x3ad: {  	vm12 =	vgt.f32 v2, $1.414213540e+00;
	v0 =	vadd.s32 v0, v1;
	v29 =	vor.u32 v9, v28  }
0x3ae: {  	v3 =	vadd.s32 v54, v5;
	v2 =	vsel vm12, v50, v2;
	v1 =	vxor.u32 v29, v0  }
0x3af: {  	v31 =	vshrl.u32 v5, $0x11;
	v27 =	vadd.f32 $-1.000000000e+00, v2;
	v1 =	vadd.s32 $0x2D, v1  }
0x3b0: {  	v2 =	vadd.s32 v53, v4;
	v32 =	vshrl.u32 v1, $0xF;
	v33 =	vshll.u32 v1, $0x11  }
0x3b1: {  	v4 =	vshll.u32 v4, $0xF;
	v0 =	vadd.s32 v0, v1;
	v34 =	vor.u32 v32, v33  }
0x3b2: {  	v5 =	vshll.u32 v5, $0xF;
	v4 =	vor.u32 v30, v4;
	v1 =	vxor.u32 v34, v0  }
0x3b3: {  	v4 =	vxor.u32 v4, v2;
	v36 =	vshrl.u32 v1, $0x3;
	v37 =	vshll.u32 v1, $0x1D  }
0x3b4: {  	v35 =	vshrl.u32 v4, $0x6;
	v0 =	vadd.s32 v0, v1;
	v39 =	vor.u32 v36, v37  }
0x3b5: {  	v38 =	vshll.u32 v4, $0x1A;
	v2 =	vadd.s32 v2, v4;
	v1 =	vxor.u32 v39, v0  }
0x3b6: {  	v40 =	vor.u32 v35, v38;
	v41 =	vshrl.u32 v1, $0x10;
	v42 =	vshll.u32 v1, $0x10  }
0x3b7: {  	v4 =	vxor.u32 v40, v2;
	v0 =	vadd.s32 v0, v1;
	v45 =	vor.u32 v41, v42  }
0x3b8: {  	v5 =	vor.u32 v31, v5;
	v2 =	vadd.s32 v2, v4;
	v1 =	vxor.u32 v45, v0  }
0x3b9: {  	v46 =	vshrl.u32 v4, $0x1A;
	v47 =	vshrl.u32 v1, $0x8;
	v48 =	vshll.u32 v1, $0x18  }
0x3ba: {  	v4 =	vshll.u32 v4, $0x6;
	v0 =	vadd.s32 v0, v1;
	v49 =	vor.u32 v47, v48  }
0x3bb: {  	v5 =	vxor.u32 v5, v3;
	v4 =	vor.u32 v46, v4;
	v1 =	vxor.u32 v49, v0  }
0x3bc: {  	v3 =	vadd.s32 v3, v5;
	v4 =	vxor.u32 v4, v2;
	v1 =	vadd.s32 $0x1BD11BF4, v1  }
0x3bd: {  	v0 =	vadd.s32 v1, v0;
	v51 =	vshrl.u32 v1, $0x13;
	v1 =	vshll.u32 v1, $0xD  }
0x3be: {  	v4 =	vadd.s32 $0x1BD11BF1, v4;
	v0 =	vadd.s32 $0x2A, v0;
	v1 =	vor.u32 v51, v1  }
0x3bf: {  	v50 =	vshrl.u32 v5, $0x6;
	v2 =	vadd.s32 v4, v2;
	v1 =	vxor.u32 v1, v0  }
0x3c0: {  	v52 =	vshrl.u32 v4, $0xF;
	v53 =	vshrl.u32 v1, $0x11;
	v54 =	vshll.u32 v1, $0xF  }
0x3c1: {  	v4 =	vshll.u32 v4, $0x11;
	v0 =	vadd.s32 v0, v1;
	v55 =	vor.u32 v53, v54  }
0x3c2: {  	v2 =	vadd.s32 $0x2A, v2;
	v4 =	vor.u32 v52, v4;
	v1 =	vxor.u32 v55, v0  }
0x3c3: {  	v4 =	vxor.u32 v4, v2;
	v57 =	vshrl.u32 v1, $0x6;
	v58 =	vshll.u32 v1, $0x1A  }
0x3c4: {  	v2 =	vadd.s32 v2, v4;
	v0 =	vadd.s32 v0, v1;
	v59 =	vor.u32 v57, v58  }
0x3c5: {  	v56 =	vshrl.u32 v4, $0x3;
	v4 =	vshll.u32 v4, $0x1D;
	v1 =	vxor.u32 v59, v0  }
0x3c6: {  	v4 =	vor.u32 v56, v4;
	v61 =	vshrl.u32 v1, $0x1A;
	v62 =	vshll.u32 v1, $0x6  }
0x3c7: {  	v4 =	vxor.u32 v4, v2;
	v0 =	vadd.s32 v0, v1;
	v29 =	vor.u32 v61, v62  }
0x3c8: {  	v5 =	vshll.u32 v5, $0x1A;
	v60 =	vshrl.u32 v4, $0x10;
	v1 =	vxor.u32 v29, v0  }
0x3c9: {  	v63 =	vshll.u32 v4, $0x10;
	v0 =	vadd.s32 $0x1BD11BF0, v0;
	v1 =	vadd.s32 $0x5, v1  }
0x3ca: {  	v2 =	vadd.s32 v2, v4;
	v30 =	vor.u32 v60, v63;
	v0 =	vxor.u32 v0, v1  }
0x3cb: {  	v35 =	vor.u32 v50, v5;
	v4 =	vxor.u32 v30, v2;
	v0 =	vshrl.u32 v0, $0x9  }
0x3cc: {  	v31 =	vshrl.u32 v4, $0x8;
	v32 =	vshll.u32 v4, $0x18;
	v0 =	vor.u32 $0x3F800000, v0  }
0x3cd: {  	v33 =	vadd.s32 v2, v4;
	v34 =	vor.u32 v31, v32;
	v0 =	vadd.f32 $-1.000000000e+00, v0  }
0x3ce: {  	v37 =	vadd.f32 $2.000000000e+00, v27;
	v4 =	vxor.u32 v35, v3;
	v2 =	vxor.u32 v34, v33  }
0x3cf: {  	v3 =	vadd.s32 v3, v4;
	v2 =	vadd.s32 $0x2, v2;
	v0 =	vadd.f32 $1.175494350e-38, v0  }
0x3d0: {  	v36 =	vshrl.u32 v2, $0x13;
	v1 =	vadd.s32 v2, v33;
	v2 =	vshll.u32 v2, $0xD  }
0x3d1: {  	v1 =	vadd.s32 $0x1BD11BF0, v1;
	v2 =	vor.u32 v36, v2;
	v0 =	vmax.f32 v0, $1.175494350e-38  }
0x3d2: {  	v42 =	vshrl.u32 v4, $0x1A;
	v2 =	vxor.u32 v2, v1;
	v41 =	vand.u32 $0x7FFFFF, v0  }
0x3d3: {  	v38 =	vshrl.u32 v2, $0x11;
	v39 =	vshll.u32 v2, $0xF;
	v6 =	vor.u32 $0x3F800000, v41  }
0x3d4: {  	v1 =	vadd.s32 v1, v2;
	v40 =	vor.u32 v38, v39;
	v47 =	vmul.f32 $5.000000000e-01, v6  }
0x3d5: {  	v4 =	vshll.u32 v4, $0x6;
	v2 =	vxor.u32 v40, v1;
	vm4 =	vgt.f32 v6, $1.414213540e+00  }
0x3d6: {  	v45 =	vshrl.u32 v2, $0x6;
	v46 =	vshll.u32 v2, $0x1A;
	v6 =	vsel vm4, v47, v6  }
0x3d7: {  	v1 =	vadd.s32 v1, v2;
	v48 =	vor.u32 v45, v46;
	v6 =	vadd.f32 $-1.000000000e+00, v6  }
0x3d8: {  	(erf) = vrcp.f32 v37;
	v4 =	vor.u32 v42, v4;
	v2 =	vxor.u32 v48, v1  }
0x3d9: {  	v49 =	vshrl.u32 v2, $0x1A;
	v50 =	vshll.u32 v2, $0x6;
	v52 =	vadd.f32 $2.000000000e+00, v6  }
0x3da: {  	v4 =	vxor.u32 v4, v3;
	v1 =	vadd.s32 v1, v2;
	v51 =	vor.u32 v49, v50  }
0x3db: {  	v4 =	vadd.s32 $0x1BD11BF1, v4;
	v2 =	vxor.u32 v51, v1;
	(erf) = vrcp.f32 v52  }
0x3dc: {  	v3 =	vadd.s32 v4, v3;
	v2 =	vadd.s32 $0x2D, v2  }
0x3dd: {  	v56 =	vshrl.u32 v4, $0xF;
	v53 =	vshrl.u32 v2, $0xF;
	v54 =	vshll.u32 v2, $0x11  }
0x3de: {  	v4 =	vshll.u32 v4, $0x11;
	v1 =	vadd.s32 v1, v2;
	v55 =	vor.u32 v53, v54  }
0x3df: {  	v3 =	vadd.s32 $0x2A, v3;
	v4 =	vor.u32 v56, v4;
	v2 =	vxor.u32 v55, v1  }
0x3e0: {  	v4 =	vxor.u32 v4, v3;
	v57 =	vshrl.u32 v2, $0x3;
	v58 =	vshll.u32 v2, $0x1D  }
0x3e1: {  	v60 =	vshrl.u32 v4, $0x3;
	v1 =	vadd.s32 v1, v2;
	v59 =	vor.u32 v57, v58  }
0x3e2: {  	v63 =	vshll.u32 v4, $0x1D;
	v3 =	vadd.s32 v3, v4;
	v2 =	vxor.u32 v59, v1  }
0x3e3: {  	v28 =	vpop (erf);
	v30 =	vor.u32 v60, v63;
	v61 =	vshrl.u32 v2, $0x10;
	v62 =	vshll.u32 v2, $0x10  }
0x3e4: {  	v4 =	vxor.u32 v30, v3;
	v1 =	vadd.s32 v1, v2;
	v8 =	vor.u32 v61, v62;
	v33 =	vpop (erf)  }
0x3e5: {  	v37 =	vshll.u32 v4, $0x10;
	v2 =	vxor.u32 v8, v1;
	v35 =	vmul.f32 v33, v6  }
0x3e6: {  	v36 =	vshrl.u32 v4, $0x10;
	v31 =	vshrl.u32 v2, $0x8;
	v32 =	vshll.u32 v2, $0x18  }
0x3e7: {  	v1 =	vadd.s32 v1, v2;
	v34 =	vor.u32 v31, v32;
	v8 =	vmul.f32 v35, v35  }
0x3e8: {  	v3 =	vadd.s32 v3, v4;
	v38 =	vor.u32 v36, v37;
	v2 =	vxor.u32 v34, v1  }
0x3e9: {  	v4 =	vxor.u32 v38, v3;
	v2 =	vadd.s32 $0x1BD11BF4, v2;
	v40 =	vmul.f32 $1.111111120e-01, v8  }
0x3ea: {  	v42 =	vshll.u32 v4, $0x18;
	v1 =	vadd.s32 v2, v1  }
0x3eb: {  	v39 =	vshrl.u32 v2, $0x13;
	v2 =	vshll.u32 v2, $0xD;
	v7 =	vadd.f32 $1.428571490e-01, v40  }
0x3ec: {  	v3 =	vadd.s32 v3, v4;
	v1 =	vadd.s32 $0x2A, v1;
	v2 =	vor.u32 v39, v2  }
0x3ed: {  	v41 =	vshrl.u32 v4, $0x8;
	v2 =	vxor.u32 v2, v1;
	v7 =	vmul.f32 v7, v8  }
0x3ee: {  	v47 =	vor.u32 v41, v42;
	v45 =	vshrl.u32 v2, $0x11;
	v30 =	vshll.u32 v2, $0xF  }
0x3ef: {  	v1 =	vadd.s32 v1, v2;
	v46 =	vor.u32 v45, v30;
	v7 =	vadd.f32 $2.000000030e-01, v7  }
0x3f0: {  	v0 =	vshra.s32 v0, $0x17;
	v4 =	vxor.u32 v47, v3;
	v2 =	vxor.u32 v46, v1  }
0x3f1: {  	v48 =	vshrl.u32 v2, $0x6;
	v49 =	vshll.u32 v2, $0x1A;
	v51 =	vmul.f32 v7, v8  }
0x3f2: {  	v53 =	vsel vm4, $0x1, v44;
	v1 =	vadd.s32 v1, v2;
	v50 =	vor.u32 v48, v49  }
0x3f3: {  	v0 =	vadd.s32 v53, v0;
	v2 =	vxor.u32 v50, v1;
	v6 =	vadd.f32 $3.333333430e-01, v51  }
0x3f4: {  	v1 =	vadd.s32 v1, v2;
	v52 =	vshrl.u32 v2, $0x1A;
	v2 =	vshll.u32 v2, $0x6  }
0x3f5: {  	v0 =	vadd.s32 $0xFFFFFF81, v0;
	v2 =	vor.u32 v52, v2;
	v6 =	vmul.f32 v6, v8  }
0x3f6: {  	v0 =	vcvt.s32.f32 v0;
	v5 =	vadd.f32 v35, v35;
	v2 =	vxor.u32 v2, v1  }
0x3f7: {  	v1 =	vadd.s32 $0x1BD11BF0, v1;
	v2 =	vadd.s32 $0x5, v2;
	v6 =	vadd.f32 $1.000000000e+00, v6  }
0x3f8: {  	v4 =	vadd.s32 $0x2, v4;
	v1 =	vxor.u32 v1, v2  }
0x3f9: {  	v0 =	vmul.f32 $6.931471820e-01, v0;
	v1 =	vshrl.u32 v1, $0x9;
	v55 =	vmul.f32 v6, v5  }
0x3fa: {  	v3 =	vadd.s32 v4, v3;
	v54 =	vshrl.u32 v4, $0x13;
	v1 =	vor.u32 $0x3F800000, v1  }
0x3fb: {  	v4 =	vshll.u32 v4, $0xD;
	v1 =	vadd.f32 $-1.000000000e+00, v1;
	v0 =	vadd.f32 v55, v0  }
0x3fc: {  	v3 =	vadd.s32 $0x1BD11BF0, v3;
	v4 =	vor.u32 v54, v4  }
0x3fd: {  	v4 =	vxor.u32 v4, v3;
	v58 =	vadd.f32 $1.175494350e-38, v1;
	v29 =	vsub.f32 $0.0e+00, v0  }
0x3fe: {  	v56 =	vshrl.u32 v4, $0x11;
	v57 =	vshll.u32 v4, $0xF  }
0x3ff: {  	v59 =	vadd.s32 v3, v4;
	v0 =	vmax.f32 v58, $1.175494350e-38;
	v60 =	vand.u32 $0x7FFFFF, v29  }
0x400: {  	v2 =	vor.u32 v56, v57;
	v61 =	vand.u32 $0x7FFFFF, v0;
	v3 =	vor.u32 $0x3F800000, v60  }
0x401: {  	v2 =	vxor.u32 v2, v59;
	v4 =	vor.u32 $0x3F800000, v61;
	v63 =	vmul.f32 $5.000000000e-01, v3  }
0x402: {  	v62 =	vshrl.u32 v2, $0x6;
	v9 =	vmul.f32 $5.000000000e-01, v4;
	vm13 =	vgt.f32 v3, $1.414213540e+00  }
0x403: {  	v1 =	vadd.s32 v59, v2;
	vm5 =	vgt.f32 v4, $1.414213540e+00;
	v3 =	vsel vm13, v63, v3  }
0x404: {  	v2 =	vshll.u32 v2, $0x1A;
	v30 =	vsel vm5, v9, v4;
	v32 =	vadd.f32 $-1.000000000e+00, v3  }
0x405: {  	v2 =	vor.u32 v62, v2;
	v3 =	vadd.f32 $-1.000000000e+00, v30  }
0x406: {  	v2 =	vxor.u32 v2, v1;
	v35 =	vadd.f32 $2.000000000e+00, v32  }
0x407: {  	v31 =	vshrl.u32 v2, $0x1A;
	v33 =	vshll.u32 v2, $0x6;
	v36 =	vadd.f32 $2.000000000e+00, v3  }
0x408: {  	v1 =	vadd.s32 v1, v2;
	v34 =	vor.u32 v31, v33;
	(erf) = vrcp.f32 v35  }
0x409: {  	v2 =	vxor.u32 v34, v1;
	(erf) = vrcp.f32 v36  }
0x40a: {  	v2 =	vadd.s32 $0x2D, v2  }
0x40b: {  	v37 =	vshrl.u32 v2, $0xF;
	v38 =	vshll.u32 v2, $0x11  }
0x40c: {  	v1 =	vadd.s32 v1, v2;
	v39 =	vor.u32 v37, v38  }
0x40d: {  	v2 =	vxor.u32 v39, v1  }
0x40e: {  	v40 =	vshrl.u32 v2, $0x3;
	v41 =	vshll.u32 v2, $0x1D  }
0x40f: {  	v1 =	vadd.s32 v1, v2;
	v42 =	vor.u32 v40, v41  }
0x410: {  	v2 =	vxor.u32 v42, v1  }
0x411: {  	v45 =	vshrl.u32 v2, $0x10;
	v46 =	vshll.u32 v2, $0x10;
	v37 =	vpop (erf)  }
0x412: {  	v1 =	vadd.s32 v1, v2;
	v47 =	vor.u32 v45, v46;
	v50 =	vpop (erf)  }
0x413: {  	v2 =	vxor.u32 v47, v1;
	v3 =	vmul.f32 v50, v3  }
0x414: {  	v48 =	vshrl.u32 v2, $0x8;
	v49 =	vshll.u32 v2, $0x18  }
0x415: {  	v1 =	vadd.s32 v1, v2;
	v51 =	vor.u32 v48, v49;
	v52 =	vmul.f32 v3, v3  }
0x416: {  	v2 =	vxor.u32 v51, v1  }
0x417: {  	v2 =	vadd.s32 $0x1BD11BF4, v2;
	v54 =	vmul.f32 $1.111111120e-01, v52  }
0x418: {  	v1 =	vadd.s32 v2, v1  }
0x419: {  	v53 =	vshrl.u32 v2, $0x13;
	v2 =	vshll.u32 v2, $0xD;
	v55 =	vadd.f32 $1.428571490e-01, v54  }
0x41a: {  	v1 =	vadd.s32 $0x2A, v1;
	v2 =	vor.u32 v53, v2  }
0x41b: {  	v2 =	vxor.u32 v2, v1;
	v5 =	vmul.f32 v55, v52  }
0x41c: {  	v56 =	vshrl.u32 v2, $0x11;
	v57 =	vshll.u32 v2, $0xF  }
0x41d: {  	v1 =	vadd.s32 v1, v2;
	v58 =	vor.u32 v56, v57;
	v5 =	vadd.f32 $2.000000030e-01, v5  }
0x41e: {  	v0 =	vshra.s32 v0, $0x17;
	v2 =	vxor.u32 v58, v1  }
0x41f: {  	v59 =	vshrl.u32 v2, $0x6;
	v60 =	vshll.u32 v2, $0x1A;
	v5 =	vmul.f32 v5, v52  }
0x420: {  	v63 =	vsel vm5, $0x1, v44;
	v1 =	vadd.s32 v1, v2;
	v61 =	vor.u32 v59, v60  }
0x421: {  	v0 =	vadd.s32 v63, v0;
	v2 =	vxor.u32 v61, v1;
	v5 =	vadd.f32 $3.333333430e-01, v5  }
0x422: {  	v1 =	vadd.s32 v1, v2;
	v62 =	vshrl.u32 v2, $0x1A;
	v2 =	vshll.u32 v2, $0x6  }
0x423: {  	v0 =	vadd.s32 $0xFFFFFF81, v0;
	v2 =	vor.u32 v62, v2;
	v4 =	vmul.f32 v5, v52  }
0x424: {  	v0 =	vcvt.s32.f32 v0;
	v2 =	vxor.u32 v2, v1;
	v1 =	vadd.s32 $0x1BD11BF0, v1  }
0x425: {  	v3 =	vadd.f32 v3, v3;
	v2 =	vadd.s32 $0x5, v2;
	v4 =	vadd.f32 $1.000000000e+00, v4  }
0x426: {  	v1 =	vxor.u32 v1, v2  }
0x427: {  	v0 =	vmul.f32 $6.931471820e-01, v0;
	v1 =	vshrl.u32 v1, $0x9;
	v4 =	vmul.f32 v4, v3  }
0x428: {  	v1 =	vor.u32 $0x3F800000, v1  }
0x429: {  	v1 =	vadd.f32 $-1.000000000e+00, v1;
	v0 =	vadd.f32 v4, v0;
	_ =	sdelay $0x1  }
0x42a: {  	v5 =	vadd.f32 $1.175494350e-38, v1;
	v36 =	vsub.f32 $0.0e+00, v0;
	_ =	sdelay $0x1  }
0x42b: {  	v0 =	vmax.f32 v5, $1.175494350e-38;
	v6 =	vand.u32 $0x7FFFFF, v36  }
0x42c: {  	v7 =	vand.u32 $0x7FFFFF, v0;
	v1 =	vor.u32 $0x3F800000, v6  }
0x42d: {  	v9 =	vor.u32 $0x3F800000, v7;
	v8 =	vmul.f32 $5.000000000e-01, v1  }
0x42e: {  	v30 =	vmul.f32 $5.000000000e-01, v9;
	vm6 =	vgt.f32 v1, $1.414213540e+00  }
0x42f: {  	vm14 =	vgt.f32 v9, $1.414213540e+00;
	v1 =	vsel vm6, v8, v1  }
0x430: {  	v31 =	vsel vm14, v30, v9;
	v2 =	vadd.f32 $-1.000000000e+00, v1  }
0x431: {  	v1 =	vadd.f32 $-1.000000000e+00, v31  }
0x432: {  	v33 =	vadd.f32 $2.000000000e+00, v2  }
0x433: {  	v34 =	vadd.f32 $2.000000000e+00, v1  }
0x434: {  	(erf) = vrcp.f32 v33  }
0x435: {  	(erf) = vrcp.f32 v34;
	_ =	sdelay $0x7  }
0x436: {  	v3 =	vpop (erf)  }
0x437: {  	v4 =	vpop (erf)  }
0x438: {  	v1 =	vmul.f32 v4, v1;
	_ =	sdelay $0x1  }
0x439: {  	v4 =	vmul.f32 v1, v1;
	_ =	sdelay $0x1  }
0x43a: {  	v35 =	vmul.f32 $1.111111120e-01, v4;
	_ =	sdelay $0x1  }
0x43b: {  	v5 =	vadd.f32 $1.428571490e-01, v35;
	_ =	sdelay $0x1  }
0x43c: {  	v5 =	vmul.f32 v5, v4;
	_ =	sdelay $0x1  }
0x43d: {  	v5 =	vadd.f32 $2.000000030e-01, v5;
	_ =	sdelay $0x1  }
0x43e: {  	v5 =	vmul.f32 v5, v4;
	_ =	sdelay $0x1  }
0x43f: {  	v5 =	vadd.f32 $3.333333430e-01, v5  }
0x440: {  	v0 =	vshra.s32 v0, $0x17;
	v38 =	vsel vm14, $0x1, v44  }
0x441: {  	v0 =	vadd.s32 v38, v0;
	v4 =	vmul.f32 v5, v4  }
0x442: {  	v0 =	vadd.s32 $0xFFFFFF81, v0  }
0x443: {  	v0 =	vcvt.s32.f32 v0;
	v1 =	vadd.f32 v1, v1;
	v4 =	vadd.f32 $1.000000000e+00, v4;
	_ =	sdelay $0x1  }
0x444: {  	v0 =	vmul.f32 $6.931471820e-01, v0;
	v1 =	vmul.f32 v4, v1;
	_ =	sdelay $0x1  }
0x445: {  	v0 =	vadd.f32 v1, v0;
	_ =	sdelay $0x1  }
0x446: {  	v34 =	vld [tilespmem:s21+$0x0];
	v38 =	vsub.f32 $0.0e+00, v0  }
0x447: {  	v35 =	vld [tilespmem:s20+$0x0]  }
0x448: {  	v33 =	vld [tilespmem:s22+$0x0];
	v0 =	vand.u32 $0x7FFFFF, v38  }
0x449: {  	v0 =	vor.u32 $0x3F800000, v0  }
0x44a: {  	v39 =	vmul.f32 $5.000000000e-01, v0  }
0x44b: {  	vm15 =	vgt.f32 v0, $1.414213540e+00  }
0x44c: {  	v40 =	vmax.f32 v35, v34;
	v0 =	vsel vm15, v39, v0  }
0x44d: {  	v41 =	vmax.f32 v40, v33;
	v4 =	vadd.f32 $-1.000000000e+00, v0  }
0x44e: {  	v30 =	vsub.f32 v35, v41  }
0x44f: {  	v5 =	vsub.f32 v34, v41;
	v42 =	vadd.f32 $2.000000000e+00, v4  }
0x450: {  	v45 =	vmul.f32 $1.442695020e+00, v30  }
0x451: {  	v31 =	vsub.f32 v33, v41;
	v46 =	vmul.f32 $1.442695020e+00, v5;
	(erf) = vrcp.f32 v42  }
0x452: {  	(erf) = vpow2.f32 v45  }
0x453: {  	v0 =	vmul.f32 $1.442695020e+00, v31;
	(erf) = vpow2.f32 v46;
	_ =	sdelay $0x1  }
0x454: {  	(erf) = vpow2.f32 v0;
	_ =	sdelay $0x4  }
0x455: {  	v1 =	vpop (erf)  }
0x456: {  	v47 =	vpop (erf)  }
0x457: {  	v48 =	vpop (erf)  }
0x458: {  	v0 =	vadd.f32 v48, v47  }
0x459: {  	v49 =	vpop (erf)  }
0x45a: {  	v0 =	vadd.f32 v0, v49;
	_ =	sdelay $0x1  }
0x45b: {  	v6 =	vand.u32 $0x7FFFFF, v0  }
0x45c: {  	v6 =	vor.u32 $0x3F800000, v6  }
0x45d: {  	v50 =	vmul.f32 $5.000000000e-01, v6  }
0x45e: {  	vm7 =	vgt.f32 v6, $1.414213540e+00  }
0x45f: {  	v6 =	vsel vm7, v50, v6  }
0x460: {  	v6 =	vadd.f32 $-1.000000000e+00, v6;
	_ =	sdelay $0x1  }
0x461: {  	v51 =	vadd.f32 $2.000000000e+00, v6;
	_ =	sdelay $0x1  }
0x462: {  	(erf) = vrcp.f32 v51;
	_ =	sdelay $0x8  }
0x463: {  	v7 =	vpop (erf)  }
0x464: {  	v6 =	vmul.f32 v7, v6;
	_ =	sdelay $0x1  }
0x465: {  	v7 =	vmul.f32 v6, v6;
	_ =	sdelay $0x1  }
0x466: {  	v52 =	vmul.f32 $1.111111120e-01, v7  }
0x467: {  	v23 =	vmul.f32 v24, v23  }
0x468: {  	v8 =	vadd.f32 $1.428571490e-01, v52  }
0x469: {  	v24 =	vmul.f32 v23, v23  }
0x46a: {  	v8 =	vmul.f32 v8, v7  }
0x46b: {  	v57 =	vmul.f32 $1.111111120e-01, v24  }
0x46c: {  	v25 =	vmul.f32 v26, v25;
	v8 =	vadd.f32 $2.000000030e-01, v8  }
0x46d: {  	v10 =	vshra.s32 v10, $0x17;
	v59 =	vadd.f32 $1.428571490e-01, v57  }
0x46e: {  	v21 =	vshra.s32 v21, $0x17;
	v26 =	vmul.f32 v25, v25;
	v8 =	vmul.f32 v8, v7  }
0x46f: {  	v63 =	vsel vm10, $0x1, v44;
	v53 =	vmul.f32 v20, v15;
	v62 =	vmul.f32 v59, v24  }
0x470: {  	v0 =	vshra.s32 v0, $0x17;
	v55 =	vsel vm7, $0x1, v44;
	v8 =	vadd.f32 $3.333333430e-01, v8  }
0x471: {  	v2 =	vmul.f32 v3, v2;
	v39 =	vmul.f32 v53, v53;
	v0 =	vadd.s32 v55, v0  }
0x472: {  	v49 =	vmul.f32 v37, v32;
	v0 =	vadd.s32 $0xFFFFFF81, v0;
	v7 =	vmul.f32 v8, v7  }
0x473: {  	v60 =	vsel vm9, $0x1, v44;
	v54 =	vmul.f32 $1.111111120e-01, v39;
	v0 =	vcvt.s32.f32 v0  }
0x474: {  	v51 =	vmul.f32 v49, v49;
	v6 =	vadd.f32 v6, v6;
	v7 =	vadd.f32 $1.000000000e+00, v7  }
0x475: {  	v40 =	vmul.f32 $1.111111120e-01, v26;
	v15 =	vadd.f32 $1.428571490e-01, v54;
	v0 =	vmul.f32 $6.931471820e-01, v0  }
0x476: {  	v9 =	vadd.f32 v53, v53;
	v52 =	vmul.f32 $1.111111120e-01, v51;
	v6 =	vmul.f32 v7, v6  }
0x477: {  	v40 =	vadd.f32 $1.428571490e-01, v40;
	v41 =	vsel vm13, $0x1, v44;
	v56 =	vmul.f32 v15, v39  }
0x478: {  	v48 =	vshra.s32 v22, $0x17;
	v22 =	vadd.f32 $1.428571490e-01, v52;
	v15 =	vadd.f32 v6, v0  }
0x479: {  	v54 =	vadd.f32 v25, v25;
	v45 =	vsel vm3, $0x1, v44;
	v58 =	vadd.f32 $2.000000030e-01, v56  }
0x47a: {  	v46 =	vmul.f32 v40, v26;
	v57 =	vmul.f32 v22, v51;
	v20 =	vsub.f32 v5, v15  }
0x47b: {  	v56 =	vsel vm6, $0x1, v44;
	v61 =	vmul.f32 v58, v39;
	v1 =	vmul.f32 v1, v4  }
0x47c: {  	v58 =	vmul.f32 v2, v2;
	v4 =	vadd.f32 $2.000000030e-01, v57;
	v42 =	vmul.f32 $1.442695020e+00, v20  }
0x47d: {  	v2 =	vadd.f32 v2, v2;
	v59 =	vmul.f32 v1, v1;
	v1 =	vadd.f32 v1, v1  }
0x47e: {  	v37 =	vsel vm15, $0x1, v44;
	v4 =	vmul.f32 v4, v51;
	(erf) = vpow2.f32 v42  }
0x47f: {  	v8 =	vadd.s32 v63, v21;
	v6 =	vadd.f32 $3.333333430e-01, v61;
	v0 =	vadd.s32 v60, v10  }
0x480: {  	v4 =	vadd.f32 $3.333333430e-01, v4;
	v63 =	vmul.f32 v28, v27;
	v0 =	vadd.s32 $0xFFFFFF81, v0  }
0x481: {  	v8 =	vadd.s32 $0xFFFFFF81, v8;
	v6 =	vmul.f32 v6, v39;
	v0 =	vcvt.s32.f32 v0  }
0x482: {  	v50 =	vadd.f32 v23, v23;
	v8 =	vcvt.s32.f32 v8;
	v4 =	vmul.f32 v4, v51  }
0x483: {  	v28 =	vmul.f32 v63, v63;
	v6 =	vadd.f32 $1.000000000e+00, v6;
	v0 =	vmul.f32 $6.931471820e-01, v0  }
0x484: {  	v27 =	vadd.f32 v49, v49;
	v7 =	vadd.f32 $2.000000030e-01, v62;
	v8 =	vmul.f32 $6.931471820e-01, v8  }
0x485: {  	v4 =	vadd.f32 $1.000000000e+00, v4;
	v32 =	vmul.f32 $1.111111120e-01, v28;
	v6 =	vmul.f32 v6, v9  }
0x486: {  	v7 =	vmul.f32 v7, v24;
	v10 =	vadd.f32 $2.000000030e-01, v46;
	v60 =	vmul.f32 $1.111111120e-01, v58  }
0x487: {  	v61 =	vmul.f32 $1.111111120e-01, v59;
	v4 =	vmul.f32 v4, v27;
	v6 =	vadd.f32 v6, v0;
	v0 =	vpop (erf)  }
0x488: {  	v21 =	vadd.f32 $1.428571490e-01, v32;
	v7 =	vadd.f32 $3.333333430e-01, v7;
	v53 =	vand.u32 $0x7FFFFF, v0  }
0x489: {  	v46 =	vsel vm12, $0x1, v44;
	v47 =	vmul.f32 v10, v26;
	v23 =	vor.u32 $0x3F800000, v53  }
0x48a: {  	v5 =	vadd.s32 v45, v48;
	v7 =	vmul.f32 v7, v24;
	v55 =	vmul.f32 $5.000000000e-01, v23  }
0x48b: {  	v21 =	vmul.f32 v21, v28;
	v5 =	vadd.s32 $0xFFFFFF81, v5;
	vm9 =	vgt.f32 v23, $1.414213540e+00  }
0x48c: {  	v7 =	vadd.f32 $1.000000000e+00, v7;
	v9 =	vadd.f32 $3.333333430e-01, v47;
	v3 =	vsel vm9, v55, v23  }
0x48d: {  	v48 =	vshra.s32 v16, $0x17;
	v5 =	vcvt.s32.f32 v5;
	v3 =	vadd.f32 $-1.000000000e+00, v3  }
0x48e: {  	v9 =	vmul.f32 v9, v26;
	v7 =	vmul.f32 v7, v50;
	v26 =	vshra.s32 v29, $0x17  }
0x48f: {  	v29 =	vshra.s32 v36, $0x17;
	v36 =	vshra.s32 v38, $0x17;
	v62 =	vadd.f32 $2.000000000e+00, v3  }
0x490: {  	v10 =	vadd.f32 v63, v63;
	v5 =	vmul.f32 $6.931471820e-01, v5;
	v22 =	vadd.s32 v37, v36  }
0x491: {  	v9 =	vadd.f32 $1.000000000e+00, v9;
	v7 =	vadd.f32 v7, v8;
	(erf) = vrcp.f32 v62  }
0x492: {  	v6 =	vsub.f32 $0.0e+00, v6;
	v8 =	vadd.f32 $1.428571490e-01, v60;
	v22 =	vadd.s32 $0xFFFFFF81, v22  }
0x493: {  	v42 =	vadd.f32 $2.000000030e-01, v21;
	v39 =	vcvt.s32.f32 v22;
	v9 =	vmul.f32 v9, v54  }
0x494: {  	v7 =	vsub.f32 $0.0e+00, v7;
	v8 =	vmul.f32 v8, v58;
	v6 =	vadd.f32 v17, v6  }
0x495: {  	v17 =	vadd.s32 v41, v26;
	v5 =	vadd.f32 v9, v5;
	v9 =	vadd.f32 $1.428571490e-01, v61  }
0x496: {  	v17 =	vadd.s32 $0xFFFFFF81, v17;
	v7 =	vadd.f32 v19, v7;
	v8 =	vadd.f32 $2.000000030e-01, v8  }
0x497: {  	v54 =	vsub.f32 v11, v14;
	v17 =	vcvt.s32.f32 v17;
	v5 =	vsub.f32 $0.0e+00, v5  }
0x498: {  	v9 =	vmul.f32 v9, v59;
	v8 =	vmul.f32 v8, v58;
	vm10 =	vgt.f32 v7, v6  }
0x499: {  	v17 =	vmul.f32 $6.931471820e-01, v17;
	v6 =	vmax.f32 v6, v7;
	v7 =	vmul.f32 $6.931471820e-01, v39  }
0x49a: {  	v50 =	vsel vm10, $0x1, v44;
	v5 =	vadd.f32 v18, v5;
	v9 =	vadd.f32 $2.000000030e-01, v9;
	v38 =	vpop (erf)  }
0x49b: {  	v8 =	vadd.f32 $3.333333430e-01, v8;
	v18 =	vadd.s32 v56, v29;
	v3 =	vmul.f32 v38, v3  }
0x49c: {  	v4 =	vadd.f32 v4, v17;
	v17 =	vmul.f32 v42, v28;
	v9 =	vmul.f32 v9, v59  }
0x49d: {  	v56 =	vsub.f32 v12, v14;
	v18 =	vadd.s32 $0xFFFFFF81, v18;
	v41 =	vmul.f32 v3, v3  }
0x49e: {  	v51 =	vsel vm9, $0x1, v44;
	v8 =	vmul.f32 v8, v58;
	v9 =	vadd.f32 $3.333333430e-01, v9  }
0x49f: {  	v18 =	vcvt.s32.f32 v18;
	v4 =	vsub.f32 $0.0e+00, v4;
	v45 =	vmul.f32 $1.111111120e-01, v41  }
0x4a0: {  	vm11 =	vgt.f32 v5, v6;
	v49 =	vadd.f32 $3.333333430e-01, v17;
	v9 =	vmul.f32 v9, v59  }
0x4a1: {  	v6 =	vadd.s32 v46, v48;
	v8 =	vadd.f32 $1.000000000e+00, v8;
	v47 =	vadd.f32 $1.428571490e-01, v45  }
0x4a2: {  	v55 =	vshra.s32 v0, $0x17;
	v18 =	vmul.f32 $6.931471820e-01, v18;
	v40 =	vadd.f32 $1.000000000e+00, v9  }
0x4a3: {  	vm2 =	vmneg vm11;
	v2 =	vmul.f32 v8, v2;
	v5 =	vmul.f32 v47, v41  }
0x4a4: {  	v6 =	vadd.s32 $0xFFFFFF81, v6;
	v4 =	vadd.f32 v35, v4;
	v1 =	vmul.f32 v40, v1  }
0x4a5: {  	v57 =	vadd.s32 v51, v55;
	v2 =	vadd.f32 v2, v18;
	v5 =	vadd.f32 $2.000000030e-01, v5  }
0x4a6: {  	vm1 =	vmand vm2, vm10;
	v6 =	vcvt.s32.f32 v6;
	v1 =	vadd.f32 v1, v7  }
0x4a7: {  	v8 =	vnsel vm2, $0x2, v50;
	v2 =	vsub.f32 $0.0e+00, v2;
	v5 =	vmul.f32 v5, v41  }
0x4a8: {  	v53 =	vmul.f32 $6.931471820e-01, v6;
	v7 =	vmul.f32 v49, v28;
	v1 =	vsub.f32 $0.0e+00, v1  }
0x4a9: {  	v59 =	vsel vm1, v13, v56;
	v2 =	vadd.f32 v34, v2;
	v5 =	vadd.f32 $3.333333430e-01, v5  }
0x4aa: {  	vm14 =	veq.s32 v8, $0x0;
	v7 =	vadd.f32 $1.000000000e+00, v7;
	v1 =	vadd.f32 v33, v1  }
0x4ab: {  	vm12 =	vgt.f32 v2, v4;
	v2 =	vmax.f32 v4, v2;
	v5 =	vmul.f32 v5, v41  }
0x4ac: {  	v52 =	vmul.f32 v7, v10;
	vm13 =	vgt.f32 v1, v2;
	v2 =	vadd.s32 $0xFFFFFF81, v57  }
0x4ad: {  	v3 =	vadd.f32 v3, v3;
	v2 =	vcvt.s32.f32 v2;
	v58 =	vadd.f32 $1.000000000e+00, v5  }
0x4ae: {  	v60 =	vsel vm12, $0x1, v44;
	v1 =	vadd.f32 v52, v53;
	vm0 =	vmneg vm13  }
0x4af: {  	[tilespmem:s23+$0xFFFFFFF0] =	vst v8;
	v4 =	vnsel vm0, $0x2, v60;
	v2 =	vmul.f32 $6.931471820e-01, v2;
	v3 =	vmul.f32 v58, v3  }
0x4b0: {  	s19 =	sadd.s32 $0x2, s19;
	v61 =	vsub.f32 v31, v15;
	v1 =	vsub.f32 $0.0e+00, v1;
	[tilespmem:s23+$0x0] =	vst v4;
	v5 =	vsel vm14, v54, v59  }
0x4b1: {  	p0 =	slt.u32 s19, $0x1E;
	v62 =	vsub.f32 v30, v15;
	vm0 =	vmand vm0, vm12;
	[tilespmem:s24+$0xFFFFFFF0] =	vst v5;
	v2 =	vadd.f32 v3, v2  }
.Ltmp4:
0x4b2: {  	vm15 =	veq.s32 v4, $0x0;
	v63 =	vsel vm0, v20, v61;
	[tilespmem:s25+$0xFFFFFFF0] =	vst v1;
	(pc) =	sbr.rel @p0 .LBB2_10-.Ltmp4, $4  }
0x4b3: {  	v1 =	vsel vm15, v62, v63;
	[tilespmem:s26+$0xFFFFFFF0] =	vst v16;
	v2 =	vsub.f32 $0.0e+00, v2  }
0x4b4: {  	s28 =	sadd.s32 $0x20, s28;
	s22 =	sadd.s32 $0x20, s22;
	[tilespmem:s24+$0x0] =	vst v1  }
0x4b5: {  	s21 =	sadd.s32 $0x20, s21;
	s20 =	sadd.s32 $0x20, s20;
	s23 =	sadd.s32 $0x20, s23;
	[tilespmem:s25+$0x0] =	vst v2  }
0x4b6: {  	s24 =	sadd.s32 $0x20, s24;
	s25 =	sadd.s32 $0x20, s25;
	[tilespmem:s26+$0x0] =	vst v0;
	s26 =	sadd.s32 $0x20, s26  }
0x4b7: {  	[hbm4b:s6+s2] =	stream.linear.scatter [tilespmem:s14], [sflag:$0x1], $0x200, $0x38;
	[tilespmem:$0x1CE80] =	vst v63  }
0x4b8: {  	_ =	swait.ge [sflag:s12], $0x200  }
0x4b9: {  	[sflag:s12] =	ssyncset.done $0x0  }
0x4ba: {  	[sflag:s12] =	ssyncadd.s32 $0xFFFFFE00  }
0x4bb: {  	[hbm4b:s7+s2] =	stream.linear.scatter [tilespmem:s15], [sflag:$0x1], $0x200, $0x38;
	[tilespmem:$0x1CE80] =	vst v63  }
0x4bc: {  	_ =	swait.ge [sflag:s12], $0x200  }
0x4bd: {  	[sflag:s12] =	ssyncset.done $0x0  }
0x4be: {  	[sflag:s12] =	ssyncadd.s32 $0xFFFFFE00  }
0x4bf: {  	[hbm4b:s8+s2] =	stream.linear.scatter [tilespmem:s16], [sflag:$0x1], $0x200, $0x38;
	[tilespmem:$0x1CE80] =	vst v63  }
0x4c0: {  	_ =	swait.ge [sflag:s12], $0x200  }
0x4c1: {  	[sflag:s12] =	ssyncset.done $0x0  }
0x4c2: {  	[sflag:s12] =	ssyncadd.s32 $0xFFFFFE00  }
0x4c3: {  	[hbm4b:s9+s2] =	stream.linear.scatter [tilespmem:s17], [sflag:$0x1], $0x200, $0x38;
	[tilespmem:$0x1CE80] =	vst v63  }
0x4c4: {  	_ =	swait.ge [sflag:s12], $0x200  }
0x4c5: {  	v11 =	vld [tilespmem:$0x1FF80]  }
0x4c6: {  	s18 =	sadd.s32 $0x1, s18;
	v12 =	vld [tilespmem:$0x1FF90]  }
0x4c7: {  	p0 =	sne.s32 s18, s10;
	v13 =	vld [tilespmem:$0x1FFA0]  }
.Ltmp5:
0x4c8: {  	v14 =	vld [tilespmem:$0x1FFB0];
	(pc) =	sbr.rel @p0 .LBB2_1-.Ltmp5, $4  }
0x4c9: {  	v15 =	vld [tilespmem:$0x1FFC0]  }
0x4ca: {  	v16 =	vld [tilespmem:$0x1FFD0]  }
0x4cb: {  	[sflag:s12] =	ssyncset.done $0x0;
	v17 =	vld [tilespmem:$0x1FFE0]  }
0x4cc: {  	v21 =	vld [tilespmem:$0x1FFF0];
	[sflag:s12] =	ssyncadd.s32 $0xFFFFFE00  }
0x4cd: {  	_ =	sfence.sel $0x180000  }
0x4ce: {  	[bflag:$0x0] =	sbarrier.arrive $0xFFFF  }
0x4cf: {  	p0 =	sne.s32 s1, $0x0;
	_ =	strace $0x90000047  }
0x4d0: {  	s0 =	sadd.s32 @!p0 $0x100000, s0;
	[bflag:$0x2] =	sbarrier.arrive $0xFFFF  }
0x4d1: {  	[sflag:s0] =	ssyncadd.tile.s32 @!p0 $0x1;
	_ =	shalt  }
.Lfunc_end2:
_tile_overlayer_lowered:
.L_overlay_start_2:
0x4d2: {  	(tag) =	ssettag $0x2  }
0x4d3: {  	s0 =	rddreg [dreg:$0x0];
	s2 =	stileid.u32  }
0x4d4: {  	s1 =	rddreg [dreg:$0x1];
	p0 =	sne.s32 s2, $0x0  }
0x4d5: {  	s3 =	rddreg [dreg:$0x2];
	[bflag:$0x3] =	sbarrier.arrive $0xFFFF;
	s2 =	simm.s32 @!p0 $0x1C01  }
0x4d6: {  	[timem:s3], [sflag:s2] =	dma.local @!p0 [hbm:s0], s1  }
0x4d7: {  	s0 =	simm.s32 @!p0 $0x1  }
0x4d8: {  	_ =	swait.ge @!p0 [sflag:s0], s1  }
0x4d9: {  	s1 =	ssub.s32 @!p0 $0x0, s1;
	[sflag:s0] =	ssyncset.done @!p0 $0x0  }
0x4da: {  	[sflag:s0] =	ssyncadd.s32 @!p0 s1  }
0x4db: {  	[bflag:$0x3] =	sbarrier.arrive $0xFFFF  }
0x4dc: {  	_ =	shalt  }

</sc_bundles>
